<compile_context>
chip_gen: v7x
topology: tpu7x:2x2x1
jax: 0.10.2.dev20260603
libtpu: 0.0.44.dev20260713+nightly
codegen_flags: <defaults>
</compile_context>

<pallas_src>
import functools

import jax
import jax.numpy as jnp
from jax import lax
from jax.experimental import pallas as pl
from jax.experimental.pallas import tpu as pltpu
from jax.experimental.pallas import tpu_sc as plsc

NU = 50000
NI = 50000
D = 64
NE = 800000
B = 16384
NSC = 2
NT = 16
NW = NSC * NT

NN_ROWS = 800
HALF = NI // NSC
ACC_ROWS = 25088
TRASH = 25008
CH = 128
NCH = NE // CH
RCH = 80
RC = 40
LANE = 16

_RSQRT_MAGIC = 0x5F3759DF

_PARAMS = dict(needs_layout_passes=False, use_tc_tiling_on_sc=False)


def _iota16():
    return lax.broadcasted_iota(jnp.int32, (LANE,), 0)


def _rsqrt16(d):
    i = plsc.bitcast(d, jnp.int32)
    y = plsc.bitcast(_RSQRT_MAGIC - (i >> 1), jnp.float32)
    for _ in range(3):
        y = y * (1.5 - 0.5 * d * y * y)
    return jnp.where(d > 0.0, y, 0.0)


def _rr(first, stride, n_total, body):
    def step(k, _):
        cid = first + stride * k

        @pl.when(cid < n_total)
        def _():
            body(cid)
        return 0
    lax.fori_loop(0, (n_total + stride - 1) // stride, step, 0)


def _make_norms():
    mesh = plsc.VectorSubcoreMesh(core_axis_name="c", subcore_axis_name="s")

    @functools.partial(
        pl.kernel,
        out_type=jax.ShapeDtypeStruct((NE,), jnp.float32),
        mesh=mesh,
        compiler_params=pltpu.CompilerParams(**_PARAMS),
        scratch_types=dict(
            big=pltpu.VMEM((NN_ROWS, 128), jnp.float32),
            dchunk=pltpu.VMEM((RC, 128), jnp.float32),
            iotab=pltpu.VMEM((NN_ROWS // RCH, RCH), jnp.int32),
            rcb=pltpu.VMEM((2, CH), jnp.int32),
            normb=pltpu.VMEM((CH,), jnp.float32),
            deg_sh=pltpu.VMEM_SHARED((NN_ROWS, 128), jnp.float32),
        ),
    )
    def norms(edge_hbm, norms_out, *, big, dchunk, iotab, rcb, normb, deg_sh):
        c = lax.axis_index("c")
        s = lax.axis_index("s")
        wid = c * NT + s
        zero16 = jnp.zeros((LANE,), jnp.float32)
        ones16 = jnp.ones((LANE,), jnp.float32)
        iota16 = _iota16()

        def zero_big(r, _):
            for j in range(8):
                big[r, pl.ds(j * LANE, LANE)] = zero16
            return 0
        lax.fori_loop(0, NN_ROWS, zero_big, 0)

        for j in range(NN_ROWS // RCH):
            for g in range(RCH // LANE):
                iotab[j, pl.ds(g * LANE, LANE)] = (
                    iota16 + (RCH * j + LANE * g))

        def zero_deg(cid):
            pltpu.sync_copy(big.at[pl.ds(cid * RC, RC)],
                            deg_sh.at[pl.ds(cid * RC, RC)])
        _rr(s, NT, NN_ROWS // RC, zero_deg)
        plsc.subcore_barrier()

        def deg_chunk(cid):
            pltpu.sync_copy(edge_hbm.at[:, pl.ds(cid * CH, CH)], rcb)
            for g in range(CH // LANE):
                r16 = rcb[0, pl.ds(g * LANE, LANE)]
                plsc.addupdate_scatter(big, [r16 >> 7, r16 & 127], ones16)
        _rr(s, NT, NCH, deg_chunk)

        for j in range(NN_ROWS // RCH):
            pltpu.sync_copy(big.at[pl.ds(j * RCH, RCH)],
                            deg_sh.at[iotab.at[j]], add=True)
        plsc.subcore_barrier()

        def dis_chunk(cid):
            pltpu.sync_copy(deg_sh.at[pl.ds(cid * RC, RC)], dchunk)

            def dis_row(r, _):
                for j in range(8):
                    d = dchunk[r, pl.ds(j * LANE, LANE)]
                    dchunk[r, pl.ds(j * LANE, LANE)] = _rsqrt16(d)
                return 0
            lax.fori_loop(0, RC, dis_row, 0)
            pltpu.sync_copy(dchunk, deg_sh.at[pl.ds(cid * RC, RC)])
        _rr(s, NT, NN_ROWS // RC, dis_chunk)
        plsc.subcore_barrier()

        pltpu.sync_copy(deg_sh, big)

        def norm_chunk(cid):
            base = cid * CH
            pltpu.sync_copy(edge_hbm.at[:, pl.ds(base, CH)], rcb)
            for g in range(CH // LANE):
                r16 = rcb[0, pl.ds(g * LANE, LANE)]
                c16 = rcb[1, pl.ds(g * LANE, LANE)]
                dr = plsc.load_gather(big, [r16 >> 7, r16 & 127])
                dc = plsc.load_gather(big, [c16 >> 7, c16 & 127])
                normb[pl.ds(g * LANE, LANE)] = dr * dc
            pltpu.sync_copy(normb, norms_out.at[pl.ds(base, CH)])
        _rr(wid, NW, NCH, norm_chunk)

    return norms


def _make_propagate():
    mesh = plsc.VectorSubcoreMesh(core_axis_name="c", subcore_axis_name="s")

    @functools.partial(
        pl.kernel,
        out_type=(
            jax.ShapeDtypeStruct((NI, D), jnp.float32),
            jax.ShapeDtypeStruct((NU, D), jnp.float32),
        ),
        mesh=mesh,
        compiler_params=pltpu.CompilerParams(**_PARAMS),
        scratch_types=dict(
            msgs=pltpu.VMEM((CH, D), jnp.float32),
            rcb=pltpu.VMEM((2, CH), jnp.int32),
            sidx=pltpu.VMEM((CH,), jnp.int32),
            normb=pltpu.VMEM((CH,), jnp.float32),
            acc_sh=pltpu.VMEM_SHARED((ACC_ROWS, D), jnp.float32),
            sem=pltpu.SemaphoreType.DMA,
        ),
    )
    def propagate(edge_hbm, norms_hbm, uemb_hbm, item_out, user_out,
                  *, msgs, rcb, sidx, normb, acc_sh, sem):
        c = lax.axis_index("c")
        s = lax.axis_index("s")
        wid = c * NT + s
        zero16 = jnp.zeros((LANE,), jnp.float32)
        iota16 = _iota16()

        def zero_msgs(r, _):
            for j in range(D // LANE):
                msgs[r, pl.ds(j * LANE, LANE)] = zero16
            return 0
        lax.fori_loop(0, CH, zero_msgs, 0)

        def zero_acc(cid):
            pltpu.sync_copy(msgs, acc_sh.at[pl.ds(cid * CH, CH)])
        _rr(s, NT, ACC_ROWS // CH, zero_acc)
        plsc.subcore_barrier()

        half_base = NU + c * HALF

        def edge_chunk(cid):
            base = cid * CH
            pltpu.sync_copy(edge_hbm.at[:, pl.ds(base, CH)], rcb)
            pltpu.sync_copy(norms_hbm.at[pl.ds(base, CH)], normb)
            pltpu.async_copy(uemb_hbm.at[rcb.at[1]], msgs, sem).wait()
            for g in range(CH // LANE):
                r16 = rcb[0, pl.ds(g * LANE, LANE)]
                li = r16 - half_base
                ok = (li >= 0) & (li < HALF)
                sidx[pl.ds(g * LANE, LANE)] = jnp.where(ok, li, TRASH)

            def scale_group(g, _):
                rows16 = iota16 + g * LANE
                off = pl.multiple_of(g * LANE, LANE)
                n16 = normb[pl.ds(off, LANE)]
                for d in range(D):
                    dsplat = jnp.full((LANE,), d, jnp.int32)
                    v = plsc.load_gather(msgs, [rows16, dsplat])
                    plsc.store_scatter(msgs, [rows16, dsplat], v * n16)
                return 0
            lax.fori_loop(0, CH // LANE, scale_group, 0)
            pltpu.sync_copy(msgs, acc_sh.at[sidx], add=True)
        _rr(s, NT, NCH, edge_chunk)
        plsc.subcore_barrier()

        def item_copy(cid):
            pltpu.sync_copy(acc_sh.at[pl.ds(cid * RC, RC)],
                            item_out.at[pl.ds(c * HALF + cid * RC, RC)])
        _rr(s, NT, HALF // RC, item_copy)

        def zero_msgs2(r, _):
            for j in range(D // LANE):
                msgs[r, pl.ds(j * LANE, LANE)] = zero16
            return 0
        lax.fori_loop(0, CH, zero_msgs2, 0)

        def user_copy(cid):
            pltpu.sync_copy(msgs.at[pl.ds(0, RC)],
                            user_out.at[pl.ds(cid * RC, RC)])
        _rr(wid, NW, NU // RC, user_copy)

    return propagate


def _make_score():
    mesh = plsc.VectorSubcoreMesh(core_axis_name="c", subcore_axis_name="s")
    rows_per_w = B // NW
    CB = 64

    @functools.partial(
        pl.kernel,
        out_type=jax.ShapeDtypeStruct((B,), jnp.float32),
        mesh=mesh,
        compiler_params=pltpu.CompilerParams(**_PARAMS),
        scratch_types=dict(
            uidb=pltpu.VMEM((CB,), jnp.int32),
            iidb=pltpu.VMEM((CB,), jnp.int32),
            ueb=pltpu.VMEM((CB, D), jnp.float32),
            ieb=pltpu.VMEM((CB, D), jnp.float32),
            outb=pltpu.VMEM((CB,), jnp.float32),
            sem=pltpu.SemaphoreType.DMA,
        ),
    )
    def score(item_hbm, user_hbm, uid_hbm, iid_hbm, out_hbm,
              *, uidb, iidb, ueb, ieb, outb, sem):
        c = lax.axis_index("c")
        s = lax.axis_index("s")
        wid = c * NT + s
        scale = jnp.float32(1.0 / 9.0)

        def chunk(ch, _):
            base = wid * rows_per_w + ch * CB
            pltpu.sync_copy(uid_hbm.at[pl.ds(base, CB)], uidb)
            pltpu.sync_copy(iid_hbm.at[pl.ds(base, CB)], iidb)
            pltpu.async_copy(user_hbm.at[uidb], ueb, sem).wait()
            pltpu.async_copy(item_hbm.at[iidb], ieb, sem).wait()

            iota16 = _iota16()

            def group(g, _):
                rows16 = iota16 + g * LANE
                acc = jnp.zeros((LANE,), jnp.float32)
                for d in range(D):
                    dsplat = jnp.full((LANE,), d, jnp.int32)
                    acc = acc + (plsc.load_gather(ueb, [rows16, dsplat])
                                 * plsc.load_gather(ieb, [rows16, dsplat]))
                off = pl.multiple_of(g * LANE, LANE)
                outb[pl.ds(off, LANE)] = acc * scale
                return 0
            lax.fori_loop(0, CB // LANE, group, 0)
            pltpu.sync_copy(outb, out_hbm.at[pl.ds(base, CB)])
            return 0
        lax.fori_loop(0, rows_per_w // CB, chunk, 0)

    return score


def kernel(edge_index, user_ids, item_ids, user_emb, item_emb):
    del item_emb
    norms = _make_norms()(edge_index)
    item_e3, user_e3 = _make_propagate()(edge_index, norms, user_emb)
    return _make_score()(item_e3, user_e3, user_ids, item_ids)

# --- scband reference (transcript-rebuilt; emitter-appended) ---
"""Pipeline reference for scband-light-gcn-15006615733385 (READ-ONLY COPY).

The authoritative reference and input builder live on the scoring server;
editing this copy changes nothing except your own understanding.
"""

import jax, jax.numpy as jnp
import numpy as np

NUM_USERS = 50000
NUM_ITEMS = 50000
EMBED_DIM = 64
NUM_LAYERS = 3
NUM_EDGES = 800000
BATCH = 16384


def setup_inputs(seed: int = 0) -> dict:
    key = jax.random.key(seed)
    k1, k2, k3, k4, k5 = jax.random.split(key, 5)
    edge_index = jax.random.randint(k1, (2, NUM_EDGES), 0, NUM_USERS, dtype=jnp.int32)
    user_ids = jax.random.randint(k2, (BATCH,), 0, NUM_USERS, dtype=jnp.int32)
    item_ids = jax.random.randint(k3, (BATCH,), 0, NUM_ITEMS, dtype=jnp.int32)
    user_emb = jax.random.normal(k4, (NUM_USERS, EMBED_DIM), dtype=jnp.float32) * 0.01
    item_emb = jax.random.normal(k5, (NUM_ITEMS, EMBED_DIM), dtype=jnp.float32) * 0.01
    return {"edge_index": edge_index, "user_ids": user_ids, "item_ids": item_ids,
            "user_emb": user_emb, "item_emb": item_emb}


def reference(edge_index, user_ids, item_ids, user_emb, item_emb):
    num_nodes = NUM_USERS + NUM_ITEMS
    row = edge_index[0] + NUM_USERS  # item nodes shifted past users
    col = edge_index[1]
    values = jnp.ones((row.shape[0],), dtype=jnp.float32)
    # degree = row-sum of sparse adjacency (scatter-add of ones)
    deg = jnp.zeros((num_nodes,), dtype=jnp.float32).at[row].add(values)
    deg_inv_sqrt = jnp.power(deg, -0.5)
    deg_inv_sqrt = jnp.where(jnp.isinf(deg_inv_sqrt), 0.0, deg_inv_sqrt)
    norm_vals = values * deg_inv_sqrt[row] * deg_inv_sqrt[col]
    # graph propagation: sparse mm == gather + scale + segment_sum
    all_emb = jnp.concatenate([user_emb, item_emb], axis=0)
    user_list = []
    item_list = []
    for _ in range(NUM_LAYERS):
        msgs = norm_vals[:, None] * all_emb[col]
        all_emb = jax.ops.segment_sum(msgs, row, num_segments=num_nodes)
        user_list.append(all_emb[:NUM_USERS])
        item_list.append(all_emb[NUM_USERS:])
    user_embeddings = jnp.stack(user_list).mean(axis=0)
    item_embeddings = jnp.stack(item_list).mean(axis=0)
    ue = user_embeddings[user_ids]
    ie = item_embeddings[item_ids]
    return (ue * ie).sum(axis=-1)

if __name__ == "__main__":
    import jax
    _d = setup_inputs()
    print(jax.jit(kernel)(*tuple(_d.values())))

</pallas_src>

<mosaic_0001>
#map = affine_map<(d0, d1) -> (0, 0)>
#map1 = affine_map<(d0, d1) -> (0)>
module attributes {stable_mosaic.version = 14 : i64} {
  func.func @norms(%arg0: i32, %arg1: i32, %arg2: memref<2x800000xi32, #tpu.memory_space<hbm>>, %arg3: memref<800000xf32, #tpu.memory_space<hbm>>, %arg4: memref<800x128xf32, #tpu.memory_space<vmem>>, %arg5: memref<40x128xf32, #tpu.memory_space<vmem>>, %arg6: memref<800x128xf32, #tpu.memory_space<vmem_shared>>, %arg7: memref<10x80xi32, #tpu.memory_space<vmem>>, %arg8: memref<128xf32, #tpu.memory_space<vmem>>, %arg9: memref<2x128xi32, #tpu.memory_space<vmem>>) attributes {dimension_semantics = [#tpu.dimension_semantics<core_parallel>, #tpu.dimension_semantics<subcore_parallel>], iteration_bounds = array<i64: 2, 16>, scalar_prefetch = 0 : i64, scratch_operands = 6 : i64, tpu.core_type = #tpu.core_type<sc_vector_subcore>, window_params = [{transform_indices = #map}, {transform_indices = #map1}]} {
    %mul3A = arith.constant 16 : i32
    %mul3A_0 = arith.muli %arg0, %mul3A : i32
    %add3A = arith.addi %mul3A_0, %arg1 : i32
    %broadcast_in_dim3A = arith.constant 0.000000e+00 : f32
    %broadcast_in_dim3A_1 = vector.broadcast %broadcast_in_dim3A : f32 to vector<16xf32>
    %broadcast_in_dim3A_2 = arith.constant 1.000000e+00 : f32
    %broadcast_in_dim3A_3 = vector.broadcast %broadcast_in_dim3A_2 : f32 to vector<16xf32>
    %iota3A = tpu.iota {dimensions = array<i32: 0>} : vector<16xi32>
    %scan3A = arith.constant 0 : i32
    %scan3A_4 = arith.constant 0 : i32
    %scan3A_5 = arith.constant 800 : i32
    %scan3A_6 = arith.addi %scan3A_4, %scan3A_5 : i32
    %scan3A_7 = arith.constant 1 : i32
    %scan3A_8 = scf.for %scan3A_398 = %scan3A_4 to %scan3A_6 step %scan3A_7 iter_args(%scan3A_399 = %scan3A) -> (i32)  : i32 {
      %swap3A_400 = arith.index_cast %scan3A_398 : i32 to index
      %swap3A_401 = arith.constant 0 : index
      %swap3A_402 = tpu.vector_load %arg4[%swap3A_400, %swap3A_401] {strides = array<i32>} : memref<800x128xf32, #tpu.memory_space<vmem>>, vector<16xf32>,
      tpu.vector_store %arg4[%swap3A_400, %swap3A_401], %broadcast_in_dim3A_1 {strides = array<i32>} : memref<800x128xf32, #tpu.memory_space<vmem>>, vector<16xf32>,
      %swap3A_403 = arith.index_cast %scan3A_398 : i32 to index
      %swap3A_404 = arith.constant 16 : index
      %swap3A_405 = tpu.vector_load %arg4[%swap3A_403, %swap3A_404] {strides = array<i32>} : memref<800x128xf32, #tpu.memory_space<vmem>>, vector<16xf32>,
      tpu.vector_store %arg4[%swap3A_403, %swap3A_404], %broadcast_in_dim3A_1 {strides = array<i32>} : memref<800x128xf32, #tpu.memory_space<vmem>>, vector<16xf32>,
      %swap3A_406 = arith.index_cast %scan3A_398 : i32 to index
      %swap3A_407 = arith.constant 32 : index
      %swap3A_408 = tpu.vector_load %arg4[%swap3A_406, %swap3A_407] {strides = array<i32>} : memref<800x128xf32, #tpu.memory_space<vmem>>, vector<16xf32>,
      tpu.vector_store %arg4[%swap3A_406, %swap3A_407], %broadcast_in_dim3A_1 {strides = array<i32>} : memref<800x128xf32, #tpu.memory_space<vmem>>, vector<16xf32>,
      %swap3A_409 = arith.index_cast %scan3A_398 : i32 to index
      %swap3A_410 = arith.constant 48 : index
      %swap3A_411 = tpu.vector_load %arg4[%swap3A_409, %swap3A_410] {strides = array<i32>} : memref<800x128xf32, #tpu.memory_space<vmem>>, vector<16xf32>,
      tpu.vector_store %arg4[%swap3A_409, %swap3A_410], %broadcast_in_dim3A_1 {strides = array<i32>} : memref<800x128xf32, #tpu.memory_space<vmem>>, vector<16xf32>,
      %swap3A_412 = arith.index_cast %scan3A_398 : i32 to index
      %swap3A_413 = arith.constant 64 : index
      %swap3A_414 = tpu.vector_load %arg4[%swap3A_412, %swap3A_413] {strides = array<i32>} : memref<800x128xf32, #tpu.memory_space<vmem>>, vector<16xf32>,
      tpu.vector_store %arg4[%swap3A_412, %swap3A_413], %broadcast_in_dim3A_1 {strides = array<i32>} : memref<800x128xf32, #tpu.memory_space<vmem>>, vector<16xf32>,
      %swap3A_415 = arith.index_cast %scan3A_398 : i32 to index
      %swap3A_416 = arith.constant 80 : index
      %swap3A_417 = tpu.vector_load %arg4[%swap3A_415, %swap3A_416] {strides = array<i32>} : memref<800x128xf32, #tpu.memory_space<vmem>>, vector<16xf32>,
      tpu.vector_store %arg4[%swap3A_415, %swap3A_416], %broadcast_in_dim3A_1 {strides = array<i32>} : memref<800x128xf32, #tpu.memory_space<vmem>>, vector<16xf32>,
      %swap3A_418 = arith.index_cast %scan3A_398 : i32 to index
      %swap3A_419 = arith.constant 96 : index
      %swap3A_420 = tpu.vector_load %arg4[%swap3A_418, %swap3A_419] {strides = array<i32>} : memref<800x128xf32, #tpu.memory_space<vmem>>, vector<16xf32>,
      tpu.vector_store %arg4[%swap3A_418, %swap3A_419], %broadcast_in_dim3A_1 {strides = array<i32>} : memref<800x128xf32, #tpu.memory_space<vmem>>, vector<16xf32>,
      %swap3A_421 = arith.index_cast %scan3A_398 : i32 to index
      %swap3A_422 = arith.constant 112 : index
      %swap3A_423 = tpu.vector_load %arg4[%swap3A_421, %swap3A_422] {strides = array<i32>} : memref<800x128xf32, #tpu.memory_space<vmem>>, vector<16xf32>,
      tpu.vector_store %arg4[%swap3A_421, %swap3A_422], %broadcast_in_dim3A_1 {strides = array<i32>} : memref<800x128xf32, #tpu.memory_space<vmem>>, vector<16xf32>,
      %scan3A_424 = arith.constant 0 : i32
      scf.yield %scan3A_424 : i32
    }
    %scan3A_9 = arith.constant 800 : i32
    %add3A_10 = arith.constant 0 : i32
    %add3A_11 = vector.broadcast %add3A_10 : i32 to vector<16xi32>
    %add3A_12 = arith.addi %iota3A, %add3A_11 : vector<16xi32>
    %swap3A = arith.constant 0 : i32
    %swap3A_13 = arith.index_cast %swap3A : i32 to index
    %swap3A_14 = arith.constant 0 : index
    %swap3A_15 = tpu.vector_load %arg7[%swap3A_13, %swap3A_14] {strides = array<i32>} : memref<10x80xi32, #tpu.memory_space<vmem>>, vector<16xi32>,
    tpu.vector_store %arg7[%swap3A_13, %swap3A_14], %add3A_12 {strides = array<i32>} : memref<10x80xi32, #tpu.memory_space<vmem>>, vector<16xi32>,
    %add3A_16 = arith.constant 16 : i32
    %add3A_17 = vector.broadcast %add3A_16 : i32 to vector<16xi32>
    %add3A_18 = arith.addi %iota3A, %add3A_17 : vector<16xi32>
    %swap3A_19 = arith.constant 0 : i32
    %swap3A_20 = arith.index_cast %swap3A_19 : i32 to index
    %swap3A_21 = arith.constant 16 : index
    %swap3A_22 = tpu.vector_load %arg7[%swap3A_20, %swap3A_21] {strides = array<i32>} : memref<10x80xi32, #tpu.memory_space<vmem>>, vector<16xi32>,
    tpu.vector_store %arg7[%swap3A_20, %swap3A_21], %add3A_18 {strides = array<i32>} : memref<10x80xi32, #tpu.memory_space<vmem>>, vector<16xi32>,
    %add3A_23 = arith.constant 32 : i32
    %add3A_24 = vector.broadcast %add3A_23 : i32 to vector<16xi32>
    %add3A_25 = arith.addi %iota3A, %add3A_24 : vector<16xi32>
    %swap3A_26 = arith.constant 0 : i32
    %swap3A_27 = arith.index_cast %swap3A_26 : i32 to index
    %swap3A_28 = arith.constant 32 : index
    %swap3A_29 = tpu.vector_load %arg7[%swap3A_27, %swap3A_28] {strides = array<i32>} : memref<10x80xi32, #tpu.memory_space<vmem>>, vector<16xi32>,
    tpu.vector_store %arg7[%swap3A_27, %swap3A_28], %add3A_25 {strides = array<i32>} : memref<10x80xi32, #tpu.memory_space<vmem>>, vector<16xi32>,
    %add3A_30 = arith.constant 48 : i32
    %add3A_31 = vector.broadcast %add3A_30 : i32 to vector<16xi32>
    %add3A_32 = arith.addi %iota3A, %add3A_31 : vector<16xi32>
    %swap3A_33 = arith.constant 0 : i32
    %swap3A_34 = arith.index_cast %swap3A_33 : i32 to index
    %swap3A_35 = arith.constant 48 : index
    %swap3A_36 = tpu.vector_load %arg7[%swap3A_34, %swap3A_35] {strides = array<i32>} : memref<10x80xi32, #tpu.memory_space<vmem>>, vector<16xi32>,
    tpu.vector_store %arg7[%swap3A_34, %swap3A_35], %add3A_32 {strides = array<i32>} : memref<10x80xi32, #tpu.memory_space<vmem>>, vector<16xi32>,
    %add3A_37 = arith.constant 64 : i32
    %add3A_38 = vector.broadcast %add3A_37 : i32 to vector<16xi32>
    %add3A_39 = arith.addi %iota3A, %add3A_38 : vector<16xi32>
    %swap3A_40 = arith.constant 0 : i32
    %swap3A_41 = arith.index_cast %swap3A_40 : i32 to index
    %swap3A_42 = arith.constant 64 : index
    %swap3A_43 = tpu.vector_load %arg7[%swap3A_41, %swap3A_42] {strides = array<i32>} : memref<10x80xi32, #tpu.memory_space<vmem>>, vector<16xi32>,
    tpu.vector_store %arg7[%swap3A_41, %swap3A_42], %add3A_39 {strides = array<i32>} : memref<10x80xi32, #tpu.memory_space<vmem>>, vector<16xi32>,
    %add3A_44 = arith.constant 80 : i32
    %add3A_45 = vector.broadcast %add3A_44 : i32 to vector<16xi32>
    %add3A_46 = arith.addi %iota3A, %add3A_45 : vector<16xi32>
    %swap3A_47 = arith.constant 1 : i32
    %swap3A_48 = arith.index_cast %swap3A_47 : i32 to index
    %swap3A_49 = arith.constant 0 : index
    %swap3A_50 = tpu.vector_load %arg7[%swap3A_48, %swap3A_49] {strides = array<i32>} : memref<10x80xi32, #tpu.memory_space<vmem>>, vector<16xi32>,
    tpu.vector_store %arg7[%swap3A_48, %swap3A_49], %add3A_46 {strides = array<i32>} : memref<10x80xi32, #tpu.memory_space<vmem>>, vector<16xi32>,
    %add3A_51 = arith.constant 96 : i32
    %add3A_52 = vector.broadcast %add3A_51 : i32 to vector<16xi32>
    %add3A_53 = arith.addi %iota3A, %add3A_52 : vector<16xi32>
    %swap3A_54 = arith.constant 1 : i32
    %swap3A_55 = arith.index_cast %swap3A_54 : i32 to index
    %swap3A_56 = arith.constant 16 : index
    %swap3A_57 = tpu.vector_load %arg7[%swap3A_55, %swap3A_56] {strides = array<i32>} : memref<10x80xi32, #tpu.memory_space<vmem>>, vector<16xi32>,
    tpu.vector_store %arg7[%swap3A_55, %swap3A_56], %add3A_53 {strides = array<i32>} : memref<10x80xi32, #tpu.memory_space<vmem>>, vector<16xi32>,
    %add3A_58 = arith.constant 112 : i32
    %add3A_59 = vector.broadcast %add3A_58 : i32 to vector<16xi32>
    %add3A_60 = arith.addi %iota3A, %add3A_59 : vector<16xi32>
    %swap3A_61 = arith.constant 1 : i32
    %swap3A_62 = arith.index_cast %swap3A_61 : i32 to index
    %swap3A_63 = arith.constant 32 : index
    %swap3A_64 = tpu.vector_load %arg7[%swap3A_62, %swap3A_63] {strides = array<i32>} : memref<10x80xi32, #tpu.memory_space<vmem>>, vector<16xi32>,
    tpu.vector_store %arg7[%swap3A_62, %swap3A_63], %add3A_60 {strides = array<i32>} : memref<10x80xi32, #tpu.memory_space<vmem>>, vector<16xi32>,
    %add3A_65 = arith.constant 128 : i32
    %add3A_66 = vector.broadcast %add3A_65 : i32 to vector<16xi32>
    %add3A_67 = arith.addi %iota3A, %add3A_66 : vector<16xi32>
    %swap3A_68 = arith.constant 1 : i32
    %swap3A_69 = arith.index_cast %swap3A_68 : i32 to index
    %swap3A_70 = arith.constant 48 : index
    %swap3A_71 = tpu.vector_load %arg7[%swap3A_69, %swap3A_70] {strides = array<i32>} : memref<10x80xi32, #tpu.memory_space<vmem>>, vector<16xi32>,
    tpu.vector_store %arg7[%swap3A_69, %swap3A_70], %add3A_67 {strides = array<i32>} : memref<10x80xi32, #tpu.memory_space<vmem>>, vector<16xi32>,
    %add3A_72 = arith.constant 144 : i32
    %add3A_73 = vector.broadcast %add3A_72 : i32 to vector<16xi32>
    %add3A_74 = arith.addi %iota3A, %add3A_73 : vector<16xi32>
    %swap3A_75 = arith.constant 1 : i32
    %swap3A_76 = arith.index_cast %swap3A_75 : i32 to index
    %swap3A_77 = arith.constant 64 : index
    %swap3A_78 = tpu.vector_load %arg7[%swap3A_76, %swap3A_77] {strides = array<i32>} : memref<10x80xi32, #tpu.memory_space<vmem>>, vector<16xi32>,
    tpu.vector_store %arg7[%swap3A_76, %swap3A_77], %add3A_74 {strides = array<i32>} : memref<10x80xi32, #tpu.memory_space<vmem>>, vector<16xi32>,
    %add3A_79 = arith.constant 160 : i32
    %add3A_80 = vector.broadcast %add3A_79 : i32 to vector<16xi32>
    %add3A_81 = arith.addi %iota3A, %add3A_80 : vector<16xi32>
    %swap3A_82 = arith.constant 2 : i32
    %swap3A_83 = arith.index_cast %swap3A_82 : i32 to index
    %swap3A_84 = arith.constant 0 : index
    %swap3A_85 = tpu.vector_load %arg7[%swap3A_83, %swap3A_84] {strides = array<i32>} : memref<10x80xi32, #tpu.memory_space<vmem>>, vector<16xi32>,
    tpu.vector_store %arg7[%swap3A_83, %swap3A_84], %add3A_81 {strides = array<i32>} : memref<10x80xi32, #tpu.memory_space<vmem>>, vector<16xi32>,
    %add3A_86 = arith.constant 176 : i32
    %add3A_87 = vector.broadcast %add3A_86 : i32 to vector<16xi32>
    %add3A_88 = arith.addi %iota3A, %add3A_87 : vector<16xi32>
    %swap3A_89 = arith.constant 2 : i32
    %swap3A_90 = arith.index_cast %swap3A_89 : i32 to index
    %swap3A_91 = arith.constant 16 : index
    %swap3A_92 = tpu.vector_load %arg7[%swap3A_90, %swap3A_91] {strides = array<i32>} : memref<10x80xi32, #tpu.memory_space<vmem>>, vector<16xi32>,
    tpu.vector_store %arg7[%swap3A_90, %swap3A_91], %add3A_88 {strides = array<i32>} : memref<10x80xi32, #tpu.memory_space<vmem>>, vector<16xi32>,
    %add3A_93 = arith.constant 192 : i32
    %add3A_94 = vector.broadcast %add3A_93 : i32 to vector<16xi32>
    %add3A_95 = arith.addi %iota3A, %add3A_94 : vector<16xi32>
    %swap3A_96 = arith.constant 2 : i32
    %swap3A_97 = arith.index_cast %swap3A_96 : i32 to index
    %swap3A_98 = arith.constant 32 : index
    %swap3A_99 = tpu.vector_load %arg7[%swap3A_97, %swap3A_98] {strides = array<i32>} : memref<10x80xi32, #tpu.memory_space<vmem>>, vector<16xi32>,
    tpu.vector_store %arg7[%swap3A_97, %swap3A_98], %add3A_95 {strides = array<i32>} : memref<10x80xi32, #tpu.memory_space<vmem>>, vector<16xi32>,
    %add3A_100 = arith.constant 208 : i32
    %add3A_101 = vector.broadcast %add3A_100 : i32 to vector<16xi32>
    %add3A_102 = arith.addi %iota3A, %add3A_101 : vector<16xi32>
    %swap3A_103 = arith.constant 2 : i32
    %swap3A_104 = arith.index_cast %swap3A_103 : i32 to index
    %swap3A_105 = arith.constant 48 : index
    %swap3A_106 = tpu.vector_load %arg7[%swap3A_104, %swap3A_105] {strides = array<i32>} : memref<10x80xi32, #tpu.memory_space<vmem>>, vector<16xi32>,
    tpu.vector_store %arg7[%swap3A_104, %swap3A_105], %add3A_102 {strides = array<i32>} : memref<10x80xi32, #tpu.memory_space<vmem>>, vector<16xi32>,
    %add3A_107 = arith.constant 224 : i32
    %add3A_108 = vector.broadcast %add3A_107 : i32 to vector<16xi32>
    %add3A_109 = arith.addi %iota3A, %add3A_108 : vector<16xi32>
    %swap3A_110 = arith.constant 2 : i32
    %swap3A_111 = arith.index_cast %swap3A_110 : i32 to index
    %swap3A_112 = arith.constant 64 : index
    %swap3A_113 = tpu.vector_load %arg7[%swap3A_111, %swap3A_112] {strides = array<i32>} : memref<10x80xi32, #tpu.memory_space<vmem>>, vector<16xi32>,
    tpu.vector_store %arg7[%swap3A_111, %swap3A_112], %add3A_109 {strides = array<i32>} : memref<10x80xi32, #tpu.memory_space<vmem>>, vector<16xi32>,
    %add3A_114 = arith.constant 240 : i32
    %add3A_115 = vector.broadcast %add3A_114 : i32 to vector<16xi32>
    %add3A_116 = arith.addi %iota3A, %add3A_115 : vector<16xi32>
    %swap3A_117 = arith.constant 3 : i32
    %swap3A_118 = arith.index_cast %swap3A_117 : i32 to index
    %swap3A_119 = arith.constant 0 : index
    %swap3A_120 = tpu.vector_load %arg7[%swap3A_118, %swap3A_119] {strides = array<i32>} : memref<10x80xi32, #tpu.memory_space<vmem>>, vector<16xi32>,
    tpu.vector_store %arg7[%swap3A_118, %swap3A_119], %add3A_116 {strides = array<i32>} : memref<10x80xi32, #tpu.memory_space<vmem>>, vector<16xi32>,
    %add3A_121 = arith.constant 256 : i32
    %add3A_122 = vector.broadcast %add3A_121 : i32 to vector<16xi32>
    %add3A_123 = arith.addi %iota3A, %add3A_122 : vector<16xi32>
    %swap3A_124 = arith.constant 3 : i32
    %swap3A_125 = arith.index_cast %swap3A_124 : i32 to index
    %swap3A_126 = arith.constant 16 : index
    %swap3A_127 = tpu.vector_load %arg7[%swap3A_125, %swap3A_126] {strides = array<i32>} : memref<10x80xi32, #tpu.memory_space<vmem>>, vector<16xi32>,
    tpu.vector_store %arg7[%swap3A_125, %swap3A_126], %add3A_123 {strides = array<i32>} : memref<10x80xi32, #tpu.memory_space<vmem>>, vector<16xi32>,
    %add3A_128 = arith.constant 272 : i32
    %add3A_129 = vector.broadcast %add3A_128 : i32 to vector<16xi32>
    %add3A_130 = arith.addi %iota3A, %add3A_129 : vector<16xi32>
    %swap3A_131 = arith.constant 3 : i32
    %swap3A_132 = arith.index_cast %swap3A_131 : i32 to index
    %swap3A_133 = arith.constant 32 : index
    %swap3A_134 = tpu.vector_load %arg7[%swap3A_132, %swap3A_133] {strides = array<i32>} : memref<10x80xi32, #tpu.memory_space<vmem>>, vector<16xi32>,
    tpu.vector_store %arg7[%swap3A_132, %swap3A_133], %add3A_130 {strides = array<i32>} : memref<10x80xi32, #tpu.memory_space<vmem>>, vector<16xi32>,
    %add3A_135 = arith.constant 288 : i32
    %add3A_136 = vector.broadcast %add3A_135 : i32 to vector<16xi32>
    %add3A_137 = arith.addi %iota3A, %add3A_136 : vector<16xi32>
    %swap3A_138 = arith.constant 3 : i32
    %swap3A_139 = arith.index_cast %swap3A_138 : i32 to index
    %swap3A_140 = arith.constant 48 : index
    %swap3A_141 = tpu.vector_load %arg7[%swap3A_139, %swap3A_140] {strides = array<i32>} : memref<10x80xi32, #tpu.memory_space<vmem>>, vector<16xi32>,
    tpu.vector_store %arg7[%swap3A_139, %swap3A_140], %add3A_137 {strides = array<i32>} : memref<10x80xi32, #tpu.memory_space<vmem>>, vector<16xi32>,
    %add3A_142 = arith.constant 304 : i32
    %add3A_143 = vector.broadcast %add3A_142 : i32 to vector<16xi32>
    %add3A_144 = arith.addi %iota3A, %add3A_143 : vector<16xi32>
    %swap3A_145 = arith.constant 3 : i32
    %swap3A_146 = arith.index_cast %swap3A_145 : i32 to index
    %swap3A_147 = arith.constant 64 : index
    %swap3A_148 = tpu.vector_load %arg7[%swap3A_146, %swap3A_147] {strides = array<i32>} : memref<10x80xi32, #tpu.memory_space<vmem>>, vector<16xi32>,
    tpu.vector_store %arg7[%swap3A_146, %swap3A_147], %add3A_144 {strides = array<i32>} : memref<10x80xi32, #tpu.memory_space<vmem>>, vector<16xi32>,
    %add3A_149 = arith.constant 320 : i32
    %add3A_150 = vector.broadcast %add3A_149 : i32 to vector<16xi32>
    %add3A_151 = arith.addi %iota3A, %add3A_150 : vector<16xi32>
    %swap3A_152 = arith.constant 4 : i32
    %swap3A_153 = arith.index_cast %swap3A_152 : i32 to index
    %swap3A_154 = arith.constant 0 : index
    %swap3A_155 = tpu.vector_load %arg7[%swap3A_153, %swap3A_154] {strides = array<i32>} : memref<10x80xi32, #tpu.memory_space<vmem>>, vector<16xi32>,
    tpu.vector_store %arg7[%swap3A_153, %swap3A_154], %add3A_151 {strides = array<i32>} : memref<10x80xi32, #tpu.memory_space<vmem>>, vector<16xi32>,
    %add3A_156 = arith.constant 336 : i32
    %add3A_157 = vector.broadcast %add3A_156 : i32 to vector<16xi32>
    %add3A_158 = arith.addi %iota3A, %add3A_157 : vector<16xi32>
    %swap3A_159 = arith.constant 4 : i32
    %swap3A_160 = arith.index_cast %swap3A_159 : i32 to index
    %swap3A_161 = arith.constant 16 : index
    %swap3A_162 = tpu.vector_load %arg7[%swap3A_160, %swap3A_161] {strides = array<i32>} : memref<10x80xi32, #tpu.memory_space<vmem>>, vector<16xi32>,
    tpu.vector_store %arg7[%swap3A_160, %swap3A_161], %add3A_158 {strides = array<i32>} : memref<10x80xi32, #tpu.memory_space<vmem>>, vector<16xi32>,
    %add3A_163 = arith.constant 352 : i32
    %add3A_164 = vector.broadcast %add3A_163 : i32 to vector<16xi32>
    %add3A_165 = arith.addi %iota3A, %add3A_164 : vector<16xi32>
    %swap3A_166 = arith.constant 4 : i32
    %swap3A_167 = arith.index_cast %swap3A_166 : i32 to index
    %swap3A_168 = arith.constant 32 : index
    %swap3A_169 = tpu.vector_load %arg7[%swap3A_167, %swap3A_168] {strides = array<i32>} : memref<10x80xi32, #tpu.memory_space<vmem>>, vector<16xi32>,
    tpu.vector_store %arg7[%swap3A_167, %swap3A_168], %add3A_165 {strides = array<i32>} : memref<10x80xi32, #tpu.memory_space<vmem>>, vector<16xi32>,
    %add3A_170 = arith.constant 368 : i32
    %add3A_171 = vector.broadcast %add3A_170 : i32 to vector<16xi32>
    %add3A_172 = arith.addi %iota3A, %add3A_171 : vector<16xi32>
    %swap3A_173 = arith.constant 4 : i32
    %swap3A_174 = arith.index_cast %swap3A_173 : i32 to index
    %swap3A_175 = arith.constant 48 : index
    %swap3A_176 = tpu.vector_load %arg7[%swap3A_174, %swap3A_175] {strides = array<i32>} : memref<10x80xi32, #tpu.memory_space<vmem>>, vector<16xi32>,
    tpu.vector_store %arg7[%swap3A_174, %swap3A_175], %add3A_172 {strides = array<i32>} : memref<10x80xi32, #tpu.memory_space<vmem>>, vector<16xi32>,
    %add3A_177 = arith.constant 384 : i32
    %add3A_178 = vector.broadcast %add3A_177 : i32 to vector<16xi32>
    %add3A_179 = arith.addi %iota3A, %add3A_178 : vector<16xi32>
    %swap3A_180 = arith.constant 4 : i32
    %swap3A_181 = arith.index_cast %swap3A_180 : i32 to index
    %swap3A_182 = arith.constant 64 : index
    %swap3A_183 = tpu.vector_load %arg7[%swap3A_181, %swap3A_182] {strides = array<i32>} : memref<10x80xi32, #tpu.memory_space<vmem>>, vector<16xi32>,
    tpu.vector_store %arg7[%swap3A_181, %swap3A_182], %add3A_179 {strides = array<i32>} : memref<10x80xi32, #tpu.memory_space<vmem>>, vector<16xi32>,
    %add3A_184 = arith.constant 400 : i32
    %add3A_185 = vector.broadcast %add3A_184 : i32 to vector<16xi32>
    %add3A_186 = arith.addi %iota3A, %add3A_185 : vector<16xi32>
    %swap3A_187 = arith.constant 5 : i32
    %swap3A_188 = arith.index_cast %swap3A_187 : i32 to index
    %swap3A_189 = arith.constant 0 : index
    %swap3A_190 = tpu.vector_load %arg7[%swap3A_188, %swap3A_189] {strides = array<i32>} : memref<10x80xi32, #tpu.memory_space<vmem>>, vector<16xi32>,
    tpu.vector_store %arg7[%swap3A_188, %swap3A_189], %add3A_186 {strides = array<i32>} : memref<10x80xi32, #tpu.memory_space<vmem>>, vector<16xi32>,
    %add3A_191 = arith.constant 416 : i32
    %add3A_192 = vector.broadcast %add3A_191 : i32 to vector<16xi32>
    %add3A_193 = arith.addi %iota3A, %add3A_192 : vector<16xi32>
    %swap3A_194 = arith.constant 5 : i32
    %swap3A_195 = arith.index_cast %swap3A_194 : i32 to index
    %swap3A_196 = arith.constant 16 : index
    %swap3A_197 = tpu.vector_load %arg7[%swap3A_195, %swap3A_196] {strides = array<i32>} : memref<10x80xi32, #tpu.memory_space<vmem>>, vector<16xi32>,
    tpu.vector_store %arg7[%swap3A_195, %swap3A_196], %add3A_193 {strides = array<i32>} : memref<10x80xi32, #tpu.memory_space<vmem>>, vector<16xi32>,
    %add3A_198 = arith.constant 432 : i32
    %add3A_199 = vector.broadcast %add3A_198 : i32 to vector<16xi32>
    %add3A_200 = arith.addi %iota3A, %add3A_199 : vector<16xi32>
    %swap3A_201 = arith.constant 5 : i32
    %swap3A_202 = arith.index_cast %swap3A_201 : i32 to index
    %swap3A_203 = arith.constant 32 : index
    %swap3A_204 = tpu.vector_load %arg7[%swap3A_202, %swap3A_203] {strides = array<i32>} : memref<10x80xi32, #tpu.memory_space<vmem>>, vector<16xi32>,
    tpu.vector_store %arg7[%swap3A_202, %swap3A_203], %add3A_200 {strides = array<i32>} : memref<10x80xi32, #tpu.memory_space<vmem>>, vector<16xi32>,
    %add3A_205 = arith.constant 448 : i32
    %add3A_206 = vector.broadcast %add3A_205 : i32 to vector<16xi32>
    %add3A_207 = arith.addi %iota3A, %add3A_206 : vector<16xi32>
    %swap3A_208 = arith.constant 5 : i32
    %swap3A_209 = arith.index_cast %swap3A_208 : i32 to index
    %swap3A_210 = arith.constant 48 : index
    %swap3A_211 = tpu.vector_load %arg7[%swap3A_209, %swap3A_210] {strides = array<i32>} : memref<10x80xi32, #tpu.memory_space<vmem>>, vector<16xi32>,
    tpu.vector_store %arg7[%swap3A_209, %swap3A_210], %add3A_207 {strides = array<i32>} : memref<10x80xi32, #tpu.memory_space<vmem>>, vector<16xi32>,
    %add3A_212 = arith.constant 464 : i32
    %add3A_213 = vector.broadcast %add3A_212 : i32 to vector<16xi32>
    %add3A_214 = arith.addi %iota3A, %add3A_213 : vector<16xi32>
    %swap3A_215 = arith.constant 5 : i32
    %swap3A_216 = arith.index_cast %swap3A_215 : i32 to index
    %swap3A_217 = arith.constant 64 : index
    %swap3A_218 = tpu.vector_load %arg7[%swap3A_216, %swap3A_217] {strides = array<i32>} : memref<10x80xi32, #tpu.memory_space<vmem>>, vector<16xi32>,
    tpu.vector_store %arg7[%swap3A_216, %swap3A_217], %add3A_214 {strides = array<i32>} : memref<10x80xi32, #tpu.memory_space<vmem>>, vector<16xi32>,
    %add3A_219 = arith.constant 480 : i32
    %add3A_220 = vector.broadcast %add3A_219 : i32 to vector<16xi32>
    %add3A_221 = arith.addi %iota3A, %add3A_220 : vector<16xi32>
    %swap3A_222 = arith.constant 6 : i32
    %swap3A_223 = arith.index_cast %swap3A_222 : i32 to index
    %swap3A_224 = arith.constant 0 : index
    %swap3A_225 = tpu.vector_load %arg7[%swap3A_223, %swap3A_224] {strides = array<i32>} : memref<10x80xi32, #tpu.memory_space<vmem>>, vector<16xi32>,
    tpu.vector_store %arg7[%swap3A_223, %swap3A_224], %add3A_221 {strides = array<i32>} : memref<10x80xi32, #tpu.memory_space<vmem>>, vector<16xi32>,
    %add3A_226 = arith.constant 496 : i32
    %add3A_227 = vector.broadcast %add3A_226 : i32 to vector<16xi32>
    %add3A_228 = arith.addi %iota3A, %add3A_227 : vector<16xi32>
    %swap3A_229 = arith.constant 6 : i32
    %swap3A_230 = arith.index_cast %swap3A_229 : i32 to index
    %swap3A_231 = arith.constant 16 : index
    %swap3A_232 = tpu.vector_load %arg7[%swap3A_230, %swap3A_231] {strides = array<i32>} : memref<10x80xi32, #tpu.memory_space<vmem>>, vector<16xi32>,
    tpu.vector_store %arg7[%swap3A_230, %swap3A_231], %add3A_228 {strides = array<i32>} : memref<10x80xi32, #tpu.memory_space<vmem>>, vector<16xi32>,
    %add3A_233 = arith.constant 512 : i32
    %add3A_234 = vector.broadcast %add3A_233 : i32 to vector<16xi32>
    %add3A_235 = arith.addi %iota3A, %add3A_234 : vector<16xi32>
    %swap3A_236 = arith.constant 6 : i32
    %swap3A_237 = arith.index_cast %swap3A_236 : i32 to index
    %swap3A_238 = arith.constant 32 : index
    %swap3A_239 = tpu.vector_load %arg7[%swap3A_237, %swap3A_238] {strides = array<i32>} : memref<10x80xi32, #tpu.memory_space<vmem>>, vector<16xi32>,
    tpu.vector_store %arg7[%swap3A_237, %swap3A_238], %add3A_235 {strides = array<i32>} : memref<10x80xi32, #tpu.memory_space<vmem>>, vector<16xi32>,
    %add3A_240 = arith.constant 528 : i32
    %add3A_241 = vector.broadcast %add3A_240 : i32 to vector<16xi32>
    %add3A_242 = arith.addi %iota3A, %add3A_241 : vector<16xi32>
    %swap3A_243 = arith.constant 6 : i32
    %swap3A_244 = arith.index_cast %swap3A_243 : i32 to index
    %swap3A_245 = arith.constant 48 : index
    %swap3A_246 = tpu.vector_load %arg7[%swap3A_244, %swap3A_245] {strides = array<i32>} : memref<10x80xi32, #tpu.memory_space<vmem>>, vector<16xi32>,
    tpu.vector_store %arg7[%swap3A_244, %swap3A_245], %add3A_242 {strides = array<i32>} : memref<10x80xi32, #tpu.memory_space<vmem>>, vector<16xi32>,
    %add3A_247 = arith.constant 544 : i32
    %add3A_248 = vector.broadcast %add3A_247 : i32 to vector<16xi32>
    %add3A_249 = arith.addi %iota3A, %add3A_248 : vector<16xi32>
    %swap3A_250 = arith.constant 6 : i32
    %swap3A_251 = arith.index_cast %swap3A_250 : i32 to index
    %swap3A_252 = arith.constant 64 : index
    %swap3A_253 = tpu.vector_load %arg7[%swap3A_251, %swap3A_252] {strides = array<i32>} : memref<10x80xi32, #tpu.memory_space<vmem>>, vector<16xi32>,
    tpu.vector_store %arg7[%swap3A_251, %swap3A_252], %add3A_249 {strides = array<i32>} : memref<10x80xi32, #tpu.memory_space<vmem>>, vector<16xi32>,
    %add3A_254 = arith.constant 560 : i32
    %add3A_255 = vector.broadcast %add3A_254 : i32 to vector<16xi32>
    %add3A_256 = arith.addi %iota3A, %add3A_255 : vector<16xi32>
    %swap3A_257 = arith.constant 7 : i32
    %swap3A_258 = arith.index_cast %swap3A_257 : i32 to index
    %swap3A_259 = arith.constant 0 : index
    %swap3A_260 = tpu.vector_load %arg7[%swap3A_258, %swap3A_259] {strides = array<i32>} : memref<10x80xi32, #tpu.memory_space<vmem>>, vector<16xi32>,
    tpu.vector_store %arg7[%swap3A_258, %swap3A_259], %add3A_256 {strides = array<i32>} : memref<10x80xi32, #tpu.memory_space<vmem>>, vector<16xi32>,
    %add3A_261 = arith.constant 576 : i32
    %add3A_262 = vector.broadcast %add3A_261 : i32 to vector<16xi32>
    %add3A_263 = arith.addi %iota3A, %add3A_262 : vector<16xi32>
    %swap3A_264 = arith.constant 7 : i32
    %swap3A_265 = arith.index_cast %swap3A_264 : i32 to index
    %swap3A_266 = arith.constant 16 : index
    %swap3A_267 = tpu.vector_load %arg7[%swap3A_265, %swap3A_266] {strides = array<i32>} : memref<10x80xi32, #tpu.memory_space<vmem>>, vector<16xi32>,
    tpu.vector_store %arg7[%swap3A_265, %swap3A_266], %add3A_263 {strides = array<i32>} : memref<10x80xi32, #tpu.memory_space<vmem>>, vector<16xi32>,
    %add3A_268 = arith.constant 592 : i32
    %add3A_269 = vector.broadcast %add3A_268 : i32 to vector<16xi32>
    %add3A_270 = arith.addi %iota3A, %add3A_269 : vector<16xi32>
    %swap3A_271 = arith.constant 7 : i32
    %swap3A_272 = arith.index_cast %swap3A_271 : i32 to index
    %swap3A_273 = arith.constant 32 : index
    %swap3A_274 = tpu.vector_load %arg7[%swap3A_272, %swap3A_273] {strides = array<i32>} : memref<10x80xi32, #tpu.memory_space<vmem>>, vector<16xi32>,
    tpu.vector_store %arg7[%swap3A_272, %swap3A_273], %add3A_270 {strides = array<i32>} : memref<10x80xi32, #tpu.memory_space<vmem>>, vector<16xi32>,
    %add3A_275 = arith.constant 608 : i32
    %add3A_276 = vector.broadcast %add3A_275 : i32 to vector<16xi32>
    %add3A_277 = arith.addi %iota3A, %add3A_276 : vector<16xi32>
    %swap3A_278 = arith.constant 7 : i32
    %swap3A_279 = arith.index_cast %swap3A_278 : i32 to index
    %swap3A_280 = arith.constant 48 : index
    %swap3A_281 = tpu.vector_load %arg7[%swap3A_279, %swap3A_280] {strides = array<i32>} : memref<10x80xi32, #tpu.memory_space<vmem>>, vector<16xi32>,
    tpu.vector_store %arg7[%swap3A_279, %swap3A_280], %add3A_277 {strides = array<i32>} : memref<10x80xi32, #tpu.memory_space<vmem>>, vector<16xi32>,
    %add3A_282 = arith.constant 624 : i32
    %add3A_283 = vector.broadcast %add3A_282 : i32 to vector<16xi32>
    %add3A_284 = arith.addi %iota3A, %add3A_283 : vector<16xi32>
    %swap3A_285 = arith.constant 7 : i32
    %swap3A_286 = arith.index_cast %swap3A_285 : i32 to index
    %swap3A_287 = arith.constant 64 : index
    %swap3A_288 = tpu.vector_load %arg7[%swap3A_286, %swap3A_287] {strides = array<i32>} : memref<10x80xi32, #tpu.memory_space<vmem>>, vector<16xi32>,
    tpu.vector_store %arg7[%swap3A_286, %swap3A_287], %add3A_284 {strides = array<i32>} : memref<10x80xi32, #tpu.memory_space<vmem>>, vector<16xi32>,
    %add3A_289 = arith.constant 640 : i32
    %add3A_290 = vector.broadcast %add3A_289 : i32 to vector<16xi32>
    %add3A_291 = arith.addi %iota3A, %add3A_290 : vector<16xi32>
    %swap3A_292 = arith.constant 8 : i32
    %swap3A_293 = arith.index_cast %swap3A_292 : i32 to index
    %swap3A_294 = arith.constant 0 : index
    %swap3A_295 = tpu.vector_load %arg7[%swap3A_293, %swap3A_294] {strides = array<i32>} : memref<10x80xi32, #tpu.memory_space<vmem>>, vector<16xi32>,
    tpu.vector_store %arg7[%swap3A_293, %swap3A_294], %add3A_291 {strides = array<i32>} : memref<10x80xi32, #tpu.memory_space<vmem>>, vector<16xi32>,
    %add3A_296 = arith.constant 656 : i32
    %add3A_297 = vector.broadcast %add3A_296 : i32 to vector<16xi32>
    %add3A_298 = arith.addi %iota3A, %add3A_297 : vector<16xi32>
    %swap3A_299 = arith.constant 8 : i32
    %swap3A_300 = arith.index_cast %swap3A_299 : i32 to index
    %swap3A_301 = arith.constant 16 : index
    %swap3A_302 = tpu.vector_load %arg7[%swap3A_300, %swap3A_301] {strides = array<i32>} : memref<10x80xi32, #tpu.memory_space<vmem>>, vector<16xi32>,
    tpu.vector_store %arg7[%swap3A_300, %swap3A_301], %add3A_298 {strides = array<i32>} : memref<10x80xi32, #tpu.memory_space<vmem>>, vector<16xi32>,
    %add3A_303 = arith.constant 672 : i32
    %add3A_304 = vector.broadcast %add3A_303 : i32 to vector<16xi32>
    %add3A_305 = arith.addi %iota3A, %add3A_304 : vector<16xi32>
    %swap3A_306 = arith.constant 8 : i32
    %swap3A_307 = arith.index_cast %swap3A_306 : i32 to index
    %swap3A_308 = arith.constant 32 : index
    %swap3A_309 = tpu.vector_load %arg7[%swap3A_307, %swap3A_308] {strides = array<i32>} : memref<10x80xi32, #tpu.memory_space<vmem>>, vector<16xi32>,
    tpu.vector_store %arg7[%swap3A_307, %swap3A_308], %add3A_305 {strides = array<i32>} : memref<10x80xi32, #tpu.memory_space<vmem>>, vector<16xi32>,
    %add3A_310 = arith.constant 688 : i32
    %add3A_311 = vector.broadcast %add3A_310 : i32 to vector<16xi32>
    %add3A_312 = arith.addi %iota3A, %add3A_311 : vector<16xi32>
    %swap3A_313 = arith.constant 8 : i32
    %swap3A_314 = arith.index_cast %swap3A_313 : i32 to index
    %swap3A_315 = arith.constant 48 : index
    %swap3A_316 = tpu.vector_load %arg7[%swap3A_314, %swap3A_315] {strides = array<i32>} : memref<10x80xi32, #tpu.memory_space<vmem>>, vector<16xi32>,
    tpu.vector_store %arg7[%swap3A_314, %swap3A_315], %add3A_312 {strides = array<i32>} : memref<10x80xi32, #tpu.memory_space<vmem>>, vector<16xi32>,
    %add3A_317 = arith.constant 704 : i32
    %add3A_318 = vector.broadcast %add3A_317 : i32 to vector<16xi32>
    %add3A_319 = arith.addi %iota3A, %add3A_318 : vector<16xi32>
    %swap3A_320 = arith.constant 8 : i32
    %swap3A_321 = arith.index_cast %swap3A_320 : i32 to index
    %swap3A_322 = arith.constant 64 : index
    %swap3A_323 = tpu.vector_load %arg7[%swap3A_321, %swap3A_322] {strides = array<i32>} : memref<10x80xi32, #tpu.memory_space<vmem>>, vector<16xi32>,
    tpu.vector_store %arg7[%swap3A_321, %swap3A_322], %add3A_319 {strides = array<i32>} : memref<10x80xi32, #tpu.memory_space<vmem>>, vector<16xi32>,
    %add3A_324 = arith.constant 720 : i32
    %add3A_325 = vector.broadcast %add3A_324 : i32 to vector<16xi32>
    %add3A_326 = arith.addi %iota3A, %add3A_325 : vector<16xi32>
    %swap3A_327 = arith.constant 9 : i32
    %swap3A_328 = arith.index_cast %swap3A_327 : i32 to index
    %swap3A_329 = arith.constant 0 : index
    %swap3A_330 = tpu.vector_load %arg7[%swap3A_328, %swap3A_329] {strides = array<i32>} : memref<10x80xi32, #tpu.memory_space<vmem>>, vector<16xi32>,
    tpu.vector_store %arg7[%swap3A_328, %swap3A_329], %add3A_326 {strides = array<i32>} : memref<10x80xi32, #tpu.memory_space<vmem>>, vector<16xi32>,
    %add3A_331 = arith.constant 736 : i32
    %add3A_332 = vector.broadcast %add3A_331 : i32 to vector<16xi32>
    %add3A_333 = arith.addi %iota3A, %add3A_332 : vector<16xi32>
    %swap3A_334 = arith.constant 9 : i32
    %swap3A_335 = arith.index_cast %swap3A_334 : i32 to index
    %swap3A_336 = arith.constant 16 : index
    %swap3A_337 = tpu.vector_load %arg7[%swap3A_335, %swap3A_336] {strides = array<i32>} : memref<10x80xi32, #tpu.memory_space<vmem>>, vector<16xi32>,
    tpu.vector_store %arg7[%swap3A_335, %swap3A_336], %add3A_333 {strides = array<i32>} : memref<10x80xi32, #tpu.memory_space<vmem>>, vector<16xi32>,
    %add3A_338 = arith.constant 752 : i32
    %add3A_339 = vector.broadcast %add3A_338 : i32 to vector<16xi32>
    %add3A_340 = arith.addi %iota3A, %add3A_339 : vector<16xi32>
    %swap3A_341 = arith.constant 9 : i32
    %swap3A_342 = arith.index_cast %swap3A_341 : i32 to index
    %swap3A_343 = arith.constant 32 : index
    %swap3A_344 = tpu.vector_load %arg7[%swap3A_342, %swap3A_343] {strides = array<i32>} : memref<10x80xi32, #tpu.memory_space<vmem>>, vector<16xi32>,
    tpu.vector_store %arg7[%swap3A_342, %swap3A_343], %add3A_340 {strides = array<i32>} : memref<10x80xi32, #tpu.memory_space<vmem>>, vector<16xi32>,
    %add3A_345 = arith.constant 768 : i32
    %add3A_346 = vector.broadcast %add3A_345 : i32 to vector<16xi32>
    %add3A_347 = arith.addi %iota3A, %add3A_346 : vector<16xi32>
    %swap3A_348 = arith.constant 9 : i32
    %swap3A_349 = arith.index_cast %swap3A_348 : i32 to index
    %swap3A_350 = arith.constant 48 : index
    %swap3A_351 = tpu.vector_load %arg7[%swap3A_349, %swap3A_350] {strides = array<i32>} : memref<10x80xi32, #tpu.memory_space<vmem>>, vector<16xi32>,
    tpu.vector_store %arg7[%swap3A_349, %swap3A_350], %add3A_347 {strides = array<i32>} : memref<10x80xi32, #tpu.memory_space<vmem>>, vector<16xi32>,
    %add3A_352 = arith.constant 784 : i32
    %add3A_353 = vector.broadcast %add3A_352 : i32 to vector<16xi32>
    %add3A_354 = arith.addi %iota3A, %add3A_353 : vector<16xi32>
    %swap3A_355 = arith.constant 9 : i32
    %swap3A_356 = arith.index_cast %swap3A_355 : i32 to index
    %swap3A_357 = arith.constant 64 : index
    %swap3A_358 = tpu.vector_load %arg7[%swap3A_356, %swap3A_357] {strides = array<i32>} : memref<10x80xi32, #tpu.memory_space<vmem>>, vector<16xi32>,
    tpu.vector_store %arg7[%swap3A_356, %swap3A_357], %add3A_354 {strides = array<i32>} : memref<10x80xi32, #tpu.memory_space<vmem>>, vector<16xi32>,
    %scan3A_359 = arith.constant 0 : i32
    %scan3A_360 = arith.constant 0 : i32
    %scan3A_361 = arith.constant 2 : i32
    %scan3A_362 = arith.addi %scan3A_360, %scan3A_361 : i32
    %scan3A_363 = arith.constant 1 : i32
    %scan3A_364 = scf.for %scan3A_398 = %scan3A_360 to %scan3A_362 step %scan3A_363 iter_args(%scan3A_399 = %scan3A_359) -> (i32)  : i32 {
      %mul3A_400 = arith.constant 16 : i32
      %mul3A_401 = arith.muli %mul3A_400, %scan3A_398 : i32
      %add3A_402 = arith.addi %arg1, %mul3A_401 : i32
      %lt3A = arith.constant 20 : i32
      %lt3A_403 = arith.cmpi slt, %add3A_402, %lt3A : i32
      %convert_element_type3A = arith.extui %lt3A_403 : i1 to i32
      %cond3A = arith.constant 0 : i32
      %cond3A_404 = arith.cmpi ne, %convert_element_type3A, %cond3A : i32
      scf.if %cond3A_404 {
        %mul3A_406 = arith.constant 40 : i32
        %mul3A_407 = arith.muli %add3A_402, %mul3A_406 : i32
        %mul3A_408 = arith.constant 40 : i32
        %mul3A_409 = arith.muli %add3A_402, %mul3A_408 : i32
        "tpu.region"() ({
          %run_scoped3A_410 = tpu.sem_alloc : memref<!tpu.dma_semaphore, #tpu.memory_space<semaphore_mem>>
          %dma_start3A = arith.constant 0 : i32
          %dma_start3A_411 = tpu.memref_slice %arg4[%mul3A_407, %dma_start3A] : memref<800x128xf32, #tpu.memory_space<vmem>> -> memref<40x128xf32, #tpu.memory_space<vmem>>
          %dma_start3A_412 = arith.constant 0 : i32
          %dma_start3A_413 = tpu.memref_slice %arg6[%mul3A_409, %dma_start3A_412] : memref<800x128xf32, #tpu.memory_space<vmem_shared>> -> memref<40x128xf32, #tpu.memory_space<vmem_shared>>
          %dma_start3A_414 = arith.constant 0 : i32
          %dma_start3A_415 = tpu.memref_slice %arg6[%mul3A_409, %dma_start3A_414] : memref<800x128xf32, #tpu.memory_space<vmem_shared>> -> memref<40x128xf32, #tpu.memory_space<vmem_shared>>
          %dma_start3A_416 = arith.constant 0 : i32
          %dma_start3A_417 = tpu.memref_slice %arg4[%mul3A_407, %dma_start3A_416] : memref<800x128xf32, #tpu.memory_space<vmem>> -> memref<40x128xf32, #tpu.memory_space<vmem>>
          tpu.enqueue_dma source(%dma_start3A_417 : memref<40x128xf32, #tpu.memory_space<vmem>>) target(%dma_start3A_415 : memref<40x128xf32, #tpu.memory_space<vmem_shared>>) target_semaphore(%run_scoped3A_410 : memref<!tpu.dma_semaphore, #tpu.memory_space<semaphore_mem>>)
          %dma_wait3A = arith.constant 0 : i32
          %dma_wait3A_418 = tpu.memref_slice %arg4[%mul3A_407, %dma_wait3A] : memref<800x128xf32, #tpu.memory_space<vmem>> -> memref<40x128xf32, #tpu.memory_space<vmem>>
          %dma_wait3A_419 = arith.constant 0 : i32
          %dma_wait3A_420 = tpu.memref_slice %arg6[%mul3A_409, %dma_wait3A_419] : memref<800x128xf32, #tpu.memory_space<vmem_shared>> -> memref<40x128xf32, #tpu.memory_space<vmem_shared>>
          %dma_wait3A_421 = arith.constant 0 : i32
          %dma_wait3A_422 = tpu.memref_slice %arg6[%mul3A_409, %dma_wait3A_421] : memref<800x128xf32, #tpu.memory_space<vmem_shared>> -> memref<40x128xf32, #tpu.memory_space<vmem_shared>>
          %dma_wait3A_423 = arith.constant 0 : i32
          %dma_wait3A_424 = tpu.memref_slice %arg4[%mul3A_407, %dma_wait3A_423] : memref<800x128xf32, #tpu.memory_space<vmem>> -> memref<40x128xf32, #tpu.memory_space<vmem>>
          tpu.wait_dma2 semaphore(%run_scoped3A_410 : memref<!tpu.dma_semaphore, #tpu.memory_space<semaphore_mem>>) src(%dma_wait3A_424 : memref<40x128xf32, #tpu.memory_space<vmem>>) dst(%dma_wait3A_422 : memref<40x128xf32, #tpu.memory_space<vmem_shared>>)
          tpu.yield
        }) : () -> ()
      } else {
      }
      %scan3A_405 = arith.constant 0 : i32
      scf.yield %scan3A_405 : i32
    }
    %scan3A_365 = arith.constant 2 : i32
    %barrier3A = arith.constant 0 : index
    tpu.barrier barrier_id(%barrier3A)
    %scan3A_366 = arith.constant 0 : i32
    %scan3A_367 = arith.constant 0 : i32
    %scan3A_368 = arith.constant 391 : i32
    %scan3A_369 = arith.addi %scan3A_367, %scan3A_368 : i32
    %scan3A_370 = arith.constant 1 : i32
    %scan3A_371 = scf.for %scan3A_398 = %scan3A_367 to %scan3A_369 step %scan3A_370 iter_args(%scan3A_399 = %scan3A_366) -> (i32)  : i32 {
      %mul3A_400 = arith.constant 16 : i32
      %mul3A_401 = arith.muli %mul3A_400, %scan3A_398 : i32
      %add3A_402 = arith.addi %arg1, %mul3A_401 : i32
      %lt3A = arith.constant 6250 : i32
      %lt3A_403 = arith.cmpi slt, %add3A_402, %lt3A : i32
      %convert_element_type3A = arith.extui %lt3A_403 : i1 to i32
      %cond3A = arith.constant 0 : i32
      %cond3A_404 = arith.cmpi ne, %convert_element_type3A, %cond3A : i32
      scf.if %cond3A_404 {
        %mul3A_406 = arith.constant 128 : i32
        %mul3A_407 = arith.muli %add3A_402, %mul3A_406 : i32
        "tpu.region"() ({
          %run_scoped3A_485 = tpu.sem_alloc : memref<!tpu.dma_semaphore, #tpu.memory_space<semaphore_mem>>
          %dma_start3A = arith.constant 0 : i32
          %dma_start3A_486 = tpu.memref_slice %arg2[%dma_start3A, %mul3A_407] : memref<2x800000xi32, #tpu.memory_space<hbm>> -> memref<2x128xi32, #tpu.memory_space<hbm>>
          %dma_start3A_487 = arith.constant 0 : i32
          %dma_start3A_488 = tpu.memref_slice %arg2[%dma_start3A_487, %mul3A_407] : memref<2x800000xi32, #tpu.memory_space<hbm>> -> memref<2x128xi32, #tpu.memory_space<hbm>>
          tpu.enqueue_dma source(%dma_start3A_488 : memref<2x128xi32, #tpu.memory_space<hbm>>) target(%arg9 : memref<2x128xi32, #tpu.memory_space<vmem>>) target_semaphore(%run_scoped3A_485 : memref<!tpu.dma_semaphore, #tpu.memory_space<semaphore_mem>>)
          %dma_wait3A = arith.constant 0 : i32
          %dma_wait3A_489 = tpu.memref_slice %arg2[%dma_wait3A, %mul3A_407] : memref<2x800000xi32, #tpu.memory_space<hbm>> -> memref<2x128xi32, #tpu.memory_space<hbm>>
          %dma_wait3A_490 = arith.constant 0 : i32
          %dma_wait3A_491 = tpu.memref_slice %arg2[%dma_wait3A_490, %mul3A_407] : memref<2x800000xi32, #tpu.memory_space<hbm>> -> memref<2x128xi32, #tpu.memory_space<hbm>>
          tpu.wait_dma2 semaphore(%run_scoped3A_485 : memref<!tpu.dma_semaphore, #tpu.memory_space<semaphore_mem>>) src(%dma_wait3A_491 : memref<2x128xi32, #tpu.memory_space<hbm>>) dst(%arg9 : memref<2x128xi32, #tpu.memory_space<vmem>>)
          tpu.yield
        }) : () -> ()
        %get3A = arith.constant 0 : i32
        %get3A_408 = arith.index_cast %get3A : i32 to index
        %get3A_409 = arith.constant 0 : index
        %get3A_410 = tpu.vector_load %arg9[%get3A_408, %get3A_409] {strides = array<i32>} : memref<2x128xi32, #tpu.memory_space<vmem>>, vector<16xi32>,
        %shift_right_arithmetic3A = arith.constant 7 : i32
        %shift_right_arithmetic3A_411 = vector.broadcast %shift_right_arithmetic3A : i32 to vector<16xi32>
        %shift_right_arithmetic3A_412 = arith.shrsi %get3A_410, %shift_right_arithmetic3A_411 : vector<16xi32>
        %and3A = arith.constant 127 : i32
        %and3A_413 = vector.broadcast %and3A : i32 to vector<16xi32>
        %and3A_414 = arith.andi %get3A_410, %and3A_413 : vector<16xi32>
        tpu.vector_store_idx %arg4[%shift_right_arithmetic3A_412, %and3A_414], %broadcast_in_dim3A_3 {add = true} : memref<800x128xf32, #tpu.memory_space<vmem>>[vector<16xi32>, vector<16xi32>], vector<16xf32>,
        %get3A_415 = arith.constant 0 : i32
        %get3A_416 = arith.index_cast %get3A_415 : i32 to index
        %get3A_417 = arith.constant 16 : index
        %get3A_418 = tpu.vector_load %arg9[%get3A_416, %get3A_417] {strides = array<i32>} : memref<2x128xi32, #tpu.memory_space<vmem>>, vector<16xi32>,
        %shift_right_arithmetic3A_419 = arith.constant 7 : i32
        %shift_right_arithmetic3A_420 = vector.broadcast %shift_right_arithmetic3A_419 : i32 to vector<16xi32>
        %shift_right_arithmetic3A_421 = arith.shrsi %get3A_418, %shift_right_arithmetic3A_420 : vector<16xi32>
        %and3A_422 = arith.constant 127 : i32
        %and3A_423 = vector.broadcast %and3A_422 : i32 to vector<16xi32>
        %and3A_424 = arith.andi %get3A_418, %and3A_423 : vector<16xi32>
        tpu.vector_store_idx %arg4[%shift_right_arithmetic3A_421, %and3A_424], %broadcast_in_dim3A_3 {add = true} : memref<800x128xf32, #tpu.memory_space<vmem>>[vector<16xi32>, vector<16xi32>], vector<16xf32>,
        %get3A_425 = arith.constant 0 : i32
        %get3A_426 = arith.index_cast %get3A_425 : i32 to index
        %get3A_427 = arith.constant 32 : index
        %get3A_428 = tpu.vector_load %arg9[%get3A_426, %get3A_427] {strides = array<i32>} : memref<2x128xi32, #tpu.memory_space<vmem>>, vector<16xi32>,
        %shift_right_arithmetic3A_429 = arith.constant 7 : i32
        %shift_right_arithmetic3A_430 = vector.broadcast %shift_right_arithmetic3A_429 : i32 to vector<16xi32>
        %shift_right_arithmetic3A_431 = arith.shrsi %get3A_428, %shift_right_arithmetic3A_430 : vector<16xi32>
        %and3A_432 = arith.constant 127 : i32
        %and3A_433 = vector.broadcast %and3A_432 : i32 to vector<16xi32>
        %and3A_434 = arith.andi %get3A_428, %and3A_433 : vector<16xi32>
        tpu.vector_store_idx %arg4[%shift_right_arithmetic3A_431, %and3A_434], %broadcast_in_dim3A_3 {add = true} : memref<800x128xf32, #tpu.memory_space<vmem>>[vector<16xi32>, vector<16xi32>], vector<16xf32>,
        %get3A_435 = arith.constant 0 : i32
        %get3A_436 = arith.index_cast %get3A_435 : i32 to index
        %get3A_437 = arith.constant 48 : index
        %get3A_438 = tpu.vector_load %arg9[%get3A_436, %get3A_437] {strides = array<i32>} : memref<2x128xi32, #tpu.memory_space<vmem>>, vector<16xi32>,
        %shift_right_arithmetic3A_439 = arith.constant 7 : i32
        %shift_right_arithmetic3A_440 = vector.broadcast %shift_right_arithmetic3A_439 : i32 to vector<16xi32>
        %shift_right_arithmetic3A_441 = arith.shrsi %get3A_438, %shift_right_arithmetic3A_440 : vector<16xi32>
        %and3A_442 = arith.constant 127 : i32
        %and3A_443 = vector.broadcast %and3A_442 : i32 to vector<16xi32>
        %and3A_444 = arith.andi %get3A_438, %and3A_443 : vector<16xi32>
        tpu.vector_store_idx %arg4[%shift_right_arithmetic3A_441, %and3A_444], %broadcast_in_dim3A_3 {add = true} : memref<800x128xf32, #tpu.memory_space<vmem>>[vector<16xi32>, vector<16xi32>], vector<16xf32>,
        %get3A_445 = arith.constant 0 : i32
        %get3A_446 = arith.index_cast %get3A_445 : i32 to index
        %get3A_447 = arith.constant 64 : index
        %get3A_448 = tpu.vector_load %arg9[%get3A_446, %get3A_447] {strides = array<i32>} : memref<2x128xi32, #tpu.memory_space<vmem>>, vector<16xi32>,
        %shift_right_arithmetic3A_449 = arith.constant 7 : i32
        %shift_right_arithmetic3A_450 = vector.broadcast %shift_right_arithmetic3A_449 : i32 to vector<16xi32>
        %shift_right_arithmetic3A_451 = arith.shrsi %get3A_448, %shift_right_arithmetic3A_450 : vector<16xi32>
        %and3A_452 = arith.constant 127 : i32
        %and3A_453 = vector.broadcast %and3A_452 : i32 to vector<16xi32>
        %and3A_454 = arith.andi %get3A_448, %and3A_453 : vector<16xi32>
        tpu.vector_store_idx %arg4[%shift_right_arithmetic3A_451, %and3A_454], %broadcast_in_dim3A_3 {add = true} : memref<800x128xf32, #tpu.memory_space<vmem>>[vector<16xi32>, vector<16xi32>], vector<16xf32>,
        %get3A_455 = arith.constant 0 : i32
        %get3A_456 = arith.index_cast %get3A_455 : i32 to index
        %get3A_457 = arith.constant 80 : index
        %get3A_458 = tpu.vector_load %arg9[%get3A_456, %get3A_457] {strides = array<i32>} : memref<2x128xi32, #tpu.memory_space<vmem>>, vector<16xi32>,
        %shift_right_arithmetic3A_459 = arith.constant 7 : i32
        %shift_right_arithmetic3A_460 = vector.broadcast %shift_right_arithmetic3A_459 : i32 to vector<16xi32>
        %shift_right_arithmetic3A_461 = arith.shrsi %get3A_458, %shift_right_arithmetic3A_460 : vector<16xi32>
        %and3A_462 = arith.constant 127 : i32
        %and3A_463 = vector.broadcast %and3A_462 : i32 to vector<16xi32>
        %and3A_464 = arith.andi %get3A_458, %and3A_463 : vector<16xi32>
        tpu.vector_store_idx %arg4[%shift_right_arithmetic3A_461, %and3A_464], %broadcast_in_dim3A_3 {add = true} : memref<800x128xf32, #tpu.memory_space<vmem>>[vector<16xi32>, vector<16xi32>], vector<16xf32>,
        %get3A_465 = arith.constant 0 : i32
        %get3A_466 = arith.index_cast %get3A_465 : i32 to index
        %get3A_467 = arith.constant 96 : index
        %get3A_468 = tpu.vector_load %arg9[%get3A_466, %get3A_467] {strides = array<i32>} : memref<2x128xi32, #tpu.memory_space<vmem>>, vector<16xi32>,
        %shift_right_arithmetic3A_469 = arith.constant 7 : i32
        %shift_right_arithmetic3A_470 = vector.broadcast %shift_right_arithmetic3A_469 : i32 to vector<16xi32>
        %shift_right_arithmetic3A_471 = arith.shrsi %get3A_468, %shift_right_arithmetic3A_470 : vector<16xi32>
        %and3A_472 = arith.constant 127 : i32
        %and3A_473 = vector.broadcast %and3A_472 : i32 to vector<16xi32>
        %and3A_474 = arith.andi %get3A_468, %and3A_473 : vector<16xi32>
        tpu.vector_store_idx %arg4[%shift_right_arithmetic3A_471, %and3A_474], %broadcast_in_dim3A_3 {add = true} : memref<800x128xf32, #tpu.memory_space<vmem>>[vector<16xi32>, vector<16xi32>], vector<16xf32>,
        %get3A_475 = arith.constant 0 : i32
        %get3A_476 = arith.index_cast %get3A_475 : i32 to index
        %get3A_477 = arith.constant 112 : index
        %get3A_478 = tpu.vector_load %arg9[%get3A_476, %get3A_477] {strides = array<i32>} : memref<2x128xi32, #tpu.memory_space<vmem>>, vector<16xi32>,
        %shift_right_arithmetic3A_479 = arith.constant 7 : i32
        %shift_right_arithmetic3A_480 = vector.broadcast %shift_right_arithmetic3A_479 : i32 to vector<16xi32>
        %shift_right_arithmetic3A_481 = arith.shrsi %get3A_478, %shift_right_arithmetic3A_480 : vector<16xi32>
        %and3A_482 = arith.constant 127 : i32
        %and3A_483 = vector.broadcast %and3A_482 : i32 to vector<16xi32>
        %and3A_484 = arith.andi %get3A_478, %and3A_483 : vector<16xi32>
        tpu.vector_store_idx %arg4[%shift_right_arithmetic3A_481, %and3A_484], %broadcast_in_dim3A_3 {add = true} : memref<800x128xf32, #tpu.memory_space<vmem>>[vector<16xi32>, vector<16xi32>], vector<16xf32>,
      } else {
      }
      %scan3A_405 = arith.constant 0 : i32
      scf.yield %scan3A_405 : i32
    }
    %scan3A_372 = arith.constant 391 : i32
    %run_scoped3A = arith.constant 0 : i32
    "tpu.region"() ({
      %run_scoped3A_398 = tpu.sem_alloc : memref<!tpu.dma_semaphore, #tpu.memory_space<semaphore_mem>>
      %dma_start3A = arith.constant 0 : i32
      %dma_start3A_399 = arith.constant 0 : i32
      %dma_start3A_400 = tpu.memref_slice %arg4[%dma_start3A, %dma_start3A_399] : memref<800x128xf32, #tpu.memory_space<vmem>> -> memref<80x128xf32, #tpu.memory_space<vmem>>
      %dma_start3A_401 = arith.constant 0 : i32
      %dma_start3A_402 = tpu.memref_slice %arg7[%run_scoped3A, %dma_start3A_401] : memref<10x80xi32, #tpu.memory_space<vmem>> -> memref<1x80xi32, #tpu.memory_space<vmem>>
      %dma_start3A_403 = tpu.memref_squeeze %dma_start3A_402 : memref<1x80xi32, #tpu.memory_space<vmem>> -> memref<80xi32, #tpu.memory_space<vmem>>
      %dma_start3A_404 = arith.constant 0 : i32
      %dma_start3A_405 = arith.constant 0 : i32
      %dma_start3A_406 = tpu.memref_slice %arg6[%dma_start3A_404, %dma_start3A_405] : memref<800x128xf32, #tpu.memory_space<vmem_shared>> -> memref<800x128xf32, #tpu.memory_space<vmem_shared>>
      tpu.enqueue_indirect_dma source(%dma_start3A_400 : memref<80x128xf32, #tpu.memory_space<vmem>>) target(%dma_start3A_406 : memref<800x128xf32, #tpu.memory_space<vmem_shared>>) offsets(%dma_start3A_403 : memref<80xi32, #tpu.memory_space<vmem>>) semaphore(%run_scoped3A_398 : memref<!tpu.dma_semaphore, #tpu.memory_space<semaphore_mem>>) {add = true}
      %dma_wait3A = arith.constant 0 : i32
      %dma_wait3A_407 = arith.constant 0 : i32
      %dma_wait3A_408 = tpu.memref_slice %arg4[%dma_wait3A, %dma_wait3A_407] : memref<800x128xf32, #tpu.memory_space<vmem>> -> memref<80x128xf32, #tpu.memory_space<vmem>>
      %dma_wait3A_409 = arith.constant 0 : i32
      %dma_wait3A_410 = tpu.memref_slice %arg7[%run_scoped3A, %dma_wait3A_409] : memref<10x80xi32, #tpu.memory_space<vmem>> -> memref<1x80xi32, #tpu.memory_space<vmem>>
      %dma_wait3A_411 = tpu.memref_squeeze %dma_wait3A_410 : memref<1x80xi32, #tpu.memory_space<vmem>> -> memref<80xi32, #tpu.memory_space<vmem>>
      %dma_wait3A_412 = arith.constant 0 : i32
      %dma_wait3A_413 = arith.constant 0 : i32
      %dma_wait3A_414 = tpu.memref_slice %arg6[%dma_wait3A_412, %dma_wait3A_413] : memref<800x128xf32, #tpu.memory_space<vmem_shared>> -> memref<800x128xf32, #tpu.memory_space<vmem_shared>>
      tpu.wait_indirect_dma semaphore(%run_scoped3A_398 : memref<!tpu.dma_semaphore, #tpu.memory_space<semaphore_mem>>) src(%dma_wait3A_408 : memref<80x128xf32, #tpu.memory_space<vmem>>) dst(%dma_wait3A_414 : memref<800x128xf32, #tpu.memory_space<vmem_shared>>)
      tpu.yield
    }) : () -> ()
    %run_scoped3A_373 = arith.constant 1 : i32
    "tpu.region"() ({
      %run_scoped3A_398 = tpu.sem_alloc : memref<!tpu.dma_semaphore, #tpu.memory_space<semaphore_mem>>
      %dma_start3A = arith.constant 80 : i32
      %dma_start3A_399 = arith.constant 0 : i32
      %dma_start3A_400 = tpu.memref_slice %arg4[%dma_start3A, %dma_start3A_399] : memref<800x128xf32, #tpu.memory_space<vmem>> -> memref<80x128xf32, #tpu.memory_space<vmem>>
      %dma_start3A_401 = arith.constant 0 : i32
      %dma_start3A_402 = tpu.memref_slice %arg7[%run_scoped3A_373, %dma_start3A_401] : memref<10x80xi32, #tpu.memory_space<vmem>> -> memref<1x80xi32, #tpu.memory_space<vmem>>
      %dma_start3A_403 = tpu.memref_squeeze %dma_start3A_402 : memref<1x80xi32, #tpu.memory_space<vmem>> -> memref<80xi32, #tpu.memory_space<vmem>>
      %dma_start3A_404 = arith.constant 0 : i32
      %dma_start3A_405 = arith.constant 0 : i32
      %dma_start3A_406 = tpu.memref_slice %arg6[%dma_start3A_404, %dma_start3A_405] : memref<800x128xf32, #tpu.memory_space<vmem_shared>> -> memref<800x128xf32, #tpu.memory_space<vmem_shared>>
      tpu.enqueue_indirect_dma source(%dma_start3A_400 : memref<80x128xf32, #tpu.memory_space<vmem>>) target(%dma_start3A_406 : memref<800x128xf32, #tpu.memory_space<vmem_shared>>) offsets(%dma_start3A_403 : memref<80xi32, #tpu.memory_space<vmem>>) semaphore(%run_scoped3A_398 : memref<!tpu.dma_semaphore, #tpu.memory_space<semaphore_mem>>) {add = true}
      %dma_wait3A = arith.constant 80 : i32
      %dma_wait3A_407 = arith.constant 0 : i32
      %dma_wait3A_408 = tpu.memref_slice %arg4[%dma_wait3A, %dma_wait3A_407] : memref<800x128xf32, #tpu.memory_space<vmem>> -> memref<80x128xf32, #tpu.memory_space<vmem>>
      %dma_wait3A_409 = arith.constant 0 : i32
      %dma_wait3A_410 = tpu.memref_slice %arg7[%run_scoped3A_373, %dma_wait3A_409] : memref<10x80xi32, #tpu.memory_space<vmem>> -> memref<1x80xi32, #tpu.memory_space<vmem>>
      %dma_wait3A_411 = tpu.memref_squeeze %dma_wait3A_410 : memref<1x80xi32, #tpu.memory_space<vmem>> -> memref<80xi32, #tpu.memory_space<vmem>>
      %dma_wait3A_412 = arith.constant 0 : i32
      %dma_wait3A_413 = arith.constant 0 : i32
      %dma_wait3A_414 = tpu.memref_slice %arg6[%dma_wait3A_412, %dma_wait3A_413] : memref<800x128xf32, #tpu.memory_space<vmem_shared>> -> memref<800x128xf32, #tpu.memory_space<vmem_shared>>
      tpu.wait_indirect_dma semaphore(%run_scoped3A_398 : memref<!tpu.dma_semaphore, #tpu.memory_space<semaphore_mem>>) src(%dma_wait3A_408 : memref<80x128xf32, #tpu.memory_space<vmem>>) dst(%dma_wait3A_414 : memref<800x128xf32, #tpu.memory_space<vmem_shared>>)
      tpu.yield
    }) : () -> ()
    %run_scoped3A_374 = arith.constant 2 : i32
    "tpu.region"() ({
      %run_scoped3A_398 = tpu.sem_alloc : memref<!tpu.dma_semaphore, #tpu.memory_space<semaphore_mem>>
      %dma_start3A = arith.constant 160 : i32
      %dma_start3A_399 = arith.constant 0 : i32
      %dma_start3A_400 = tpu.memref_slice %arg4[%dma_start3A, %dma_start3A_399] : memref<800x128xf32, #tpu.memory_space<vmem>> -> memref<80x128xf32, #tpu.memory_space<vmem>>
      %dma_start3A_401 = arith.constant 0 : i32
      %dma_start3A_402 = tpu.memref_slice %arg7[%run_scoped3A_374, %dma_start3A_401] : memref<10x80xi32, #tpu.memory_space<vmem>> -> memref<1x80xi32, #tpu.memory_space<vmem>>
      %dma_start3A_403 = tpu.memref_squeeze %dma_start3A_402 : memref<1x80xi32, #tpu.memory_space<vmem>> -> memref<80xi32, #tpu.memory_space<vmem>>
      %dma_start3A_404 = arith.constant 0 : i32
      %dma_start3A_405 = arith.constant 0 : i32
      %dma_start3A_406 = tpu.memref_slice %arg6[%dma_start3A_404, %dma_start3A_405] : memref<800x128xf32, #tpu.memory_space<vmem_shared>> -> memref<800x128xf32, #tpu.memory_space<vmem_shared>>
      tpu.enqueue_indirect_dma source(%dma_start3A_400 : memref<80x128xf32, #tpu.memory_space<vmem>>) target(%dma_start3A_406 : memref<800x128xf32, #tpu.memory_space<vmem_shared>>) offsets(%dma_start3A_403 : memref<80xi32, #tpu.memory_space<vmem>>) semaphore(%run_scoped3A_398 : memref<!tpu.dma_semaphore, #tpu.memory_space<semaphore_mem>>) {add = true}
      %dma_wait3A = arith.constant 160 : i32
      %dma_wait3A_407 = arith.constant 0 : i32
      %dma_wait3A_408 = tpu.memref_slice %arg4[%dma_wait3A, %dma_wait3A_407] : memref<800x128xf32, #tpu.memory_space<vmem>> -> memref<80x128xf32, #tpu.memory_space<vmem>>
      %dma_wait3A_409 = arith.constant 0 : i32
      %dma_wait3A_410 = tpu.memref_slice %arg7[%run_scoped3A_374, %dma_wait3A_409] : memref<10x80xi32, #tpu.memory_space<vmem>> -> memref<1x80xi32, #tpu.memory_space<vmem>>
      %dma_wait3A_411 = tpu.memref_squeeze %dma_wait3A_410 : memref<1x80xi32, #tpu.memory_space<vmem>> -> memref<80xi32, #tpu.memory_space<vmem>>
      %dma_wait3A_412 = arith.constant 0 : i32
      %dma_wait3A_413 = arith.constant 0 : i32
      %dma_wait3A_414 = tpu.memref_slice %arg6[%dma_wait3A_412, %dma_wait3A_413] : memref<800x128xf32, #tpu.memory_space<vmem_shared>> -> memref<800x128xf32, #tpu.memory_space<vmem_shared>>
      tpu.wait_indirect_dma semaphore(%run_scoped3A_398 : memref<!tpu.dma_semaphore, #tpu.memory_space<semaphore_mem>>) src(%dma_wait3A_408 : memref<80x128xf32, #tpu.memory_space<vmem>>) dst(%dma_wait3A_414 : memref<800x128xf32, #tpu.memory_space<vmem_shared>>)
      tpu.yield
    }) : () -> ()
    %run_scoped3A_375 = arith.constant 3 : i32
    "tpu.region"() ({
      %run_scoped3A_398 = tpu.sem_alloc : memref<!tpu.dma_semaphore, #tpu.memory_space<semaphore_mem>>
      %dma_start3A = arith.constant 240 : i32
      %dma_start3A_399 = arith.constant 0 : i32
      %dma_start3A_400 = tpu.memref_slice %arg4[%dma_start3A, %dma_start3A_399] : memref<800x128xf32, #tpu.memory_space<vmem>> -> memref<80x128xf32, #tpu.memory_space<vmem>>
      %dma_start3A_401 = arith.constant 0 : i32
      %dma_start3A_402 = tpu.memref_slice %arg7[%run_scoped3A_375, %dma_start3A_401] : memref<10x80xi32, #tpu.memory_space<vmem>> -> memref<1x80xi32, #tpu.memory_space<vmem>>
      %dma_start3A_403 = tpu.memref_squeeze %dma_start3A_402 : memref<1x80xi32, #tpu.memory_space<vmem>> -> memref<80xi32, #tpu.memory_space<vmem>>
      %dma_start3A_404 = arith.constant 0 : i32
      %dma_start3A_405 = arith.constant 0 : i32
      %dma_start3A_406 = tpu.memref_slice %arg6[%dma_start3A_404, %dma_start3A_405] : memref<800x128xf32, #tpu.memory_space<vmem_shared>> -> memref<800x128xf32, #tpu.memory_space<vmem_shared>>
      tpu.enqueue_indirect_dma source(%dma_start3A_400 : memref<80x128xf32, #tpu.memory_space<vmem>>) target(%dma_start3A_406 : memref<800x128xf32, #tpu.memory_space<vmem_shared>>) offsets(%dma_start3A_403 : memref<80xi32, #tpu.memory_space<vmem>>) semaphore(%run_scoped3A_398 : memref<!tpu.dma_semaphore, #tpu.memory_space<semaphore_mem>>) {add = true}
      %dma_wait3A = arith.constant 240 : i32
      %dma_wait3A_407 = arith.constant 0 : i32
      %dma_wait3A_408 = tpu.memref_slice %arg4[%dma_wait3A, %dma_wait3A_407] : memref<800x128xf32, #tpu.memory_space<vmem>> -> memref<80x128xf32, #tpu.memory_space<vmem>>
      %dma_wait3A_409 = arith.constant 0 : i32
      %dma_wait3A_410 = tpu.memref_slice %arg7[%run_scoped3A_375, %dma_wait3A_409] : memref<10x80xi32, #tpu.memory_space<vmem>> -> memref<1x80xi32, #tpu.memory_space<vmem>>
      %dma_wait3A_411 = tpu.memref_squeeze %dma_wait3A_410 : memref<1x80xi32, #tpu.memory_space<vmem>> -> memref<80xi32, #tpu.memory_space<vmem>>
      %dma_wait3A_412 = arith.constant 0 : i32
      %dma_wait3A_413 = arith.constant 0 : i32
      %dma_wait3A_414 = tpu.memref_slice %arg6[%dma_wait3A_412, %dma_wait3A_413] : memref<800x128xf32, #tpu.memory_space<vmem_shared>> -> memref<800x128xf32, #tpu.memory_space<vmem_shared>>
      tpu.wait_indirect_dma semaphore(%run_scoped3A_398 : memref<!tpu.dma_semaphore, #tpu.memory_space<semaphore_mem>>) src(%dma_wait3A_408 : memref<80x128xf32, #tpu.memory_space<vmem>>) dst(%dma_wait3A_414 : memref<800x128xf32, #tpu.memory_space<vmem_shared>>)
      tpu.yield
    }) : () -> ()
    %run_scoped3A_376 = arith.constant 4 : i32
    "tpu.region"() ({
      %run_scoped3A_398 = tpu.sem_alloc : memref<!tpu.dma_semaphore, #tpu.memory_space<semaphore_mem>>
      %dma_start3A = arith.constant 320 : i32
      %dma_start3A_399 = arith.constant 0 : i32
      %dma_start3A_400 = tpu.memref_slice %arg4[%dma_start3A, %dma_start3A_399] : memref<800x128xf32, #tpu.memory_space<vmem>> -> memref<80x128xf32, #tpu.memory_space<vmem>>
      %dma_start3A_401 = arith.constant 0 : i32
      %dma_start3A_402 = tpu.memref_slice %arg7[%run_scoped3A_376, %dma_start3A_401] : memref<10x80xi32, #tpu.memory_space<vmem>> -> memref<1x80xi32, #tpu.memory_space<vmem>>
      %dma_start3A_403 = tpu.memref_squeeze %dma_start3A_402 : memref<1x80xi32, #tpu.memory_space<vmem>> -> memref<80xi32, #tpu.memory_space<vmem>>
      %dma_start3A_404 = arith.constant 0 : i32
      %dma_start3A_405 = arith.constant 0 : i32
      %dma_start3A_406 = tpu.memref_slice %arg6[%dma_start3A_404, %dma_start3A_405] : memref<800x128xf32, #tpu.memory_space<vmem_shared>> -> memref<800x128xf32, #tpu.memory_space<vmem_shared>>
      tpu.enqueue_indirect_dma source(%dma_start3A_400 : memref<80x128xf32, #tpu.memory_space<vmem>>) target(%dma_start3A_406 : memref<800x128xf32, #tpu.memory_space<vmem_shared>>) offsets(%dma_start3A_403 : memref<80xi32, #tpu.memory_space<vmem>>) semaphore(%run_scoped3A_398 : memref<!tpu.dma_semaphore, #tpu.memory_space<semaphore_mem>>) {add = true}
      %dma_wait3A = arith.constant 320 : i32
      %dma_wait3A_407 = arith.constant 0 : i32
      %dma_wait3A_408 = tpu.memref_slice %arg4[%dma_wait3A, %dma_wait3A_407] : memref<800x128xf32, #tpu.memory_space<vmem>> -> memref<80x128xf32, #tpu.memory_space<vmem>>
      %dma_wait3A_409 = arith.constant 0 : i32
      %dma_wait3A_410 = tpu.memref_slice %arg7[%run_scoped3A_376, %dma_wait3A_409] : memref<10x80xi32, #tpu.memory_space<vmem>> -> memref<1x80xi32, #tpu.memory_space<vmem>>
      %dma_wait3A_411 = tpu.memref_squeeze %dma_wait3A_410 : memref<1x80xi32, #tpu.memory_space<vmem>> -> memref<80xi32, #tpu.memory_space<vmem>>
      %dma_wait3A_412 = arith.constant 0 : i32
      %dma_wait3A_413 = arith.constant 0 : i32
      %dma_wait3A_414 = tpu.memref_slice %arg6[%dma_wait3A_412, %dma_wait3A_413] : memref<800x128xf32, #tpu.memory_space<vmem_shared>> -> memref<800x128xf32, #tpu.memory_space<vmem_shared>>
      tpu.wait_indirect_dma semaphore(%run_scoped3A_398 : memref<!tpu.dma_semaphore, #tpu.memory_space<semaphore_mem>>) src(%dma_wait3A_408 : memref<80x128xf32, #tpu.memory_space<vmem>>) dst(%dma_wait3A_414 : memref<800x128xf32, #tpu.memory_space<vmem_shared>>)
      tpu.yield
    }) : () -> ()
    %run_scoped3A_377 = arith.constant 5 : i32
    "tpu.region"() ({
      %run_scoped3A_398 = tpu.sem_alloc : memref<!tpu.dma_semaphore, #tpu.memory_space<semaphore_mem>>
      %dma_start3A = arith.constant 400 : i32
      %dma_start3A_399 = arith.constant 0 : i32
      %dma_start3A_400 = tpu.memref_slice %arg4[%dma_start3A, %dma_start3A_399] : memref<800x128xf32, #tpu.memory_space<vmem>> -> memref<80x128xf32, #tpu.memory_space<vmem>>
      %dma_start3A_401 = arith.constant 0 : i32
      %dma_start3A_402 = tpu.memref_slice %arg7[%run_scoped3A_377, %dma_start3A_401] : memref<10x80xi32, #tpu.memory_space<vmem>> -> memref<1x80xi32, #tpu.memory_space<vmem>>
      %dma_start3A_403 = tpu.memref_squeeze %dma_start3A_402 : memref<1x80xi32, #tpu.memory_space<vmem>> -> memref<80xi32, #tpu.memory_space<vmem>>
      %dma_start3A_404 = arith.constant 0 : i32
      %dma_start3A_405 = arith.constant 0 : i32
      %dma_start3A_406 = tpu.memref_slice %arg6[%dma_start3A_404, %dma_start3A_405] : memref<800x128xf32, #tpu.memory_space<vmem_shared>> -> memref<800x128xf32, #tpu.memory_space<vmem_shared>>
      tpu.enqueue_indirect_dma source(%dma_start3A_400 : memref<80x128xf32, #tpu.memory_space<vmem>>) target(%dma_start3A_406 : memref<800x128xf32, #tpu.memory_space<vmem_shared>>) offsets(%dma_start3A_403 : memref<80xi32, #tpu.memory_space<vmem>>) semaphore(%run_scoped3A_398 : memref<!tpu.dma_semaphore, #tpu.memory_space<semaphore_mem>>) {add = true}
      %dma_wait3A = arith.constant 400 : i32
      %dma_wait3A_407 = arith.constant 0 : i32
      %dma_wait3A_408 = tpu.memref_slice %arg4[%dma_wait3A, %dma_wait3A_407] : memref<800x128xf32, #tpu.memory_space<vmem>> -> memref<80x128xf32, #tpu.memory_space<vmem>>
      %dma_wait3A_409 = arith.constant 0 : i32
      %dma_wait3A_410 = tpu.memref_slice %arg7[%run_scoped3A_377, %dma_wait3A_409] : memref<10x80xi32, #tpu.memory_space<vmem>> -> memref<1x80xi32, #tpu.memory_space<vmem>>
      %dma_wait3A_411 = tpu.memref_squeeze %dma_wait3A_410 : memref<1x80xi32, #tpu.memory_space<vmem>> -> memref<80xi32, #tpu.memory_space<vmem>>
      %dma_wait3A_412 = arith.constant 0 : i32
      %dma_wait3A_413 = arith.constant 0 : i32
      %dma_wait3A_414 = tpu.memref_slice %arg6[%dma_wait3A_412, %dma_wait3A_413] : memref<800x128xf32, #tpu.memory_space<vmem_shared>> -> memref<800x128xf32, #tpu.memory_space<vmem_shared>>
      tpu.wait_indirect_dma semaphore(%run_scoped3A_398 : memref<!tpu.dma_semaphore, #tpu.memory_space<semaphore_mem>>) src(%dma_wait3A_408 : memref<80x128xf32, #tpu.memory_space<vmem>>) dst(%dma_wait3A_414 : memref<800x128xf32, #tpu.memory_space<vmem_shared>>)
      tpu.yield
    }) : () -> ()
    %run_scoped3A_378 = arith.constant 6 : i32
    "tpu.region"() ({
      %run_scoped3A_398 = tpu.sem_alloc : memref<!tpu.dma_semaphore, #tpu.memory_space<semaphore_mem>>
      %dma_start3A = arith.constant 480 : i32
      %dma_start3A_399 = arith.constant 0 : i32
      %dma_start3A_400 = tpu.memref_slice %arg4[%dma_start3A, %dma_start3A_399] : memref<800x128xf32, #tpu.memory_space<vmem>> -> memref<80x128xf32, #tpu.memory_space<vmem>>
      %dma_start3A_401 = arith.constant 0 : i32
      %dma_start3A_402 = tpu.memref_slice %arg7[%run_scoped3A_378, %dma_start3A_401] : memref<10x80xi32, #tpu.memory_space<vmem>> -> memref<1x80xi32, #tpu.memory_space<vmem>>
      %dma_start3A_403 = tpu.memref_squeeze %dma_start3A_402 : memref<1x80xi32, #tpu.memory_space<vmem>> -> memref<80xi32, #tpu.memory_space<vmem>>
      %dma_start3A_404 = arith.constant 0 : i32
      %dma_start3A_405 = arith.constant 0 : i32
      %dma_start3A_406 = tpu.memref_slice %arg6[%dma_start3A_404, %dma_start3A_405] : memref<800x128xf32, #tpu.memory_space<vmem_shared>> -> memref<800x128xf32, #tpu.memory_space<vmem_shared>>
      tpu.enqueue_indirect_dma source(%dma_start3A_400 : memref<80x128xf32, #tpu.memory_space<vmem>>) target(%dma_start3A_406 : memref<800x128xf32, #tpu.memory_space<vmem_shared>>) offsets(%dma_start3A_403 : memref<80xi32, #tpu.memory_space<vmem>>) semaphore(%run_scoped3A_398 : memref<!tpu.dma_semaphore, #tpu.memory_space<semaphore_mem>>) {add = true}
      %dma_wait3A = arith.constant 480 : i32
      %dma_wait3A_407 = arith.constant 0 : i32
      %dma_wait3A_408 = tpu.memref_slice %arg4[%dma_wait3A, %dma_wait3A_407] : memref<800x128xf32, #tpu.memory_space<vmem>> -> memref<80x128xf32, #tpu.memory_space<vmem>>
      %dma_wait3A_409 = arith.constant 0 : i32
      %dma_wait3A_410 = tpu.memref_slice %arg7[%run_scoped3A_378, %dma_wait3A_409] : memref<10x80xi32, #tpu.memory_space<vmem>> -> memref<1x80xi32, #tpu.memory_space<vmem>>
      %dma_wait3A_411 = tpu.memref_squeeze %dma_wait3A_410 : memref<1x80xi32, #tpu.memory_space<vmem>> -> memref<80xi32, #tpu.memory_space<vmem>>
      %dma_wait3A_412 = arith.constant 0 : i32
      %dma_wait3A_413 = arith.constant 0 : i32
      %dma_wait3A_414 = tpu.memref_slice %arg6[%dma_wait3A_412, %dma_wait3A_413] : memref<800x128xf32, #tpu.memory_space<vmem_shared>> -> memref<800x128xf32, #tpu.memory_space<vmem_shared>>
      tpu.wait_indirect_dma semaphore(%run_scoped3A_398 : memref<!tpu.dma_semaphore, #tpu.memory_space<semaphore_mem>>) src(%dma_wait3A_408 : memref<80x128xf32, #tpu.memory_space<vmem>>) dst(%dma_wait3A_414 : memref<800x128xf32, #tpu.memory_space<vmem_shared>>)
      tpu.yield
    }) : () -> ()
    %run_scoped3A_379 = arith.constant 7 : i32
    "tpu.region"() ({
      %run_scoped3A_398 = tpu.sem_alloc : memref<!tpu.dma_semaphore, #tpu.memory_space<semaphore_mem>>
      %dma_start3A = arith.constant 560 : i32
      %dma_start3A_399 = arith.constant 0 : i32
      %dma_start3A_400 = tpu.memref_slice %arg4[%dma_start3A, %dma_start3A_399] : memref<800x128xf32, #tpu.memory_space<vmem>> -> memref<80x128xf32, #tpu.memory_space<vmem>>
      %dma_start3A_401 = arith.constant 0 : i32
      %dma_start3A_402 = tpu.memref_slice %arg7[%run_scoped3A_379, %dma_start3A_401] : memref<10x80xi32, #tpu.memory_space<vmem>> -> memref<1x80xi32, #tpu.memory_space<vmem>>
      %dma_start3A_403 = tpu.memref_squeeze %dma_start3A_402 : memref<1x80xi32, #tpu.memory_space<vmem>> -> memref<80xi32, #tpu.memory_space<vmem>>
      %dma_start3A_404 = arith.constant 0 : i32
      %dma_start3A_405 = arith.constant 0 : i32
      %dma_start3A_406 = tpu.memref_slice %arg6[%dma_start3A_404, %dma_start3A_405] : memref<800x128xf32, #tpu.memory_space<vmem_shared>> -> memref<800x128xf32, #tpu.memory_space<vmem_shared>>
      tpu.enqueue_indirect_dma source(%dma_start3A_400 : memref<80x128xf32, #tpu.memory_space<vmem>>) target(%dma_start3A_406 : memref<800x128xf32, #tpu.memory_space<vmem_shared>>) offsets(%dma_start3A_403 : memref<80xi32, #tpu.memory_space<vmem>>) semaphore(%run_scoped3A_398 : memref<!tpu.dma_semaphore, #tpu.memory_space<semaphore_mem>>) {add = true}
      %dma_wait3A = arith.constant 560 : i32
      %dma_wait3A_407 = arith.constant 0 : i32
      %dma_wait3A_408 = tpu.memref_slice %arg4[%dma_wait3A, %dma_wait3A_407] : memref<800x128xf32, #tpu.memory_space<vmem>> -> memref<80x128xf32, #tpu.memory_space<vmem>>
      %dma_wait3A_409 = arith.constant 0 : i32
      %dma_wait3A_410 = tpu.memref_slice %arg7[%run_scoped3A_379, %dma_wait3A_409] : memref<10x80xi32, #tpu.memory_space<vmem>> -> memref<1x80xi32, #tpu.memory_space<vmem>>
      %dma_wait3A_411 = tpu.memref_squeeze %dma_wait3A_410 : memref<1x80xi32, #tpu.memory_space<vmem>> -> memref<80xi32, #tpu.memory_space<vmem>>
      %dma_wait3A_412 = arith.constant 0 : i32
      %dma_wait3A_413 = arith.constant 0 : i32
      %dma_wait3A_414 = tpu.memref_slice %arg6[%dma_wait3A_412, %dma_wait3A_413] : memref<800x128xf32, #tpu.memory_space<vmem_shared>> -> memref<800x128xf32, #tpu.memory_space<vmem_shared>>
      tpu.wait_indirect_dma semaphore(%run_scoped3A_398 : memref<!tpu.dma_semaphore, #tpu.memory_space<semaphore_mem>>) src(%dma_wait3A_408 : memref<80x128xf32, #tpu.memory_space<vmem>>) dst(%dma_wait3A_414 : memref<800x128xf32, #tpu.memory_space<vmem_shared>>)
      tpu.yield
    }) : () -> ()
    %run_scoped3A_380 = arith.constant 8 : i32
    "tpu.region"() ({
      %run_scoped3A_398 = tpu.sem_alloc : memref<!tpu.dma_semaphore, #tpu.memory_space<semaphore_mem>>
      %dma_start3A = arith.constant 640 : i32
      %dma_start3A_399 = arith.constant 0 : i32
      %dma_start3A_400 = tpu.memref_slice %arg4[%dma_start3A, %dma_start3A_399] : memref<800x128xf32, #tpu.memory_space<vmem>> -> memref<80x128xf32, #tpu.memory_space<vmem>>
      %dma_start3A_401 = arith.constant 0 : i32
      %dma_start3A_402 = tpu.memref_slice %arg7[%run_scoped3A_380, %dma_start3A_401] : memref<10x80xi32, #tpu.memory_space<vmem>> -> memref<1x80xi32, #tpu.memory_space<vmem>>
      %dma_start3A_403 = tpu.memref_squeeze %dma_start3A_402 : memref<1x80xi32, #tpu.memory_space<vmem>> -> memref<80xi32, #tpu.memory_space<vmem>>
      %dma_start3A_404 = arith.constant 0 : i32
      %dma_start3A_405 = arith.constant 0 : i32
      %dma_start3A_406 = tpu.memref_slice %arg6[%dma_start3A_404, %dma_start3A_405] : memref<800x128xf32, #tpu.memory_space<vmem_shared>> -> memref<800x128xf32, #tpu.memory_space<vmem_shared>>
      tpu.enqueue_indirect_dma source(%dma_start3A_400 : memref<80x128xf32, #tpu.memory_space<vmem>>) target(%dma_start3A_406 : memref<800x128xf32, #tpu.memory_space<vmem_shared>>) offsets(%dma_start3A_403 : memref<80xi32, #tpu.memory_space<vmem>>) semaphore(%run_scoped3A_398 : memref<!tpu.dma_semaphore, #tpu.memory_space<semaphore_mem>>) {add = true}
      %dma_wait3A = arith.constant 640 : i32
      %dma_wait3A_407 = arith.constant 0 : i32
      %dma_wait3A_408 = tpu.memref_slice %arg4[%dma_wait3A, %dma_wait3A_407] : memref<800x128xf32, #tpu.memory_space<vmem>> -> memref<80x128xf32, #tpu.memory_space<vmem>>
      %dma_wait3A_409 = arith.constant 0 : i32
      %dma_wait3A_410 = tpu.memref_slice %arg7[%run_scoped3A_380, %dma_wait3A_409] : memref<10x80xi32, #tpu.memory_space<vmem>> -> memref<1x80xi32, #tpu.memory_space<vmem>>
      %dma_wait3A_411 = tpu.memref_squeeze %dma_wait3A_410 : memref<1x80xi32, #tpu.memory_space<vmem>> -> memref<80xi32, #tpu.memory_space<vmem>>
      %dma_wait3A_412 = arith.constant 0 : i32
      %dma_wait3A_413 = arith.constant 0 : i32
      %dma_wait3A_414 = tpu.memref_slice %arg6[%dma_wait3A_412, %dma_wait3A_413] : memref<800x128xf32, #tpu.memory_space<vmem_shared>> -> memref<800x128xf32, #tpu.memory_space<vmem_shared>>
      tpu.wait_indirect_dma semaphore(%run_scoped3A_398 : memref<!tpu.dma_semaphore, #tpu.memory_space<semaphore_mem>>) src(%dma_wait3A_408 : memref<80x128xf32, #tpu.memory_space<vmem>>) dst(%dma_wait3A_414 : memref<800x128xf32, #tpu.memory_space<vmem_shared>>)
      tpu.yield
    }) : () -> ()
    %run_scoped3A_381 = arith.constant 9 : i32
    "tpu.region"() ({
      %run_scoped3A_398 = tpu.sem_alloc : memref<!tpu.dma_semaphore, #tpu.memory_space<semaphore_mem>>
      %dma_start3A = arith.constant 720 : i32
      %dma_start3A_399 = arith.constant 0 : i32
      %dma_start3A_400 = tpu.memref_slice %arg4[%dma_start3A, %dma_start3A_399] : memref<800x128xf32, #tpu.memory_space<vmem>> -> memref<80x128xf32, #tpu.memory_space<vmem>>
      %dma_start3A_401 = arith.constant 0 : i32
      %dma_start3A_402 = tpu.memref_slice %arg7[%run_scoped3A_381, %dma_start3A_401] : memref<10x80xi32, #tpu.memory_space<vmem>> -> memref<1x80xi32, #tpu.memory_space<vmem>>
      %dma_start3A_403 = tpu.memref_squeeze %dma_start3A_402 : memref<1x80xi32, #tpu.memory_space<vmem>> -> memref<80xi32, #tpu.memory_space<vmem>>
      %dma_start3A_404 = arith.constant 0 : i32
      %dma_start3A_405 = arith.constant 0 : i32
      %dma_start3A_406 = tpu.memref_slice %arg6[%dma_start3A_404, %dma_start3A_405] : memref<800x128xf32, #tpu.memory_space<vmem_shared>> -> memref<800x128xf32, #tpu.memory_space<vmem_shared>>
      tpu.enqueue_indirect_dma source(%dma_start3A_400 : memref<80x128xf32, #tpu.memory_space<vmem>>) target(%dma_start3A_406 : memref<800x128xf32, #tpu.memory_space<vmem_shared>>) offsets(%dma_start3A_403 : memref<80xi32, #tpu.memory_space<vmem>>) semaphore(%run_scoped3A_398 : memref<!tpu.dma_semaphore, #tpu.memory_space<semaphore_mem>>) {add = true}
      %dma_wait3A = arith.constant 720 : i32
      %dma_wait3A_407 = arith.constant 0 : i32
      %dma_wait3A_408 = tpu.memref_slice %arg4[%dma_wait3A, %dma_wait3A_407] : memref<800x128xf32, #tpu.memory_space<vmem>> -> memref<80x128xf32, #tpu.memory_space<vmem>>
      %dma_wait3A_409 = arith.constant 0 : i32
      %dma_wait3A_410 = tpu.memref_slice %arg7[%run_scoped3A_381, %dma_wait3A_409] : memref<10x80xi32, #tpu.memory_space<vmem>> -> memref<1x80xi32, #tpu.memory_space<vmem>>
      %dma_wait3A_411 = tpu.memref_squeeze %dma_wait3A_410 : memref<1x80xi32, #tpu.memory_space<vmem>> -> memref<80xi32, #tpu.memory_space<vmem>>
      %dma_wait3A_412 = arith.constant 0 : i32
      %dma_wait3A_413 = arith.constant 0 : i32
      %dma_wait3A_414 = tpu.memref_slice %arg6[%dma_wait3A_412, %dma_wait3A_413] : memref<800x128xf32, #tpu.memory_space<vmem_shared>> -> memref<800x128xf32, #tpu.memory_space<vmem_shared>>
      tpu.wait_indirect_dma semaphore(%run_scoped3A_398 : memref<!tpu.dma_semaphore, #tpu.memory_space<semaphore_mem>>) src(%dma_wait3A_408 : memref<80x128xf32, #tpu.memory_space<vmem>>) dst(%dma_wait3A_414 : memref<800x128xf32, #tpu.memory_space<vmem_shared>>)
      tpu.yield
    }) : () -> ()
    %barrier3A_382 = arith.constant 0 : index
    tpu.barrier barrier_id(%barrier3A_382)
    %scan3A_383 = arith.constant 0 : i32
    %scan3A_384 = arith.constant 0 : i32
    %scan3A_385 = arith.constant 2 : i32
    %scan3A_386 = arith.addi %scan3A_384, %scan3A_385 : i32
    %scan3A_387 = arith.constant 1 : i32
    %scan3A_388 = scf.for %scan3A_398 = %scan3A_384 to %scan3A_386 step %scan3A_387 iter_args(%scan3A_399 = %scan3A_383) -> (i32)  : i32 {
      %mul3A_400 = arith.constant 16 : i32
      %mul3A_401 = arith.muli %mul3A_400, %scan3A_398 : i32
      %add3A_402 = arith.addi %arg1, %mul3A_401 : i32
      %lt3A = arith.constant 20 : i32
      %lt3A_403 = arith.cmpi slt, %add3A_402, %lt3A : i32
      %convert_element_type3A = arith.extui %lt3A_403 : i1 to i32
      %cond3A = arith.constant 0 : i32
      %cond3A_404 = arith.cmpi ne, %convert_element_type3A, %cond3A : i32
      scf.if %cond3A_404 {
        %mul3A_406 = arith.constant 40 : i32
        %mul3A_407 = arith.muli %add3A_402, %mul3A_406 : i32
        "tpu.region"() ({
          %run_scoped3A_417 = tpu.sem_alloc : memref<!tpu.dma_semaphore, #tpu.memory_space<semaphore_mem>>
          %dma_start3A = arith.constant 0 : i32
          %dma_start3A_418 = tpu.memref_slice %arg6[%mul3A_407, %dma_start3A] : memref<800x128xf32, #tpu.memory_space<vmem_shared>> -> memref<40x128xf32, #tpu.memory_space<vmem_shared>>
          %dma_start3A_419 = arith.constant 0 : i32
          %dma_start3A_420 = tpu.memref_slice %arg6[%mul3A_407, %dma_start3A_419] : memref<800x128xf32, #tpu.memory_space<vmem_shared>> -> memref<40x128xf32, #tpu.memory_space<vmem_shared>>
          tpu.enqueue_dma source(%dma_start3A_420 : memref<40x128xf32, #tpu.memory_space<vmem_shared>>) target(%arg5 : memref<40x128xf32, #tpu.memory_space<vmem>>) target_semaphore(%run_scoped3A_417 : memref<!tpu.dma_semaphore, #tpu.memory_space<semaphore_mem>>)
          %dma_wait3A = arith.constant 0 : i32
          %dma_wait3A_421 = tpu.memref_slice %arg6[%mul3A_407, %dma_wait3A] : memref<800x128xf32, #tpu.memory_space<vmem_shared>> -> memref<40x128xf32, #tpu.memory_space<vmem_shared>>
          %dma_wait3A_422 = arith.constant 0 : i32
          %dma_wait3A_423 = tpu.memref_slice %arg6[%mul3A_407, %dma_wait3A_422] : memref<800x128xf32, #tpu.memory_space<vmem_shared>> -> memref<40x128xf32, #tpu.memory_space<vmem_shared>>
          tpu.wait_dma2 semaphore(%run_scoped3A_417 : memref<!tpu.dma_semaphore, #tpu.memory_space<semaphore_mem>>) src(%dma_wait3A_423 : memref<40x128xf32, #tpu.memory_space<vmem_shared>>) dst(%arg5 : memref<40x128xf32, #tpu.memory_space<vmem>>)
          tpu.yield
        }) : () -> ()
        %scan3A_408 = arith.constant 0 : i32
        %scan3A_409 = arith.constant 0 : i32
        %scan3A_410 = arith.constant 40 : i32
        %scan3A_411 = arith.addi %scan3A_409, %scan3A_410 : i32
        %scan3A_412 = arith.constant 1 : i32
        %scan3A_413 = scf.for %scan3A_417 = %scan3A_409 to %scan3A_411 step %scan3A_412 iter_args(%scan3A_418 = %scan3A_408) -> (i32)  : i32 {
          %get3A = arith.index_cast %scan3A_417 : i32 to index
          %get3A_419 = arith.constant 0 : index
          %get3A_420 = tpu.vector_load %arg5[%get3A, %get3A_419] {strides = array<i32>} : memref<40x128xf32, #tpu.memory_space<vmem>>, vector<16xf32>,
          %bitcast3A = vector.bitcast %get3A_420 : vector<16xf32> to vector<16xi32>
          %shift_right_arithmetic3A = arith.constant 1 : i32
          %shift_right_arithmetic3A_421 = vector.broadcast %shift_right_arithmetic3A : i32 to vector<16xi32>
          %shift_right_arithmetic3A_422 = arith.shrsi %bitcast3A, %shift_right_arithmetic3A_421 : vector<16xi32>
          %sub3A = arith.constant 1597463007 : i32
          %sub3A_423 = vector.broadcast %sub3A : i32 to vector<16xi32>
          %sub3A_424 = arith.subi %sub3A_423, %shift_right_arithmetic3A_422 : vector<16xi32>
          %bitcast3A_425 = vector.bitcast %sub3A_424 : vector<16xi32> to vector<16xf32>
          %mul3A_426 = arith.constant 5.000000e-01 : f32
          %mul3A_427 = vector.broadcast %mul3A_426 : f32 to vector<16xf32>
          %mul3A_428 = arith.mulf %mul3A_427, %get3A_420 : vector<16xf32>
          %mul3A_429 = arith.mulf %mul3A_428, %bitcast3A_425 : vector<16xf32>
          %mul3A_430 = arith.mulf %mul3A_429, %bitcast3A_425 : vector<16xf32>
          %sub3A_431 = arith.constant 1.500000e+00 : f32
          %sub3A_432 = vector.broadcast %sub3A_431 : f32 to vector<16xf32>
          %sub3A_433 = arith.subf %sub3A_432, %mul3A_430 : vector<16xf32>
          %mul3A_434 = arith.mulf %bitcast3A_425, %sub3A_433 : vector<16xf32>
          %mul3A_435 = arith.constant 5.000000e-01 : f32
          %mul3A_436 = vector.broadcast %mul3A_435 : f32 to vector<16xf32>
          %mul3A_437 = arith.mulf %mul3A_436, %get3A_420 : vector<16xf32>
          %mul3A_438 = arith.mulf %mul3A_437, %mul3A_434 : vector<16xf32>
          %mul3A_439 = arith.mulf %mul3A_438, %mul3A_434 : vector<16xf32>
          %sub3A_440 = arith.constant 1.500000e+00 : f32
          %sub3A_441 = vector.broadcast %sub3A_440 : f32 to vector<16xf32>
          %sub3A_442 = arith.subf %sub3A_441, %mul3A_439 : vector<16xf32>
          %mul3A_443 = arith.mulf %mul3A_434, %sub3A_442 : vector<16xf32>
          %mul3A_444 = arith.constant 5.000000e-01 : f32
          %mul3A_445 = vector.broadcast %mul3A_444 : f32 to vector<16xf32>
          %mul3A_446 = arith.mulf %mul3A_445, %get3A_420 : vector<16xf32>
          %mul3A_447 = arith.mulf %mul3A_446, %mul3A_443 : vector<16xf32>
          %mul3A_448 = arith.mulf %mul3A_447, %mul3A_443 : vector<16xf32>
          %sub3A_449 = arith.constant 1.500000e+00 : f32
          %sub3A_450 = vector.broadcast %sub3A_449 : f32 to vector<16xf32>
          %sub3A_451 = arith.subf %sub3A_450, %mul3A_448 : vector<16xf32>
          %mul3A_452 = arith.mulf %mul3A_443, %sub3A_451 : vector<16xf32>
          %gt3A = arith.constant 0.000000e+00 : f32
          %gt3A_453 = vector.broadcast %gt3A : f32 to vector<16xf32>
          %gt3A_454 = arith.cmpf ogt, %get3A_420, %gt3A_453 : vector<16xf32>
          %jit3A = arith.constant 0.000000e+00 : f32
          %broadcast_in_dim3A_455 = vector.broadcast %jit3A : f32 to vector<16xf32>
          %select_n3A = arith.select %gt3A_454, %mul3A_452, %broadcast_in_dim3A_455 : vector<16xi1>, vector<16xf32>
          %swap3A_456 = arith.index_cast %scan3A_417 : i32 to index
          %swap3A_457 = arith.constant 0 : index
          %swap3A_458 = tpu.vector_load %arg5[%swap3A_456, %swap3A_457] {strides = array<i32>} : memref<40x128xf32, #tpu.memory_space<vmem>>, vector<16xf32>,
          tpu.vector_store %arg5[%swap3A_456, %swap3A_457], %select_n3A {strides = array<i32>} : memref<40x128xf32, #tpu.memory_space<vmem>>, vector<16xf32>,
          %get3A_459 = arith.index_cast %scan3A_417 : i32 to index
          %get3A_460 = arith.constant 16 : index
          %get3A_461 = tpu.vector_load %arg5[%get3A_459, %get3A_460] {strides = array<i32>} : memref<40x128xf32, #tpu.memory_space<vmem>>, vector<16xf32>,
          %bitcast3A_462 = vector.bitcast %get3A_461 : vector<16xf32> to vector<16xi32>
          %shift_right_arithmetic3A_463 = arith.constant 1 : i32
          %shift_right_arithmetic3A_464 = vector.broadcast %shift_right_arithmetic3A_463 : i32 to vector<16xi32>
          %shift_right_arithmetic3A_465 = arith.shrsi %bitcast3A_462, %shift_right_arithmetic3A_464 : vector<16xi32>
          %sub3A_466 = arith.constant 1597463007 : i32
          %sub3A_467 = vector.broadcast %sub3A_466 : i32 to vector<16xi32>
          %sub3A_468 = arith.subi %sub3A_467, %shift_right_arithmetic3A_465 : vector<16xi32>
          %bitcast3A_469 = vector.bitcast %sub3A_468 : vector<16xi32> to vector<16xf32>
          %mul3A_470 = arith.constant 5.000000e-01 : f32
          %mul3A_471 = vector.broadcast %mul3A_470 : f32 to vector<16xf32>
          %mul3A_472 = arith.mulf %mul3A_471, %get3A_461 : vector<16xf32>
          %mul3A_473 = arith.mulf %mul3A_472, %bitcast3A_469 : vector<16xf32>
          %mul3A_474 = arith.mulf %mul3A_473, %bitcast3A_469 : vector<16xf32>
          %sub3A_475 = arith.constant 1.500000e+00 : f32
          %sub3A_476 = vector.broadcast %sub3A_475 : f32 to vector<16xf32>
          %sub3A_477 = arith.subf %sub3A_476, %mul3A_474 : vector<16xf32>
          %mul3A_478 = arith.mulf %bitcast3A_469, %sub3A_477 : vector<16xf32>
          %mul3A_479 = arith.constant 5.000000e-01 : f32
          %mul3A_480 = vector.broadcast %mul3A_479 : f32 to vector<16xf32>
          %mul3A_481 = arith.mulf %mul3A_480, %get3A_461 : vector<16xf32>
          %mul3A_482 = arith.mulf %mul3A_481, %mul3A_478 : vector<16xf32>
          %mul3A_483 = arith.mulf %mul3A_482, %mul3A_478 : vector<16xf32>
          %sub3A_484 = arith.constant 1.500000e+00 : f32
          %sub3A_485 = vector.broadcast %sub3A_484 : f32 to vector<16xf32>
          %sub3A_486 = arith.subf %sub3A_485, %mul3A_483 : vector<16xf32>
          %mul3A_487 = arith.mulf %mul3A_478, %sub3A_486 : vector<16xf32>
          %mul3A_488 = arith.constant 5.000000e-01 : f32
          %mul3A_489 = vector.broadcast %mul3A_488 : f32 to vector<16xf32>
          %mul3A_490 = arith.mulf %mul3A_489, %get3A_461 : vector<16xf32>
          %mul3A_491 = arith.mulf %mul3A_490, %mul3A_487 : vector<16xf32>
          %mul3A_492 = arith.mulf %mul3A_491, %mul3A_487 : vector<16xf32>
          %sub3A_493 = arith.constant 1.500000e+00 : f32
          %sub3A_494 = vector.broadcast %sub3A_493 : f32 to vector<16xf32>
          %sub3A_495 = arith.subf %sub3A_494, %mul3A_492 : vector<16xf32>
          %mul3A_496 = arith.mulf %mul3A_487, %sub3A_495 : vector<16xf32>
          %gt3A_497 = arith.constant 0.000000e+00 : f32
          %gt3A_498 = vector.broadcast %gt3A_497 : f32 to vector<16xf32>
          %gt3A_499 = arith.cmpf ogt, %get3A_461, %gt3A_498 : vector<16xf32>
          %jit3A_500 = arith.constant 0.000000e+00 : f32
          %broadcast_in_dim3A_501 = vector.broadcast %jit3A_500 : f32 to vector<16xf32>
          %select_n3A_502 = arith.select %gt3A_499, %mul3A_496, %broadcast_in_dim3A_501 : vector<16xi1>, vector<16xf32>
          %swap3A_503 = arith.index_cast %scan3A_417 : i32 to index
          %swap3A_504 = arith.constant 16 : index
          %swap3A_505 = tpu.vector_load %arg5[%swap3A_503, %swap3A_504] {strides = array<i32>} : memref<40x128xf32, #tpu.memory_space<vmem>>, vector<16xf32>,
          tpu.vector_store %arg5[%swap3A_503, %swap3A_504], %select_n3A_502 {strides = array<i32>} : memref<40x128xf32, #tpu.memory_space<vmem>>, vector<16xf32>,
          %get3A_506 = arith.index_cast %scan3A_417 : i32 to index
          %get3A_507 = arith.constant 32 : index
          %get3A_508 = tpu.vector_load %arg5[%get3A_506, %get3A_507] {strides = array<i32>} : memref<40x128xf32, #tpu.memory_space<vmem>>, vector<16xf32>,
          %bitcast3A_509 = vector.bitcast %get3A_508 : vector<16xf32> to vector<16xi32>
          %shift_right_arithmetic3A_510 = arith.constant 1 : i32
          %shift_right_arithmetic3A_511 = vector.broadcast %shift_right_arithmetic3A_510 : i32 to vector<16xi32>
          %shift_right_arithmetic3A_512 = arith.shrsi %bitcast3A_509, %shift_right_arithmetic3A_511 : vector<16xi32>
          %sub3A_513 = arith.constant 1597463007 : i32
          %sub3A_514 = vector.broadcast %sub3A_513 : i32 to vector<16xi32>
          %sub3A_515 = arith.subi %sub3A_514, %shift_right_arithmetic3A_512 : vector<16xi32>
          %bitcast3A_516 = vector.bitcast %sub3A_515 : vector<16xi32> to vector<16xf32>
          %mul3A_517 = arith.constant 5.000000e-01 : f32
          %mul3A_518 = vector.broadcast %mul3A_517 : f32 to vector<16xf32>
          %mul3A_519 = arith.mulf %mul3A_518, %get3A_508 : vector<16xf32>
          %mul3A_520 = arith.mulf %mul3A_519, %bitcast3A_516 : vector<16xf32>
          %mul3A_521 = arith.mulf %mul3A_520, %bitcast3A_516 : vector<16xf32>
          %sub3A_522 = arith.constant 1.500000e+00 : f32
          %sub3A_523 = vector.broadcast %sub3A_522 : f32 to vector<16xf32>
          %sub3A_524 = arith.subf %sub3A_523, %mul3A_521 : vector<16xf32>
          %mul3A_525 = arith.mulf %bitcast3A_516, %sub3A_524 : vector<16xf32>
          %mul3A_526 = arith.constant 5.000000e-01 : f32
          %mul3A_527 = vector.broadcast %mul3A_526 : f32 to vector<16xf32>
          %mul3A_528 = arith.mulf %mul3A_527, %get3A_508 : vector<16xf32>
          %mul3A_529 = arith.mulf %mul3A_528, %mul3A_525 : vector<16xf32>
          %mul3A_530 = arith.mulf %mul3A_529, %mul3A_525 : vector<16xf32>
          %sub3A_531 = arith.constant 1.500000e+00 : f32
          %sub3A_532 = vector.broadcast %sub3A_531 : f32 to vector<16xf32>
          %sub3A_533 = arith.subf %sub3A_532, %mul3A_530 : vector<16xf32>
          %mul3A_534 = arith.mulf %mul3A_525, %sub3A_533 : vector<16xf32>
          %mul3A_535 = arith.constant 5.000000e-01 : f32
          %mul3A_536 = vector.broadcast %mul3A_535 : f32 to vector<16xf32>
          %mul3A_537 = arith.mulf %mul3A_536, %get3A_508 : vector<16xf32>
          %mul3A_538 = arith.mulf %mul3A_537, %mul3A_534 : vector<16xf32>
          %mul3A_539 = arith.mulf %mul3A_538, %mul3A_534 : vector<16xf32>
          %sub3A_540 = arith.constant 1.500000e+00 : f32
          %sub3A_541 = vector.broadcast %sub3A_540 : f32 to vector<16xf32>
          %sub3A_542 = arith.subf %sub3A_541, %mul3A_539 : vector<16xf32>
          %mul3A_543 = arith.mulf %mul3A_534, %sub3A_542 : vector<16xf32>
          %gt3A_544 = arith.constant 0.000000e+00 : f32
          %gt3A_545 = vector.broadcast %gt3A_544 : f32 to vector<16xf32>
          %gt3A_546 = arith.cmpf ogt, %get3A_508, %gt3A_545 : vector<16xf32>
          %jit3A_547 = arith.constant 0.000000e+00 : f32
          %broadcast_in_dim3A_548 = vector.broadcast %jit3A_547 : f32 to vector<16xf32>
          %select_n3A_549 = arith.select %gt3A_546, %mul3A_543, %broadcast_in_dim3A_548 : vector<16xi1>, vector<16xf32>
          %swap3A_550 = arith.index_cast %scan3A_417 : i32 to index
          %swap3A_551 = arith.constant 32 : index
          %swap3A_552 = tpu.vector_load %arg5[%swap3A_550, %swap3A_551] {strides = array<i32>} : memref<40x128xf32, #tpu.memory_space<vmem>>, vector<16xf32>,
          tpu.vector_store %arg5[%swap3A_550, %swap3A_551], %select_n3A_549 {strides = array<i32>} : memref<40x128xf32, #tpu.memory_space<vmem>>, vector<16xf32>,
          %get3A_553 = arith.index_cast %scan3A_417 : i32 to index
          %get3A_554 = arith.constant 48 : index
          %get3A_555 = tpu.vector_load %arg5[%get3A_553, %get3A_554] {strides = array<i32>} : memref<40x128xf32, #tpu.memory_space<vmem>>, vector<16xf32>,
          %bitcast3A_556 = vector.bitcast %get3A_555 : vector<16xf32> to vector<16xi32>
          %shift_right_arithmetic3A_557 = arith.constant 1 : i32
          %shift_right_arithmetic3A_558 = vector.broadcast %shift_right_arithmetic3A_557 : i32 to vector<16xi32>
          %shift_right_arithmetic3A_559 = arith.shrsi %bitcast3A_556, %shift_right_arithmetic3A_558 : vector<16xi32>
          %sub3A_560 = arith.constant 1597463007 : i32
          %sub3A_561 = vector.broadcast %sub3A_560 : i32 to vector<16xi32>
          %sub3A_562 = arith.subi %sub3A_561, %shift_right_arithmetic3A_559 : vector<16xi32>
          %bitcast3A_563 = vector.bitcast %sub3A_562 : vector<16xi32> to vector<16xf32>
          %mul3A_564 = arith.constant 5.000000e-01 : f32
          %mul3A_565 = vector.broadcast %mul3A_564 : f32 to vector<16xf32>
          %mul3A_566 = arith.mulf %mul3A_565, %get3A_555 : vector<16xf32>
          %mul3A_567 = arith.mulf %mul3A_566, %bitcast3A_563 : vector<16xf32>
          %mul3A_568 = arith.mulf %mul3A_567, %bitcast3A_563 : vector<16xf32>
          %sub3A_569 = arith.constant 1.500000e+00 : f32
          %sub3A_570 = vector.broadcast %sub3A_569 : f32 to vector<16xf32>
          %sub3A_571 = arith.subf %sub3A_570, %mul3A_568 : vector<16xf32>
          %mul3A_572 = arith.mulf %bitcast3A_563, %sub3A_571 : vector<16xf32>
          %mul3A_573 = arith.constant 5.000000e-01 : f32
          %mul3A_574 = vector.broadcast %mul3A_573 : f32 to vector<16xf32>
          %mul3A_575 = arith.mulf %mul3A_574, %get3A_555 : vector<16xf32>
          %mul3A_576 = arith.mulf %mul3A_575, %mul3A_572 : vector<16xf32>
          %mul3A_577 = arith.mulf %mul3A_576, %mul3A_572 : vector<16xf32>
          %sub3A_578 = arith.constant 1.500000e+00 : f32
          %sub3A_579 = vector.broadcast %sub3A_578 : f32 to vector<16xf32>
          %sub3A_580 = arith.subf %sub3A_579, %mul3A_577 : vector<16xf32>
          %mul3A_581 = arith.mulf %mul3A_572, %sub3A_580 : vector<16xf32>
          %mul3A_582 = arith.constant 5.000000e-01 : f32
          %mul3A_583 = vector.broadcast %mul3A_582 : f32 to vector<16xf32>
          %mul3A_584 = arith.mulf %mul3A_583, %get3A_555 : vector<16xf32>
          %mul3A_585 = arith.mulf %mul3A_584, %mul3A_581 : vector<16xf32>
          %mul3A_586 = arith.mulf %mul3A_585, %mul3A_581 : vector<16xf32>
          %sub3A_587 = arith.constant 1.500000e+00 : f32
          %sub3A_588 = vector.broadcast %sub3A_587 : f32 to vector<16xf32>
          %sub3A_589 = arith.subf %sub3A_588, %mul3A_586 : vector<16xf32>
          %mul3A_590 = arith.mulf %mul3A_581, %sub3A_589 : vector<16xf32>
          %gt3A_591 = arith.constant 0.000000e+00 : f32
          %gt3A_592 = vector.broadcast %gt3A_591 : f32 to vector<16xf32>
          %gt3A_593 = arith.cmpf ogt, %get3A_555, %gt3A_592 : vector<16xf32>
          %jit3A_594 = arith.constant 0.000000e+00 : f32
          %broadcast_in_dim3A_595 = vector.broadcast %jit3A_594 : f32 to vector<16xf32>
          %select_n3A_596 = arith.select %gt3A_593, %mul3A_590, %broadcast_in_dim3A_595 : vector<16xi1>, vector<16xf32>
          %swap3A_597 = arith.index_cast %scan3A_417 : i32 to index
          %swap3A_598 = arith.constant 48 : index
          %swap3A_599 = tpu.vector_load %arg5[%swap3A_597, %swap3A_598] {strides = array<i32>} : memref<40x128xf32, #tpu.memory_space<vmem>>, vector<16xf32>,
          tpu.vector_store %arg5[%swap3A_597, %swap3A_598], %select_n3A_596 {strides = array<i32>} : memref<40x128xf32, #tpu.memory_space<vmem>>, vector<16xf32>,
          %get3A_600 = arith.index_cast %scan3A_417 : i32 to index
          %get3A_601 = arith.constant 64 : index
          %get3A_602 = tpu.vector_load %arg5[%get3A_600, %get3A_601] {strides = array<i32>} : memref<40x128xf32, #tpu.memory_space<vmem>>, vector<16xf32>,
          %bitcast3A_603 = vector.bitcast %get3A_602 : vector<16xf32> to vector<16xi32>
          %shift_right_arithmetic3A_604 = arith.constant 1 : i32
          %shift_right_arithmetic3A_605 = vector.broadcast %shift_right_arithmetic3A_604 : i32 to vector<16xi32>
          %shift_right_arithmetic3A_606 = arith.shrsi %bitcast3A_603, %shift_right_arithmetic3A_605 : vector<16xi32>
          %sub3A_607 = arith.constant 1597463007 : i32
          %sub3A_608 = vector.broadcast %sub3A_607 : i32 to vector<16xi32>
          %sub3A_609 = arith.subi %sub3A_608, %shift_right_arithmetic3A_606 : vector<16xi32>
          %bitcast3A_610 = vector.bitcast %sub3A_609 : vector<16xi32> to vector<16xf32>
          %mul3A_611 = arith.constant 5.000000e-01 : f32
          %mul3A_612 = vector.broadcast %mul3A_611 : f32 to vector<16xf32>
          %mul3A_613 = arith.mulf %mul3A_612, %get3A_602 : vector<16xf32>
          %mul3A_614 = arith.mulf %mul3A_613, %bitcast3A_610 : vector<16xf32>
          %mul3A_615 = arith.mulf %mul3A_614, %bitcast3A_610 : vector<16xf32>
          %sub3A_616 = arith.constant 1.500000e+00 : f32
          %sub3A_617 = vector.broadcast %sub3A_616 : f32 to vector<16xf32>
          %sub3A_618 = arith.subf %sub3A_617, %mul3A_615 : vector<16xf32>
          %mul3A_619 = arith.mulf %bitcast3A_610, %sub3A_618 : vector<16xf32>
          %mul3A_620 = arith.constant 5.000000e-01 : f32
          %mul3A_621 = vector.broadcast %mul3A_620 : f32 to vector<16xf32>
          %mul3A_622 = arith.mulf %mul3A_621, %get3A_602 : vector<16xf32>
          %mul3A_623 = arith.mulf %mul3A_622, %mul3A_619 : vector<16xf32>
          %mul3A_624 = arith.mulf %mul3A_623, %mul3A_619 : vector<16xf32>
          %sub3A_625 = arith.constant 1.500000e+00 : f32
          %sub3A_626 = vector.broadcast %sub3A_625 : f32 to vector<16xf32>
          %sub3A_627 = arith.subf %sub3A_626, %mul3A_624 : vector<16xf32>
          %mul3A_628 = arith.mulf %mul3A_619, %sub3A_627 : vector<16xf32>
          %mul3A_629 = arith.constant 5.000000e-01 : f32
          %mul3A_630 = vector.broadcast %mul3A_629 : f32 to vector<16xf32>
          %mul3A_631 = arith.mulf %mul3A_630, %get3A_602 : vector<16xf32>
          %mul3A_632 = arith.mulf %mul3A_631, %mul3A_628 : vector<16xf32>
          %mul3A_633 = arith.mulf %mul3A_632, %mul3A_628 : vector<16xf32>
          %sub3A_634 = arith.constant 1.500000e+00 : f32
          %sub3A_635 = vector.broadcast %sub3A_634 : f32 to vector<16xf32>
          %sub3A_636 = arith.subf %sub3A_635, %mul3A_633 : vector<16xf32>
          %mul3A_637 = arith.mulf %mul3A_628, %sub3A_636 : vector<16xf32>
          %gt3A_638 = arith.constant 0.000000e+00 : f32
          %gt3A_639 = vector.broadcast %gt3A_638 : f32 to vector<16xf32>
          %gt3A_640 = arith.cmpf ogt, %get3A_602, %gt3A_639 : vector<16xf32>
          %jit3A_641 = arith.constant 0.000000e+00 : f32
          %broadcast_in_dim3A_642 = vector.broadcast %jit3A_641 : f32 to vector<16xf32>
          %select_n3A_643 = arith.select %gt3A_640, %mul3A_637, %broadcast_in_dim3A_642 : vector<16xi1>, vector<16xf32>
          %swap3A_644 = arith.index_cast %scan3A_417 : i32 to index
          %swap3A_645 = arith.constant 64 : index
          %swap3A_646 = tpu.vector_load %arg5[%swap3A_644, %swap3A_645] {strides = array<i32>} : memref<40x128xf32, #tpu.memory_space<vmem>>, vector<16xf32>,
          tpu.vector_store %arg5[%swap3A_644, %swap3A_645], %select_n3A_643 {strides = array<i32>} : memref<40x128xf32, #tpu.memory_space<vmem>>, vector<16xf32>,
          %get3A_647 = arith.index_cast %scan3A_417 : i32 to index
          %get3A_648 = arith.constant 80 : index
          %get3A_649 = tpu.vector_load %arg5[%get3A_647, %get3A_648] {strides = array<i32>} : memref<40x128xf32, #tpu.memory_space<vmem>>, vector<16xf32>,
          %bitcast3A_650 = vector.bitcast %get3A_649 : vector<16xf32> to vector<16xi32>
          %shift_right_arithmetic3A_651 = arith.constant 1 : i32
          %shift_right_arithmetic3A_652 = vector.broadcast %shift_right_arithmetic3A_651 : i32 to vector<16xi32>
          %shift_right_arithmetic3A_653 = arith.shrsi %bitcast3A_650, %shift_right_arithmetic3A_652 : vector<16xi32>
          %sub3A_654 = arith.constant 1597463007 : i32
          %sub3A_655 = vector.broadcast %sub3A_654 : i32 to vector<16xi32>
          %sub3A_656 = arith.subi %sub3A_655, %shift_right_arithmetic3A_653 : vector<16xi32>
          %bitcast3A_657 = vector.bitcast %sub3A_656 : vector<16xi32> to vector<16xf32>
          %mul3A_658 = arith.constant 5.000000e-01 : f32
          %mul3A_659 = vector.broadcast %mul3A_658 : f32 to vector<16xf32>
          %mul3A_660 = arith.mulf %mul3A_659, %get3A_649 : vector<16xf32>
          %mul3A_661 = arith.mulf %mul3A_660, %bitcast3A_657 : vector<16xf32>
          %mul3A_662 = arith.mulf %mul3A_661, %bitcast3A_657 : vector<16xf32>
          %sub3A_663 = arith.constant 1.500000e+00 : f32
          %sub3A_664 = vector.broadcast %sub3A_663 : f32 to vector<16xf32>
          %sub3A_665 = arith.subf %sub3A_664, %mul3A_662 : vector<16xf32>
          %mul3A_666 = arith.mulf %bitcast3A_657, %sub3A_665 : vector<16xf32>
          %mul3A_667 = arith.constant 5.000000e-01 : f32
          %mul3A_668 = vector.broadcast %mul3A_667 : f32 to vector<16xf32>
          %mul3A_669 = arith.mulf %mul3A_668, %get3A_649 : vector<16xf32>
          %mul3A_670 = arith.mulf %mul3A_669, %mul3A_666 : vector<16xf32>
          %mul3A_671 = arith.mulf %mul3A_670, %mul3A_666 : vector<16xf32>
          %sub3A_672 = arith.constant 1.500000e+00 : f32
          %sub3A_673 = vector.broadcast %sub3A_672 : f32 to vector<16xf32>
          %sub3A_674 = arith.subf %sub3A_673, %mul3A_671 : vector<16xf32>
          %mul3A_675 = arith.mulf %mul3A_666, %sub3A_674 : vector<16xf32>
          %mul3A_676 = arith.constant 5.000000e-01 : f32
          %mul3A_677 = vector.broadcast %mul3A_676 : f32 to vector<16xf32>
          %mul3A_678 = arith.mulf %mul3A_677, %get3A_649 : vector<16xf32>
          %mul3A_679 = arith.mulf %mul3A_678, %mul3A_675 : vector<16xf32>
          %mul3A_680 = arith.mulf %mul3A_679, %mul3A_675 : vector<16xf32>
          %sub3A_681 = arith.constant 1.500000e+00 : f32
          %sub3A_682 = vector.broadcast %sub3A_681 : f32 to vector<16xf32>
          %sub3A_683 = arith.subf %sub3A_682, %mul3A_680 : vector<16xf32>
          %mul3A_684 = arith.mulf %mul3A_675, %sub3A_683 : vector<16xf32>
          %gt3A_685 = arith.constant 0.000000e+00 : f32
          %gt3A_686 = vector.broadcast %gt3A_685 : f32 to vector<16xf32>
          %gt3A_687 = arith.cmpf ogt, %get3A_649, %gt3A_686 : vector<16xf32>
          %jit3A_688 = arith.constant 0.000000e+00 : f32
          %broadcast_in_dim3A_689 = vector.broadcast %jit3A_688 : f32 to vector<16xf32>
          %select_n3A_690 = arith.select %gt3A_687, %mul3A_684, %broadcast_in_dim3A_689 : vector<16xi1>, vector<16xf32>
          %swap3A_691 = arith.index_cast %scan3A_417 : i32 to index
          %swap3A_692 = arith.constant 80 : index
          %swap3A_693 = tpu.vector_load %arg5[%swap3A_691, %swap3A_692] {strides = array<i32>} : memref<40x128xf32, #tpu.memory_space<vmem>>, vector<16xf32>,
          tpu.vector_store %arg5[%swap3A_691, %swap3A_692], %select_n3A_690 {strides = array<i32>} : memref<40x128xf32, #tpu.memory_space<vmem>>, vector<16xf32>,
          %get3A_694 = arith.index_cast %scan3A_417 : i32 to index
          %get3A_695 = arith.constant 96 : index
          %get3A_696 = tpu.vector_load %arg5[%get3A_694, %get3A_695] {strides = array<i32>} : memref<40x128xf32, #tpu.memory_space<vmem>>, vector<16xf32>,
          %bitcast3A_697 = vector.bitcast %get3A_696 : vector<16xf32> to vector<16xi32>
          %shift_right_arithmetic3A_698 = arith.constant 1 : i32
          %shift_right_arithmetic3A_699 = vector.broadcast %shift_right_arithmetic3A_698 : i32 to vector<16xi32>
          %shift_right_arithmetic3A_700 = arith.shrsi %bitcast3A_697, %shift_right_arithmetic3A_699 : vector<16xi32>
          %sub3A_701 = arith.constant 1597463007 : i32
          %sub3A_702 = vector.broadcast %sub3A_701 : i32 to vector<16xi32>
          %sub3A_703 = arith.subi %sub3A_702, %shift_right_arithmetic3A_700 : vector<16xi32>
          %bitcast3A_704 = vector.bitcast %sub3A_703 : vector<16xi32> to vector<16xf32>
          %mul3A_705 = arith.constant 5.000000e-01 : f32
          %mul3A_706 = vector.broadcast %mul3A_705 : f32 to vector<16xf32>
          %mul3A_707 = arith.mulf %mul3A_706, %get3A_696 : vector<16xf32>
          %mul3A_708 = arith.mulf %mul3A_707, %bitcast3A_704 : vector<16xf32>
          %mul3A_709 = arith.mulf %mul3A_708, %bitcast3A_704 : vector<16xf32>
          %sub3A_710 = arith.constant 1.500000e+00 : f32
          %sub3A_711 = vector.broadcast %sub3A_710 : f32 to vector<16xf32>
          %sub3A_712 = arith.subf %sub3A_711, %mul3A_709 : vector<16xf32>
          %mul3A_713 = arith.mulf %bitcast3A_704, %sub3A_712 : vector<16xf32>
          %mul3A_714 = arith.constant 5.000000e-01 : f32
          %mul3A_715 = vector.broadcast %mul3A_714 : f32 to vector<16xf32>
          %mul3A_716 = arith.mulf %mul3A_715, %get3A_696 : vector<16xf32>
          %mul3A_717 = arith.mulf %mul3A_716, %mul3A_713 : vector<16xf32>
          %mul3A_718 = arith.mulf %mul3A_717, %mul3A_713 : vector<16xf32>
          %sub3A_719 = arith.constant 1.500000e+00 : f32
          %sub3A_720 = vector.broadcast %sub3A_719 : f32 to vector<16xf32>
          %sub3A_721 = arith.subf %sub3A_720, %mul3A_718 : vector<16xf32>
          %mul3A_722 = arith.mulf %mul3A_713, %sub3A_721 : vector<16xf32>
          %mul3A_723 = arith.constant 5.000000e-01 : f32
          %mul3A_724 = vector.broadcast %mul3A_723 : f32 to vector<16xf32>
          %mul3A_725 = arith.mulf %mul3A_724, %get3A_696 : vector<16xf32>
          %mul3A_726 = arith.mulf %mul3A_725, %mul3A_722 : vector<16xf32>
          %mul3A_727 = arith.mulf %mul3A_726, %mul3A_722 : vector<16xf32>
          %sub3A_728 = arith.constant 1.500000e+00 : f32
          %sub3A_729 = vector.broadcast %sub3A_728 : f32 to vector<16xf32>
          %sub3A_730 = arith.subf %sub3A_729, %mul3A_727 : vector<16xf32>
          %mul3A_731 = arith.mulf %mul3A_722, %sub3A_730 : vector<16xf32>
          %gt3A_732 = arith.constant 0.000000e+00 : f32
          %gt3A_733 = vector.broadcast %gt3A_732 : f32 to vector<16xf32>
          %gt3A_734 = arith.cmpf ogt, %get3A_696, %gt3A_733 : vector<16xf32>
          %jit3A_735 = arith.constant 0.000000e+00 : f32
          %broadcast_in_dim3A_736 = vector.broadcast %jit3A_735 : f32 to vector<16xf32>
          %select_n3A_737 = arith.select %gt3A_734, %mul3A_731, %broadcast_in_dim3A_736 : vector<16xi1>, vector<16xf32>
          %swap3A_738 = arith.index_cast %scan3A_417 : i32 to index
          %swap3A_739 = arith.constant 96 : index
          %swap3A_740 = tpu.vector_load %arg5[%swap3A_738, %swap3A_739] {strides = array<i32>} : memref<40x128xf32, #tpu.memory_space<vmem>>, vector<16xf32>,
          tpu.vector_store %arg5[%swap3A_738, %swap3A_739], %select_n3A_737 {strides = array<i32>} : memref<40x128xf32, #tpu.memory_space<vmem>>, vector<16xf32>,
          %get3A_741 = arith.index_cast %scan3A_417 : i32 to index
          %get3A_742 = arith.constant 112 : index
          %get3A_743 = tpu.vector_load %arg5[%get3A_741, %get3A_742] {strides = array<i32>} : memref<40x128xf32, #tpu.memory_space<vmem>>, vector<16xf32>,
          %bitcast3A_744 = vector.bitcast %get3A_743 : vector<16xf32> to vector<16xi32>
          %shift_right_arithmetic3A_745 = arith.constant 1 : i32
          %shift_right_arithmetic3A_746 = vector.broadcast %shift_right_arithmetic3A_745 : i32 to vector<16xi32>
          %shift_right_arithmetic3A_747 = arith.shrsi %bitcast3A_744, %shift_right_arithmetic3A_746 : vector<16xi32>
          %sub3A_748 = arith.constant 1597463007 : i32
          %sub3A_749 = vector.broadcast %sub3A_748 : i32 to vector<16xi32>
          %sub3A_750 = arith.subi %sub3A_749, %shift_right_arithmetic3A_747 : vector<16xi32>
          %bitcast3A_751 = vector.bitcast %sub3A_750 : vector<16xi32> to vector<16xf32>
          %mul3A_752 = arith.constant 5.000000e-01 : f32
          %mul3A_753 = vector.broadcast %mul3A_752 : f32 to vector<16xf32>
          %mul3A_754 = arith.mulf %mul3A_753, %get3A_743 : vector<16xf32>
          %mul3A_755 = arith.mulf %mul3A_754, %bitcast3A_751 : vector<16xf32>
          %mul3A_756 = arith.mulf %mul3A_755, %bitcast3A_751 : vector<16xf32>
          %sub3A_757 = arith.constant 1.500000e+00 : f32
          %sub3A_758 = vector.broadcast %sub3A_757 : f32 to vector<16xf32>
          %sub3A_759 = arith.subf %sub3A_758, %mul3A_756 : vector<16xf32>
          %mul3A_760 = arith.mulf %bitcast3A_751, %sub3A_759 : vector<16xf32>
          %mul3A_761 = arith.constant 5.000000e-01 : f32
          %mul3A_762 = vector.broadcast %mul3A_761 : f32 to vector<16xf32>
          %mul3A_763 = arith.mulf %mul3A_762, %get3A_743 : vector<16xf32>
          %mul3A_764 = arith.mulf %mul3A_763, %mul3A_760 : vector<16xf32>
          %mul3A_765 = arith.mulf %mul3A_764, %mul3A_760 : vector<16xf32>
          %sub3A_766 = arith.constant 1.500000e+00 : f32
          %sub3A_767 = vector.broadcast %sub3A_766 : f32 to vector<16xf32>
          %sub3A_768 = arith.subf %sub3A_767, %mul3A_765 : vector<16xf32>
          %mul3A_769 = arith.mulf %mul3A_760, %sub3A_768 : vector<16xf32>
          %mul3A_770 = arith.constant 5.000000e-01 : f32
          %mul3A_771 = vector.broadcast %mul3A_770 : f32 to vector<16xf32>
          %mul3A_772 = arith.mulf %mul3A_771, %get3A_743 : vector<16xf32>
          %mul3A_773 = arith.mulf %mul3A_772, %mul3A_769 : vector<16xf32>
          %mul3A_774 = arith.mulf %mul3A_773, %mul3A_769 : vector<16xf32>
          %sub3A_775 = arith.constant 1.500000e+00 : f32
          %sub3A_776 = vector.broadcast %sub3A_775 : f32 to vector<16xf32>
          %sub3A_777 = arith.subf %sub3A_776, %mul3A_774 : vector<16xf32>
          %mul3A_778 = arith.mulf %mul3A_769, %sub3A_777 : vector<16xf32>
          %gt3A_779 = arith.constant 0.000000e+00 : f32
          %gt3A_780 = vector.broadcast %gt3A_779 : f32 to vector<16xf32>
          %gt3A_781 = arith.cmpf ogt, %get3A_743, %gt3A_780 : vector<16xf32>
          %jit3A_782 = arith.constant 0.000000e+00 : f32
          %broadcast_in_dim3A_783 = vector.broadcast %jit3A_782 : f32 to vector<16xf32>
          %select_n3A_784 = arith.select %gt3A_781, %mul3A_778, %broadcast_in_dim3A_783 : vector<16xi1>, vector<16xf32>
          %swap3A_785 = arith.index_cast %scan3A_417 : i32 to index
          %swap3A_786 = arith.constant 112 : index
          %swap3A_787 = tpu.vector_load %arg5[%swap3A_785, %swap3A_786] {strides = array<i32>} : memref<40x128xf32, #tpu.memory_space<vmem>>, vector<16xf32>,
          tpu.vector_store %arg5[%swap3A_785, %swap3A_786], %select_n3A_784 {strides = array<i32>} : memref<40x128xf32, #tpu.memory_space<vmem>>, vector<16xf32>,
          %scan3A_788 = arith.constant 0 : i32
          scf.yield %scan3A_788 : i32
        }
        %scan3A_414 = arith.constant 40 : i32
        %mul3A_415 = arith.constant 40 : i32
        %mul3A_416 = arith.muli %add3A_402, %mul3A_415 : i32
        "tpu.region"() ({
          %run_scoped3A_417 = tpu.sem_alloc : memref<!tpu.dma_semaphore, #tpu.memory_space<semaphore_mem>>
          %dma_start3A = arith.constant 0 : i32
          %dma_start3A_418 = tpu.memref_slice %arg6[%mul3A_416, %dma_start3A] : memref<800x128xf32, #tpu.memory_space<vmem_shared>> -> memref<40x128xf32, #tpu.memory_space<vmem_shared>>
          %dma_start3A_419 = arith.constant 0 : i32
          %dma_start3A_420 = tpu.memref_slice %arg6[%mul3A_416, %dma_start3A_419] : memref<800x128xf32, #tpu.memory_space<vmem_shared>> -> memref<40x128xf32, #tpu.memory_space<vmem_shared>>
          tpu.enqueue_dma source(%arg5 : memref<40x128xf32, #tpu.memory_space<vmem>>) target(%dma_start3A_420 : memref<40x128xf32, #tpu.memory_space<vmem_shared>>) target_semaphore(%run_scoped3A_417 : memref<!tpu.dma_semaphore, #tpu.memory_space<semaphore_mem>>)
          %dma_wait3A = arith.constant 0 : i32
          %dma_wait3A_421 = tpu.memref_slice %arg6[%mul3A_416, %dma_wait3A] : memref<800x128xf32, #tpu.memory_space<vmem_shared>> -> memref<40x128xf32, #tpu.memory_space<vmem_shared>>
          %dma_wait3A_422 = arith.constant 0 : i32
          %dma_wait3A_423 = tpu.memref_slice %arg6[%mul3A_416, %dma_wait3A_422] : memref<800x128xf32, #tpu.memory_space<vmem_shared>> -> memref<40x128xf32, #tpu.memory_space<vmem_shared>>
          tpu.wait_dma2 semaphore(%run_scoped3A_417 : memref<!tpu.dma_semaphore, #tpu.memory_space<semaphore_mem>>) src(%arg5 : memref<40x128xf32, #tpu.memory_space<vmem>>) dst(%dma_wait3A_423 : memref<40x128xf32, #tpu.memory_space<vmem_shared>>)
          tpu.yield
        }) : () -> ()
      } else {
      }
      %scan3A_405 = arith.constant 0 : i32
      scf.yield %scan3A_405 : i32
    }
    %scan3A_389 = arith.constant 2 : i32
    %barrier3A_390 = arith.constant 0 : index
    tpu.barrier barrier_id(%barrier3A_390)
    "tpu.region"() ({
      %run_scoped3A_398 = tpu.sem_alloc : memref<!tpu.dma_semaphore, #tpu.memory_space<semaphore_mem>>
      tpu.enqueue_dma source(%arg6 : memref<800x128xf32, #tpu.memory_space<vmem_shared>>) target(%arg4 : memref<800x128xf32, #tpu.memory_space<vmem>>) target_semaphore(%run_scoped3A_398 : memref<!tpu.dma_semaphore, #tpu.memory_space<semaphore_mem>>)
      tpu.wait_dma2 semaphore(%run_scoped3A_398 : memref<!tpu.dma_semaphore, #tpu.memory_space<semaphore_mem>>) src(%arg6 : memref<800x128xf32, #tpu.memory_space<vmem_shared>>) dst(%arg4 : memref<800x128xf32, #tpu.memory_space<vmem>>)
      tpu.yield
    }) : () -> ()
    %scan3A_391 = arith.constant 0 : i32
    %scan3A_392 = arith.constant 0 : i32
    %scan3A_393 = arith.constant 196 : i32
    %scan3A_394 = arith.addi %scan3A_392, %scan3A_393 : i32
    %scan3A_395 = arith.constant 1 : i32
    %scan3A_396 = scf.for %scan3A_398 = %scan3A_392 to %scan3A_394 step %scan3A_395 iter_args(%scan3A_399 = %scan3A_391) -> (i32)  : i32 {
      %mul3A_400 = arith.constant 32 : i32
      %mul3A_401 = arith.muli %mul3A_400, %scan3A_398 : i32
      %add3A_402 = arith.addi %add3A, %mul3A_401 : i32
      %lt3A = arith.constant 6250 : i32
      %lt3A_403 = arith.cmpi slt, %add3A_402, %lt3A : i32
      %convert_element_type3A = arith.extui %lt3A_403 : i1 to i32
      %cond3A = arith.constant 0 : i32
      %cond3A_404 = arith.cmpi ne, %convert_element_type3A, %cond3A : i32
      scf.if %cond3A_404 {
        %mul3A_406 = arith.constant 128 : i32
        %mul3A_407 = arith.muli %add3A_402, %mul3A_406 : i32
        "tpu.region"() ({
          %run_scoped3A_604 = tpu.sem_alloc : memref<!tpu.dma_semaphore, #tpu.memory_space<semaphore_mem>>
          %dma_start3A = arith.constant 0 : i32
          %dma_start3A_605 = tpu.memref_slice %arg2[%dma_start3A, %mul3A_407] : memref<2x800000xi32, #tpu.memory_space<hbm>> -> memref<2x128xi32, #tpu.memory_space<hbm>>
          %dma_start3A_606 = arith.constant 0 : i32
          %dma_start3A_607 = tpu.memref_slice %arg2[%dma_start3A_606, %mul3A_407] : memref<2x800000xi32, #tpu.memory_space<hbm>> -> memref<2x128xi32, #tpu.memory_space<hbm>>
          tpu.enqueue_dma source(%dma_start3A_607 : memref<2x128xi32, #tpu.memory_space<hbm>>) target(%arg9 : memref<2x128xi32, #tpu.memory_space<vmem>>) target_semaphore(%run_scoped3A_604 : memref<!tpu.dma_semaphore, #tpu.memory_space<semaphore_mem>>)
          %dma_wait3A = arith.constant 0 : i32
          %dma_wait3A_608 = tpu.memref_slice %arg2[%dma_wait3A, %mul3A_407] : memref<2x800000xi32, #tpu.memory_space<hbm>> -> memref<2x128xi32, #tpu.memory_space<hbm>>
          %dma_wait3A_609 = arith.constant 0 : i32
          %dma_wait3A_610 = tpu.memref_slice %arg2[%dma_wait3A_609, %mul3A_407] : memref<2x800000xi32, #tpu.memory_space<hbm>> -> memref<2x128xi32, #tpu.memory_space<hbm>>
          tpu.wait_dma2 semaphore(%run_scoped3A_604 : memref<!tpu.dma_semaphore, #tpu.memory_space<semaphore_mem>>) src(%dma_wait3A_610 : memref<2x128xi32, #tpu.memory_space<hbm>>) dst(%arg9 : memref<2x128xi32, #tpu.memory_space<vmem>>)
          tpu.yield
        }) : () -> ()
        %get3A = arith.constant 0 : i32
        %get3A_408 = arith.index_cast %get3A : i32 to index
        %get3A_409 = arith.constant 0 : index
        %get3A_410 = tpu.vector_load %arg9[%get3A_408, %get3A_409] {strides = array<i32>} : memref<2x128xi32, #tpu.memory_space<vmem>>, vector<16xi32>,
        %get3A_411 = arith.constant 1 : i32
        %get3A_412 = arith.index_cast %get3A_411 : i32 to index
        %get3A_413 = arith.constant 0 : index
        %get3A_414 = tpu.vector_load %arg9[%get3A_412, %get3A_413] {strides = array<i32>} : memref<2x128xi32, #tpu.memory_space<vmem>>, vector<16xi32>,
        %shift_right_arithmetic3A = arith.constant 7 : i32
        %shift_right_arithmetic3A_415 = vector.broadcast %shift_right_arithmetic3A : i32 to vector<16xi32>
        %shift_right_arithmetic3A_416 = arith.shrsi %get3A_410, %shift_right_arithmetic3A_415 : vector<16xi32>
        %and3A = arith.constant 127 : i32
        %and3A_417 = vector.broadcast %and3A : i32 to vector<16xi32>
        %and3A_418 = arith.andi %get3A_410, %and3A_417 : vector<16xi32>
        %gather3A = tpu.vector_load_idx %arg4[%shift_right_arithmetic3A_416, %and3A_418] : memref<800x128xf32, #tpu.memory_space<vmem>>[vector<16xi32>, vector<16xi32>], vector<16xf32>,
        %shift_right_arithmetic3A_419 = arith.constant 7 : i32
        %shift_right_arithmetic3A_420 = vector.broadcast %shift_right_arithmetic3A_419 : i32 to vector<16xi32>
        %shift_right_arithmetic3A_421 = arith.shrsi %get3A_414, %shift_right_arithmetic3A_420 : vector<16xi32>
        %and3A_422 = arith.constant 127 : i32
        %and3A_423 = vector.broadcast %and3A_422 : i32 to vector<16xi32>
        %and3A_424 = arith.andi %get3A_414, %and3A_423 : vector<16xi32>
        %gather3A_425 = tpu.vector_load_idx %arg4[%shift_right_arithmetic3A_421, %and3A_424] : memref<800x128xf32, #tpu.memory_space<vmem>>[vector<16xi32>, vector<16xi32>], vector<16xf32>,
        %mul3A_426 = arith.mulf %gather3A, %gather3A_425 : vector<16xf32>
        %swap3A_427 = arith.constant 0 : index
        %swap3A_428 = tpu.vector_load %arg8[%swap3A_427] {strides = array<i32>} : memref<128xf32, #tpu.memory_space<vmem>>, vector<16xf32>,
        tpu.vector_store %arg8[%swap3A_427], %mul3A_426 {strides = array<i32>} : memref<128xf32, #tpu.memory_space<vmem>>, vector<16xf32>,
        %get3A_429 = arith.constant 0 : i32
        %get3A_430 = arith.index_cast %get3A_429 : i32 to index
        %get3A_431 = arith.constant 16 : index
        %get3A_432 = tpu.vector_load %arg9[%get3A_430, %get3A_431] {strides = array<i32>} : memref<2x128xi32, #tpu.memory_space<vmem>>, vector<16xi32>,
        %get3A_433 = arith.constant 1 : i32
        %get3A_434 = arith.index_cast %get3A_433 : i32 to index
        %get3A_435 = arith.constant 16 : index
        %get3A_436 = tpu.vector_load %arg9[%get3A_434, %get3A_435] {strides = array<i32>} : memref<2x128xi32, #tpu.memory_space<vmem>>, vector<16xi32>,
        %shift_right_arithmetic3A_437 = arith.constant 7 : i32
        %shift_right_arithmetic3A_438 = vector.broadcast %shift_right_arithmetic3A_437 : i32 to vector<16xi32>
        %shift_right_arithmetic3A_439 = arith.shrsi %get3A_432, %shift_right_arithmetic3A_438 : vector<16xi32>
        %and3A_440 = arith.constant 127 : i32
        %and3A_441 = vector.broadcast %and3A_440 : i32 to vector<16xi32>
        %and3A_442 = arith.andi %get3A_432, %and3A_441 : vector<16xi32>
        %gather3A_443 = tpu.vector_load_idx %arg4[%shift_right_arithmetic3A_439, %and3A_442] : memref<800x128xf32, #tpu.memory_space<vmem>>[vector<16xi32>, vector<16xi32>], vector<16xf32>,
        %shift_right_arithmetic3A_444 = arith.constant 7 : i32
        %shift_right_arithmetic3A_445 = vector.broadcast %shift_right_arithmetic3A_444 : i32 to vector<16xi32>
        %shift_right_arithmetic3A_446 = arith.shrsi %get3A_436, %shift_right_arithmetic3A_445 : vector<16xi32>
        %and3A_447 = arith.constant 127 : i32
        %and3A_448 = vector.broadcast %and3A_447 : i32 to vector<16xi32>
        %and3A_449 = arith.andi %get3A_436, %and3A_448 : vector<16xi32>
        %gather3A_450 = tpu.vector_load_idx %arg4[%shift_right_arithmetic3A_446, %and3A_449] : memref<800x128xf32, #tpu.memory_space<vmem>>[vector<16xi32>, vector<16xi32>], vector<16xf32>,
        %mul3A_451 = arith.mulf %gather3A_443, %gather3A_450 : vector<16xf32>
        %swap3A_452 = arith.constant 16 : index
        %swap3A_453 = tpu.vector_load %arg8[%swap3A_452] {strides = array<i32>} : memref<128xf32, #tpu.memory_space<vmem>>, vector<16xf32>,
        tpu.vector_store %arg8[%swap3A_452], %mul3A_451 {strides = array<i32>} : memref<128xf32, #tpu.memory_space<vmem>>, vector<16xf32>,
        %get3A_454 = arith.constant 0 : i32
        %get3A_455 = arith.index_cast %get3A_454 : i32 to index
        %get3A_456 = arith.constant 32 : index
        %get3A_457 = tpu.vector_load %arg9[%get3A_455, %get3A_456] {strides = array<i32>} : memref<2x128xi32, #tpu.memory_space<vmem>>, vector<16xi32>,
        %get3A_458 = arith.constant 1 : i32
        %get3A_459 = arith.index_cast %get3A_458 : i32 to index
        %get3A_460 = arith.constant 32 : index
        %get3A_461 = tpu.vector_load %arg9[%get3A_459, %get3A_460] {strides = array<i32>} : memref<2x128xi32, #tpu.memory_space<vmem>>, vector<16xi32>,
        %shift_right_arithmetic3A_462 = arith.constant 7 : i32
        %shift_right_arithmetic3A_463 = vector.broadcast %shift_right_arithmetic3A_462 : i32 to vector<16xi32>
        %shift_right_arithmetic3A_464 = arith.shrsi %get3A_457, %shift_right_arithmetic3A_463 : vector<16xi32>
        %and3A_465 = arith.constant 127 : i32
        %and3A_466 = vector.broadcast %and3A_465 : i32 to vector<16xi32>
        %and3A_467 = arith.andi %get3A_457, %and3A_466 : vector<16xi32>
        %gather3A_468 = tpu.vector_load_idx %arg4[%shift_right_arithmetic3A_464, %and3A_467] : memref<800x128xf32, #tpu.memory_space<vmem>>[vector<16xi32>, vector<16xi32>], vector<16xf32>,
        %shift_right_arithmetic3A_469 = arith.constant 7 : i32
        %shift_right_arithmetic3A_470 = vector.broadcast %shift_right_arithmetic3A_469 : i32 to vector<16xi32>
        %shift_right_arithmetic3A_471 = arith.shrsi %get3A_461, %shift_right_arithmetic3A_470 : vector<16xi32>
        %and3A_472 = arith.constant 127 : i32
        %and3A_473 = vector.broadcast %and3A_472 : i32 to vector<16xi32>
        %and3A_474 = arith.andi %get3A_461, %and3A_473 : vector<16xi32>
        %gather3A_475 = tpu.vector_load_idx %arg4[%shift_right_arithmetic3A_471, %and3A_474] : memref<800x128xf32, #tpu.memory_space<vmem>>[vector<16xi32>, vector<16xi32>], vector<16xf32>,
        %mul3A_476 = arith.mulf %gather3A_468, %gather3A_475 : vector<16xf32>
        %swap3A_477 = arith.constant 32 : index
        %swap3A_478 = tpu.vector_load %arg8[%swap3A_477] {strides = array<i32>} : memref<128xf32, #tpu.memory_space<vmem>>, vector<16xf32>,
        tpu.vector_store %arg8[%swap3A_477], %mul3A_476 {strides = array<i32>} : memref<128xf32, #tpu.memory_space<vmem>>, vector<16xf32>,
        %get3A_479 = arith.constant 0 : i32
        %get3A_480 = arith.index_cast %get3A_479 : i32 to index
        %get3A_481 = arith.constant 48 : index
        %get3A_482 = tpu.vector_load %arg9[%get3A_480, %get3A_481] {strides = array<i32>} : memref<2x128xi32, #tpu.memory_space<vmem>>, vector<16xi32>,
        %get3A_483 = arith.constant 1 : i32
        %get3A_484 = arith.index_cast %get3A_483 : i32 to index
        %get3A_485 = arith.constant 48 : index
        %get3A_486 = tpu.vector_load %arg9[%get3A_484, %get3A_485] {strides = array<i32>} : memref<2x128xi32, #tpu.memory_space<vmem>>, vector<16xi32>,
        %shift_right_arithmetic3A_487 = arith.constant 7 : i32
        %shift_right_arithmetic3A_488 = vector.broadcast %shift_right_arithmetic3A_487 : i32 to vector<16xi32>
        %shift_right_arithmetic3A_489 = arith.shrsi %get3A_482, %shift_right_arithmetic3A_488 : vector<16xi32>
        %and3A_490 = arith.constant 127 : i32
        %and3A_491 = vector.broadcast %and3A_490 : i32 to vector<16xi32>
        %and3A_492 = arith.andi %get3A_482, %and3A_491 : vector<16xi32>
        %gather3A_493 = tpu.vector_load_idx %arg4[%shift_right_arithmetic3A_489, %and3A_492] : memref<800x128xf32, #tpu.memory_space<vmem>>[vector<16xi32>, vector<16xi32>], vector<16xf32>,
        %shift_right_arithmetic3A_494 = arith.constant 7 : i32
        %shift_right_arithmetic3A_495 = vector.broadcast %shift_right_arithmetic3A_494 : i32 to vector<16xi32>
        %shift_right_arithmetic3A_496 = arith.shrsi %get3A_486, %shift_right_arithmetic3A_495 : vector<16xi32>
        %and3A_497 = arith.constant 127 : i32
        %and3A_498 = vector.broadcast %and3A_497 : i32 to vector<16xi32>
        %and3A_499 = arith.andi %get3A_486, %and3A_498 : vector<16xi32>
        %gather3A_500 = tpu.vector_load_idx %arg4[%shift_right_arithmetic3A_496, %and3A_499] : memref<800x128xf32, #tpu.memory_space<vmem>>[vector<16xi32>, vector<16xi32>], vector<16xf32>,
        %mul3A_501 = arith.mulf %gather3A_493, %gather3A_500 : vector<16xf32>
        %swap3A_502 = arith.constant 48 : index
        %swap3A_503 = tpu.vector_load %arg8[%swap3A_502] {strides = array<i32>} : memref<128xf32, #tpu.memory_space<vmem>>, vector<16xf32>,
        tpu.vector_store %arg8[%swap3A_502], %mul3A_501 {strides = array<i32>} : memref<128xf32, #tpu.memory_space<vmem>>, vector<16xf32>,
        %get3A_504 = arith.constant 0 : i32
        %get3A_505 = arith.index_cast %get3A_504 : i32 to index
        %get3A_506 = arith.constant 64 : index
        %get3A_507 = tpu.vector_load %arg9[%get3A_505, %get3A_506] {strides = array<i32>} : memref<2x128xi32, #tpu.memory_space<vmem>>, vector<16xi32>,
        %get3A_508 = arith.constant 1 : i32
        %get3A_509 = arith.index_cast %get3A_508 : i32 to index
        %get3A_510 = arith.constant 64 : index
        %get3A_511 = tpu.vector_load %arg9[%get3A_509, %get3A_510] {strides = array<i32>} : memref<2x128xi32, #tpu.memory_space<vmem>>, vector<16xi32>,
        %shift_right_arithmetic3A_512 = arith.constant 7 : i32
        %shift_right_arithmetic3A_513 = vector.broadcast %shift_right_arithmetic3A_512 : i32 to vector<16xi32>
        %shift_right_arithmetic3A_514 = arith.shrsi %get3A_507, %shift_right_arithmetic3A_513 : vector<16xi32>
        %and3A_515 = arith.constant 127 : i32
        %and3A_516 = vector.broadcast %and3A_515 : i32 to vector<16xi32>
        %and3A_517 = arith.andi %get3A_507, %and3A_516 : vector<16xi32>
        %gather3A_518 = tpu.vector_load_idx %arg4[%shift_right_arithmetic3A_514, %and3A_517] : memref<800x128xf32, #tpu.memory_space<vmem>>[vector<16xi32>, vector<16xi32>], vector<16xf32>,
        %shift_right_arithmetic3A_519 = arith.constant 7 : i32
        %shift_right_arithmetic3A_520 = vector.broadcast %shift_right_arithmetic3A_519 : i32 to vector<16xi32>
        %shift_right_arithmetic3A_521 = arith.shrsi %get3A_511, %shift_right_arithmetic3A_520 : vector<16xi32>
        %and3A_522 = arith.constant 127 : i32
        %and3A_523 = vector.broadcast %and3A_522 : i32 to vector<16xi32>
        %and3A_524 = arith.andi %get3A_511, %and3A_523 : vector<16xi32>
        %gather3A_525 = tpu.vector_load_idx %arg4[%shift_right_arithmetic3A_521, %and3A_524] : memref<800x128xf32, #tpu.memory_space<vmem>>[vector<16xi32>, vector<16xi32>], vector<16xf32>,
        %mul3A_526 = arith.mulf %gather3A_518, %gather3A_525 : vector<16xf32>
        %swap3A_527 = arith.constant 64 : index
        %swap3A_528 = tpu.vector_load %arg8[%swap3A_527] {strides = array<i32>} : memref<128xf32, #tpu.memory_space<vmem>>, vector<16xf32>,
        tpu.vector_store %arg8[%swap3A_527], %mul3A_526 {strides = array<i32>} : memref<128xf32, #tpu.memory_space<vmem>>, vector<16xf32>,
        %get3A_529 = arith.constant 0 : i32
        %get3A_530 = arith.index_cast %get3A_529 : i32 to index
        %get3A_531 = arith.constant 80 : index
        %get3A_532 = tpu.vector_load %arg9[%get3A_530, %get3A_531] {strides = array<i32>} : memref<2x128xi32, #tpu.memory_space<vmem>>, vector<16xi32>,
        %get3A_533 = arith.constant 1 : i32
        %get3A_534 = arith.index_cast %get3A_533 : i32 to index
        %get3A_535 = arith.constant 80 : index
        %get3A_536 = tpu.vector_load %arg9[%get3A_534, %get3A_535] {strides = array<i32>} : memref<2x128xi32, #tpu.memory_space<vmem>>, vector<16xi32>,
        %shift_right_arithmetic3A_537 = arith.constant 7 : i32
        %shift_right_arithmetic3A_538 = vector.broadcast %shift_right_arithmetic3A_537 : i32 to vector<16xi32>
        %shift_right_arithmetic3A_539 = arith.shrsi %get3A_532, %shift_right_arithmetic3A_538 : vector<16xi32>
        %and3A_540 = arith.constant 127 : i32
        %and3A_541 = vector.broadcast %and3A_540 : i32 to vector<16xi32>
        %and3A_542 = arith.andi %get3A_532, %and3A_541 : vector<16xi32>
        %gather3A_543 = tpu.vector_load_idx %arg4[%shift_right_arithmetic3A_539, %and3A_542] : memref<800x128xf32, #tpu.memory_space<vmem>>[vector<16xi32>, vector<16xi32>], vector<16xf32>,
        %shift_right_arithmetic3A_544 = arith.constant 7 : i32
        %shift_right_arithmetic3A_545 = vector.broadcast %shift_right_arithmetic3A_544 : i32 to vector<16xi32>
        %shift_right_arithmetic3A_546 = arith.shrsi %get3A_536, %shift_right_arithmetic3A_545 : vector<16xi32>
        %and3A_547 = arith.constant 127 : i32
        %and3A_548 = vector.broadcast %and3A_547 : i32 to vector<16xi32>
        %and3A_549 = arith.andi %get3A_536, %and3A_548 : vector<16xi32>
        %gather3A_550 = tpu.vector_load_idx %arg4[%shift_right_arithmetic3A_546, %and3A_549] : memref<800x128xf32, #tpu.memory_space<vmem>>[vector<16xi32>, vector<16xi32>], vector<16xf32>,
        %mul3A_551 = arith.mulf %gather3A_543, %gather3A_550 : vector<16xf32>
        %swap3A_552 = arith.constant 80 : index
        %swap3A_553 = tpu.vector_load %arg8[%swap3A_552] {strides = array<i32>} : memref<128xf32, #tpu.memory_space<vmem>>, vector<16xf32>,
        tpu.vector_store %arg8[%swap3A_552], %mul3A_551 {strides = array<i32>} : memref<128xf32, #tpu.memory_space<vmem>>, vector<16xf32>,
        %get3A_554 = arith.constant 0 : i32
        %get3A_555 = arith.index_cast %get3A_554 : i32 to index
        %get3A_556 = arith.constant 96 : index
        %get3A_557 = tpu.vector_load %arg9[%get3A_555, %get3A_556] {strides = array<i32>} : memref<2x128xi32, #tpu.memory_space<vmem>>, vector<16xi32>,
        %get3A_558 = arith.constant 1 : i32
        %get3A_559 = arith.index_cast %get3A_558 : i32 to index
        %get3A_560 = arith.constant 96 : index
        %get3A_561 = tpu.vector_load %arg9[%get3A_559, %get3A_560] {strides = array<i32>} : memref<2x128xi32, #tpu.memory_space<vmem>>, vector<16xi32>,
        %shift_right_arithmetic3A_562 = arith.constant 7 : i32
        %shift_right_arithmetic3A_563 = vector.broadcast %shift_right_arithmetic3A_562 : i32 to vector<16xi32>
        %shift_right_arithmetic3A_564 = arith.shrsi %get3A_557, %shift_right_arithmetic3A_563 : vector<16xi32>
        %and3A_565 = arith.constant 127 : i32
        %and3A_566 = vector.broadcast %and3A_565 : i32 to vector<16xi32>
        %and3A_567 = arith.andi %get3A_557, %and3A_566 : vector<16xi32>
        %gather3A_568 = tpu.vector_load_idx %arg4[%shift_right_arithmetic3A_564, %and3A_567] : memref<800x128xf32, #tpu.memory_space<vmem>>[vector<16xi32>, vector<16xi32>], vector<16xf32>,
        %shift_right_arithmetic3A_569 = arith.constant 7 : i32
        %shift_right_arithmetic3A_570 = vector.broadcast %shift_right_arithmetic3A_569 : i32 to vector<16xi32>
        %shift_right_arithmetic3A_571 = arith.shrsi %get3A_561, %shift_right_arithmetic3A_570 : vector<16xi32>
        %and3A_572 = arith.constant 127 : i32
        %and3A_573 = vector.broadcast %and3A_572 : i32 to vector<16xi32>
        %and3A_574 = arith.andi %get3A_561, %and3A_573 : vector<16xi32>
        %gather3A_575 = tpu.vector_load_idx %arg4[%shift_right_arithmetic3A_571, %and3A_574] : memref<800x128xf32, #tpu.memory_space<vmem>>[vector<16xi32>, vector<16xi32>], vector<16xf32>,
        %mul3A_576 = arith.mulf %gather3A_568, %gather3A_575 : vector<16xf32>
        %swap3A_577 = arith.constant 96 : index
        %swap3A_578 = tpu.vector_load %arg8[%swap3A_577] {strides = array<i32>} : memref<128xf32, #tpu.memory_space<vmem>>, vector<16xf32>,
        tpu.vector_store %arg8[%swap3A_577], %mul3A_576 {strides = array<i32>} : memref<128xf32, #tpu.memory_space<vmem>>, vector<16xf32>,
        %get3A_579 = arith.constant 0 : i32
        %get3A_580 = arith.index_cast %get3A_579 : i32 to index
        %get3A_581 = arith.constant 112 : index
        %get3A_582 = tpu.vector_load %arg9[%get3A_580, %get3A_581] {strides = array<i32>} : memref<2x128xi32, #tpu.memory_space<vmem>>, vector<16xi32>,
        %get3A_583 = arith.constant 1 : i32
        %get3A_584 = arith.index_cast %get3A_583 : i32 to index
        %get3A_585 = arith.constant 112 : index
        %get3A_586 = tpu.vector_load %arg9[%get3A_584, %get3A_585] {strides = array<i32>} : memref<2x128xi32, #tpu.memory_space<vmem>>, vector<16xi32>,
        %shift_right_arithmetic3A_587 = arith.constant 7 : i32
        %shift_right_arithmetic3A_588 = vector.broadcast %shift_right_arithmetic3A_587 : i32 to vector<16xi32>
        %shift_right_arithmetic3A_589 = arith.shrsi %get3A_582, %shift_right_arithmetic3A_588 : vector<16xi32>
        %and3A_590 = arith.constant 127 : i32
        %and3A_591 = vector.broadcast %and3A_590 : i32 to vector<16xi32>
        %and3A_592 = arith.andi %get3A_582, %and3A_591 : vector<16xi32>
        %gather3A_593 = tpu.vector_load_idx %arg4[%shift_right_arithmetic3A_589, %and3A_592] : memref<800x128xf32, #tpu.memory_space<vmem>>[vector<16xi32>, vector<16xi32>], vector<16xf32>,
        %shift_right_arithmetic3A_594 = arith.constant 7 : i32
        %shift_right_arithmetic3A_595 = vector.broadcast %shift_right_arithmetic3A_594 : i32 to vector<16xi32>
        %shift_right_arithmetic3A_596 = arith.shrsi %get3A_586, %shift_right_arithmetic3A_595 : vector<16xi32>
        %and3A_597 = arith.constant 127 : i32
        %and3A_598 = vector.broadcast %and3A_597 : i32 to vector<16xi32>
        %and3A_599 = arith.andi %get3A_586, %and3A_598 : vector<16xi32>
        %gather3A_600 = tpu.vector_load_idx %arg4[%shift_right_arithmetic3A_596, %and3A_599] : memref<800x128xf32, #tpu.memory_space<vmem>>[vector<16xi32>, vector<16xi32>], vector<16xf32>,
        %mul3A_601 = arith.mulf %gather3A_593, %gather3A_600 : vector<16xf32>
        %swap3A_602 = arith.constant 112 : index
        %swap3A_603 = tpu.vector_load %arg8[%swap3A_602] {strides = array<i32>} : memref<128xf32, #tpu.memory_space<vmem>>, vector<16xf32>,
        tpu.vector_store %arg8[%swap3A_602], %mul3A_601 {strides = array<i32>} : memref<128xf32, #tpu.memory_space<vmem>>, vector<16xf32>,
        "tpu.region"() ({
          %run_scoped3A_604 = tpu.sem_alloc : memref<!tpu.dma_semaphore, #tpu.memory_space<semaphore_mem>>
          %dma_start3A = tpu.memref_slice %arg3[%mul3A_407] : memref<800000xf32, #tpu.memory_space<hbm>> -> memref<128xf32, #tpu.memory_space<hbm>>
          %dma_start3A_605 = tpu.memref_slice %arg3[%mul3A_407] : memref<800000xf32, #tpu.memory_space<hbm>> -> memref<128xf32, #tpu.memory_space<hbm>>
          tpu.enqueue_dma source(%arg8 : memref<128xf32, #tpu.memory_space<vmem>>) target(%dma_start3A_605 : memref<128xf32, #tpu.memory_space<hbm>>) target_semaphore(%run_scoped3A_604 : memref<!tpu.dma_semaphore, #tpu.memory_space<semaphore_mem>>)
          %dma_wait3A = tpu.memref_slice %arg3[%mul3A_407] : memref<800000xf32, #tpu.memory_space<hbm>> -> memref<128xf32, #tpu.memory_space<hbm>>
          %dma_wait3A_606 = tpu.memref_slice %arg3[%mul3A_407] : memref<800000xf32, #tpu.memory_space<hbm>> -> memref<128xf32, #tpu.memory_space<hbm>>
          tpu.wait_dma2 semaphore(%run_scoped3A_604 : memref<!tpu.dma_semaphore, #tpu.memory_space<semaphore_mem>>) src(%arg8 : memref<128xf32, #tpu.memory_space<vmem>>) dst(%dma_wait3A_606 : memref<128xf32, #tpu.memory_space<hbm>>)
          tpu.yield
        }) : () -> ()
      } else {
      }
      %scan3A_405 = arith.constant 0 : i32
      scf.yield %scan3A_405 : i32
    }
    %scan3A_397 = arith.constant 196 : i32
    return
  }
}

#map = affine_map<(d0, d1) -> (0, 0)>
#map1 = affine_map<(d0, d1) -> (0)>
module attributes {stable_mosaic.version = 14 : i64} {
  func.func @propagate(%arg0: i32, %arg1: i32, %arg2: memref<2x800000xi32, #tpu.memory_space<hbm>>, %arg3: memref<800000xf32, #tpu.memory_space<hbm>>, %arg4: memref<50000x64xf32, #tpu.memory_space<hbm>>, %arg5: memref<50000x64xf32, #tpu.memory_space<hbm>>, %arg6: memref<50000x64xf32, #tpu.memory_space<hbm>>, %arg7: memref<25088x64xf32, #tpu.memory_space<vmem_shared>>, %arg8: memref<128x64xf32, #tpu.memory_space<vmem>>, %arg9: memref<128xf32, #tpu.memory_space<vmem>>, %arg10: memref<2x128xi32, #tpu.memory_space<vmem>>, %arg11: memref<!tpu.dma_semaphore, #tpu.memory_space<semaphore_mem>>, %arg12: memref<128xi32, #tpu.memory_space<vmem>>) attributes {dimension_semantics = [#tpu.dimension_semantics<core_parallel>, #tpu.dimension_semantics<subcore_parallel>], iteration_bounds = array<i64: 2, 16>, scalar_prefetch = 0 : i64, scratch_operands = 6 : i64, tpu.core_type = #tpu.core_type<sc_vector_subcore>, window_params = [{transform_indices = #map}, {transform_indices = #map1}, {transform_indices = #map}, {transform_indices = #map}, {transform_indices = #map}]} {
    %mul3A = arith.constant 16 : i32
    %mul3A_0 = arith.muli %arg0, %mul3A : i32
    %add3A = arith.addi %mul3A_0, %arg1 : i32
    %broadcast_in_dim3A = arith.constant 0.000000e+00 : f32
    %broadcast_in_dim3A_1 = vector.broadcast %broadcast_in_dim3A : f32 to vector<16xf32>
    %iota3A = tpu.iota {dimensions = array<i32: 0>} : vector<16xi32>
    %scan3A = arith.constant 0 : i32
    %scan3A_2 = arith.constant 0 : i32
    %scan3A_3 = arith.constant 128 : i32
    %scan3A_4 = arith.addi %scan3A_2, %scan3A_3 : i32
    %scan3A_5 = arith.constant 1 : i32
    %scan3A_6 = scf.for %scan3A_48 = %scan3A_2 to %scan3A_4 step %scan3A_5 iter_args(%scan3A_49 = %scan3A) -> (i32)  : i32 {
      %swap3A = arith.index_cast %scan3A_48 : i32 to index
      %swap3A_50 = arith.constant 0 : index
      %swap3A_51 = tpu.vector_load %arg8[%swap3A, %swap3A_50] {strides = array<i32>} : memref<128x64xf32, #tpu.memory_space<vmem>>, vector<16xf32>,
      tpu.vector_store %arg8[%swap3A, %swap3A_50], %broadcast_in_dim3A_1 {strides = array<i32>} : memref<128x64xf32, #tpu.memory_space<vmem>>, vector<16xf32>,
      %swap3A_52 = arith.index_cast %scan3A_48 : i32 to index
      %swap3A_53 = arith.constant 16 : index
      %swap3A_54 = tpu.vector_load %arg8[%swap3A_52, %swap3A_53] {strides = array<i32>} : memref<128x64xf32, #tpu.memory_space<vmem>>, vector<16xf32>,
      tpu.vector_store %arg8[%swap3A_52, %swap3A_53], %broadcast_in_dim3A_1 {strides = array<i32>} : memref<128x64xf32, #tpu.memory_space<vmem>>, vector<16xf32>,
      %swap3A_55 = arith.index_cast %scan3A_48 : i32 to index
      %swap3A_56 = arith.constant 32 : index
      %swap3A_57 = tpu.vector_load %arg8[%swap3A_55, %swap3A_56] {strides = array<i32>} : memref<128x64xf32, #tpu.memory_space<vmem>>, vector<16xf32>,
      tpu.vector_store %arg8[%swap3A_55, %swap3A_56], %broadcast_in_dim3A_1 {strides = array<i32>} : memref<128x64xf32, #tpu.memory_space<vmem>>, vector<16xf32>,
      %swap3A_58 = arith.index_cast %scan3A_48 : i32 to index
      %swap3A_59 = arith.constant 48 : index
      %swap3A_60 = tpu.vector_load %arg8[%swap3A_58, %swap3A_59] {strides = array<i32>} : memref<128x64xf32, #tpu.memory_space<vmem>>, vector<16xf32>,
      tpu.vector_store %arg8[%swap3A_58, %swap3A_59], %broadcast_in_dim3A_1 {strides = array<i32>} : memref<128x64xf32, #tpu.memory_space<vmem>>, vector<16xf32>,
      %scan3A_61 = arith.constant 0 : i32
      scf.yield %scan3A_61 : i32
    }
    %scan3A_7 = arith.constant 128 : i32
    %scan3A_8 = arith.constant 0 : i32
    %scan3A_9 = arith.constant 0 : i32
    %scan3A_10 = arith.constant 13 : i32
    %scan3A_11 = arith.addi %scan3A_9, %scan3A_10 : i32
    %scan3A_12 = arith.constant 1 : i32
    %scan3A_13 = scf.for %scan3A_48 = %scan3A_9 to %scan3A_11 step %scan3A_12 iter_args(%scan3A_49 = %scan3A_8) -> (i32)  : i32 {
      %mul3A_50 = arith.constant 16 : i32
      %mul3A_51 = arith.muli %mul3A_50, %scan3A_48 : i32
      %add3A_52 = arith.addi %arg1, %mul3A_51 : i32
      %lt3A = arith.constant 196 : i32
      %lt3A_53 = arith.cmpi slt, %add3A_52, %lt3A : i32
      %convert_element_type3A = arith.extui %lt3A_53 : i1 to i32
      %cond3A = arith.constant 0 : i32
      %cond3A_54 = arith.cmpi ne, %convert_element_type3A, %cond3A : i32
      scf.if %cond3A_54 {
        %mul3A_56 = arith.constant 128 : i32
        %mul3A_57 = arith.muli %add3A_52, %mul3A_56 : i32
        "tpu.region"() ({
          %run_scoped3A = tpu.sem_alloc : memref<!tpu.dma_semaphore, #tpu.memory_space<semaphore_mem>>
          %dma_start3A = arith.constant 0 : i32
          %dma_start3A_58 = tpu.memref_slice %arg7[%mul3A_57, %dma_start3A] : memref<25088x64xf32, #tpu.memory_space<vmem_shared>> -> memref<128x64xf32, #tpu.memory_space<vmem_shared>>
          %dma_start3A_59 = arith.constant 0 : i32
          %dma_start3A_60 = tpu.memref_slice %arg7[%mul3A_57, %dma_start3A_59] : memref<25088x64xf32, #tpu.memory_space<vmem_shared>> -> memref<128x64xf32, #tpu.memory_space<vmem_shared>>
          tpu.enqueue_dma source(%arg8 : memref<128x64xf32, #tpu.memory_space<vmem>>) target(%dma_start3A_60 : memref<128x64xf32, #tpu.memory_space<vmem_shared>>) target_semaphore(%run_scoped3A : memref<!tpu.dma_semaphore, #tpu.memory_space<semaphore_mem>>)
          %dma_wait3A = arith.constant 0 : i32
          %dma_wait3A_61 = tpu.memref_slice %arg7[%mul3A_57, %dma_wait3A] : memref<25088x64xf32, #tpu.memory_space<vmem_shared>> -> memref<128x64xf32, #tpu.memory_space<vmem_shared>>
          %dma_wait3A_62 = arith.constant 0 : i32
          %dma_wait3A_63 = tpu.memref_slice %arg7[%mul3A_57, %dma_wait3A_62] : memref<25088x64xf32, #tpu.memory_space<vmem_shared>> -> memref<128x64xf32, #tpu.memory_space<vmem_shared>>
          tpu.wait_dma2 semaphore(%run_scoped3A : memref<!tpu.dma_semaphore, #tpu.memory_space<semaphore_mem>>) src(%arg8 : memref<128x64xf32, #tpu.memory_space<vmem>>) dst(%dma_wait3A_63 : memref<128x64xf32, #tpu.memory_space<vmem_shared>>)
          tpu.yield
        }) : () -> ()
      } else {
      }
      %scan3A_55 = arith.constant 0 : i32
      scf.yield %scan3A_55 : i32
    }
    %scan3A_14 = arith.constant 13 : i32
    %barrier3A = arith.constant 0 : index
    tpu.barrier barrier_id(%barrier3A)
    %mul3A_15 = arith.constant 25000 : i32
    %mul3A_16 = arith.muli %arg0, %mul3A_15 : i32
    %add3A_17 = arith.constant 50000 : i32
    %add3A_18 = arith.addi %add3A_17, %mul3A_16 : i32
    %scan3A_19 = arith.constant 0 : i32
    %scan3A_20 = arith.constant 0 : i32
    %scan3A_21 = arith.constant 391 : i32
    %scan3A_22 = arith.addi %scan3A_20, %scan3A_21 : i32
    %scan3A_23 = arith.constant 1 : i32
    %scan3A_24 = scf.for %scan3A_48 = %scan3A_20 to %scan3A_22 step %scan3A_23 iter_args(%scan3A_49 = %scan3A_19) -> (i32)  : i32 {
      %mul3A_50 = arith.constant 16 : i32
      %mul3A_51 = arith.muli %mul3A_50, %scan3A_48 : i32
      %add3A_52 = arith.addi %arg1, %mul3A_51 : i32
      %lt3A = arith.constant 6250 : i32
      %lt3A_53 = arith.cmpi slt, %add3A_52, %lt3A : i32
      %convert_element_type3A = arith.extui %lt3A_53 : i1 to i32
      %cond3A = arith.constant 0 : i32
      %cond3A_54 = arith.cmpi ne, %convert_element_type3A, %cond3A : i32
      scf.if %cond3A_54 {
        %mul3A_56 = arith.constant 128 : i32
        %mul3A_57 = arith.muli %add3A_52, %mul3A_56 : i32
        "tpu.region"() ({
          %run_scoped3A = tpu.sem_alloc : memref<!tpu.dma_semaphore, #tpu.memory_space<semaphore_mem>>
          %dma_start3A_214 = arith.constant 0 : i32
          %dma_start3A_215 = tpu.memref_slice %arg2[%dma_start3A_214, %mul3A_57] : memref<2x800000xi32, #tpu.memory_space<hbm>> -> memref<2x128xi32, #tpu.memory_space<hbm>>
          %dma_start3A_216 = arith.constant 0 : i32
          %dma_start3A_217 = tpu.memref_slice %arg2[%dma_start3A_216, %mul3A_57] : memref<2x800000xi32, #tpu.memory_space<hbm>> -> memref<2x128xi32, #tpu.memory_space<hbm>>
          tpu.enqueue_dma source(%dma_start3A_217 : memref<2x128xi32, #tpu.memory_space<hbm>>) target(%arg10 : memref<2x128xi32, #tpu.memory_space<vmem>>) target_semaphore(%run_scoped3A : memref<!tpu.dma_semaphore, #tpu.memory_space<semaphore_mem>>)
          %dma_wait3A_218 = arith.constant 0 : i32
          %dma_wait3A_219 = tpu.memref_slice %arg2[%dma_wait3A_218, %mul3A_57] : memref<2x800000xi32, #tpu.memory_space<hbm>> -> memref<2x128xi32, #tpu.memory_space<hbm>>
          %dma_wait3A_220 = arith.constant 0 : i32
          %dma_wait3A_221 = tpu.memref_slice %arg2[%dma_wait3A_220, %mul3A_57] : memref<2x800000xi32, #tpu.memory_space<hbm>> -> memref<2x128xi32, #tpu.memory_space<hbm>>
          tpu.wait_dma2 semaphore(%run_scoped3A : memref<!tpu.dma_semaphore, #tpu.memory_space<semaphore_mem>>) src(%dma_wait3A_221 : memref<2x128xi32, #tpu.memory_space<hbm>>) dst(%arg10 : memref<2x128xi32, #tpu.memory_space<vmem>>)
          tpu.yield
        }) : () -> ()
        "tpu.region"() ({
          %run_scoped3A = tpu.sem_alloc : memref<!tpu.dma_semaphore, #tpu.memory_space<semaphore_mem>>
          %dma_start3A_214 = tpu.memref_slice %arg3[%mul3A_57] : memref<800000xf32, #tpu.memory_space<hbm>> -> memref<128xf32, #tpu.memory_space<hbm>>
          %dma_start3A_215 = tpu.memref_slice %arg3[%mul3A_57] : memref<800000xf32, #tpu.memory_space<hbm>> -> memref<128xf32, #tpu.memory_space<hbm>>
          tpu.enqueue_dma source(%dma_start3A_215 : memref<128xf32, #tpu.memory_space<hbm>>) target(%arg9 : memref<128xf32, #tpu.memory_space<vmem>>) target_semaphore(%run_scoped3A : memref<!tpu.dma_semaphore, #tpu.memory_space<semaphore_mem>>)
          %dma_wait3A_216 = tpu.memref_slice %arg3[%mul3A_57] : memref<800000xf32, #tpu.memory_space<hbm>> -> memref<128xf32, #tpu.memory_space<hbm>>
          %dma_wait3A_217 = tpu.memref_slice %arg3[%mul3A_57] : memref<800000xf32, #tpu.memory_space<hbm>> -> memref<128xf32, #tpu.memory_space<hbm>>
          tpu.wait_dma2 semaphore(%run_scoped3A : memref<!tpu.dma_semaphore, #tpu.memory_space<semaphore_mem>>) src(%dma_wait3A_217 : memref<128xf32, #tpu.memory_space<hbm>>) dst(%arg9 : memref<128xf32, #tpu.memory_space<vmem>>)
          tpu.yield
        }) : () -> ()
        %dma_start3A = arith.constant 1 : i32
        %dma_start3A_58 = arith.constant 0 : i32
        %dma_start3A_59 = tpu.memref_slice %arg10[%dma_start3A, %dma_start3A_58] : memref<2x128xi32, #tpu.memory_space<vmem>> -> memref<1x128xi32, #tpu.memory_space<vmem>>
        %dma_start3A_60 = tpu.memref_squeeze %dma_start3A_59 : memref<1x128xi32, #tpu.memory_space<vmem>> -> memref<128xi32, #tpu.memory_space<vmem>>
        %dma_start3A_61 = arith.constant 0 : i32
        %dma_start3A_62 = arith.constant 0 : i32
        %dma_start3A_63 = tpu.memref_slice %arg4[%dma_start3A_61, %dma_start3A_62] : memref<50000x64xf32, #tpu.memory_space<hbm>> -> memref<50000x64xf32, #tpu.memory_space<hbm>>
        tpu.enqueue_indirect_dma source(%dma_start3A_63 : memref<50000x64xf32, #tpu.memory_space<hbm>>) target(%arg8 : memref<128x64xf32, #tpu.memory_space<vmem>>) offsets(%dma_start3A_60 : memref<128xi32, #tpu.memory_space<vmem>>) semaphore(%arg11 : memref<!tpu.dma_semaphore, #tpu.memory_space<semaphore_mem>>)
        %dma_wait3A = arith.constant 1 : i32
        %dma_wait3A_64 = arith.constant 0 : i32
        %dma_wait3A_65 = tpu.memref_slice %arg10[%dma_wait3A, %dma_wait3A_64] : memref<2x128xi32, #tpu.memory_space<vmem>> -> memref<1x128xi32, #tpu.memory_space<vmem>>
        %dma_wait3A_66 = tpu.memref_squeeze %dma_wait3A_65 : memref<1x128xi32, #tpu.memory_space<vmem>> -> memref<128xi32, #tpu.memory_space<vmem>>
        %dma_wait3A_67 = arith.constant 0 : i32
        %dma_wait3A_68 = arith.constant 0 : i32
        %dma_wait3A_69 = tpu.memref_slice %arg4[%dma_wait3A_67, %dma_wait3A_68] : memref<50000x64xf32, #tpu.memory_space<hbm>> -> memref<50000x64xf32, #tpu.memory_space<hbm>>
        tpu.wait_indirect_dma semaphore(%arg11 : memref<!tpu.dma_semaphore, #tpu.memory_space<semaphore_mem>>) src(%dma_wait3A_69 : memref<50000x64xf32, #tpu.memory_space<hbm>>) dst(%arg8 : memref<128x64xf32, #tpu.memory_space<vmem>>)
        %get3A = arith.constant 0 : i32
        %get3A_70 = arith.index_cast %get3A : i32 to index
        %get3A_71 = arith.constant 0 : index
        %get3A_72 = tpu.vector_load %arg10[%get3A_70, %get3A_71] {strides = array<i32>} : memref<2x128xi32, #tpu.memory_space<vmem>>, vector<16xi32>,
        %sub3A = vector.broadcast %add3A_18 : i32 to vector<16xi32>
        %sub3A_73 = arith.subi %get3A_72, %sub3A : vector<16xi32>
        %ge3A = arith.constant 0 : i32
        %ge3A_74 = vector.broadcast %ge3A : i32 to vector<16xi32>
        %ge3A_75 = arith.cmpi sge, %sub3A_73, %ge3A_74 : vector<16xi32>
        %lt3A_76 = arith.constant 25000 : i32
        %lt3A_77 = vector.broadcast %lt3A_76 : i32 to vector<16xi32>
        %lt3A_78 = arith.cmpi slt, %sub3A_73, %lt3A_77 : vector<16xi32>
        %and3A = arith.andi %ge3A_75, %lt3A_78 : vector<16xi1>
        %jit3A = arith.constant 25008 : i32
        %broadcast_in_dim3A_79 = vector.broadcast %jit3A : i32 to vector<16xi32>
        %select_n3A = arith.select %and3A, %sub3A_73, %broadcast_in_dim3A_79 : vector<16xi1>, vector<16xi32>
        %swap3A = arith.constant 0 : index
        %swap3A_80 = tpu.vector_load %arg12[%swap3A] {strides = array<i32>} : memref<128xi32, #tpu.memory_space<vmem>>, vector<16xi32>,
        tpu.vector_store %arg12[%swap3A], %select_n3A {strides = array<i32>} : memref<128xi32, #tpu.memory_space<vmem>>, vector<16xi32>,
        %get3A_81 = arith.constant 0 : i32
        %get3A_82 = arith.index_cast %get3A_81 : i32 to index
        %get3A_83 = arith.constant 16 : index
        %get3A_84 = tpu.vector_load %arg10[%get3A_82, %get3A_83] {strides = array<i32>} : memref<2x128xi32, #tpu.memory_space<vmem>>, vector<16xi32>,
        %sub3A_85 = vector.broadcast %add3A_18 : i32 to vector<16xi32>
        %sub3A_86 = arith.subi %get3A_84, %sub3A_85 : vector<16xi32>
        %ge3A_87 = arith.constant 0 : i32
        %ge3A_88 = vector.broadcast %ge3A_87 : i32 to vector<16xi32>
        %ge3A_89 = arith.cmpi sge, %sub3A_86, %ge3A_88 : vector<16xi32>
        %lt3A_90 = arith.constant 25000 : i32
        %lt3A_91 = vector.broadcast %lt3A_90 : i32 to vector<16xi32>
        %lt3A_92 = arith.cmpi slt, %sub3A_86, %lt3A_91 : vector<16xi32>
        %and3A_93 = arith.andi %ge3A_89, %lt3A_92 : vector<16xi1>
        %jit3A_94 = arith.constant 25008 : i32
        %broadcast_in_dim3A_95 = vector.broadcast %jit3A_94 : i32 to vector<16xi32>
        %select_n3A_96 = arith.select %and3A_93, %sub3A_86, %broadcast_in_dim3A_95 : vector<16xi1>, vector<16xi32>
        %swap3A_97 = arith.constant 16 : index
        %swap3A_98 = tpu.vector_load %arg12[%swap3A_97] {strides = array<i32>} : memref<128xi32, #tpu.memory_space<vmem>>, vector<16xi32>,
        tpu.vector_store %arg12[%swap3A_97], %select_n3A_96 {strides = array<i32>} : memref<128xi32, #tpu.memory_space<vmem>>, vector<16xi32>,
        %get3A_99 = arith.constant 0 : i32
        %get3A_100 = arith.index_cast %get3A_99 : i32 to index
        %get3A_101 = arith.constant 32 : index
        %get3A_102 = tpu.vector_load %arg10[%get3A_100, %get3A_101] {strides = array<i32>} : memref<2x128xi32, #tpu.memory_space<vmem>>, vector<16xi32>,
        %sub3A_103 = vector.broadcast %add3A_18 : i32 to vector<16xi32>
        %sub3A_104 = arith.subi %get3A_102, %sub3A_103 : vector<16xi32>
        %ge3A_105 = arith.constant 0 : i32
        %ge3A_106 = vector.broadcast %ge3A_105 : i32 to vector<16xi32>
        %ge3A_107 = arith.cmpi sge, %sub3A_104, %ge3A_106 : vector<16xi32>
        %lt3A_108 = arith.constant 25000 : i32
        %lt3A_109 = vector.broadcast %lt3A_108 : i32 to vector<16xi32>
        %lt3A_110 = arith.cmpi slt, %sub3A_104, %lt3A_109 : vector<16xi32>
        %and3A_111 = arith.andi %ge3A_107, %lt3A_110 : vector<16xi1>
        %jit3A_112 = arith.constant 25008 : i32
        %broadcast_in_dim3A_113 = vector.broadcast %jit3A_112 : i32 to vector<16xi32>
        %select_n3A_114 = arith.select %and3A_111, %sub3A_104, %broadcast_in_dim3A_113 : vector<16xi1>, vector<16xi32>
        %swap3A_115 = arith.constant 32 : index
        %swap3A_116 = tpu.vector_load %arg12[%swap3A_115] {strides = array<i32>} : memref<128xi32, #tpu.memory_space<vmem>>, vector<16xi32>,
        tpu.vector_store %arg12[%swap3A_115], %select_n3A_114 {strides = array<i32>} : memref<128xi32, #tpu.memory_space<vmem>>, vector<16xi32>,
        %get3A_117 = arith.constant 0 : i32
        %get3A_118 = arith.index_cast %get3A_117 : i32 to index
        %get3A_119 = arith.constant 48 : index
        %get3A_120 = tpu.vector_load %arg10[%get3A_118, %get3A_119] {strides = array<i32>} : memref<2x128xi32, #tpu.memory_space<vmem>>, vector<16xi32>,
        %sub3A_121 = vector.broadcast %add3A_18 : i32 to vector<16xi32>
        %sub3A_122 = arith.subi %get3A_120, %sub3A_121 : vector<16xi32>
        %ge3A_123 = arith.constant 0 : i32
        %ge3A_124 = vector.broadcast %ge3A_123 : i32 to vector<16xi32>
        %ge3A_125 = arith.cmpi sge, %sub3A_122, %ge3A_124 : vector<16xi32>
        %lt3A_126 = arith.constant 25000 : i32
        %lt3A_127 = vector.broadcast %lt3A_126 : i32 to vector<16xi32>
        %lt3A_128 = arith.cmpi slt, %sub3A_122, %lt3A_127 : vector<16xi32>
        %and3A_129 = arith.andi %ge3A_125, %lt3A_128 : vector<16xi1>
        %jit3A_130 = arith.constant 25008 : i32
        %broadcast_in_dim3A_131 = vector.broadcast %jit3A_130 : i32 to vector<16xi32>
        %select_n3A_132 = arith.select %and3A_129, %sub3A_122, %broadcast_in_dim3A_131 : vector<16xi1>, vector<16xi32>
        %swap3A_133 = arith.constant 48 : index
        %swap3A_134 = tpu.vector_load %arg12[%swap3A_133] {strides = array<i32>} : memref<128xi32, #tpu.memory_space<vmem>>, vector<16xi32>,
        tpu.vector_store %arg12[%swap3A_133], %select_n3A_132 {strides = array<i32>} : memref<128xi32, #tpu.memory_space<vmem>>, vector<16xi32>,
        %get3A_135 = arith.constant 0 : i32
        %get3A_136 = arith.index_cast %get3A_135 : i32 to index
        %get3A_137 = arith.constant 64 : index
        %get3A_138 = tpu.vector_load %arg10[%get3A_136, %get3A_137] {strides = array<i32>} : memref<2x128xi32, #tpu.memory_space<vmem>>, vector<16xi32>,
        %sub3A_139 = vector.broadcast %add3A_18 : i32 to vector<16xi32>
        %sub3A_140 = arith.subi %get3A_138, %sub3A_139 : vector<16xi32>
        %ge3A_141 = arith.constant 0 : i32
        %ge3A_142 = vector.broadcast %ge3A_141 : i32 to vector<16xi32>
        %ge3A_143 = arith.cmpi sge, %sub3A_140, %ge3A_142 : vector<16xi32>
        %lt3A_144 = arith.constant 25000 : i32
        %lt3A_145 = vector.broadcast %lt3A_144 : i32 to vector<16xi32>
        %lt3A_146 = arith.cmpi slt, %sub3A_140, %lt3A_145 : vector<16xi32>
        %and3A_147 = arith.andi %ge3A_143, %lt3A_146 : vector<16xi1>
        %jit3A_148 = arith.constant 25008 : i32
        %broadcast_in_dim3A_149 = vector.broadcast %jit3A_148 : i32 to vector<16xi32>
        %select_n3A_150 = arith.select %and3A_147, %sub3A_140, %broadcast_in_dim3A_149 : vector<16xi1>, vector<16xi32>
        %swap3A_151 = arith.constant 64 : index
        %swap3A_152 = tpu.vector_load %arg12[%swap3A_151] {strides = array<i32>} : memref<128xi32, #tpu.memory_space<vmem>>, vector<16xi32>,
        tpu.vector_store %arg12[%swap3A_151], %select_n3A_150 {strides = array<i32>} : memref<128xi32, #tpu.memory_space<vmem>>, vector<16xi32>,
        %get3A_153 = arith.constant 0 : i32
        %get3A_154 = arith.index_cast %get3A_153 : i32 to index
        %get3A_155 = arith.constant 80 : index
        %get3A_156 = tpu.vector_load %arg10[%get3A_154, %get3A_155] {strides = array<i32>} : memref<2x128xi32, #tpu.memory_space<vmem>>, vector<16xi32>,
        %sub3A_157 = vector.broadcast %add3A_18 : i32 to vector<16xi32>
        %sub3A_158 = arith.subi %get3A_156, %sub3A_157 : vector<16xi32>
        %ge3A_159 = arith.constant 0 : i32
        %ge3A_160 = vector.broadcast %ge3A_159 : i32 to vector<16xi32>
        %ge3A_161 = arith.cmpi sge, %sub3A_158, %ge3A_160 : vector<16xi32>
        %lt3A_162 = arith.constant 25000 : i32
        %lt3A_163 = vector.broadcast %lt3A_162 : i32 to vector<16xi32>
        %lt3A_164 = arith.cmpi slt, %sub3A_158, %lt3A_163 : vector<16xi32>
        %and3A_165 = arith.andi %ge3A_161, %lt3A_164 : vector<16xi1>
        %jit3A_166 = arith.constant 25008 : i32
        %broadcast_in_dim3A_167 = vector.broadcast %jit3A_166 : i32 to vector<16xi32>
        %select_n3A_168 = arith.select %and3A_165, %sub3A_158, %broadcast_in_dim3A_167 : vector<16xi1>, vector<16xi32>
        %swap3A_169 = arith.constant 80 : index
        %swap3A_170 = tpu.vector_load %arg12[%swap3A_169] {strides = array<i32>} : memref<128xi32, #tpu.memory_space<vmem>>, vector<16xi32>,
        tpu.vector_store %arg12[%swap3A_169], %select_n3A_168 {strides = array<i32>} : memref<128xi32, #tpu.memory_space<vmem>>, vector<16xi32>,
        %get3A_171 = arith.constant 0 : i32
        %get3A_172 = arith.index_cast %get3A_171 : i32 to index
        %get3A_173 = arith.constant 96 : index
        %get3A_174 = tpu.vector_load %arg10[%get3A_172, %get3A_173] {strides = array<i32>} : memref<2x128xi32, #tpu.memory_space<vmem>>, vector<16xi32>,
        %sub3A_175 = vector.broadcast %add3A_18 : i32 to vector<16xi32>
        %sub3A_176 = arith.subi %get3A_174, %sub3A_175 : vector<16xi32>
        %ge3A_177 = arith.constant 0 : i32
        %ge3A_178 = vector.broadcast %ge3A_177 : i32 to vector<16xi32>
        %ge3A_179 = arith.cmpi sge, %sub3A_176, %ge3A_178 : vector<16xi32>
        %lt3A_180 = arith.constant 25000 : i32
        %lt3A_181 = vector.broadcast %lt3A_180 : i32 to vector<16xi32>
        %lt3A_182 = arith.cmpi slt, %sub3A_176, %lt3A_181 : vector<16xi32>
        %and3A_183 = arith.andi %ge3A_179, %lt3A_182 : vector<16xi1>
        %jit3A_184 = arith.constant 25008 : i32
        %broadcast_in_dim3A_185 = vector.broadcast %jit3A_184 : i32 to vector<16xi32>
        %select_n3A_186 = arith.select %and3A_183, %sub3A_176, %broadcast_in_dim3A_185 : vector<16xi1>, vector<16xi32>
        %swap3A_187 = arith.constant 96 : index
        %swap3A_188 = tpu.vector_load %arg12[%swap3A_187] {strides = array<i32>} : memref<128xi32, #tpu.memory_space<vmem>>, vector<16xi32>,
        tpu.vector_store %arg12[%swap3A_187], %select_n3A_186 {strides = array<i32>} : memref<128xi32, #tpu.memory_space<vmem>>, vector<16xi32>,
        %get3A_189 = arith.constant 0 : i32
        %get3A_190 = arith.index_cast %get3A_189 : i32 to index
        %get3A_191 = arith.constant 112 : index
        %get3A_192 = tpu.vector_load %arg10[%get3A_190, %get3A_191] {strides = array<i32>} : memref<2x128xi32, #tpu.memory_space<vmem>>, vector<16xi32>,
        %sub3A_193 = vector.broadcast %add3A_18 : i32 to vector<16xi32>
        %sub3A_194 = arith.subi %get3A_192, %sub3A_193 : vector<16xi32>
        %ge3A_195 = arith.constant 0 : i32
        %ge3A_196 = vector.broadcast %ge3A_195 : i32 to vector<16xi32>
        %ge3A_197 = arith.cmpi sge, %sub3A_194, %ge3A_196 : vector<16xi32>
        %lt3A_198 = arith.constant 25000 : i32
        %lt3A_199 = vector.broadcast %lt3A_198 : i32 to vector<16xi32>
        %lt3A_200 = arith.cmpi slt, %sub3A_194, %lt3A_199 : vector<16xi32>
        %and3A_201 = arith.andi %ge3A_197, %lt3A_200 : vector<16xi1>
        %jit3A_202 = arith.constant 25008 : i32
        %broadcast_in_dim3A_203 = vector.broadcast %jit3A_202 : i32 to vector<16xi32>
        %select_n3A_204 = arith.select %and3A_201, %sub3A_194, %broadcast_in_dim3A_203 : vector<16xi1>, vector<16xi32>
        %swap3A_205 = arith.constant 112 : index
        %swap3A_206 = tpu.vector_load %arg12[%swap3A_205] {strides = array<i32>} : memref<128xi32, #tpu.memory_space<vmem>>, vector<16xi32>,
        tpu.vector_store %arg12[%swap3A_205], %select_n3A_204 {strides = array<i32>} : memref<128xi32, #tpu.memory_space<vmem>>, vector<16xi32>,
        %scan3A_207 = arith.constant 0 : i32
        %scan3A_208 = arith.constant 0 : i32
        %scan3A_209 = arith.constant 8 : i32
        %scan3A_210 = arith.addi %scan3A_208, %scan3A_209 : i32
        %scan3A_211 = arith.constant 1 : i32
        %scan3A_212 = scf.for %scan3A_214 = %scan3A_208 to %scan3A_210 step %scan3A_211 iter_args(%scan3A_215 = %scan3A_207) -> (i32)  : i32 {
          %mul3A_216 = arith.constant 16 : i32
          %mul3A_217 = arith.muli %scan3A_214, %mul3A_216 : i32
          %add3A_218 = vector.broadcast %mul3A_217 : i32 to vector<16xi32>
          %add3A_219 = arith.addi %iota3A, %add3A_218 : vector<16xi32>
          %mul3A_220 = arith.constant 16 : i32
          %mul3A_221 = arith.muli %scan3A_214, %mul3A_220 : i32
          %multiple_of3A = tpu.assume_multiple %mul3A_221, 16 : i32
          %get3A_222 = arith.index_cast %multiple_of3A : i32 to index
          %get3A_223 = tpu.vector_load %arg9[%get3A_222] {strides = array<i32>} : memref<128xf32, #tpu.memory_space<vmem>>, vector<16xf32>,
          %broadcast_in_dim3A_224 = arith.constant 0 : i32
          %broadcast_in_dim3A_225 = vector.broadcast %broadcast_in_dim3A_224 : i32 to vector<16xi32>
          %gather3A = tpu.vector_load_idx %arg8[%add3A_219, %broadcast_in_dim3A_225] : memref<128x64xf32, #tpu.memory_space<vmem>>[vector<16xi32>, vector<16xi32>], vector<16xf32>,
          %mul3A_226 = arith.mulf %gather3A, %get3A_223 : vector<16xf32>
          tpu.vector_store_idx %arg8[%add3A_219, %broadcast_in_dim3A_225], %mul3A_226 : memref<128x64xf32, #tpu.memory_space<vmem>>[vector<16xi32>, vector<16xi32>], vector<16xf32>,
          %broadcast_in_dim3A_227 = arith.constant 1 : i32
          %broadcast_in_dim3A_228 = vector.broadcast %broadcast_in_dim3A_227 : i32 to vector<16xi32>
          %gather3A_229 = tpu.vector_load_idx %arg8[%add3A_219, %broadcast_in_dim3A_228] : memref<128x64xf32, #tpu.memory_space<vmem>>[vector<16xi32>, vector<16xi32>], vector<16xf32>,
          %mul3A_230 = arith.mulf %gather3A_229, %get3A_223 : vector<16xf32>
          tpu.vector_store_idx %arg8[%add3A_219, %broadcast_in_dim3A_228], %mul3A_230 : memref<128x64xf32, #tpu.memory_space<vmem>>[vector<16xi32>, vector<16xi32>], vector<16xf32>,
          %broadcast_in_dim3A_231 = arith.constant 2 : i32
          %broadcast_in_dim3A_232 = vector.broadcast %broadcast_in_dim3A_231 : i32 to vector<16xi32>
          %gather3A_233 = tpu.vector_load_idx %arg8[%add3A_219, %broadcast_in_dim3A_232] : memref<128x64xf32, #tpu.memory_space<vmem>>[vector<16xi32>, vector<16xi32>], vector<16xf32>,
          %mul3A_234 = arith.mulf %gather3A_233, %get3A_223 : vector<16xf32>
          tpu.vector_store_idx %arg8[%add3A_219, %broadcast_in_dim3A_232], %mul3A_234 : memref<128x64xf32, #tpu.memory_space<vmem>>[vector<16xi32>, vector<16xi32>], vector<16xf32>,
          %broadcast_in_dim3A_235 = arith.constant 3 : i32
          %broadcast_in_dim3A_236 = vector.broadcast %broadcast_in_dim3A_235 : i32 to vector<16xi32>
          %gather3A_237 = tpu.vector_load_idx %arg8[%add3A_219, %broadcast_in_dim3A_236] : memref<128x64xf32, #tpu.memory_space<vmem>>[vector<16xi32>, vector<16xi32>], vector<16xf32>,
          %mul3A_238 = arith.mulf %gather3A_237, %get3A_223 : vector<16xf32>
          tpu.vector_store_idx %arg8[%add3A_219, %broadcast_in_dim3A_236], %mul3A_238 : memref<128x64xf32, #tpu.memory_space<vmem>>[vector<16xi32>, vector<16xi32>], vector<16xf32>,
          %broadcast_in_dim3A_239 = arith.constant 4 : i32
          %broadcast_in_dim3A_240 = vector.broadcast %broadcast_in_dim3A_239 : i32 to vector<16xi32>
          %gather3A_241 = tpu.vector_load_idx %arg8[%add3A_219, %broadcast_in_dim3A_240] : memref<128x64xf32, #tpu.memory_space<vmem>>[vector<16xi32>, vector<16xi32>], vector<16xf32>,
          %mul3A_242 = arith.mulf %gather3A_241, %get3A_223 : vector<16xf32>
          tpu.vector_store_idx %arg8[%add3A_219, %broadcast_in_dim3A_240], %mul3A_242 : memref<128x64xf32, #tpu.memory_space<vmem>>[vector<16xi32>, vector<16xi32>], vector<16xf32>,
          %broadcast_in_dim3A_243 = arith.constant 5 : i32
          %broadcast_in_dim3A_244 = vector.broadcast %broadcast_in_dim3A_243 : i32 to vector<16xi32>
          %gather3A_245 = tpu.vector_load_idx %arg8[%add3A_219, %broadcast_in_dim3A_244] : memref<128x64xf32, #tpu.memory_space<vmem>>[vector<16xi32>, vector<16xi32>], vector<16xf32>,
          %mul3A_246 = arith.mulf %gather3A_245, %get3A_223 : vector<16xf32>
          tpu.vector_store_idx %arg8[%add3A_219, %broadcast_in_dim3A_244], %mul3A_246 : memref<128x64xf32, #tpu.memory_space<vmem>>[vector<16xi32>, vector<16xi32>], vector<16xf32>,
          %broadcast_in_dim3A_247 = arith.constant 6 : i32
          %broadcast_in_dim3A_248 = vector.broadcast %broadcast_in_dim3A_247 : i32 to vector<16xi32>
          %gather3A_249 = tpu.vector_load_idx %arg8[%add3A_219, %broadcast_in_dim3A_248] : memref<128x64xf32, #tpu.memory_space<vmem>>[vector<16xi32>, vector<16xi32>], vector<16xf32>,
          %mul3A_250 = arith.mulf %gather3A_249, %get3A_223 : vector<16xf32>
          tpu.vector_store_idx %arg8[%add3A_219, %broadcast_in_dim3A_248], %mul3A_250 : memref<128x64xf32, #tpu.memory_space<vmem>>[vector<16xi32>, vector<16xi32>], vector<16xf32>,
          %broadcast_in_dim3A_251 = arith.constant 7 : i32
          %broadcast_in_dim3A_252 = vector.broadcast %broadcast_in_dim3A_251 : i32 to vector<16xi32>
          %gather3A_253 = tpu.vector_load_idx %arg8[%add3A_219, %broadcast_in_dim3A_252] : memref<128x64xf32, #tpu.memory_space<vmem>>[vector<16xi32>, vector<16xi32>], vector<16xf32>,
          %mul3A_254 = arith.mulf %gather3A_253, %get3A_223 : vector<16xf32>
          tpu.vector_store_idx %arg8[%add3A_219, %broadcast_in_dim3A_252], %mul3A_254 : memref<128x64xf32, #tpu.memory_space<vmem>>[vector<16xi32>, vector<16xi32>], vector<16xf32>,
          %broadcast_in_dim3A_255 = arith.constant 8 : i32
          %broadcast_in_dim3A_256 = vector.broadcast %broadcast_in_dim3A_255 : i32 to vector<16xi32>
          %gather3A_257 = tpu.vector_load_idx %arg8[%add3A_219, %broadcast_in_dim3A_256] : memref<128x64xf32, #tpu.memory_space<vmem>>[vector<16xi32>, vector<16xi32>], vector<16xf32>,
          %mul3A_258 = arith.mulf %gather3A_257, %get3A_223 : vector<16xf32>
          tpu.vector_store_idx %arg8[%add3A_219, %broadcast_in_dim3A_256], %mul3A_258 : memref<128x64xf32, #tpu.memory_space<vmem>>[vector<16xi32>, vector<16xi32>], vector<16xf32>,
          %broadcast_in_dim3A_259 = arith.constant 9 : i32
          %broadcast_in_dim3A_260 = vector.broadcast %broadcast_in_dim3A_259 : i32 to vector<16xi32>
          %gather3A_261 = tpu.vector_load_idx %arg8[%add3A_219, %broadcast_in_dim3A_260] : memref<128x64xf32, #tpu.memory_space<vmem>>[vector<16xi32>, vector<16xi32>], vector<16xf32>,
          %mul3A_262 = arith.mulf %gather3A_261, %get3A_223 : vector<16xf32>
          tpu.vector_store_idx %arg8[%add3A_219, %broadcast_in_dim3A_260], %mul3A_262 : memref<128x64xf32, #tpu.memory_space<vmem>>[vector<16xi32>, vector<16xi32>], vector<16xf32>,
          %broadcast_in_dim3A_263 = arith.constant 10 : i32
          %broadcast_in_dim3A_264 = vector.broadcast %broadcast_in_dim3A_263 : i32 to vector<16xi32>
          %gather3A_265 = tpu.vector_load_idx %arg8[%add3A_219, %broadcast_in_dim3A_264] : memref<128x64xf32, #tpu.memory_space<vmem>>[vector<16xi32>, vector<16xi32>], vector<16xf32>,
          %mul3A_266 = arith.mulf %gather3A_265, %get3A_223 : vector<16xf32>
          tpu.vector_store_idx %arg8[%add3A_219, %broadcast_in_dim3A_264], %mul3A_266 : memref<128x64xf32, #tpu.memory_space<vmem>>[vector<16xi32>, vector<16xi32>], vector<16xf32>,
          %broadcast_in_dim3A_267 = arith.constant 11 : i32
          %broadcast_in_dim3A_268 = vector.broadcast %broadcast_in_dim3A_267 : i32 to vector<16xi32>
          %gather3A_269 = tpu.vector_load_idx %arg8[%add3A_219, %broadcast_in_dim3A_268] : memref<128x64xf32, #tpu.memory_space<vmem>>[vector<16xi32>, vector<16xi32>], vector<16xf32>,
          %mul3A_270 = arith.mulf %gather3A_269, %get3A_223 : vector<16xf32>
          tpu.vector_store_idx %arg8[%add3A_219, %broadcast_in_dim3A_268], %mul3A_270 : memref<128x64xf32, #tpu.memory_space<vmem>>[vector<16xi32>, vector<16xi32>], vector<16xf32>,
          %broadcast_in_dim3A_271 = arith.constant 12 : i32
          %broadcast_in_dim3A_272 = vector.broadcast %broadcast_in_dim3A_271 : i32 to vector<16xi32>
          %gather3A_273 = tpu.vector_load_idx %arg8[%add3A_219, %broadcast_in_dim3A_272] : memref<128x64xf32, #tpu.memory_space<vmem>>[vector<16xi32>, vector<16xi32>], vector<16xf32>,
          %mul3A_274 = arith.mulf %gather3A_273, %get3A_223 : vector<16xf32>
          tpu.vector_store_idx %arg8[%add3A_219, %broadcast_in_dim3A_272], %mul3A_274 : memref<128x64xf32, #tpu.memory_space<vmem>>[vector<16xi32>, vector<16xi32>], vector<16xf32>,
          %broadcast_in_dim3A_275 = arith.constant 13 : i32
          %broadcast_in_dim3A_276 = vector.broadcast %broadcast_in_dim3A_275 : i32 to vector<16xi32>
          %gather3A_277 = tpu.vector_load_idx %arg8[%add3A_219, %broadcast_in_dim3A_276] : memref<128x64xf32, #tpu.memory_space<vmem>>[vector<16xi32>, vector<16xi32>], vector<16xf32>,
          %mul3A_278 = arith.mulf %gather3A_277, %get3A_223 : vector<16xf32>
          tpu.vector_store_idx %arg8[%add3A_219, %broadcast_in_dim3A_276], %mul3A_278 : memref<128x64xf32, #tpu.memory_space<vmem>>[vector<16xi32>, vector<16xi32>], vector<16xf32>,
          %broadcast_in_dim3A_279 = arith.constant 14 : i32
          %broadcast_in_dim3A_280 = vector.broadcast %broadcast_in_dim3A_279 : i32 to vector<16xi32>
          %gather3A_281 = tpu.vector_load_idx %arg8[%add3A_219, %broadcast_in_dim3A_280] : memref<128x64xf32, #tpu.memory_space<vmem>>[vector<16xi32>, vector<16xi32>], vector<16xf32>,
          %mul3A_282 = arith.mulf %gather3A_281, %get3A_223 : vector<16xf32>
          tpu.vector_store_idx %arg8[%add3A_219, %broadcast_in_dim3A_280], %mul3A_282 : memref<128x64xf32, #tpu.memory_space<vmem>>[vector<16xi32>, vector<16xi32>], vector<16xf32>,
          %broadcast_in_dim3A_283 = arith.constant 15 : i32
          %broadcast_in_dim3A_284 = vector.broadcast %broadcast_in_dim3A_283 : i32 to vector<16xi32>
          %gather3A_285 = tpu.vector_load_idx %arg8[%add3A_219, %broadcast_in_dim3A_284] : memref<128x64xf32, #tpu.memory_space<vmem>>[vector<16xi32>, vector<16xi32>], vector<16xf32>,
          %mul3A_286 = arith.mulf %gather3A_285, %get3A_223 : vector<16xf32>
          tpu.vector_store_idx %arg8[%add3A_219, %broadcast_in_dim3A_284], %mul3A_286 : memref<128x64xf32, #tpu.memory_space<vmem>>[vector<16xi32>, vector<16xi32>], vector<16xf32>,
          %broadcast_in_dim3A_287 = arith.constant 16 : i32
          %broadcast_in_dim3A_288 = vector.broadcast %broadcast_in_dim3A_287 : i32 to vector<16xi32>
          %gather3A_289 = tpu.vector_load_idx %arg8[%add3A_219, %broadcast_in_dim3A_288] : memref<128x64xf32, #tpu.memory_space<vmem>>[vector<16xi32>, vector<16xi32>], vector<16xf32>,
          %mul3A_290 = arith.mulf %gather3A_289, %get3A_223 : vector<16xf32>
          tpu.vector_store_idx %arg8[%add3A_219, %broadcast_in_dim3A_288], %mul3A_290 : memref<128x64xf32, #tpu.memory_space<vmem>>[vector<16xi32>, vector<16xi32>], vector<16xf32>,
          %broadcast_in_dim3A_291 = arith.constant 17 : i32
          %broadcast_in_dim3A_292 = vector.broadcast %broadcast_in_dim3A_291 : i32 to vector<16xi32>
          %gather3A_293 = tpu.vector_load_idx %arg8[%add3A_219, %broadcast_in_dim3A_292] : memref<128x64xf32, #tpu.memory_space<vmem>>[vector<16xi32>, vector<16xi32>], vector<16xf32>,
          %mul3A_294 = arith.mulf %gather3A_293, %get3A_223 : vector<16xf32>
          tpu.vector_store_idx %arg8[%add3A_219, %broadcast_in_dim3A_292], %mul3A_294 : memref<128x64xf32, #tpu.memory_space<vmem>>[vector<16xi32>, vector<16xi32>], vector<16xf32>,
          %broadcast_in_dim3A_295 = arith.constant 18 : i32
          %broadcast_in_dim3A_296 = vector.broadcast %broadcast_in_dim3A_295 : i32 to vector<16xi32>
          %gather3A_297 = tpu.vector_load_idx %arg8[%add3A_219, %broadcast_in_dim3A_296] : memref<128x64xf32, #tpu.memory_space<vmem>>[vector<16xi32>, vector<16xi32>], vector<16xf32>,
          %mul3A_298 = arith.mulf %gather3A_297, %get3A_223 : vector<16xf32>
          tpu.vector_store_idx %arg8[%add3A_219, %broadcast_in_dim3A_296], %mul3A_298 : memref<128x64xf32, #tpu.memory_space<vmem>>[vector<16xi32>, vector<16xi32>], vector<16xf32>,
          %broadcast_in_dim3A_299 = arith.constant 19 : i32
          %broadcast_in_dim3A_300 = vector.broadcast %broadcast_in_dim3A_299 : i32 to vector<16xi32>
          %gather3A_301 = tpu.vector_load_idx %arg8[%add3A_219, %broadcast_in_dim3A_300] : memref<128x64xf32, #tpu.memory_space<vmem>>[vector<16xi32>, vector<16xi32>], vector<16xf32>,
          %mul3A_302 = arith.mulf %gather3A_301, %get3A_223 : vector<16xf32>
          tpu.vector_store_idx %arg8[%add3A_219, %broadcast_in_dim3A_300], %mul3A_302 : memref<128x64xf32, #tpu.memory_space<vmem>>[vector<16xi32>, vector<16xi32>], vector<16xf32>,
          %broadcast_in_dim3A_303 = arith.constant 20 : i32
          %broadcast_in_dim3A_304 = vector.broadcast %broadcast_in_dim3A_303 : i32 to vector<16xi32>
          %gather3A_305 = tpu.vector_load_idx %arg8[%add3A_219, %broadcast_in_dim3A_304] : memref<128x64xf32, #tpu.memory_space<vmem>>[vector<16xi32>, vector<16xi32>], vector<16xf32>,
          %mul3A_306 = arith.mulf %gather3A_305, %get3A_223 : vector<16xf32>
          tpu.vector_store_idx %arg8[%add3A_219, %broadcast_in_dim3A_304], %mul3A_306 : memref<128x64xf32, #tpu.memory_space<vmem>>[vector<16xi32>, vector<16xi32>], vector<16xf32>,
          %broadcast_in_dim3A_307 = arith.constant 21 : i32
          %broadcast_in_dim3A_308 = vector.broadcast %broadcast_in_dim3A_307 : i32 to vector<16xi32>
          %gather3A_309 = tpu.vector_load_idx %arg8[%add3A_219, %broadcast_in_dim3A_308] : memref<128x64xf32, #tpu.memory_space<vmem>>[vector<16xi32>, vector<16xi32>], vector<16xf32>,
          %mul3A_310 = arith.mulf %gather3A_309, %get3A_223 : vector<16xf32>
          tpu.vector_store_idx %arg8[%add3A_219, %broadcast_in_dim3A_308], %mul3A_310 : memref<128x64xf32, #tpu.memory_space<vmem>>[vector<16xi32>, vector<16xi32>], vector<16xf32>,
          %broadcast_in_dim3A_311 = arith.constant 22 : i32
          %broadcast_in_dim3A_312 = vector.broadcast %broadcast_in_dim3A_311 : i32 to vector<16xi32>
          %gather3A_313 = tpu.vector_load_idx %arg8[%add3A_219, %broadcast_in_dim3A_312] : memref<128x64xf32, #tpu.memory_space<vmem>>[vector<16xi32>, vector<16xi32>], vector<16xf32>,
          %mul3A_314 = arith.mulf %gather3A_313, %get3A_223 : vector<16xf32>
          tpu.vector_store_idx %arg8[%add3A_219, %broadcast_in_dim3A_312], %mul3A_314 : memref<128x64xf32, #tpu.memory_space<vmem>>[vector<16xi32>, vector<16xi32>], vector<16xf32>,
          %broadcast_in_dim3A_315 = arith.constant 23 : i32
          %broadcast_in_dim3A_316 = vector.broadcast %broadcast_in_dim3A_315 : i32 to vector<16xi32>
          %gather3A_317 = tpu.vector_load_idx %arg8[%add3A_219, %broadcast_in_dim3A_316] : memref<128x64xf32, #tpu.memory_space<vmem>>[vector<16xi32>, vector<16xi32>], vector<16xf32>,
          %mul3A_318 = arith.mulf %gather3A_317, %get3A_223 : vector<16xf32>
          tpu.vector_store_idx %arg8[%add3A_219, %broadcast_in_dim3A_316], %mul3A_318 : memref<128x64xf32, #tpu.memory_space<vmem>>[vector<16xi32>, vector<16xi32>], vector<16xf32>,
          %broadcast_in_dim3A_319 = arith.constant 24 : i32
          %broadcast_in_dim3A_320 = vector.broadcast %broadcast_in_dim3A_319 : i32 to vector<16xi32>
          %gather3A_321 = tpu.vector_load_idx %arg8[%add3A_219, %broadcast_in_dim3A_320] : memref<128x64xf32, #tpu.memory_space<vmem>>[vector<16xi32>, vector<16xi32>], vector<16xf32>,
          %mul3A_322 = arith.mulf %gather3A_321, %get3A_223 : vector<16xf32>
          tpu.vector_store_idx %arg8[%add3A_219, %broadcast_in_dim3A_320], %mul3A_322 : memref<128x64xf32, #tpu.memory_space<vmem>>[vector<16xi32>, vector<16xi32>], vector<16xf32>,
          %broadcast_in_dim3A_323 = arith.constant 25 : i32
          %broadcast_in_dim3A_324 = vector.broadcast %broadcast_in_dim3A_323 : i32 to vector<16xi32>
          %gather3A_325 = tpu.vector_load_idx %arg8[%add3A_219, %broadcast_in_dim3A_324] : memref<128x64xf32, #tpu.memory_space<vmem>>[vector<16xi32>, vector<16xi32>], vector<16xf32>,
          %mul3A_326 = arith.mulf %gather3A_325, %get3A_223 : vector<16xf32>
          tpu.vector_store_idx %arg8[%add3A_219, %broadcast_in_dim3A_324], %mul3A_326 : memref<128x64xf32, #tpu.memory_space<vmem>>[vector<16xi32>, vector<16xi32>], vector<16xf32>,
          %broadcast_in_dim3A_327 = arith.constant 26 : i32
          %broadcast_in_dim3A_328 = vector.broadcast %broadcast_in_dim3A_327 : i32 to vector<16xi32>
          %gather3A_329 = tpu.vector_load_idx %arg8[%add3A_219, %broadcast_in_dim3A_328] : memref<128x64xf32, #tpu.memory_space<vmem>>[vector<16xi32>, vector<16xi32>], vector<16xf32>,
          %mul3A_330 = arith.mulf %gather3A_329, %get3A_223 : vector<16xf32>
          tpu.vector_store_idx %arg8[%add3A_219, %broadcast_in_dim3A_328], %mul3A_330 : memref<128x64xf32, #tpu.memory_space<vmem>>[vector<16xi32>, vector<16xi32>], vector<16xf32>,
          %broadcast_in_dim3A_331 = arith.constant 27 : i32
          %broadcast_in_dim3A_332 = vector.broadcast %broadcast_in_dim3A_331 : i32 to vector<16xi32>
          %gather3A_333 = tpu.vector_load_idx %arg8[%add3A_219, %broadcast_in_dim3A_332] : memref<128x64xf32, #tpu.memory_space<vmem>>[vector<16xi32>, vector<16xi32>], vector<16xf32>,
          %mul3A_334 = arith.mulf %gather3A_333, %get3A_223 : vector<16xf32>
          tpu.vector_store_idx %arg8[%add3A_219, %broadcast_in_dim3A_332], %mul3A_334 : memref<128x64xf32, #tpu.memory_space<vmem>>[vector<16xi32>, vector<16xi32>], vector<16xf32>,
          %broadcast_in_dim3A_335 = arith.constant 28 : i32
          %broadcast_in_dim3A_336 = vector.broadcast %broadcast_in_dim3A_335 : i32 to vector<16xi32>
          %gather3A_337 = tpu.vector_load_idx %arg8[%add3A_219, %broadcast_in_dim3A_336] : memref<128x64xf32, #tpu.memory_space<vmem>>[vector<16xi32>, vector<16xi32>], vector<16xf32>,
          %mul3A_338 = arith.mulf %gather3A_337, %get3A_223 : vector<16xf32>
          tpu.vector_store_idx %arg8[%add3A_219, %broadcast_in_dim3A_336], %mul3A_338 : memref<128x64xf32, #tpu.memory_space<vmem>>[vector<16xi32>, vector<16xi32>], vector<16xf32>,
          %broadcast_in_dim3A_339 = arith.constant 29 : i32
          %broadcast_in_dim3A_340 = vector.broadcast %broadcast_in_dim3A_339 : i32 to vector<16xi32>
          %gather3A_341 = tpu.vector_load_idx %arg8[%add3A_219, %broadcast_in_dim3A_340] : memref<128x64xf32, #tpu.memory_space<vmem>>[vector<16xi32>, vector<16xi32>], vector<16xf32>,
          %mul3A_342 = arith.mulf %gather3A_341, %get3A_223 : vector<16xf32>
          tpu.vector_store_idx %arg8[%add3A_219, %broadcast_in_dim3A_340], %mul3A_342 : memref<128x64xf32, #tpu.memory_space<vmem>>[vector<16xi32>, vector<16xi32>], vector<16xf32>,
          %broadcast_in_dim3A_343 = arith.constant 30 : i32
          %broadcast_in_dim3A_344 = vector.broadcast %broadcast_in_dim3A_343 : i32 to vector<16xi32>
          %gather3A_345 = tpu.vector_load_idx %arg8[%add3A_219, %broadcast_in_dim3A_344] : memref<128x64xf32, #tpu.memory_space<vmem>>[vector<16xi32>, vector<16xi32>], vector<16xf32>,
          %mul3A_346 = arith.mulf %gather3A_345, %get3A_223 : vector<16xf32>
          tpu.vector_store_idx %arg8[%add3A_219, %broadcast_in_dim3A_344], %mul3A_346 : memref<128x64xf32, #tpu.memory_space<vmem>>[vector<16xi32>, vector<16xi32>], vector<16xf32>,
          %broadcast_in_dim3A_347 = arith.constant 31 : i32
          %broadcast_in_dim3A_348 = vector.broadcast %broadcast_in_dim3A_347 : i32 to vector<16xi32>
          %gather3A_349 = tpu.vector_load_idx %arg8[%add3A_219, %broadcast_in_dim3A_348] : memref<128x64xf32, #tpu.memory_space<vmem>>[vector<16xi32>, vector<16xi32>], vector<16xf32>,
          %mul3A_350 = arith.mulf %gather3A_349, %get3A_223 : vector<16xf32>
          tpu.vector_store_idx %arg8[%add3A_219, %broadcast_in_dim3A_348], %mul3A_350 : memref<128x64xf32, #tpu.memory_space<vmem>>[vector<16xi32>, vector<16xi32>], vector<16xf32>,
          %broadcast_in_dim3A_351 = arith.constant 32 : i32
          %broadcast_in_dim3A_352 = vector.broadcast %broadcast_in_dim3A_351 : i32 to vector<16xi32>
          %gather3A_353 = tpu.vector_load_idx %arg8[%add3A_219, %broadcast_in_dim3A_352] : memref<128x64xf32, #tpu.memory_space<vmem>>[vector<16xi32>, vector<16xi32>], vector<16xf32>,
          %mul3A_354 = arith.mulf %gather3A_353, %get3A_223 : vector<16xf32>
          tpu.vector_store_idx %arg8[%add3A_219, %broadcast_in_dim3A_352], %mul3A_354 : memref<128x64xf32, #tpu.memory_space<vmem>>[vector<16xi32>, vector<16xi32>], vector<16xf32>,
          %broadcast_in_dim3A_355 = arith.constant 33 : i32
          %broadcast_in_dim3A_356 = vector.broadcast %broadcast_in_dim3A_355 : i32 to vector<16xi32>
          %gather3A_357 = tpu.vector_load_idx %arg8[%add3A_219, %broadcast_in_dim3A_356] : memref<128x64xf32, #tpu.memory_space<vmem>>[vector<16xi32>, vector<16xi32>], vector<16xf32>,
          %mul3A_358 = arith.mulf %gather3A_357, %get3A_223 : vector<16xf32>
          tpu.vector_store_idx %arg8[%add3A_219, %broadcast_in_dim3A_356], %mul3A_358 : memref<128x64xf32, #tpu.memory_space<vmem>>[vector<16xi32>, vector<16xi32>], vector<16xf32>,
          %broadcast_in_dim3A_359 = arith.constant 34 : i32
          %broadcast_in_dim3A_360 = vector.broadcast %broadcast_in_dim3A_359 : i32 to vector<16xi32>
          %gather3A_361 = tpu.vector_load_idx %arg8[%add3A_219, %broadcast_in_dim3A_360] : memref<128x64xf32, #tpu.memory_space<vmem>>[vector<16xi32>, vector<16xi32>], vector<16xf32>,
          %mul3A_362 = arith.mulf %gather3A_361, %get3A_223 : vector<16xf32>
          tpu.vector_store_idx %arg8[%add3A_219, %broadcast_in_dim3A_360], %mul3A_362 : memref<128x64xf32, #tpu.memory_space<vmem>>[vector<16xi32>, vector<16xi32>], vector<16xf32>,
          %broadcast_in_dim3A_363 = arith.constant 35 : i32
          %broadcast_in_dim3A_364 = vector.broadcast %broadcast_in_dim3A_363 : i32 to vector<16xi32>
          %gather3A_365 = tpu.vector_load_idx %arg8[%add3A_219, %broadcast_in_dim3A_364] : memref<128x64xf32, #tpu.memory_space<vmem>>[vector<16xi32>, vector<16xi32>], vector<16xf32>,
          %mul3A_366 = arith.mulf %gather3A_365, %get3A_223 : vector<16xf32>
          tpu.vector_store_idx %arg8[%add3A_219, %broadcast_in_dim3A_364], %mul3A_366 : memref<128x64xf32, #tpu.memory_space<vmem>>[vector<16xi32>, vector<16xi32>], vector<16xf32>,
          %broadcast_in_dim3A_367 = arith.constant 36 : i32
          %broadcast_in_dim3A_368 = vector.broadcast %broadcast_in_dim3A_367 : i32 to vector<16xi32>
          %gather3A_369 = tpu.vector_load_idx %arg8[%add3A_219, %broadcast_in_dim3A_368] : memref<128x64xf32, #tpu.memory_space<vmem>>[vector<16xi32>, vector<16xi32>], vector<16xf32>,
          %mul3A_370 = arith.mulf %gather3A_369, %get3A_223 : vector<16xf32>
          tpu.vector_store_idx %arg8[%add3A_219, %broadcast_in_dim3A_368], %mul3A_370 : memref<128x64xf32, #tpu.memory_space<vmem>>[vector<16xi32>, vector<16xi32>], vector<16xf32>,
          %broadcast_in_dim3A_371 = arith.constant 37 : i32
          %broadcast_in_dim3A_372 = vector.broadcast %broadcast_in_dim3A_371 : i32 to vector<16xi32>
          %gather3A_373 = tpu.vector_load_idx %arg8[%add3A_219, %broadcast_in_dim3A_372] : memref<128x64xf32, #tpu.memory_space<vmem>>[vector<16xi32>, vector<16xi32>], vector<16xf32>,
          %mul3A_374 = arith.mulf %gather3A_373, %get3A_223 : vector<16xf32>
          tpu.vector_store_idx %arg8[%add3A_219, %broadcast_in_dim3A_372], %mul3A_374 : memref<128x64xf32, #tpu.memory_space<vmem>>[vector<16xi32>, vector<16xi32>], vector<16xf32>,
          %broadcast_in_dim3A_375 = arith.constant 38 : i32
          %broadcast_in_dim3A_376 = vector.broadcast %broadcast_in_dim3A_375 : i32 to vector<16xi32>
          %gather3A_377 = tpu.vector_load_idx %arg8[%add3A_219, %broadcast_in_dim3A_376] : memref<128x64xf32, #tpu.memory_space<vmem>>[vector<16xi32>, vector<16xi32>], vector<16xf32>,
          %mul3A_378 = arith.mulf %gather3A_377, %get3A_223 : vector<16xf32>
          tpu.vector_store_idx %arg8[%add3A_219, %broadcast_in_dim3A_376], %mul3A_378 : memref<128x64xf32, #tpu.memory_space<vmem>>[vector<16xi32>, vector<16xi32>], vector<16xf32>,
          %broadcast_in_dim3A_379 = arith.constant 39 : i32
          %broadcast_in_dim3A_380 = vector.broadcast %broadcast_in_dim3A_379 : i32 to vector<16xi32>
          %gather3A_381 = tpu.vector_load_idx %arg8[%add3A_219, %broadcast_in_dim3A_380] : memref<128x64xf32, #tpu.memory_space<vmem>>[vector<16xi32>, vector<16xi32>], vector<16xf32>,
          %mul3A_382 = arith.mulf %gather3A_381, %get3A_223 : vector<16xf32>
          tpu.vector_store_idx %arg8[%add3A_219, %broadcast_in_dim3A_380], %mul3A_382 : memref<128x64xf32, #tpu.memory_space<vmem>>[vector<16xi32>, vector<16xi32>], vector<16xf32>,
          %broadcast_in_dim3A_383 = arith.constant 40 : i32
          %broadcast_in_dim3A_384 = vector.broadcast %broadcast_in_dim3A_383 : i32 to vector<16xi32>
          %gather3A_385 = tpu.vector_load_idx %arg8[%add3A_219, %broadcast_in_dim3A_384] : memref<128x64xf32, #tpu.memory_space<vmem>>[vector<16xi32>, vector<16xi32>], vector<16xf32>,
          %mul3A_386 = arith.mulf %gather3A_385, %get3A_223 : vector<16xf32>
          tpu.vector_store_idx %arg8[%add3A_219, %broadcast_in_dim3A_384], %mul3A_386 : memref<128x64xf32, #tpu.memory_space<vmem>>[vector<16xi32>, vector<16xi32>], vector<16xf32>,
          %broadcast_in_dim3A_387 = arith.constant 41 : i32
          %broadcast_in_dim3A_388 = vector.broadcast %broadcast_in_dim3A_387 : i32 to vector<16xi32>
          %gather3A_389 = tpu.vector_load_idx %arg8[%add3A_219, %broadcast_in_dim3A_388] : memref<128x64xf32, #tpu.memory_space<vmem>>[vector<16xi32>, vector<16xi32>], vector<16xf32>,
          %mul3A_390 = arith.mulf %gather3A_389, %get3A_223 : vector<16xf32>
          tpu.vector_store_idx %arg8[%add3A_219, %broadcast_in_dim3A_388], %mul3A_390 : memref<128x64xf32, #tpu.memory_space<vmem>>[vector<16xi32>, vector<16xi32>], vector<16xf32>,
          %broadcast_in_dim3A_391 = arith.constant 42 : i32
          %broadcast_in_dim3A_392 = vector.broadcast %broadcast_in_dim3A_391 : i32 to vector<16xi32>
          %gather3A_393 = tpu.vector_load_idx %arg8[%add3A_219, %broadcast_in_dim3A_392] : memref<128x64xf32, #tpu.memory_space<vmem>>[vector<16xi32>, vector<16xi32>], vector<16xf32>,
          %mul3A_394 = arith.mulf %gather3A_393, %get3A_223 : vector<16xf32>
          tpu.vector_store_idx %arg8[%add3A_219, %broadcast_in_dim3A_392], %mul3A_394 : memref<128x64xf32, #tpu.memory_space<vmem>>[vector<16xi32>, vector<16xi32>], vector<16xf32>,
          %broadcast_in_dim3A_395 = arith.constant 43 : i32
          %broadcast_in_dim3A_396 = vector.broadcast %broadcast_in_dim3A_395 : i32 to vector<16xi32>
          %gather3A_397 = tpu.vector_load_idx %arg8[%add3A_219, %broadcast_in_dim3A_396] : memref<128x64xf32, #tpu.memory_space<vmem>>[vector<16xi32>, vector<16xi32>], vector<16xf32>,
          %mul3A_398 = arith.mulf %gather3A_397, %get3A_223 : vector<16xf32>
          tpu.vector_store_idx %arg8[%add3A_219, %broadcast_in_dim3A_396], %mul3A_398 : memref<128x64xf32, #tpu.memory_space<vmem>>[vector<16xi32>, vector<16xi32>], vector<16xf32>,
          %broadcast_in_dim3A_399 = arith.constant 44 : i32
          %broadcast_in_dim3A_400 = vector.broadcast %broadcast_in_dim3A_399 : i32 to vector<16xi32>
          %gather3A_401 = tpu.vector_load_idx %arg8[%add3A_219, %broadcast_in_dim3A_400] : memref<128x64xf32, #tpu.memory_space<vmem>>[vector<16xi32>, vector<16xi32>], vector<16xf32>,
          %mul3A_402 = arith.mulf %gather3A_401, %get3A_223 : vector<16xf32>
          tpu.vector_store_idx %arg8[%add3A_219, %broadcast_in_dim3A_400], %mul3A_402 : memref<128x64xf32, #tpu.memory_space<vmem>>[vector<16xi32>, vector<16xi32>], vector<16xf32>,
          %broadcast_in_dim3A_403 = arith.constant 45 : i32
          %broadcast_in_dim3A_404 = vector.broadcast %broadcast_in_dim3A_403 : i32 to vector<16xi32>
          %gather3A_405 = tpu.vector_load_idx %arg8[%add3A_219, %broadcast_in_dim3A_404] : memref<128x64xf32, #tpu.memory_space<vmem>>[vector<16xi32>, vector<16xi32>], vector<16xf32>,
          %mul3A_406 = arith.mulf %gather3A_405, %get3A_223 : vector<16xf32>
          tpu.vector_store_idx %arg8[%add3A_219, %broadcast_in_dim3A_404], %mul3A_406 : memref<128x64xf32, #tpu.memory_space<vmem>>[vector<16xi32>, vector<16xi32>], vector<16xf32>,
          %broadcast_in_dim3A_407 = arith.constant 46 : i32
          %broadcast_in_dim3A_408 = vector.broadcast %broadcast_in_dim3A_407 : i32 to vector<16xi32>
          %gather3A_409 = tpu.vector_load_idx %arg8[%add3A_219, %broadcast_in_dim3A_408] : memref<128x64xf32, #tpu.memory_space<vmem>>[vector<16xi32>, vector<16xi32>], vector<16xf32>,
          %mul3A_410 = arith.mulf %gather3A_409, %get3A_223 : vector<16xf32>
          tpu.vector_store_idx %arg8[%add3A_219, %broadcast_in_dim3A_408], %mul3A_410 : memref<128x64xf32, #tpu.memory_space<vmem>>[vector<16xi32>, vector<16xi32>], vector<16xf32>,
          %broadcast_in_dim3A_411 = arith.constant 47 : i32
          %broadcast_in_dim3A_412 = vector.broadcast %broadcast_in_dim3A_411 : i32 to vector<16xi32>
          %gather3A_413 = tpu.vector_load_idx %arg8[%add3A_219, %broadcast_in_dim3A_412] : memref<128x64xf32, #tpu.memory_space<vmem>>[vector<16xi32>, vector<16xi32>], vector<16xf32>,
          %mul3A_414 = arith.mulf %gather3A_413, %get3A_223 : vector<16xf32>
          tpu.vector_store_idx %arg8[%add3A_219, %broadcast_in_dim3A_412], %mul3A_414 : memref<128x64xf32, #tpu.memory_space<vmem>>[vector<16xi32>, vector<16xi32>], vector<16xf32>,
          %broadcast_in_dim3A_415 = arith.constant 48 : i32
          %broadcast_in_dim3A_416 = vector.broadcast %broadcast_in_dim3A_415 : i32 to vector<16xi32>
          %gather3A_417 = tpu.vector_load_idx %arg8[%add3A_219, %broadcast_in_dim3A_416] : memref<128x64xf32, #tpu.memory_space<vmem>>[vector<16xi32>, vector<16xi32>], vector<16xf32>,
          %mul3A_418 = arith.mulf %gather3A_417, %get3A_223 : vector<16xf32>
          tpu.vector_store_idx %arg8[%add3A_219, %broadcast_in_dim3A_416], %mul3A_418 : memref<128x64xf32, #tpu.memory_space<vmem>>[vector<16xi32>, vector<16xi32>], vector<16xf32>,
          %broadcast_in_dim3A_419 = arith.constant 49 : i32
          %broadcast_in_dim3A_420 = vector.broadcast %broadcast_in_dim3A_419 : i32 to vector<16xi32>
          %gather3A_421 = tpu.vector_load_idx %arg8[%add3A_219, %broadcast_in_dim3A_420] : memref<128x64xf32, #tpu.memory_space<vmem>>[vector<16xi32>, vector<16xi32>], vector<16xf32>,
          %mul3A_422 = arith.mulf %gather3A_421, %get3A_223 : vector<16xf32>
          tpu.vector_store_idx %arg8[%add3A_219, %broadcast_in_dim3A_420], %mul3A_422 : memref<128x64xf32, #tpu.memory_space<vmem>>[vector<16xi32>, vector<16xi32>], vector<16xf32>,
          %broadcast_in_dim3A_423 = arith.constant 50 : i32
          %broadcast_in_dim3A_424 = vector.broadcast %broadcast_in_dim3A_423 : i32 to vector<16xi32>
          %gather3A_425 = tpu.vector_load_idx %arg8[%add3A_219, %broadcast_in_dim3A_424] : memref<128x64xf32, #tpu.memory_space<vmem>>[vector<16xi32>, vector<16xi32>], vector<16xf32>,
          %mul3A_426 = arith.mulf %gather3A_425, %get3A_223 : vector<16xf32>
          tpu.vector_store_idx %arg8[%add3A_219, %broadcast_in_dim3A_424], %mul3A_426 : memref<128x64xf32, #tpu.memory_space<vmem>>[vector<16xi32>, vector<16xi32>], vector<16xf32>,
          %broadcast_in_dim3A_427 = arith.constant 51 : i32
          %broadcast_in_dim3A_428 = vector.broadcast %broadcast_in_dim3A_427 : i32 to vector<16xi32>
          %gather3A_429 = tpu.vector_load_idx %arg8[%add3A_219, %broadcast_in_dim3A_428] : memref<128x64xf32, #tpu.memory_space<vmem>>[vector<16xi32>, vector<16xi32>], vector<16xf32>,
          %mul3A_430 = arith.mulf %gather3A_429, %get3A_223 : vector<16xf32>
          tpu.vector_store_idx %arg8[%add3A_219, %broadcast_in_dim3A_428], %mul3A_430 : memref<128x64xf32, #tpu.memory_space<vmem>>[vector<16xi32>, vector<16xi32>], vector<16xf32>,
          %broadcast_in_dim3A_431 = arith.constant 52 : i32
          %broadcast_in_dim3A_432 = vector.broadcast %broadcast_in_dim3A_431 : i32 to vector<16xi32>
          %gather3A_433 = tpu.vector_load_idx %arg8[%add3A_219, %broadcast_in_dim3A_432] : memref<128x64xf32, #tpu.memory_space<vmem>>[vector<16xi32>, vector<16xi32>], vector<16xf32>,
          %mul3A_434 = arith.mulf %gather3A_433, %get3A_223 : vector<16xf32>
          tpu.vector_store_idx %arg8[%add3A_219, %broadcast_in_dim3A_432], %mul3A_434 : memref<128x64xf32, #tpu.memory_space<vmem>>[vector<16xi32>, vector<16xi32>], vector<16xf32>,
          %broadcast_in_dim3A_435 = arith.constant 53 : i32
          %broadcast_in_dim3A_436 = vector.broadcast %broadcast_in_dim3A_435 : i32 to vector<16xi32>
          %gather3A_437 = tpu.vector_load_idx %arg8[%add3A_219, %broadcast_in_dim3A_436] : memref<128x64xf32, #tpu.memory_space<vmem>>[vector<16xi32>, vector<16xi32>], vector<16xf32>,
          %mul3A_438 = arith.mulf %gather3A_437, %get3A_223 : vector<16xf32>
          tpu.vector_store_idx %arg8[%add3A_219, %broadcast_in_dim3A_436], %mul3A_438 : memref<128x64xf32, #tpu.memory_space<vmem>>[vector<16xi32>, vector<16xi32>], vector<16xf32>,
          %broadcast_in_dim3A_439 = arith.constant 54 : i32
          %broadcast_in_dim3A_440 = vector.broadcast %broadcast_in_dim3A_439 : i32 to vector<16xi32>
          %gather3A_441 = tpu.vector_load_idx %arg8[%add3A_219, %broadcast_in_dim3A_440] : memref<128x64xf32, #tpu.memory_space<vmem>>[vector<16xi32>, vector<16xi32>], vector<16xf32>,
          %mul3A_442 = arith.mulf %gather3A_441, %get3A_223 : vector<16xf32>
          tpu.vector_store_idx %arg8[%add3A_219, %broadcast_in_dim3A_440], %mul3A_442 : memref<128x64xf32, #tpu.memory_space<vmem>>[vector<16xi32>, vector<16xi32>], vector<16xf32>,
          %broadcast_in_dim3A_443 = arith.constant 55 : i32
          %broadcast_in_dim3A_444 = vector.broadcast %broadcast_in_dim3A_443 : i32 to vector<16xi32>
          %gather3A_445 = tpu.vector_load_idx %arg8[%add3A_219, %broadcast_in_dim3A_444] : memref<128x64xf32, #tpu.memory_space<vmem>>[vector<16xi32>, vector<16xi32>], vector<16xf32>,
          %mul3A_446 = arith.mulf %gather3A_445, %get3A_223 : vector<16xf32>
          tpu.vector_store_idx %arg8[%add3A_219, %broadcast_in_dim3A_444], %mul3A_446 : memref<128x64xf32, #tpu.memory_space<vmem>>[vector<16xi32>, vector<16xi32>], vector<16xf32>,
          %broadcast_in_dim3A_447 = arith.constant 56 : i32
          %broadcast_in_dim3A_448 = vector.broadcast %broadcast_in_dim3A_447 : i32 to vector<16xi32>
          %gather3A_449 = tpu.vector_load_idx %arg8[%add3A_219, %broadcast_in_dim3A_448] : memref<128x64xf32, #tpu.memory_space<vmem>>[vector<16xi32>, vector<16xi32>], vector<16xf32>,
          %mul3A_450 = arith.mulf %gather3A_449, %get3A_223 : vector<16xf32>
          tpu.vector_store_idx %arg8[%add3A_219, %broadcast_in_dim3A_448], %mul3A_450 : memref<128x64xf32, #tpu.memory_space<vmem>>[vector<16xi32>, vector<16xi32>], vector<16xf32>,
          %broadcast_in_dim3A_451 = arith.constant 57 : i32
          %broadcast_in_dim3A_452 = vector.broadcast %broadcast_in_dim3A_451 : i32 to vector<16xi32>
          %gather3A_453 = tpu.vector_load_idx %arg8[%add3A_219, %broadcast_in_dim3A_452] : memref<128x64xf32, #tpu.memory_space<vmem>>[vector<16xi32>, vector<16xi32>], vector<16xf32>,
          %mul3A_454 = arith.mulf %gather3A_453, %get3A_223 : vector<16xf32>
          tpu.vector_store_idx %arg8[%add3A_219, %broadcast_in_dim3A_452], %mul3A_454 : memref<128x64xf32, #tpu.memory_space<vmem>>[vector<16xi32>, vector<16xi32>], vector<16xf32>,
          %broadcast_in_dim3A_455 = arith.constant 58 : i32
          %broadcast_in_dim3A_456 = vector.broadcast %broadcast_in_dim3A_455 : i32 to vector<16xi32>
          %gather3A_457 = tpu.vector_load_idx %arg8[%add3A_219, %broadcast_in_dim3A_456] : memref<128x64xf32, #tpu.memory_space<vmem>>[vector<16xi32>, vector<16xi32>], vector<16xf32>,
          %mul3A_458 = arith.mulf %gather3A_457, %get3A_223 : vector<16xf32>
          tpu.vector_store_idx %arg8[%add3A_219, %broadcast_in_dim3A_456], %mul3A_458 : memref<128x64xf32, #tpu.memory_space<vmem>>[vector<16xi32>, vector<16xi32>], vector<16xf32>,
          %broadcast_in_dim3A_459 = arith.constant 59 : i32
          %broadcast_in_dim3A_460 = vector.broadcast %broadcast_in_dim3A_459 : i32 to vector<16xi32>
          %gather3A_461 = tpu.vector_load_idx %arg8[%add3A_219, %broadcast_in_dim3A_460] : memref<128x64xf32, #tpu.memory_space<vmem>>[vector<16xi32>, vector<16xi32>], vector<16xf32>,
          %mul3A_462 = arith.mulf %gather3A_461, %get3A_223 : vector<16xf32>
          tpu.vector_store_idx %arg8[%add3A_219, %broadcast_in_dim3A_460], %mul3A_462 : memref<128x64xf32, #tpu.memory_space<vmem>>[vector<16xi32>, vector<16xi32>], vector<16xf32>,
          %broadcast_in_dim3A_463 = arith.constant 60 : i32
          %broadcast_in_dim3A_464 = vector.broadcast %broadcast_in_dim3A_463 : i32 to vector<16xi32>
          %gather3A_465 = tpu.vector_load_idx %arg8[%add3A_219, %broadcast_in_dim3A_464] : memref<128x64xf32, #tpu.memory_space<vmem>>[vector<16xi32>, vector<16xi32>], vector<16xf32>,
          %mul3A_466 = arith.mulf %gather3A_465, %get3A_223 : vector<16xf32>
          tpu.vector_store_idx %arg8[%add3A_219, %broadcast_in_dim3A_464], %mul3A_466 : memref<128x64xf32, #tpu.memory_space<vmem>>[vector<16xi32>, vector<16xi32>], vector<16xf32>,
          %broadcast_in_dim3A_467 = arith.constant 61 : i32
          %broadcast_in_dim3A_468 = vector.broadcast %broadcast_in_dim3A_467 : i32 to vector<16xi32>
          %gather3A_469 = tpu.vector_load_idx %arg8[%add3A_219, %broadcast_in_dim3A_468] : memref<128x64xf32, #tpu.memory_space<vmem>>[vector<16xi32>, vector<16xi32>], vector<16xf32>,
          %mul3A_470 = arith.mulf %gather3A_469, %get3A_223 : vector<16xf32>
          tpu.vector_store_idx %arg8[%add3A_219, %broadcast_in_dim3A_468], %mul3A_470 : memref<128x64xf32, #tpu.memory_space<vmem>>[vector<16xi32>, vector<16xi32>], vector<16xf32>,
          %broadcast_in_dim3A_471 = arith.constant 62 : i32
          %broadcast_in_dim3A_472 = vector.broadcast %broadcast_in_dim3A_471 : i32 to vector<16xi32>
          %gather3A_473 = tpu.vector_load_idx %arg8[%add3A_219, %broadcast_in_dim3A_472] : memref<128x64xf32, #tpu.memory_space<vmem>>[vector<16xi32>, vector<16xi32>], vector<16xf32>,
          %mul3A_474 = arith.mulf %gather3A_473, %get3A_223 : vector<16xf32>
          tpu.vector_store_idx %arg8[%add3A_219, %broadcast_in_dim3A_472], %mul3A_474 : memref<128x64xf32, #tpu.memory_space<vmem>>[vector<16xi32>, vector<16xi32>], vector<16xf32>,
          %broadcast_in_dim3A_475 = arith.constant 63 : i32
          %broadcast_in_dim3A_476 = vector.broadcast %broadcast_in_dim3A_475 : i32 to vector<16xi32>
          %gather3A_477 = tpu.vector_load_idx %arg8[%add3A_219, %broadcast_in_dim3A_476] : memref<128x64xf32, #tpu.memory_space<vmem>>[vector<16xi32>, vector<16xi32>], vector<16xf32>,
          %mul3A_478 = arith.mulf %gather3A_477, %get3A_223 : vector<16xf32>
          tpu.vector_store_idx %arg8[%add3A_219, %broadcast_in_dim3A_476], %mul3A_478 : memref<128x64xf32, #tpu.memory_space<vmem>>[vector<16xi32>, vector<16xi32>], vector<16xf32>,
          %scan3A_479 = arith.constant 0 : i32
          scf.yield %scan3A_479 : i32
        }
        %scan3A_213 = arith.constant 8 : i32
        "tpu.region"() ({
          %run_scoped3A = tpu.sem_alloc : memref<!tpu.dma_semaphore, #tpu.memory_space<semaphore_mem>>
          %dma_start3A_214 = arith.constant 0 : i32
          %dma_start3A_215 = arith.constant 0 : i32
          %dma_start3A_216 = tpu.memref_slice %arg7[%dma_start3A_214, %dma_start3A_215] : memref<25088x64xf32, #tpu.memory_space<vmem_shared>> -> memref<25088x64xf32, #tpu.memory_space<vmem_shared>>
          tpu.enqueue_indirect_dma source(%arg8 : memref<128x64xf32, #tpu.memory_space<vmem>>) target(%dma_start3A_216 : memref<25088x64xf32, #tpu.memory_space<vmem_shared>>) offsets(%arg12 : memref<128xi32, #tpu.memory_space<vmem>>) semaphore(%run_scoped3A : memref<!tpu.dma_semaphore, #tpu.memory_space<semaphore_mem>>) {add = true}
          %dma_wait3A_217 = arith.constant 0 : i32
          %dma_wait3A_218 = arith.constant 0 : i32
          %dma_wait3A_219 = tpu.memref_slice %arg7[%dma_wait3A_217, %dma_wait3A_218] : memref<25088x64xf32, #tpu.memory_space<vmem_shared>> -> memref<25088x64xf32, #tpu.memory_space<vmem_shared>>
          tpu.wait_indirect_dma semaphore(%run_scoped3A : memref<!tpu.dma_semaphore, #tpu.memory_space<semaphore_mem>>) src(%arg8 : memref<128x64xf32, #tpu.memory_space<vmem>>) dst(%dma_wait3A_219 : memref<25088x64xf32, #tpu.memory_space<vmem_shared>>)
          tpu.yield
        }) : () -> ()
      } else {
      }
      %scan3A_55 = arith.constant 0 : i32
      scf.yield %scan3A_55 : i32
    }
    %scan3A_25 = arith.constant 391 : i32
    %barrier3A_26 = arith.constant 0 : index
    tpu.barrier barrier_id(%barrier3A_26)
    %scan3A_27 = arith.constant 0 : i32
    %scan3A_28 = arith.constant 0 : i32
    %scan3A_29 = arith.constant 40 : i32
    %scan3A_30 = arith.addi %scan3A_28, %scan3A_29 : i32
    %scan3A_31 = arith.constant 1 : i32
    %scan3A_32 = scf.for %scan3A_48 = %scan3A_28 to %scan3A_30 step %scan3A_31 iter_args(%scan3A_49 = %scan3A_27) -> (i32)  : i32 {
      %mul3A_50 = arith.constant 16 : i32
      %mul3A_51 = arith.muli %mul3A_50, %scan3A_48 : i32
      %add3A_52 = arith.addi %arg1, %mul3A_51 : i32
      %lt3A = arith.constant 625 : i32
      %lt3A_53 = arith.cmpi slt, %add3A_52, %lt3A : i32
      %convert_element_type3A = arith.extui %lt3A_53 : i1 to i32
      %cond3A = arith.constant 0 : i32
      %cond3A_54 = arith.cmpi ne, %convert_element_type3A, %cond3A : i32
      scf.if %cond3A_54 {
        %mul3A_56 = arith.constant 40 : i32
        %mul3A_57 = arith.muli %add3A_52, %mul3A_56 : i32
        %mul3A_58 = arith.constant 25000 : i32
        %mul3A_59 = arith.muli %arg0, %mul3A_58 : i32
        %mul3A_60 = arith.constant 40 : i32
        %mul3A_61 = arith.muli %add3A_52, %mul3A_60 : i32
        %add3A_62 = arith.addi %mul3A_59, %mul3A_61 : i32
        "tpu.region"() ({
          %run_scoped3A = tpu.sem_alloc : memref<!tpu.dma_semaphore, #tpu.memory_space<semaphore_mem>>
          %dma_start3A = arith.constant 0 : i32
          %dma_start3A_63 = tpu.memref_slice %arg5[%add3A_62, %dma_start3A] : memref<50000x64xf32, #tpu.memory_space<hbm>> -> memref<40x64xf32, #tpu.memory_space<hbm>>
          %dma_start3A_64 = arith.constant 0 : i32
          %dma_start3A_65 = tpu.memref_slice %arg7[%mul3A_57, %dma_start3A_64] : memref<25088x64xf32, #tpu.memory_space<vmem_shared>> -> memref<40x64xf32, #tpu.memory_space<vmem_shared>>
          tpu.enqueue_dma source(%dma_start3A_65 : memref<40x64xf32, #tpu.memory_space<vmem_shared>>) target(%dma_start3A_63 : memref<40x64xf32, #tpu.memory_space<hbm>>) target_semaphore(%run_scoped3A : memref<!tpu.dma_semaphore, #tpu.memory_space<semaphore_mem>>)
          %dma_wait3A = arith.constant 0 : i32
          %dma_wait3A_66 = tpu.memref_slice %arg5[%add3A_62, %dma_wait3A] : memref<50000x64xf32, #tpu.memory_space<hbm>> -> memref<40x64xf32, #tpu.memory_space<hbm>>
          %dma_wait3A_67 = arith.constant 0 : i32
          %dma_wait3A_68 = tpu.memref_slice %arg7[%mul3A_57, %dma_wait3A_67] : memref<25088x64xf32, #tpu.memory_space<vmem_shared>> -> memref<40x64xf32, #tpu.memory_space<vmem_shared>>
          tpu.wait_dma2 semaphore(%run_scoped3A : memref<!tpu.dma_semaphore, #tpu.memory_space<semaphore_mem>>) src(%dma_wait3A_68 : memref<40x64xf32, #tpu.memory_space<vmem_shared>>) dst(%dma_wait3A_66 : memref<40x64xf32, #tpu.memory_space<hbm>>)
          tpu.yield
        }) : () -> ()
      } else {
      }
      %scan3A_55 = arith.constant 0 : i32
      scf.yield %scan3A_55 : i32
    }
    %scan3A_33 = arith.constant 40 : i32
    %scan3A_34 = arith.constant 0 : i32
    %scan3A_35 = arith.constant 0 : i32
    %scan3A_36 = arith.constant 128 : i32
    %scan3A_37 = arith.addi %scan3A_35, %scan3A_36 : i32
    %scan3A_38 = arith.constant 1 : i32
    %scan3A_39 = scf.for %scan3A_48 = %scan3A_35 to %scan3A_37 step %scan3A_38 iter_args(%scan3A_49 = %scan3A_34) -> (i32)  : i32 {
      %swap3A = arith.index_cast %scan3A_48 : i32 to index
      %swap3A_50 = arith.constant 0 : index
      %swap3A_51 = tpu.vector_load %arg8[%swap3A, %swap3A_50] {strides = array<i32>} : memref<128x64xf32, #tpu.memory_space<vmem>>, vector<16xf32>,
      tpu.vector_store %arg8[%swap3A, %swap3A_50], %broadcast_in_dim3A_1 {strides = array<i32>} : memref<128x64xf32, #tpu.memory_space<vmem>>, vector<16xf32>,
      %swap3A_52 = arith.index_cast %scan3A_48 : i32 to index
      %swap3A_53 = arith.constant 16 : index
      %swap3A_54 = tpu.vector_load %arg8[%swap3A_52, %swap3A_53] {strides = array<i32>} : memref<128x64xf32, #tpu.memory_space<vmem>>, vector<16xf32>,
      tpu.vector_store %arg8[%swap3A_52, %swap3A_53], %broadcast_in_dim3A_1 {strides = array<i32>} : memref<128x64xf32, #tpu.memory_space<vmem>>, vector<16xf32>,
      %swap3A_55 = arith.index_cast %scan3A_48 : i32 to index
      %swap3A_56 = arith.constant 32 : index
      %swap3A_57 = tpu.vector_load %arg8[%swap3A_55, %swap3A_56] {strides = array<i32>} : memref<128x64xf32, #tpu.memory_space<vmem>>, vector<16xf32>,
      tpu.vector_store %arg8[%swap3A_55, %swap3A_56], %broadcast_in_dim3A_1 {strides = array<i32>} : memref<128x64xf32, #tpu.memory_space<vmem>>, vector<16xf32>,
      %swap3A_58 = arith.index_cast %scan3A_48 : i32 to index
      %swap3A_59 = arith.constant 48 : index
      %swap3A_60 = tpu.vector_load %arg8[%swap3A_58, %swap3A_59] {strides = array<i32>} : memref<128x64xf32, #tpu.memory_space<vmem>>, vector<16xf32>,
      tpu.vector_store %arg8[%swap3A_58, %swap3A_59], %broadcast_in_dim3A_1 {strides = array<i32>} : memref<128x64xf32, #tpu.memory_space<vmem>>, vector<16xf32>,
      %scan3A_61 = arith.constant 0 : i32
      scf.yield %scan3A_61 : i32
    }
    %scan3A_40 = arith.constant 128 : i32
    %scan3A_41 = arith.constant 0 : i32
    %scan3A_42 = arith.constant 0 : i32
    %scan3A_43 = arith.constant 40 : i32
    %scan3A_44 = arith.addi %scan3A_42, %scan3A_43 : i32
    %scan3A_45 = arith.constant 1 : i32
    %scan3A_46 = scf.for %scan3A_48 = %scan3A_42 to %scan3A_44 step %scan3A_45 iter_args(%scan3A_49 = %scan3A_41) -> (i32)  : i32 {
      %mul3A_50 = arith.constant 32 : i32
      %mul3A_51 = arith.muli %mul3A_50, %scan3A_48 : i32
      %add3A_52 = arith.addi %add3A, %mul3A_51 : i32
      %lt3A = arith.constant 1250 : i32
      %lt3A_53 = arith.cmpi slt, %add3A_52, %lt3A : i32
      %convert_element_type3A = arith.extui %lt3A_53 : i1 to i32
      %cond3A = arith.constant 0 : i32
      %cond3A_54 = arith.cmpi ne, %convert_element_type3A, %cond3A : i32
      scf.if %cond3A_54 {
        %mul3A_56 = arith.constant 40 : i32
        %mul3A_57 = arith.muli %add3A_52, %mul3A_56 : i32
        "tpu.region"() ({
          %run_scoped3A = tpu.sem_alloc : memref<!tpu.dma_semaphore, #tpu.memory_space<semaphore_mem>>
          %dma_start3A = arith.constant 0 : i32
          %dma_start3A_58 = arith.constant 0 : i32
          %dma_start3A_59 = tpu.memref_slice %arg8[%dma_start3A, %dma_start3A_58] : memref<128x64xf32, #tpu.memory_space<vmem>> -> memref<40x64xf32, #tpu.memory_space<vmem>>
          %dma_start3A_60 = arith.constant 0 : i32
          %dma_start3A_61 = tpu.memref_slice %arg6[%mul3A_57, %dma_start3A_60] : memref<50000x64xf32, #tpu.memory_space<hbm>> -> memref<40x64xf32, #tpu.memory_space<hbm>>
          %dma_start3A_62 = arith.constant 0 : i32
          %dma_start3A_63 = tpu.memref_slice %arg6[%mul3A_57, %dma_start3A_62] : memref<50000x64xf32, #tpu.memory_space<hbm>> -> memref<40x64xf32, #tpu.memory_space<hbm>>
          %dma_start3A_64 = arith.constant 0 : i32
          %dma_start3A_65 = arith.constant 0 : i32
          %dma_start3A_66 = tpu.memref_slice %arg8[%dma_start3A_64, %dma_start3A_65] : memref<128x64xf32, #tpu.memory_space<vmem>> -> memref<40x64xf32, #tpu.memory_space<vmem>>
          tpu.enqueue_dma source(%dma_start3A_66 : memref<40x64xf32, #tpu.memory_space<vmem>>) target(%dma_start3A_63 : memref<40x64xf32, #tpu.memory_space<hbm>>) target_semaphore(%run_scoped3A : memref<!tpu.dma_semaphore, #tpu.memory_space<semaphore_mem>>)
          %dma_wait3A = arith.constant 0 : i32
          %dma_wait3A_67 = arith.constant 0 : i32
          %dma_wait3A_68 = tpu.memref_slice %arg8[%dma_wait3A, %dma_wait3A_67] : memref<128x64xf32, #tpu.memory_space<vmem>> -> memref<40x64xf32, #tpu.memory_space<vmem>>
          %dma_wait3A_69 = arith.constant 0 : i32
          %dma_wait3A_70 = tpu.memref_slice %arg6[%mul3A_57, %dma_wait3A_69] : memref<50000x64xf32, #tpu.memory_space<hbm>> -> memref<40x64xf32, #tpu.memory_space<hbm>>
          %dma_wait3A_71 = arith.constant 0 : i32
          %dma_wait3A_72 = tpu.memref_slice %arg6[%mul3A_57, %dma_wait3A_71] : memref<50000x64xf32, #tpu.memory_space<hbm>> -> memref<40x64xf32, #tpu.memory_space<hbm>>
          %dma_wait3A_73 = arith.constant 0 : i32
          %dma_wait3A_74 = arith.constant 0 : i32
          %dma_wait3A_75 = tpu.memref_slice %arg8[%dma_wait3A_73, %dma_wait3A_74] : memref<128x64xf32, #tpu.memory_space<vmem>> -> memref<40x64xf32, #tpu.memory_space<vmem>>
          tpu.wait_dma2 semaphore(%run_scoped3A : memref<!tpu.dma_semaphore, #tpu.memory_space<semaphore_mem>>) src(%dma_wait3A_75 : memref<40x64xf32, #tpu.memory_space<vmem>>) dst(%dma_wait3A_72 : memref<40x64xf32, #tpu.memory_space<hbm>>)
          tpu.yield
        }) : () -> ()
      } else {
      }
      %scan3A_55 = arith.constant 0 : i32
      scf.yield %scan3A_55 : i32
    }
    %scan3A_47 = arith.constant 40 : i32
    return
  }
}

#map = affine_map<(d0, d1) -> (0, 0)>
#map1 = affine_map<(d0, d1) -> (0)>
module attributes {stable_mosaic.version = 14 : i64} {
  func.func @score(%arg0: i32, %arg1: i32, %arg2: memref<50000x64xf32, #tpu.memory_space<hbm>>, %arg3: memref<50000x64xf32, #tpu.memory_space<hbm>>, %arg4: memref<16384xi32, #tpu.memory_space<hbm>>, %arg5: memref<16384xi32, #tpu.memory_space<hbm>>, %arg6: memref<16384xf32, #tpu.memory_space<hbm>>, %arg7: memref<64x64xf32, #tpu.memory_space<vmem>>, %arg8: memref<64xi32, #tpu.memory_space<vmem>>, %arg9: memref<64xf32, #tpu.memory_space<vmem>>, %arg10: memref<!tpu.dma_semaphore, #tpu.memory_space<semaphore_mem>>, %arg11: memref<64x64xf32, #tpu.memory_space<vmem>>, %arg12: memref<64xi32, #tpu.memory_space<vmem>>) attributes {dimension_semantics = [#tpu.dimension_semantics<core_parallel>, #tpu.dimension_semantics<subcore_parallel>], iteration_bounds = array<i64: 2, 16>, scalar_prefetch = 0 : i64, scratch_operands = 6 : i64, tpu.core_type = #tpu.core_type<sc_vector_subcore>, window_params = [{transform_indices = #map}, {transform_indices = #map}, {transform_indices = #map1}, {transform_indices = #map1}, {transform_indices = #map1}]} {
    %mul3A = arith.constant 16 : i32
    %mul3A_0 = arith.muli %arg0, %mul3A : i32
    %add3A = arith.addi %mul3A_0, %arg1 : i32
    %scan3A = arith.constant 0.111111112 : f32
    %scan3A_1 = arith.constant 0 : i32
    %scan3A_2 = arith.constant 0 : i32
    %scan3A_3 = arith.constant 8 : i32
    %scan3A_4 = arith.addi %scan3A_2, %scan3A_3 : i32
    %scan3A_5 = arith.constant 1 : i32
    %scan3A_6 = scf.for %scan3A_8 = %scan3A_2 to %scan3A_4 step %scan3A_5 iter_args(%scan3A_9 = %scan3A_1) -> (i32)  : i32 {
      %mul3A_10 = arith.constant 512 : i32
      %mul3A_11 = arith.muli %add3A, %mul3A_10 : i32
      %mul3A_12 = arith.constant 64 : i32
      %mul3A_13 = arith.muli %scan3A_8, %mul3A_12 : i32
      %add3A_14 = arith.addi %mul3A_11, %mul3A_13 : i32
      "tpu.region"() ({
        %run_scoped3A = tpu.sem_alloc : memref<!tpu.dma_semaphore, #tpu.memory_space<semaphore_mem>>
        %dma_start3A_33 = tpu.memref_slice %arg4[%add3A_14] : memref<16384xi32, #tpu.memory_space<hbm>> -> memref<64xi32, #tpu.memory_space<hbm>>
        %dma_start3A_34 = tpu.memref_slice %arg4[%add3A_14] : memref<16384xi32, #tpu.memory_space<hbm>> -> memref<64xi32, #tpu.memory_space<hbm>>
        tpu.enqueue_dma source(%dma_start3A_34 : memref<64xi32, #tpu.memory_space<hbm>>) target(%arg12 : memref<64xi32, #tpu.memory_space<vmem>>) target_semaphore(%run_scoped3A : memref<!tpu.dma_semaphore, #tpu.memory_space<semaphore_mem>>)
        %dma_wait3A_35 = tpu.memref_slice %arg4[%add3A_14] : memref<16384xi32, #tpu.memory_space<hbm>> -> memref<64xi32, #tpu.memory_space<hbm>>
        %dma_wait3A_36 = tpu.memref_slice %arg4[%add3A_14] : memref<16384xi32, #tpu.memory_space<hbm>> -> memref<64xi32, #tpu.memory_space<hbm>>
        tpu.wait_dma2 semaphore(%run_scoped3A : memref<!tpu.dma_semaphore, #tpu.memory_space<semaphore_mem>>) src(%dma_wait3A_36 : memref<64xi32, #tpu.memory_space<hbm>>) dst(%arg12 : memref<64xi32, #tpu.memory_space<vmem>>)
        tpu.yield
      }) : () -> ()
      "tpu.region"() ({
        %run_scoped3A = tpu.sem_alloc : memref<!tpu.dma_semaphore, #tpu.memory_space<semaphore_mem>>
        %dma_start3A_33 = tpu.memref_slice %arg5[%add3A_14] : memref<16384xi32, #tpu.memory_space<hbm>> -> memref<64xi32, #tpu.memory_space<hbm>>
        %dma_start3A_34 = tpu.memref_slice %arg5[%add3A_14] : memref<16384xi32, #tpu.memory_space<hbm>> -> memref<64xi32, #tpu.memory_space<hbm>>
        tpu.enqueue_dma source(%dma_start3A_34 : memref<64xi32, #tpu.memory_space<hbm>>) target(%arg8 : memref<64xi32, #tpu.memory_space<vmem>>) target_semaphore(%run_scoped3A : memref<!tpu.dma_semaphore, #tpu.memory_space<semaphore_mem>>)
        %dma_wait3A_35 = tpu.memref_slice %arg5[%add3A_14] : memref<16384xi32, #tpu.memory_space<hbm>> -> memref<64xi32, #tpu.memory_space<hbm>>
        %dma_wait3A_36 = tpu.memref_slice %arg5[%add3A_14] : memref<16384xi32, #tpu.memory_space<hbm>> -> memref<64xi32, #tpu.memory_space<hbm>>
        tpu.wait_dma2 semaphore(%run_scoped3A : memref<!tpu.dma_semaphore, #tpu.memory_space<semaphore_mem>>) src(%dma_wait3A_36 : memref<64xi32, #tpu.memory_space<hbm>>) dst(%arg8 : memref<64xi32, #tpu.memory_space<vmem>>)
        tpu.yield
      }) : () -> ()
      %dma_start3A = arith.constant 0 : i32
      %dma_start3A_15 = arith.constant 0 : i32
      %dma_start3A_16 = tpu.memref_slice %arg3[%dma_start3A, %dma_start3A_15] : memref<50000x64xf32, #tpu.memory_space<hbm>> -> memref<50000x64xf32, #tpu.memory_space<hbm>>
      tpu.enqueue_indirect_dma source(%dma_start3A_16 : memref<50000x64xf32, #tpu.memory_space<hbm>>) target(%arg11 : memref<64x64xf32, #tpu.memory_space<vmem>>) offsets(%arg12 : memref<64xi32, #tpu.memory_space<vmem>>) semaphore(%arg10 : memref<!tpu.dma_semaphore, #tpu.memory_space<semaphore_mem>>)
      %dma_wait3A = arith.constant 0 : i32
      %dma_wait3A_17 = arith.constant 0 : i32
      %dma_wait3A_18 = tpu.memref_slice %arg3[%dma_wait3A, %dma_wait3A_17] : memref<50000x64xf32, #tpu.memory_space<hbm>> -> memref<50000x64xf32, #tpu.memory_space<hbm>>
      tpu.wait_indirect_dma semaphore(%arg10 : memref<!tpu.dma_semaphore, #tpu.memory_space<semaphore_mem>>) src(%dma_wait3A_18 : memref<50000x64xf32, #tpu.memory_space<hbm>>) dst(%arg11 : memref<64x64xf32, #tpu.memory_space<vmem>>)
      %dma_start3A_19 = arith.constant 0 : i32
      %dma_start3A_20 = arith.constant 0 : i32
      %dma_start3A_21 = tpu.memref_slice %arg2[%dma_start3A_19, %dma_start3A_20] : memref<50000x64xf32, #tpu.memory_space<hbm>> -> memref<50000x64xf32, #tpu.memory_space<hbm>>
      tpu.enqueue_indirect_dma source(%dma_start3A_21 : memref<50000x64xf32, #tpu.memory_space<hbm>>) target(%arg7 : memref<64x64xf32, #tpu.memory_space<vmem>>) offsets(%arg8 : memref<64xi32, #tpu.memory_space<vmem>>) semaphore(%arg10 : memref<!tpu.dma_semaphore, #tpu.memory_space<semaphore_mem>>)
      %dma_wait3A_22 = arith.constant 0 : i32
      %dma_wait3A_23 = arith.constant 0 : i32
      %dma_wait3A_24 = tpu.memref_slice %arg2[%dma_wait3A_22, %dma_wait3A_23] : memref<50000x64xf32, #tpu.memory_space<hbm>> -> memref<50000x64xf32, #tpu.memory_space<hbm>>
      tpu.wait_indirect_dma semaphore(%arg10 : memref<!tpu.dma_semaphore, #tpu.memory_space<semaphore_mem>>) src(%dma_wait3A_24 : memref<50000x64xf32, #tpu.memory_space<hbm>>) dst(%arg7 : memref<64x64xf32, #tpu.memory_space<vmem>>)
      %iota3A = tpu.iota {dimensions = array<i32: 0>} : vector<16xi32>
      %scan3A_25 = arith.constant 0 : i32
      %scan3A_26 = arith.constant 0 : i32
      %scan3A_27 = arith.constant 4 : i32
      %scan3A_28 = arith.addi %scan3A_26, %scan3A_27 : i32
      %scan3A_29 = arith.constant 1 : i32
      %scan3A_30 = scf.for %scan3A_33 = %scan3A_26 to %scan3A_28 step %scan3A_29 iter_args(%scan3A_34 = %scan3A_25) -> (i32)  : i32 {
        %mul3A_35 = arith.constant 16 : i32
        %mul3A_36 = arith.muli %scan3A_33, %mul3A_35 : i32
        %add3A_37 = vector.broadcast %mul3A_36 : i32 to vector<16xi32>
        %add3A_38 = arith.addi %iota3A, %add3A_37 : vector<16xi32>
        %broadcast_in_dim3A = arith.constant 0.000000e+00 : f32
        %broadcast_in_dim3A_39 = vector.broadcast %broadcast_in_dim3A : f32 to vector<16xf32>
        %broadcast_in_dim3A_40 = arith.constant 0 : i32
        %broadcast_in_dim3A_41 = vector.broadcast %broadcast_in_dim3A_40 : i32 to vector<16xi32>
        %gather3A = tpu.vector_load_idx %arg11[%add3A_38, %broadcast_in_dim3A_41] : memref<64x64xf32, #tpu.memory_space<vmem>>[vector<16xi32>, vector<16xi32>], vector<16xf32>,
        %gather3A_42 = tpu.vector_load_idx %arg7[%add3A_38, %broadcast_in_dim3A_41] : memref<64x64xf32, #tpu.memory_space<vmem>>[vector<16xi32>, vector<16xi32>], vector<16xf32>,
        %mul3A_43 = arith.mulf %gather3A, %gather3A_42 : vector<16xf32>
        %add3A_44 = arith.addf %broadcast_in_dim3A_39, %mul3A_43 : vector<16xf32>
        %broadcast_in_dim3A_45 = arith.constant 1 : i32
        %broadcast_in_dim3A_46 = vector.broadcast %broadcast_in_dim3A_45 : i32 to vector<16xi32>
        %gather3A_47 = tpu.vector_load_idx %arg11[%add3A_38, %broadcast_in_dim3A_46] : memref<64x64xf32, #tpu.memory_space<vmem>>[vector<16xi32>, vector<16xi32>], vector<16xf32>,
        %gather3A_48 = tpu.vector_load_idx %arg7[%add3A_38, %broadcast_in_dim3A_46] : memref<64x64xf32, #tpu.memory_space<vmem>>[vector<16xi32>, vector<16xi32>], vector<16xf32>,
        %mul3A_49 = arith.mulf %gather3A_47, %gather3A_48 : vector<16xf32>
        %add3A_50 = arith.addf %add3A_44, %mul3A_49 : vector<16xf32>
        %broadcast_in_dim3A_51 = arith.constant 2 : i32
        %broadcast_in_dim3A_52 = vector.broadcast %broadcast_in_dim3A_51 : i32 to vector<16xi32>
        %gather3A_53 = tpu.vector_load_idx %arg11[%add3A_38, %broadcast_in_dim3A_52] : memref<64x64xf32, #tpu.memory_space<vmem>>[vector<16xi32>, vector<16xi32>], vector<16xf32>,
        %gather3A_54 = tpu.vector_load_idx %arg7[%add3A_38, %broadcast_in_dim3A_52] : memref<64x64xf32, #tpu.memory_space<vmem>>[vector<16xi32>, vector<16xi32>], vector<16xf32>,
        %mul3A_55 = arith.mulf %gather3A_53, %gather3A_54 : vector<16xf32>
        %add3A_56 = arith.addf %add3A_50, %mul3A_55 : vector<16xf32>
        %broadcast_in_dim3A_57 = arith.constant 3 : i32
        %broadcast_in_dim3A_58 = vector.broadcast %broadcast_in_dim3A_57 : i32 to vector<16xi32>
        %gather3A_59 = tpu.vector_load_idx %arg11[%add3A_38, %broadcast_in_dim3A_58] : memref<64x64xf32, #tpu.memory_space<vmem>>[vector<16xi32>, vector<16xi32>], vector<16xf32>,
        %gather3A_60 = tpu.vector_load_idx %arg7[%add3A_38, %broadcast_in_dim3A_58] : memref<64x64xf32, #tpu.memory_space<vmem>>[vector<16xi32>, vector<16xi32>], vector<16xf32>,
        %mul3A_61 = arith.mulf %gather3A_59, %gather3A_60 : vector<16xf32>
        %add3A_62 = arith.addf %add3A_56, %mul3A_61 : vector<16xf32>
        %broadcast_in_dim3A_63 = arith.constant 4 : i32
        %broadcast_in_dim3A_64 = vector.broadcast %broadcast_in_dim3A_63 : i32 to vector<16xi32>
        %gather3A_65 = tpu.vector_load_idx %arg11[%add3A_38, %broadcast_in_dim3A_64] : memref<64x64xf32, #tpu.memory_space<vmem>>[vector<16xi32>, vector<16xi32>], vector<16xf32>,
        %gather3A_66 = tpu.vector_load_idx %arg7[%add3A_38, %broadcast_in_dim3A_64] : memref<64x64xf32, #tpu.memory_space<vmem>>[vector<16xi32>, vector<16xi32>], vector<16xf32>,
        %mul3A_67 = arith.mulf %gather3A_65, %gather3A_66 : vector<16xf32>
        %add3A_68 = arith.addf %add3A_62, %mul3A_67 : vector<16xf32>
        %broadcast_in_dim3A_69 = arith.constant 5 : i32
        %broadcast_in_dim3A_70 = vector.broadcast %broadcast_in_dim3A_69 : i32 to vector<16xi32>
        %gather3A_71 = tpu.vector_load_idx %arg11[%add3A_38, %broadcast_in_dim3A_70] : memref<64x64xf32, #tpu.memory_space<vmem>>[vector<16xi32>, vector<16xi32>], vector<16xf32>,
        %gather3A_72 = tpu.vector_load_idx %arg7[%add3A_38, %broadcast_in_dim3A_70] : memref<64x64xf32, #tpu.memory_space<vmem>>[vector<16xi32>, vector<16xi32>], vector<16xf32>,
        %mul3A_73 = arith.mulf %gather3A_71, %gather3A_72 : vector<16xf32>
        %add3A_74 = arith.addf %add3A_68, %mul3A_73 : vector<16xf32>
        %broadcast_in_dim3A_75 = arith.constant 6 : i32
        %broadcast_in_dim3A_76 = vector.broadcast %broadcast_in_dim3A_75 : i32 to vector<16xi32>
        %gather3A_77 = tpu.vector_load_idx %arg11[%add3A_38, %broadcast_in_dim3A_76] : memref<64x64xf32, #tpu.memory_space<vmem>>[vector<16xi32>, vector<16xi32>], vector<16xf32>,
        %gather3A_78 = tpu.vector_load_idx %arg7[%add3A_38, %broadcast_in_dim3A_76] : memref<64x64xf32, #tpu.memory_space<vmem>>[vector<16xi32>, vector<16xi32>], vector<16xf32>,
        %mul3A_79 = arith.mulf %gather3A_77, %gather3A_78 : vector<16xf32>
        %add3A_80 = arith.addf %add3A_74, %mul3A_79 : vector<16xf32>
        %broadcast_in_dim3A_81 = arith.constant 7 : i32
        %broadcast_in_dim3A_82 = vector.broadcast %broadcast_in_dim3A_81 : i32 to vector<16xi32>
        %gather3A_83 = tpu.vector_load_idx %arg11[%add3A_38, %broadcast_in_dim3A_82] : memref<64x64xf32, #tpu.memory_space<vmem>>[vector<16xi32>, vector<16xi32>], vector<16xf32>,
        %gather3A_84 = tpu.vector_load_idx %arg7[%add3A_38, %broadcast_in_dim3A_82] : memref<64x64xf32, #tpu.memory_space<vmem>>[vector<16xi32>, vector<16xi32>], vector<16xf32>,
        %mul3A_85 = arith.mulf %gather3A_83, %gather3A_84 : vector<16xf32>
        %add3A_86 = arith.addf %add3A_80, %mul3A_85 : vector<16xf32>
        %broadcast_in_dim3A_87 = arith.constant 8 : i32
        %broadcast_in_dim3A_88 = vector.broadcast %broadcast_in_dim3A_87 : i32 to vector<16xi32>
        %gather3A_89 = tpu.vector_load_idx %arg11[%add3A_38, %broadcast_in_dim3A_88] : memref<64x64xf32, #tpu.memory_space<vmem>>[vector<16xi32>, vector<16xi32>], vector<16xf32>,
        %gather3A_90 = tpu.vector_load_idx %arg7[%add3A_38, %broadcast_in_dim3A_88] : memref<64x64xf32, #tpu.memory_space<vmem>>[vector<16xi32>, vector<16xi32>], vector<16xf32>,
        %mul3A_91 = arith.mulf %gather3A_89, %gather3A_90 : vector<16xf32>
        %add3A_92 = arith.addf %add3A_86, %mul3A_91 : vector<16xf32>
        %broadcast_in_dim3A_93 = arith.constant 9 : i32
        %broadcast_in_dim3A_94 = vector.broadcast %broadcast_in_dim3A_93 : i32 to vector<16xi32>
        %gather3A_95 = tpu.vector_load_idx %arg11[%add3A_38, %broadcast_in_dim3A_94] : memref<64x64xf32, #tpu.memory_space<vmem>>[vector<16xi32>, vector<16xi32>], vector<16xf32>,
        %gather3A_96 = tpu.vector_load_idx %arg7[%add3A_38, %broadcast_in_dim3A_94] : memref<64x64xf32, #tpu.memory_space<vmem>>[vector<16xi32>, vector<16xi32>], vector<16xf32>,
        %mul3A_97 = arith.mulf %gather3A_95, %gather3A_96 : vector<16xf32>
        %add3A_98 = arith.addf %add3A_92, %mul3A_97 : vector<16xf32>
        %broadcast_in_dim3A_99 = arith.constant 10 : i32
        %broadcast_in_dim3A_100 = vector.broadcast %broadcast_in_dim3A_99 : i32 to vector<16xi32>
        %gather3A_101 = tpu.vector_load_idx %arg11[%add3A_38, %broadcast_in_dim3A_100] : memref<64x64xf32, #tpu.memory_space<vmem>>[vector<16xi32>, vector<16xi32>], vector<16xf32>,
        %gather3A_102 = tpu.vector_load_idx %arg7[%add3A_38, %broadcast_in_dim3A_100] : memref<64x64xf32, #tpu.memory_space<vmem>>[vector<16xi32>, vector<16xi32>], vector<16xf32>,
        %mul3A_103 = arith.mulf %gather3A_101, %gather3A_102 : vector<16xf32>
        %add3A_104 = arith.addf %add3A_98, %mul3A_103 : vector<16xf32>
        %broadcast_in_dim3A_105 = arith.constant 11 : i32
        %broadcast_in_dim3A_106 = vector.broadcast %broadcast_in_dim3A_105 : i32 to vector<16xi32>
        %gather3A_107 = tpu.vector_load_idx %arg11[%add3A_38, %broadcast_in_dim3A_106] : memref<64x64xf32, #tpu.memory_space<vmem>>[vector<16xi32>, vector<16xi32>], vector<16xf32>,
        %gather3A_108 = tpu.vector_load_idx %arg7[%add3A_38, %broadcast_in_dim3A_106] : memref<64x64xf32, #tpu.memory_space<vmem>>[vector<16xi32>, vector<16xi32>], vector<16xf32>,
        %mul3A_109 = arith.mulf %gather3A_107, %gather3A_108 : vector<16xf32>
        %add3A_110 = arith.addf %add3A_104, %mul3A_109 : vector<16xf32>
        %broadcast_in_dim3A_111 = arith.constant 12 : i32
        %broadcast_in_dim3A_112 = vector.broadcast %broadcast_in_dim3A_111 : i32 to vector<16xi32>
        %gather3A_113 = tpu.vector_load_idx %arg11[%add3A_38, %broadcast_in_dim3A_112] : memref<64x64xf32, #tpu.memory_space<vmem>>[vector<16xi32>, vector<16xi32>], vector<16xf32>,
        %gather3A_114 = tpu.vector_load_idx %arg7[%add3A_38, %broadcast_in_dim3A_112] : memref<64x64xf32, #tpu.memory_space<vmem>>[vector<16xi32>, vector<16xi32>], vector<16xf32>,
        %mul3A_115 = arith.mulf %gather3A_113, %gather3A_114 : vector<16xf32>
        %add3A_116 = arith.addf %add3A_110, %mul3A_115 : vector<16xf32>
        %broadcast_in_dim3A_117 = arith.constant 13 : i32
        %broadcast_in_dim3A_118 = vector.broadcast %broadcast_in_dim3A_117 : i32 to vector<16xi32>
        %gather3A_119 = tpu.vector_load_idx %arg11[%add3A_38, %broadcast_in_dim3A_118] : memref<64x64xf32, #tpu.memory_space<vmem>>[vector<16xi32>, vector<16xi32>], vector<16xf32>,
        %gather3A_120 = tpu.vector_load_idx %arg7[%add3A_38, %broadcast_in_dim3A_118] : memref<64x64xf32, #tpu.memory_space<vmem>>[vector<16xi32>, vector<16xi32>], vector<16xf32>,
        %mul3A_121 = arith.mulf %gather3A_119, %gather3A_120 : vector<16xf32>
        %add3A_122 = arith.addf %add3A_116, %mul3A_121 : vector<16xf32>
        %broadcast_in_dim3A_123 = arith.constant 14 : i32
        %broadcast_in_dim3A_124 = vector.broadcast %broadcast_in_dim3A_123 : i32 to vector<16xi32>
        %gather3A_125 = tpu.vector_load_idx %arg11[%add3A_38, %broadcast_in_dim3A_124] : memref<64x64xf32, #tpu.memory_space<vmem>>[vector<16xi32>, vector<16xi32>], vector<16xf32>,
        %gather3A_126 = tpu.vector_load_idx %arg7[%add3A_38, %broadcast_in_dim3A_124] : memref<64x64xf32, #tpu.memory_space<vmem>>[vector<16xi32>, vector<16xi32>], vector<16xf32>,
        %mul3A_127 = arith.mulf %gather3A_125, %gather3A_126 : vector<16xf32>
        %add3A_128 = arith.addf %add3A_122, %mul3A_127 : vector<16xf32>
        %broadcast_in_dim3A_129 = arith.constant 15 : i32
        %broadcast_in_dim3A_130 = vector.broadcast %broadcast_in_dim3A_129 : i32 to vector<16xi32>
        %gather3A_131 = tpu.vector_load_idx %arg11[%add3A_38, %broadcast_in_dim3A_130] : memref<64x64xf32, #tpu.memory_space<vmem>>[vector<16xi32>, vector<16xi32>], vector<16xf32>,
        %gather3A_132 = tpu.vector_load_idx %arg7[%add3A_38, %broadcast_in_dim3A_130] : memref<64x64xf32, #tpu.memory_space<vmem>>[vector<16xi32>, vector<16xi32>], vector<16xf32>,
        %mul3A_133 = arith.mulf %gather3A_131, %gather3A_132 : vector<16xf32>
        %add3A_134 = arith.addf %add3A_128, %mul3A_133 : vector<16xf32>
        %broadcast_in_dim3A_135 = arith.constant 16 : i32
        %broadcast_in_dim3A_136 = vector.broadcast %broadcast_in_dim3A_135 : i32 to vector<16xi32>
        %gather3A_137 = tpu.vector_load_idx %arg11[%add3A_38, %broadcast_in_dim3A_136] : memref<64x64xf32, #tpu.memory_space<vmem>>[vector<16xi32>, vector<16xi32>], vector<16xf32>,
        %gather3A_138 = tpu.vector_load_idx %arg7[%add3A_38, %broadcast_in_dim3A_136] : memref<64x64xf32, #tpu.memory_space<vmem>>[vector<16xi32>, vector<16xi32>], vector<16xf32>,
        %mul3A_139 = arith.mulf %gather3A_137, %gather3A_138 : vector<16xf32>
        %add3A_140 = arith.addf %add3A_134, %mul3A_139 : vector<16xf32>
        %broadcast_in_dim3A_141 = arith.constant 17 : i32
        %broadcast_in_dim3A_142 = vector.broadcast %broadcast_in_dim3A_141 : i32 to vector<16xi32>
        %gather3A_143 = tpu.vector_load_idx %arg11[%add3A_38, %broadcast_in_dim3A_142] : memref<64x64xf32, #tpu.memory_space<vmem>>[vector<16xi32>, vector<16xi32>], vector<16xf32>,
        %gather3A_144 = tpu.vector_load_idx %arg7[%add3A_38, %broadcast_in_dim3A_142] : memref<64x64xf32, #tpu.memory_space<vmem>>[vector<16xi32>, vector<16xi32>], vector<16xf32>,
        %mul3A_145 = arith.mulf %gather3A_143, %gather3A_144 : vector<16xf32>
        %add3A_146 = arith.addf %add3A_140, %mul3A_145 : vector<16xf32>
        %broadcast_in_dim3A_147 = arith.constant 18 : i32
        %broadcast_in_dim3A_148 = vector.broadcast %broadcast_in_dim3A_147 : i32 to vector<16xi32>
        %gather3A_149 = tpu.vector_load_idx %arg11[%add3A_38, %broadcast_in_dim3A_148] : memref<64x64xf32, #tpu.memory_space<vmem>>[vector<16xi32>, vector<16xi32>], vector<16xf32>,
        %gather3A_150 = tpu.vector_load_idx %arg7[%add3A_38, %broadcast_in_dim3A_148] : memref<64x64xf32, #tpu.memory_space<vmem>>[vector<16xi32>, vector<16xi32>], vector<16xf32>,
        %mul3A_151 = arith.mulf %gather3A_149, %gather3A_150 : vector<16xf32>
        %add3A_152 = arith.addf %add3A_146, %mul3A_151 : vector<16xf32>
        %broadcast_in_dim3A_153 = arith.constant 19 : i32
        %broadcast_in_dim3A_154 = vector.broadcast %broadcast_in_dim3A_153 : i32 to vector<16xi32>
        %gather3A_155 = tpu.vector_load_idx %arg11[%add3A_38, %broadcast_in_dim3A_154] : memref<64x64xf32, #tpu.memory_space<vmem>>[vector<16xi32>, vector<16xi32>], vector<16xf32>,
        %gather3A_156 = tpu.vector_load_idx %arg7[%add3A_38, %broadcast_in_dim3A_154] : memref<64x64xf32, #tpu.memory_space<vmem>>[vector<16xi32>, vector<16xi32>], vector<16xf32>,
        %mul3A_157 = arith.mulf %gather3A_155, %gather3A_156 : vector<16xf32>
        %add3A_158 = arith.addf %add3A_152, %mul3A_157 : vector<16xf32>
        %broadcast_in_dim3A_159 = arith.constant 20 : i32
        %broadcast_in_dim3A_160 = vector.broadcast %broadcast_in_dim3A_159 : i32 to vector<16xi32>
        %gather3A_161 = tpu.vector_load_idx %arg11[%add3A_38, %broadcast_in_dim3A_160] : memref<64x64xf32, #tpu.memory_space<vmem>>[vector<16xi32>, vector<16xi32>], vector<16xf32>,
        %gather3A_162 = tpu.vector_load_idx %arg7[%add3A_38, %broadcast_in_dim3A_160] : memref<64x64xf32, #tpu.memory_space<vmem>>[vector<16xi32>, vector<16xi32>], vector<16xf32>,
        %mul3A_163 = arith.mulf %gather3A_161, %gather3A_162 : vector<16xf32>
        %add3A_164 = arith.addf %add3A_158, %mul3A_163 : vector<16xf32>
        %broadcast_in_dim3A_165 = arith.constant 21 : i32
        %broadcast_in_dim3A_166 = vector.broadcast %broadcast_in_dim3A_165 : i32 to vector<16xi32>
        %gather3A_167 = tpu.vector_load_idx %arg11[%add3A_38, %broadcast_in_dim3A_166] : memref<64x64xf32, #tpu.memory_space<vmem>>[vector<16xi32>, vector<16xi32>], vector<16xf32>,
        %gather3A_168 = tpu.vector_load_idx %arg7[%add3A_38, %broadcast_in_dim3A_166] : memref<64x64xf32, #tpu.memory_space<vmem>>[vector<16xi32>, vector<16xi32>], vector<16xf32>,
        %mul3A_169 = arith.mulf %gather3A_167, %gather3A_168 : vector<16xf32>
        %add3A_170 = arith.addf %add3A_164, %mul3A_169 : vector<16xf32>
        %broadcast_in_dim3A_171 = arith.constant 22 : i32
        %broadcast_in_dim3A_172 = vector.broadcast %broadcast_in_dim3A_171 : i32 to vector<16xi32>
        %gather3A_173 = tpu.vector_load_idx %arg11[%add3A_38, %broadcast_in_dim3A_172] : memref<64x64xf32, #tpu.memory_space<vmem>>[vector<16xi32>, vector<16xi32>], vector<16xf32>,
        %gather3A_174 = tpu.vector_load_idx %arg7[%add3A_38, %broadcast_in_dim3A_172] : memref<64x64xf32, #tpu.memory_space<vmem>>[vector<16xi32>, vector<16xi32>], vector<16xf32>,
        %mul3A_175 = arith.mulf %gather3A_173, %gather3A_174 : vector<16xf32>
        %add3A_176 = arith.addf %add3A_170, %mul3A_175 : vector<16xf32>
        %broadcast_in_dim3A_177 = arith.constant 23 : i32
        %broadcast_in_dim3A_178 = vector.broadcast %broadcast_in_dim3A_177 : i32 to vector<16xi32>
        %gather3A_179 = tpu.vector_load_idx %arg11[%add3A_38, %broadcast_in_dim3A_178] : memref<64x64xf32, #tpu.memory_space<vmem>>[vector<16xi32>, vector<16xi32>], vector<16xf32>,
        %gather3A_180 = tpu.vector_load_idx %arg7[%add3A_38, %broadcast_in_dim3A_178] : memref<64x64xf32, #tpu.memory_space<vmem>>[vector<16xi32>, vector<16xi32>], vector<16xf32>,
        %mul3A_181 = arith.mulf %gather3A_179, %gather3A_180 : vector<16xf32>
        %add3A_182 = arith.addf %add3A_176, %mul3A_181 : vector<16xf32>
        %broadcast_in_dim3A_183 = arith.constant 24 : i32
        %broadcast_in_dim3A_184 = vector.broadcast %broadcast_in_dim3A_183 : i32 to vector<16xi32>
        %gather3A_185 = tpu.vector_load_idx %arg11[%add3A_38, %broadcast_in_dim3A_184] : memref<64x64xf32, #tpu.memory_space<vmem>>[vector<16xi32>, vector<16xi32>], vector<16xf32>,
        %gather3A_186 = tpu.vector_load_idx %arg7[%add3A_38, %broadcast_in_dim3A_184] : memref<64x64xf32, #tpu.memory_space<vmem>>[vector<16xi32>, vector<16xi32>], vector<16xf32>,
        %mul3A_187 = arith.mulf %gather3A_185, %gather3A_186 : vector<16xf32>
        %add3A_188 = arith.addf %add3A_182, %mul3A_187 : vector<16xf32>
        %broadcast_in_dim3A_189 = arith.constant 25 : i32
        %broadcast_in_dim3A_190 = vector.broadcast %broadcast_in_dim3A_189 : i32 to vector<16xi32>
        %gather3A_191 = tpu.vector_load_idx %arg11[%add3A_38, %broadcast_in_dim3A_190] : memref<64x64xf32, #tpu.memory_space<vmem>>[vector<16xi32>, vector<16xi32>], vector<16xf32>,
        %gather3A_192 = tpu.vector_load_idx %arg7[%add3A_38, %broadcast_in_dim3A_190] : memref<64x64xf32, #tpu.memory_space<vmem>>[vector<16xi32>, vector<16xi32>], vector<16xf32>,
        %mul3A_193 = arith.mulf %gather3A_191, %gather3A_192 : vector<16xf32>
        %add3A_194 = arith.addf %add3A_188, %mul3A_193 : vector<16xf32>
        %broadcast_in_dim3A_195 = arith.constant 26 : i32
        %broadcast_in_dim3A_196 = vector.broadcast %broadcast_in_dim3A_195 : i32 to vector<16xi32>
        %gather3A_197 = tpu.vector_load_idx %arg11[%add3A_38, %broadcast_in_dim3A_196] : memref<64x64xf32, #tpu.memory_space<vmem>>[vector<16xi32>, vector<16xi32>], vector<16xf32>,
        %gather3A_198 = tpu.vector_load_idx %arg7[%add3A_38, %broadcast_in_dim3A_196] : memref<64x64xf32, #tpu.memory_space<vmem>>[vector<16xi32>, vector<16xi32>], vector<16xf32>,
        %mul3A_199 = arith.mulf %gather3A_197, %gather3A_198 : vector<16xf32>
        %add3A_200 = arith.addf %add3A_194, %mul3A_199 : vector<16xf32>
        %broadcast_in_dim3A_201 = arith.constant 27 : i32
        %broadcast_in_dim3A_202 = vector.broadcast %broadcast_in_dim3A_201 : i32 to vector<16xi32>
        %gather3A_203 = tpu.vector_load_idx %arg11[%add3A_38, %broadcast_in_dim3A_202] : memref<64x64xf32, #tpu.memory_space<vmem>>[vector<16xi32>, vector<16xi32>], vector<16xf32>,
        %gather3A_204 = tpu.vector_load_idx %arg7[%add3A_38, %broadcast_in_dim3A_202] : memref<64x64xf32, #tpu.memory_space<vmem>>[vector<16xi32>, vector<16xi32>], vector<16xf32>,
        %mul3A_205 = arith.mulf %gather3A_203, %gather3A_204 : vector<16xf32>
        %add3A_206 = arith.addf %add3A_200, %mul3A_205 : vector<16xf32>
        %broadcast_in_dim3A_207 = arith.constant 28 : i32
        %broadcast_in_dim3A_208 = vector.broadcast %broadcast_in_dim3A_207 : i32 to vector<16xi32>
        %gather3A_209 = tpu.vector_load_idx %arg11[%add3A_38, %broadcast_in_dim3A_208] : memref<64x64xf32, #tpu.memory_space<vmem>>[vector<16xi32>, vector<16xi32>], vector<16xf32>,
        %gather3A_210 = tpu.vector_load_idx %arg7[%add3A_38, %broadcast_in_dim3A_208] : memref<64x64xf32, #tpu.memory_space<vmem>>[vector<16xi32>, vector<16xi32>], vector<16xf32>,
        %mul3A_211 = arith.mulf %gather3A_209, %gather3A_210 : vector<16xf32>
        %add3A_212 = arith.addf %add3A_206, %mul3A_211 : vector<16xf32>
        %broadcast_in_dim3A_213 = arith.constant 29 : i32
        %broadcast_in_dim3A_214 = vector.broadcast %broadcast_in_dim3A_213 : i32 to vector<16xi32>
        %gather3A_215 = tpu.vector_load_idx %arg11[%add3A_38, %broadcast_in_dim3A_214] : memref<64x64xf32, #tpu.memory_space<vmem>>[vector<16xi32>, vector<16xi32>], vector<16xf32>,
        %gather3A_216 = tpu.vector_load_idx %arg7[%add3A_38, %broadcast_in_dim3A_214] : memref<64x64xf32, #tpu.memory_space<vmem>>[vector<16xi32>, vector<16xi32>], vector<16xf32>,
        %mul3A_217 = arith.mulf %gather3A_215, %gather3A_216 : vector<16xf32>
        %add3A_218 = arith.addf %add3A_212, %mul3A_217 : vector<16xf32>
        %broadcast_in_dim3A_219 = arith.constant 30 : i32
        %broadcast_in_dim3A_220 = vector.broadcast %broadcast_in_dim3A_219 : i32 to vector<16xi32>
        %gather3A_221 = tpu.vector_load_idx %arg11[%add3A_38, %broadcast_in_dim3A_220] : memref<64x64xf32, #tpu.memory_space<vmem>>[vector<16xi32>, vector<16xi32>], vector<16xf32>,
        %gather3A_222 = tpu.vector_load_idx %arg7[%add3A_38, %broadcast_in_dim3A_220] : memref<64x64xf32, #tpu.memory_space<vmem>>[vector<16xi32>, vector<16xi32>], vector<16xf32>,
        %mul3A_223 = arith.mulf %gather3A_221, %gather3A_222 : vector<16xf32>
        %add3A_224 = arith.addf %add3A_218, %mul3A_223 : vector<16xf32>
        %broadcast_in_dim3A_225 = arith.constant 31 : i32
        %broadcast_in_dim3A_226 = vector.broadcast %broadcast_in_dim3A_225 : i32 to vector<16xi32>
        %gather3A_227 = tpu.vector_load_idx %arg11[%add3A_38, %broadcast_in_dim3A_226] : memref<64x64xf32, #tpu.memory_space<vmem>>[vector<16xi32>, vector<16xi32>], vector<16xf32>,
        %gather3A_228 = tpu.vector_load_idx %arg7[%add3A_38, %broadcast_in_dim3A_226] : memref<64x64xf32, #tpu.memory_space<vmem>>[vector<16xi32>, vector<16xi32>], vector<16xf32>,
        %mul3A_229 = arith.mulf %gather3A_227, %gather3A_228 : vector<16xf32>
        %add3A_230 = arith.addf %add3A_224, %mul3A_229 : vector<16xf32>
        %broadcast_in_dim3A_231 = arith.constant 32 : i32
        %broadcast_in_dim3A_232 = vector.broadcast %broadcast_in_dim3A_231 : i32 to vector<16xi32>
        %gather3A_233 = tpu.vector_load_idx %arg11[%add3A_38, %broadcast_in_dim3A_232] : memref<64x64xf32, #tpu.memory_space<vmem>>[vector<16xi32>, vector<16xi32>], vector<16xf32>,
        %gather3A_234 = tpu.vector_load_idx %arg7[%add3A_38, %broadcast_in_dim3A_232] : memref<64x64xf32, #tpu.memory_space<vmem>>[vector<16xi32>, vector<16xi32>], vector<16xf32>,
        %mul3A_235 = arith.mulf %gather3A_233, %gather3A_234 : vector<16xf32>
        %add3A_236 = arith.addf %add3A_230, %mul3A_235 : vector<16xf32>
        %broadcast_in_dim3A_237 = arith.constant 33 : i32
        %broadcast_in_dim3A_238 = vector.broadcast %broadcast_in_dim3A_237 : i32 to vector<16xi32>
        %gather3A_239 = tpu.vector_load_idx %arg11[%add3A_38, %broadcast_in_dim3A_238] : memref<64x64xf32, #tpu.memory_space<vmem>>[vector<16xi32>, vector<16xi32>], vector<16xf32>,
        %gather3A_240 = tpu.vector_load_idx %arg7[%add3A_38, %broadcast_in_dim3A_238] : memref<64x64xf32, #tpu.memory_space<vmem>>[vector<16xi32>, vector<16xi32>], vector<16xf32>,
        %mul3A_241 = arith.mulf %gather3A_239, %gather3A_240 : vector<16xf32>
        %add3A_242 = arith.addf %add3A_236, %mul3A_241 : vector<16xf32>
        %broadcast_in_dim3A_243 = arith.constant 34 : i32
        %broadcast_in_dim3A_244 = vector.broadcast %broadcast_in_dim3A_243 : i32 to vector<16xi32>
        %gather3A_245 = tpu.vector_load_idx %arg11[%add3A_38, %broadcast_in_dim3A_244] : memref<64x64xf32, #tpu.memory_space<vmem>>[vector<16xi32>, vector<16xi32>], vector<16xf32>,
        %gather3A_246 = tpu.vector_load_idx %arg7[%add3A_38, %broadcast_in_dim3A_244] : memref<64x64xf32, #tpu.memory_space<vmem>>[vector<16xi32>, vector<16xi32>], vector<16xf32>,
        %mul3A_247 = arith.mulf %gather3A_245, %gather3A_246 : vector<16xf32>
        %add3A_248 = arith.addf %add3A_242, %mul3A_247 : vector<16xf32>
        %broadcast_in_dim3A_249 = arith.constant 35 : i32
        %broadcast_in_dim3A_250 = vector.broadcast %broadcast_in_dim3A_249 : i32 to vector<16xi32>
        %gather3A_251 = tpu.vector_load_idx %arg11[%add3A_38, %broadcast_in_dim3A_250] : memref<64x64xf32, #tpu.memory_space<vmem>>[vector<16xi32>, vector<16xi32>], vector<16xf32>,
        %gather3A_252 = tpu.vector_load_idx %arg7[%add3A_38, %broadcast_in_dim3A_250] : memref<64x64xf32, #tpu.memory_space<vmem>>[vector<16xi32>, vector<16xi32>], vector<16xf32>,
        %mul3A_253 = arith.mulf %gather3A_251, %gather3A_252 : vector<16xf32>
        %add3A_254 = arith.addf %add3A_248, %mul3A_253 : vector<16xf32>
        %broadcast_in_dim3A_255 = arith.constant 36 : i32
        %broadcast_in_dim3A_256 = vector.broadcast %broadcast_in_dim3A_255 : i32 to vector<16xi32>
        %gather3A_257 = tpu.vector_load_idx %arg11[%add3A_38, %broadcast_in_dim3A_256] : memref<64x64xf32, #tpu.memory_space<vmem>>[vector<16xi32>, vector<16xi32>], vector<16xf32>,
        %gather3A_258 = tpu.vector_load_idx %arg7[%add3A_38, %broadcast_in_dim3A_256] : memref<64x64xf32, #tpu.memory_space<vmem>>[vector<16xi32>, vector<16xi32>], vector<16xf32>,
        %mul3A_259 = arith.mulf %gather3A_257, %gather3A_258 : vector<16xf32>
        %add3A_260 = arith.addf %add3A_254, %mul3A_259 : vector<16xf32>
        %broadcast_in_dim3A_261 = arith.constant 37 : i32
        %broadcast_in_dim3A_262 = vector.broadcast %broadcast_in_dim3A_261 : i32 to vector<16xi32>
        %gather3A_263 = tpu.vector_load_idx %arg11[%add3A_38, %broadcast_in_dim3A_262] : memref<64x64xf32, #tpu.memory_space<vmem>>[vector<16xi32>, vector<16xi32>], vector<16xf32>,
        %gather3A_264 = tpu.vector_load_idx %arg7[%add3A_38, %broadcast_in_dim3A_262] : memref<64x64xf32, #tpu.memory_space<vmem>>[vector<16xi32>, vector<16xi32>], vector<16xf32>,
        %mul3A_265 = arith.mulf %gather3A_263, %gather3A_264 : vector<16xf32>
        %add3A_266 = arith.addf %add3A_260, %mul3A_265 : vector<16xf32>
        %broadcast_in_dim3A_267 = arith.constant 38 : i32
        %broadcast_in_dim3A_268 = vector.broadcast %broadcast_in_dim3A_267 : i32 to vector<16xi32>
        %gather3A_269 = tpu.vector_load_idx %arg11[%add3A_38, %broadcast_in_dim3A_268] : memref<64x64xf32, #tpu.memory_space<vmem>>[vector<16xi32>, vector<16xi32>], vector<16xf32>,
        %gather3A_270 = tpu.vector_load_idx %arg7[%add3A_38, %broadcast_in_dim3A_268] : memref<64x64xf32, #tpu.memory_space<vmem>>[vector<16xi32>, vector<16xi32>], vector<16xf32>,
        %mul3A_271 = arith.mulf %gather3A_269, %gather3A_270 : vector<16xf32>
        %add3A_272 = arith.addf %add3A_266, %mul3A_271 : vector<16xf32>
        %broadcast_in_dim3A_273 = arith.constant 39 : i32
        %broadcast_in_dim3A_274 = vector.broadcast %broadcast_in_dim3A_273 : i32 to vector<16xi32>
        %gather3A_275 = tpu.vector_load_idx %arg11[%add3A_38, %broadcast_in_dim3A_274] : memref<64x64xf32, #tpu.memory_space<vmem>>[vector<16xi32>, vector<16xi32>], vector<16xf32>,
        %gather3A_276 = tpu.vector_load_idx %arg7[%add3A_38, %broadcast_in_dim3A_274] : memref<64x64xf32, #tpu.memory_space<vmem>>[vector<16xi32>, vector<16xi32>], vector<16xf32>,
        %mul3A_277 = arith.mulf %gather3A_275, %gather3A_276 : vector<16xf32>
        %add3A_278 = arith.addf %add3A_272, %mul3A_277 : vector<16xf32>
        %broadcast_in_dim3A_279 = arith.constant 40 : i32
        %broadcast_in_dim3A_280 = vector.broadcast %broadcast_in_dim3A_279 : i32 to vector<16xi32>
        %gather3A_281 = tpu.vector_load_idx %arg11[%add3A_38, %broadcast_in_dim3A_280] : memref<64x64xf32, #tpu.memory_space<vmem>>[vector<16xi32>, vector<16xi32>], vector<16xf32>,
        %gather3A_282 = tpu.vector_load_idx %arg7[%add3A_38, %broadcast_in_dim3A_280] : memref<64x64xf32, #tpu.memory_space<vmem>>[vector<16xi32>, vector<16xi32>], vector<16xf32>,
        %mul3A_283 = arith.mulf %gather3A_281, %gather3A_282 : vector<16xf32>
        %add3A_284 = arith.addf %add3A_278, %mul3A_283 : vector<16xf32>
        %broadcast_in_dim3A_285 = arith.constant 41 : i32
        %broadcast_in_dim3A_286 = vector.broadcast %broadcast_in_dim3A_285 : i32 to vector<16xi32>
        %gather3A_287 = tpu.vector_load_idx %arg11[%add3A_38, %broadcast_in_dim3A_286] : memref<64x64xf32, #tpu.memory_space<vmem>>[vector<16xi32>, vector<16xi32>], vector<16xf32>,
        %gather3A_288 = tpu.vector_load_idx %arg7[%add3A_38, %broadcast_in_dim3A_286] : memref<64x64xf32, #tpu.memory_space<vmem>>[vector<16xi32>, vector<16xi32>], vector<16xf32>,
        %mul3A_289 = arith.mulf %gather3A_287, %gather3A_288 : vector<16xf32>
        %add3A_290 = arith.addf %add3A_284, %mul3A_289 : vector<16xf32>
        %broadcast_in_dim3A_291 = arith.constant 42 : i32
        %broadcast_in_dim3A_292 = vector.broadcast %broadcast_in_dim3A_291 : i32 to vector<16xi32>
        %gather3A_293 = tpu.vector_load_idx %arg11[%add3A_38, %broadcast_in_dim3A_292] : memref<64x64xf32, #tpu.memory_space<vmem>>[vector<16xi32>, vector<16xi32>], vector<16xf32>,
        %gather3A_294 = tpu.vector_load_idx %arg7[%add3A_38, %broadcast_in_dim3A_292] : memref<64x64xf32, #tpu.memory_space<vmem>>[vector<16xi32>, vector<16xi32>], vector<16xf32>,
        %mul3A_295 = arith.mulf %gather3A_293, %gather3A_294 : vector<16xf32>
        %add3A_296 = arith.addf %add3A_290, %mul3A_295 : vector<16xf32>
        %broadcast_in_dim3A_297 = arith.constant 43 : i32
        %broadcast_in_dim3A_298 = vector.broadcast %broadcast_in_dim3A_297 : i32 to vector<16xi32>
        %gather3A_299 = tpu.vector_load_idx %arg11[%add3A_38, %broadcast_in_dim3A_298] : memref<64x64xf32, #tpu.memory_space<vmem>>[vector<16xi32>, vector<16xi32>], vector<16xf32>,
        %gather3A_300 = tpu.vector_load_idx %arg7[%add3A_38, %broadcast_in_dim3A_298] : memref<64x64xf32, #tpu.memory_space<vmem>>[vector<16xi32>, vector<16xi32>], vector<16xf32>,
        %mul3A_301 = arith.mulf %gather3A_299, %gather3A_300 : vector<16xf32>
        %add3A_302 = arith.addf %add3A_296, %mul3A_301 : vector<16xf32>
        %broadcast_in_dim3A_303 = arith.constant 44 : i32
        %broadcast_in_dim3A_304 = vector.broadcast %broadcast_in_dim3A_303 : i32 to vector<16xi32>
        %gather3A_305 = tpu.vector_load_idx %arg11[%add3A_38, %broadcast_in_dim3A_304] : memref<64x64xf32, #tpu.memory_space<vmem>>[vector<16xi32>, vector<16xi32>], vector<16xf32>,
        %gather3A_306 = tpu.vector_load_idx %arg7[%add3A_38, %broadcast_in_dim3A_304] : memref<64x64xf32, #tpu.memory_space<vmem>>[vector<16xi32>, vector<16xi32>], vector<16xf32>,
        %mul3A_307 = arith.mulf %gather3A_305, %gather3A_306 : vector<16xf32>
        %add3A_308 = arith.addf %add3A_302, %mul3A_307 : vector<16xf32>
        %broadcast_in_dim3A_309 = arith.constant 45 : i32
        %broadcast_in_dim3A_310 = vector.broadcast %broadcast_in_dim3A_309 : i32 to vector<16xi32>
        %gather3A_311 = tpu.vector_load_idx %arg11[%add3A_38, %broadcast_in_dim3A_310] : memref<64x64xf32, #tpu.memory_space<vmem>>[vector<16xi32>, vector<16xi32>], vector<16xf32>,
        %gather3A_312 = tpu.vector_load_idx %arg7[%add3A_38, %broadcast_in_dim3A_310] : memref<64x64xf32, #tpu.memory_space<vmem>>[vector<16xi32>, vector<16xi32>], vector<16xf32>,
        %mul3A_313 = arith.mulf %gather3A_311, %gather3A_312 : vector<16xf32>
        %add3A_314 = arith.addf %add3A_308, %mul3A_313 : vector<16xf32>
        %broadcast_in_dim3A_315 = arith.constant 46 : i32
        %broadcast_in_dim3A_316 = vector.broadcast %broadcast_in_dim3A_315 : i32 to vector<16xi32>
        %gather3A_317 = tpu.vector_load_idx %arg11[%add3A_38, %broadcast_in_dim3A_316] : memref<64x64xf32, #tpu.memory_space<vmem>>[vector<16xi32>, vector<16xi32>], vector<16xf32>,
        %gather3A_318 = tpu.vector_load_idx %arg7[%add3A_38, %broadcast_in_dim3A_316] : memref<64x64xf32, #tpu.memory_space<vmem>>[vector<16xi32>, vector<16xi32>], vector<16xf32>,
        %mul3A_319 = arith.mulf %gather3A_317, %gather3A_318 : vector<16xf32>
        %add3A_320 = arith.addf %add3A_314, %mul3A_319 : vector<16xf32>
        %broadcast_in_dim3A_321 = arith.constant 47 : i32
        %broadcast_in_dim3A_322 = vector.broadcast %broadcast_in_dim3A_321 : i32 to vector<16xi32>
        %gather3A_323 = tpu.vector_load_idx %arg11[%add3A_38, %broadcast_in_dim3A_322] : memref<64x64xf32, #tpu.memory_space<vmem>>[vector<16xi32>, vector<16xi32>], vector<16xf32>,
        %gather3A_324 = tpu.vector_load_idx %arg7[%add3A_38, %broadcast_in_dim3A_322] : memref<64x64xf32, #tpu.memory_space<vmem>>[vector<16xi32>, vector<16xi32>], vector<16xf32>,
        %mul3A_325 = arith.mulf %gather3A_323, %gather3A_324 : vector<16xf32>
        %add3A_326 = arith.addf %add3A_320, %mul3A_325 : vector<16xf32>
        %broadcast_in_dim3A_327 = arith.constant 48 : i32
        %broadcast_in_dim3A_328 = vector.broadcast %broadcast_in_dim3A_327 : i32 to vector<16xi32>
        %gather3A_329 = tpu.vector_load_idx %arg11[%add3A_38, %broadcast_in_dim3A_328] : memref<64x64xf32, #tpu.memory_space<vmem>>[vector<16xi32>, vector<16xi32>], vector<16xf32>,
        %gather3A_330 = tpu.vector_load_idx %arg7[%add3A_38, %broadcast_in_dim3A_328] : memref<64x64xf32, #tpu.memory_space<vmem>>[vector<16xi32>, vector<16xi32>], vector<16xf32>,
        %mul3A_331 = arith.mulf %gather3A_329, %gather3A_330 : vector<16xf32>
        %add3A_332 = arith.addf %add3A_326, %mul3A_331 : vector<16xf32>
        %broadcast_in_dim3A_333 = arith.constant 49 : i32
        %broadcast_in_dim3A_334 = vector.broadcast %broadcast_in_dim3A_333 : i32 to vector<16xi32>
        %gather3A_335 = tpu.vector_load_idx %arg11[%add3A_38, %broadcast_in_dim3A_334] : memref<64x64xf32, #tpu.memory_space<vmem>>[vector<16xi32>, vector<16xi32>], vector<16xf32>,
        %gather3A_336 = tpu.vector_load_idx %arg7[%add3A_38, %broadcast_in_dim3A_334] : memref<64x64xf32, #tpu.memory_space<vmem>>[vector<16xi32>, vector<16xi32>], vector<16xf32>,
        %mul3A_337 = arith.mulf %gather3A_335, %gather3A_336 : vector<16xf32>
        %add3A_338 = arith.addf %add3A_332, %mul3A_337 : vector<16xf32>
        %broadcast_in_dim3A_339 = arith.constant 50 : i32
        %broadcast_in_dim3A_340 = vector.broadcast %broadcast_in_dim3A_339 : i32 to vector<16xi32>
        %gather3A_341 = tpu.vector_load_idx %arg11[%add3A_38, %broadcast_in_dim3A_340] : memref<64x64xf32, #tpu.memory_space<vmem>>[vector<16xi32>, vector<16xi32>], vector<16xf32>,
        %gather3A_342 = tpu.vector_load_idx %arg7[%add3A_38, %broadcast_in_dim3A_340] : memref<64x64xf32, #tpu.memory_space<vmem>>[vector<16xi32>, vector<16xi32>], vector<16xf32>,
        %mul3A_343 = arith.mulf %gather3A_341, %gather3A_342 : vector<16xf32>
        %add3A_344 = arith.addf %add3A_338, %mul3A_343 : vector<16xf32>
        %broadcast_in_dim3A_345 = arith.constant 51 : i32
        %broadcast_in_dim3A_346 = vector.broadcast %broadcast_in_dim3A_345 : i32 to vector<16xi32>
        %gather3A_347 = tpu.vector_load_idx %arg11[%add3A_38, %broadcast_in_dim3A_346] : memref<64x64xf32, #tpu.memory_space<vmem>>[vector<16xi32>, vector<16xi32>], vector<16xf32>,
        %gather3A_348 = tpu.vector_load_idx %arg7[%add3A_38, %broadcast_in_dim3A_346] : memref<64x64xf32, #tpu.memory_space<vmem>>[vector<16xi32>, vector<16xi32>], vector<16xf32>,
        %mul3A_349 = arith.mulf %gather3A_347, %gather3A_348 : vector<16xf32>
        %add3A_350 = arith.addf %add3A_344, %mul3A_349 : vector<16xf32>
        %broadcast_in_dim3A_351 = arith.constant 52 : i32
        %broadcast_in_dim3A_352 = vector.broadcast %broadcast_in_dim3A_351 : i32 to vector<16xi32>
        %gather3A_353 = tpu.vector_load_idx %arg11[%add3A_38, %broadcast_in_dim3A_352] : memref<64x64xf32, #tpu.memory_space<vmem>>[vector<16xi32>, vector<16xi32>], vector<16xf32>,
        %gather3A_354 = tpu.vector_load_idx %arg7[%add3A_38, %broadcast_in_dim3A_352] : memref<64x64xf32, #tpu.memory_space<vmem>>[vector<16xi32>, vector<16xi32>], vector<16xf32>,
        %mul3A_355 = arith.mulf %gather3A_353, %gather3A_354 : vector<16xf32>
        %add3A_356 = arith.addf %add3A_350, %mul3A_355 : vector<16xf32>
        %broadcast_in_dim3A_357 = arith.constant 53 : i32
        %broadcast_in_dim3A_358 = vector.broadcast %broadcast_in_dim3A_357 : i32 to vector<16xi32>
        %gather3A_359 = tpu.vector_load_idx %arg11[%add3A_38, %broadcast_in_dim3A_358] : memref<64x64xf32, #tpu.memory_space<vmem>>[vector<16xi32>, vector<16xi32>], vector<16xf32>,
        %gather3A_360 = tpu.vector_load_idx %arg7[%add3A_38, %broadcast_in_dim3A_358] : memref<64x64xf32, #tpu.memory_space<vmem>>[vector<16xi32>, vector<16xi32>], vector<16xf32>,
        %mul3A_361 = arith.mulf %gather3A_359, %gather3A_360 : vector<16xf32>
        %add3A_362 = arith.addf %add3A_356, %mul3A_361 : vector<16xf32>
        %broadcast_in_dim3A_363 = arith.constant 54 : i32
        %broadcast_in_dim3A_364 = vector.broadcast %broadcast_in_dim3A_363 : i32 to vector<16xi32>
        %gather3A_365 = tpu.vector_load_idx %arg11[%add3A_38, %broadcast_in_dim3A_364] : memref<64x64xf32, #tpu.memory_space<vmem>>[vector<16xi32>, vector<16xi32>], vector<16xf32>,
        %gather3A_366 = tpu.vector_load_idx %arg7[%add3A_38, %broadcast_in_dim3A_364] : memref<64x64xf32, #tpu.memory_space<vmem>>[vector<16xi32>, vector<16xi32>], vector<16xf32>,
        %mul3A_367 = arith.mulf %gather3A_365, %gather3A_366 : vector<16xf32>
        %add3A_368 = arith.addf %add3A_362, %mul3A_367 : vector<16xf32>
        %broadcast_in_dim3A_369 = arith.constant 55 : i32
        %broadcast_in_dim3A_370 = vector.broadcast %broadcast_in_dim3A_369 : i32 to vector<16xi32>
        %gather3A_371 = tpu.vector_load_idx %arg11[%add3A_38, %broadcast_in_dim3A_370] : memref<64x64xf32, #tpu.memory_space<vmem>>[vector<16xi32>, vector<16xi32>], vector<16xf32>,
        %gather3A_372 = tpu.vector_load_idx %arg7[%add3A_38, %broadcast_in_dim3A_370] : memref<64x64xf32, #tpu.memory_space<vmem>>[vector<16xi32>, vector<16xi32>], vector<16xf32>,
        %mul3A_373 = arith.mulf %gather3A_371, %gather3A_372 : vector<16xf32>
        %add3A_374 = arith.addf %add3A_368, %mul3A_373 : vector<16xf32>
        %broadcast_in_dim3A_375 = arith.constant 56 : i32
        %broadcast_in_dim3A_376 = vector.broadcast %broadcast_in_dim3A_375 : i32 to vector<16xi32>
        %gather3A_377 = tpu.vector_load_idx %arg11[%add3A_38, %broadcast_in_dim3A_376] : memref<64x64xf32, #tpu.memory_space<vmem>>[vector<16xi32>, vector<16xi32>], vector<16xf32>,
        %gather3A_378 = tpu.vector_load_idx %arg7[%add3A_38, %broadcast_in_dim3A_376] : memref<64x64xf32, #tpu.memory_space<vmem>>[vector<16xi32>, vector<16xi32>], vector<16xf32>,
        %mul3A_379 = arith.mulf %gather3A_377, %gather3A_378 : vector<16xf32>
        %add3A_380 = arith.addf %add3A_374, %mul3A_379 : vector<16xf32>
        %broadcast_in_dim3A_381 = arith.constant 57 : i32
        %broadcast_in_dim3A_382 = vector.broadcast %broadcast_in_dim3A_381 : i32 to vector<16xi32>
        %gather3A_383 = tpu.vector_load_idx %arg11[%add3A_38, %broadcast_in_dim3A_382] : memref<64x64xf32, #tpu.memory_space<vmem>>[vector<16xi32>, vector<16xi32>], vector<16xf32>,
        %gather3A_384 = tpu.vector_load_idx %arg7[%add3A_38, %broadcast_in_dim3A_382] : memref<64x64xf32, #tpu.memory_space<vmem>>[vector<16xi32>, vector<16xi32>], vector<16xf32>,
        %mul3A_385 = arith.mulf %gather3A_383, %gather3A_384 : vector<16xf32>
        %add3A_386 = arith.addf %add3A_380, %mul3A_385 : vector<16xf32>
        %broadcast_in_dim3A_387 = arith.constant 58 : i32
        %broadcast_in_dim3A_388 = vector.broadcast %broadcast_in_dim3A_387 : i32 to vector<16xi32>
        %gather3A_389 = tpu.vector_load_idx %arg11[%add3A_38, %broadcast_in_dim3A_388] : memref<64x64xf32, #tpu.memory_space<vmem>>[vector<16xi32>, vector<16xi32>], vector<16xf32>,
        %gather3A_390 = tpu.vector_load_idx %arg7[%add3A_38, %broadcast_in_dim3A_388] : memref<64x64xf32, #tpu.memory_space<vmem>>[vector<16xi32>, vector<16xi32>], vector<16xf32>,
        %mul3A_391 = arith.mulf %gather3A_389, %gather3A_390 : vector<16xf32>
        %add3A_392 = arith.addf %add3A_386, %mul3A_391 : vector<16xf32>
        %broadcast_in_dim3A_393 = arith.constant 59 : i32
        %broadcast_in_dim3A_394 = vector.broadcast %broadcast_in_dim3A_393 : i32 to vector<16xi32>
        %gather3A_395 = tpu.vector_load_idx %arg11[%add3A_38, %broadcast_in_dim3A_394] : memref<64x64xf32, #tpu.memory_space<vmem>>[vector<16xi32>, vector<16xi32>], vector<16xf32>,
        %gather3A_396 = tpu.vector_load_idx %arg7[%add3A_38, %broadcast_in_dim3A_394] : memref<64x64xf32, #tpu.memory_space<vmem>>[vector<16xi32>, vector<16xi32>], vector<16xf32>,
        %mul3A_397 = arith.mulf %gather3A_395, %gather3A_396 : vector<16xf32>
        %add3A_398 = arith.addf %add3A_392, %mul3A_397 : vector<16xf32>
        %broadcast_in_dim3A_399 = arith.constant 60 : i32
        %broadcast_in_dim3A_400 = vector.broadcast %broadcast_in_dim3A_399 : i32 to vector<16xi32>
        %gather3A_401 = tpu.vector_load_idx %arg11[%add3A_38, %broadcast_in_dim3A_400] : memref<64x64xf32, #tpu.memory_space<vmem>>[vector<16xi32>, vector<16xi32>], vector<16xf32>,
        %gather3A_402 = tpu.vector_load_idx %arg7[%add3A_38, %broadcast_in_dim3A_400] : memref<64x64xf32, #tpu.memory_space<vmem>>[vector<16xi32>, vector<16xi32>], vector<16xf32>,
        %mul3A_403 = arith.mulf %gather3A_401, %gather3A_402 : vector<16xf32>
        %add3A_404 = arith.addf %add3A_398, %mul3A_403 : vector<16xf32>
        %broadcast_in_dim3A_405 = arith.constant 61 : i32
        %broadcast_in_dim3A_406 = vector.broadcast %broadcast_in_dim3A_405 : i32 to vector<16xi32>
        %gather3A_407 = tpu.vector_load_idx %arg11[%add3A_38, %broadcast_in_dim3A_406] : memref<64x64xf32, #tpu.memory_space<vmem>>[vector<16xi32>, vector<16xi32>], vector<16xf32>,
        %gather3A_408 = tpu.vector_load_idx %arg7[%add3A_38, %broadcast_in_dim3A_406] : memref<64x64xf32, #tpu.memory_space<vmem>>[vector<16xi32>, vector<16xi32>], vector<16xf32>,
        %mul3A_409 = arith.mulf %gather3A_407, %gather3A_408 : vector<16xf32>
        %add3A_410 = arith.addf %add3A_404, %mul3A_409 : vector<16xf32>
        %broadcast_in_dim3A_411 = arith.constant 62 : i32
        %broadcast_in_dim3A_412 = vector.broadcast %broadcast_in_dim3A_411 : i32 to vector<16xi32>
        %gather3A_413 = tpu.vector_load_idx %arg11[%add3A_38, %broadcast_in_dim3A_412] : memref<64x64xf32, #tpu.memory_space<vmem>>[vector<16xi32>, vector<16xi32>], vector<16xf32>,
        %gather3A_414 = tpu.vector_load_idx %arg7[%add3A_38, %broadcast_in_dim3A_412] : memref<64x64xf32, #tpu.memory_space<vmem>>[vector<16xi32>, vector<16xi32>], vector<16xf32>,
        %mul3A_415 = arith.mulf %gather3A_413, %gather3A_414 : vector<16xf32>
        %add3A_416 = arith.addf %add3A_410, %mul3A_415 : vector<16xf32>
        %broadcast_in_dim3A_417 = arith.constant 63 : i32
        %broadcast_in_dim3A_418 = vector.broadcast %broadcast_in_dim3A_417 : i32 to vector<16xi32>
        %gather3A_419 = tpu.vector_load_idx %arg11[%add3A_38, %broadcast_in_dim3A_418] : memref<64x64xf32, #tpu.memory_space<vmem>>[vector<16xi32>, vector<16xi32>], vector<16xf32>,
        %gather3A_420 = tpu.vector_load_idx %arg7[%add3A_38, %broadcast_in_dim3A_418] : memref<64x64xf32, #tpu.memory_space<vmem>>[vector<16xi32>, vector<16xi32>], vector<16xf32>,
        %mul3A_421 = arith.mulf %gather3A_419, %gather3A_420 : vector<16xf32>
        %add3A_422 = arith.addf %add3A_416, %mul3A_421 : vector<16xf32>
        %mul3A_423 = arith.constant 16 : i32
        %mul3A_424 = arith.muli %scan3A_33, %mul3A_423 : i32
        %multiple_of3A = tpu.assume_multiple %mul3A_424, 16 : i32
        %mul3A_425 = vector.broadcast %scan3A : f32 to vector<16xf32>
        %mul3A_426 = arith.mulf %add3A_422, %mul3A_425 : vector<16xf32>
        %swap3A = arith.index_cast %multiple_of3A : i32 to index
        %swap3A_427 = tpu.vector_load %arg9[%swap3A] {strides = array<i32>} : memref<64xf32, #tpu.memory_space<vmem>>, vector<16xf32>,
        tpu.vector_store %arg9[%swap3A], %mul3A_426 {strides = array<i32>} : memref<64xf32, #tpu.memory_space<vmem>>, vector<16xf32>,
        %scan3A_428 = arith.constant 0 : i32
        scf.yield %scan3A_428 : i32
      }
      %scan3A_31 = arith.constant 4 : i32
      "tpu.region"() ({
        %run_scoped3A = tpu.sem_alloc : memref<!tpu.dma_semaphore, #tpu.memory_space<semaphore_mem>>
        %dma_start3A_33 = tpu.memref_slice %arg6[%add3A_14] : memref<16384xf32, #tpu.memory_space<hbm>> -> memref<64xf32, #tpu.memory_space<hbm>>
        %dma_start3A_34 = tpu.memref_slice %arg6[%add3A_14] : memref<16384xf32, #tpu.memory_space<hbm>> -> memref<64xf32, #tpu.memory_space<hbm>>
        tpu.enqueue_dma source(%arg9 : memref<64xf32, #tpu.memory_space<vmem>>) target(%dma_start3A_34 : memref<64xf32, #tpu.memory_space<hbm>>) target_semaphore(%run_scoped3A : memref<!tpu.dma_semaphore, #tpu.memory_space<semaphore_mem>>)
        %dma_wait3A_35 = tpu.memref_slice %arg6[%add3A_14] : memref<16384xf32, #tpu.memory_space<hbm>> -> memref<64xf32, #tpu.memory_space<hbm>>
        %dma_wait3A_36 = tpu.memref_slice %arg6[%add3A_14] : memref<16384xf32, #tpu.memory_space<hbm>> -> memref<64xf32, #tpu.memory_space<hbm>>
        tpu.wait_dma2 semaphore(%run_scoped3A : memref<!tpu.dma_semaphore, #tpu.memory_space<semaphore_mem>>) src(%arg9 : memref<64xf32, #tpu.memory_space<vmem>>) dst(%dma_wait3A_36 : memref<64xf32, #tpu.memory_space<hbm>>)
        tpu.yield
      }) : () -> ()
      %scan3A_32 = arith.constant 0 : i32
      scf.yield %scan3A_32 : i32
    }
    %scan3A_7 = arith.constant 8 : i32
    return
  }
}

</mosaic_0001>

<sc_bundles>
// kernel: kernel.11.cloned.1.call-start
scs
__scs_entry_jumppad:
0x0: {  	(pc) =	sbr.rel $0x88, $3  }
0x1: {  	(tag) =	ssettag $0x0;
	lr =	simm.s32 $0x1  }
0x2: {  	[smem:$0x3F9D] =	sst lr;
	_ =	strace $0xD0000000  }
0x3: {  	_ = 	snop  }
0x4: {  	_ = 	snop  }
0x5: {  	_ = 	snop  }
0x6: {  	_ = 	snop  }
0x7: {  	_ = 	snop  }
__scs_overlays_trampoline_lowered:
0x8: {  	[smem:$0x3FAC] =	sst s0  }
0x9: {  	[smem:$0x3FAD] =	sst s1  }
0xa: {  	[smem:$0x3FAE] =	sst s2  }
0xb: {  	[smem:$0x3FAF] =	sst s3  }
0xc: {  	[smem:$0x3FB0] =	sst s4  }
0xd: {  	[smem:$0x3FB1] =	sst s5  }
0xe: {  	[smem:$0x3FB2] =	sst s6  }
0xf: {  	[smem:$0x3FB3] =	sst s7  }
0x10: {  	[smem:$0x3FB4] =	sst s8  }
0x11: {  	[smem:$0x3FB5] =	sst s9;
	s0 =	simm.s32 @!p0 $0x0  }
0x12: {  	s1 =	sld [smem:$0x3F9B];
	s0 =	simm.s32 @p0 $0x1  }
0x13: {  	[smem:$0x3FB6] =	sst s0;
	s0 =	simm.s32 @!p1 $0x0  }
0x14: {  	s2 =	sld [smem:$0x3F9A];
	s0 =	simm.s32 @p1 $0x1  }
0x15: {  	[smem:$0x3FB7] =	sst s0;
	s0 =	simm.s32 @!p2 $0x0  }
0x16: {  	s3 =	sld [smem:$0x3FDB];
	s0 =	simm.s32 @p2 $0x1  }
0x17: {  	s4 =	simm.s32 $0x1BF5;
	[smem:$0x3FB9] =	sst s0  }
0x18: {  	s0 =	sld [smem:$0x3F9C];
	_ =	swait.ge [sflag:s4], $0x0  }
0x19: {  	s7 =	sld [smem:$0x3F9D]  }
0x1a: {  	s8 =	sadd.s32 $0xFFFFE003, lr  }
0x1b: {  	s9 =	sadd.s32 $0xFFFFFEF7, lr;
	s5 =	simm.s32 $0xFFFFFFFF;
	p2 =	slt.u32 s8, $0xFFFFF086  }
0x1c: {  	p1 =	slt.u32 s9, $0xF7A;
	s5 =	simm.s32 @!p2 $0x0  }
0x1d: {  	s5 =	simm.s32 @p1 $0x1;
	p0 =	seq.s32 s7, s2  }
0x1e: {  	s7 =	smul.u32 @!p0 $0xF7A, s2;
	p2 =	seq.s32 @!p0 s5, $0x0  }
0x1f: {  	s9 =	smul.u32 $0xF7A, s1;
	s8 =	simm.s32 @!p0 $0x1BF5;
	p2 =	por !p2, p0  }
0x20: {  	[sflag:s8] =	ssyncset.s32 @!p0 $0xFFFFF086;
	s6 =	sadd.s32 @!p0 s3, s7;
	s7 =	simm.s32 @!p0 $0x108  }
0x21: {  	s3 =	sadd.s32 s3, s9;
	s6 =	sadd.s32 @!p0 $0x88, s6;
	s7 =	simm.s32 @p2 $0x1082  }
0x22: {  	[simem:s7], [sflag:s8] =	dma.local @!p0 [hbm:s6], $0xF7A  }
0x23: {  	s9 =	sor.u32 $0xD0000000, s2;
	s6 =	simm.s32 $0x108;
	_ =	swait.ge @!p0 [sflag:s8], $0x0  }
0x24: {  	s3 =	sadd.s32 $0x88, s3;
	s6 =	simm.s32 @!p1 $0x1082;
	[sflag:s4] =	ssyncset.s32 $0xFFFFF086  }
0x25: {  	[simem:s6], [sflag:s4] =	dma.local [hbm:s3], $0xF7A  }
0x26: {  	[smem:$0x3F9D] =	sst s1;
	(tag) =	ssettag s2;
	_ =	strace s9  }
0x27: {  	s1 =	sld [smem:$0x3FAD]  }
0x28: {  	s2 =	sld [smem:$0x3FAE]  }
0x29: {  	s4 =	sld [smem:$0x3FB0]  }
0x2a: {  	p0 =	seq.s32 s5, $0x0;
	s5 =	sld [smem:$0x3FB1]  }
0x2b: {  	s6 =	sld [smem:$0x3FB2]  }
0x2c: {  	s7 =	sld [smem:$0x3FB3]  }
0x2d: {  	s3 =	simm.s32 $0x108;
	s8 =	sld [smem:$0x3FB4]  }
0x2e: {  	s3 =	simm.s32 @!p0 $0x1082;
	s9 =	sld [smem:$0x3FB5]  }
0x2f: {  	lr =	sadd.s32 s0, s3;
	s0 =	sld [smem:$0x3FAC]  }
0x30: {  	s3 =	sld [smem:$0x3FAF]  }
0x31: {  	[smem:$0x3FB8] =	sst s10  }
0x32: {  	s10 =	sld [smem:$0x3FB6];
	_ =	sdelay $0x3  }
0x33: {  	p0 =	seq.s32 s10, $0x1;
	s10 =	sld [smem:$0x3FB8];
	_ =	sdelay $0x3  }
0x34: {  	[smem:$0x3FB8] =	sst s10  }
0x35: {  	s10 =	sld [smem:$0x3FB7];
	_ =	sdelay $0x3  }
0x36: {  	p1 =	seq.s32 s10, $0x1;
	s10 =	sld [smem:$0x3FB8];
	_ =	sdelay $0x3  }
0x37: {  	[smem:$0x3FB8] =	sst s10  }
0x38: {  	s10 =	sld [smem:$0x3FB9]  }
0x39: {  	_ = 	snop;
	(pc) =	sbr.ind lr, $3  }
0x3a: {  	_ = 	snop  }
0x3b: {  	_ = 	snop  }
0x3c: {  	p2 =	seq.s32 s10, $0x1;
	s10 =	sld [smem:$0x3FB8]  }
0x3d: {  	_ =	shalt  }
0x3e: {  	_ =	shalt  }
0x3f: {  	_ =	shalt  }
0x40: {  	_ =	shalt  }
0x41: {  	_ =	shalt  }
0x42: {  	_ =	shalt  }
0x43: {  	_ =	shalt  }
0x44: {  	_ =	shalt  }
0x45: {  	_ =	shalt  }
0x46: {  	_ =	shalt  }
0x47: {  	_ =	shalt  }
0x48: {  	_ =	shalt  }
0x49: {  	_ =	shalt  }
0x4a: {  	_ =	shalt  }
0x4b: {  	_ =	shalt  }
0x4c: {  	_ =	shalt  }
0x4d: {  	_ =	shalt  }
0x4e: {  	_ =	shalt  }
0x4f: {  	_ =	shalt  }
0x50: {  	_ =	shalt  }
0x51: {  	_ =	shalt  }
0x52: {  	_ =	shalt  }
0x53: {  	_ =	shalt  }
0x54: {  	_ =	shalt  }
0x55: {  	_ =	shalt  }
0x56: {  	_ =	shalt  }
0x57: {  	_ =	shalt  }
0x58: {  	_ =	shalt  }
0x59: {  	_ =	shalt  }
0x5a: {  	_ =	shalt  }
0x5b: {  	_ =	shalt  }
0x5c: {  	_ =	shalt  }
0x5d: {  	_ =	shalt  }
0x5e: {  	_ =	shalt  }
0x5f: {  	_ =	shalt  }
0x60: {  	_ =	shalt  }
0x61: {  	_ =	shalt  }
0x62: {  	_ =	shalt  }
0x63: {  	_ =	shalt  }
0x64: {  	_ =	shalt  }
0x65: {  	_ =	shalt  }
0x66: {  	_ =	shalt  }
0x67: {  	_ =	shalt  }
0x68: {  	_ =	shalt  }
0x69: {  	_ =	shalt  }
0x6a: {  	_ =	shalt  }
0x6b: {  	_ =	shalt  }
0x6c: {  	_ =	shalt  }
0x6d: {  	_ =	shalt  }
0x6e: {  	_ =	shalt  }
0x6f: {  	_ =	shalt  }
0x70: {  	_ =	shalt  }
0x71: {  	_ =	shalt  }
0x72: {  	_ =	shalt  }
0x73: {  	_ =	shalt  }
0x74: {  	_ =	shalt  }
0x75: {  	_ =	shalt  }
0x76: {  	_ =	shalt  }
0x77: {  	_ =	shalt  }
0x78: {  	_ =	shalt  }
0x79: {  	_ =	shalt  }
0x7a: {  	_ =	shalt  }
0x7b: {  	_ =	shalt  }
0x7c: {  	_ =	shalt  }
0x7d: {  	_ =	shalt  }
0x7e: {  	_ =	shalt  }
0x7f: {  	_ =	shalt  }
0x80: {  	_ =	shalt  }
0x81: {  	_ =	shalt  }
0x82: {  	_ =	shalt  }
0x83: {  	_ =	shalt  }
0x84: {  	_ =	shalt  }
0x85: {  	_ =	shalt  }
0x86: {  	_ =	shalt  }
0x87: {  	_ =	shalt  }
.Lfunc_end0:
.L_simem_size_0:
called_computation.2_lowered:
.L_overlay_start_0:
0x88: {  	s2 =	sld [smem:$0x3FD9]  }
0x89: {  	s3 =	sld [smem:$0x3FFE];
	_ =	sdelay $0x1  }
0x8a: {  	s1 =	srdreg.scid  }
0x8b: {  	s0 =	sand.u32 $0x1, s1  }
0x8c: {  	s17 =	sshll.u32 s0, $0xA;
	s2 =	sadd.s32 s3, s2  }
0x8d: {  	s2 =	sadd.s32 s2, s17  }
0x8e: {  	[smem:$0x3FC4] =	sst s2  }
0x8f: {  	_ = 	snop  }
0x90: {  	s2 =	sld [smem:$0x3FC8]  }
0x91: {  	s18 =	sld [smem:$0x3FC7]  }
0x92: {  	s4 =	sld [smem:$0x3FD0];
	(tm) =	ssettm $0x1  }
0x93: {  	s5 =	sld [smem:$0x3FFB];
	_ =	sdelay $0x3  }
0x94: {  	_ =	strace s5  }
0x95: {  	s5 =	sld [smem:$0x3FFC];
	_ =	sdelay $0x3  }
0x96: {  	_ =	strace s5  }
0x97: {  	s5 =	sld [smem:$0x3FFD];
	_ =	sdelay $0x3  }
0x98: {  	_ =	strace s5  }
0x99: {  	_ =	strace $0x8FFFFFFF  }
0x9a: {  	s19 =	sld [smem:$0x3FDB];
	_ =	sdelay $0x1  }
0x9b: {  	s6 =	simm.s32 $_scs_section_size  }
0x9c: {  	s7 =	simm.s32 $_size__tile_overlayer_lowered;
	s8 =	simm.s32 $_tile_overlayer_lowered  }
0x9d: {  	s22 =	simm.s32 $0x1BFF;
	s21 =	sshll.u32 s8, $0x1;
	s5 =	sadd.s32 s6, s19  }
0x9e: {  	s9 =	simm.s32 $0x0;
	s20 =	sshll.u32 s7, $0x1;
	s7 =	sadd.s32 s21, s5  }
0x9f: {  	[timem:s9], [sflag:s22] =	dma.local [hbm:s7], s20  }
0xa0: {  	_ =	swait.ge [sflag:s22], s20  }
0xa1: {  	s6 =	ssub.s32 $0x0, s20;
	[sflag:s22] =	ssyncset.done $0x0  }
0xa2: {  	[sflag:s22] =	ssyncadd.s32 s6;
	_ =	sdelay $0x1  }
0xa3: {  	s23 =	simm.s32 $0x1B8B  }
0xa4: {  	_ =	swait.ge [sflag:s23], $0x1  }
0xa5: {  	[sflag:s23] =	ssyncset.done $0x0  }
0xa6: {  	s25 =	simm.s32 $0x1B8E;
	s24 =	sld [smem:$0x3FFE];
	[sflag:s23] =	ssyncadd.s32 $0xFFFFFFFF  }
0xa7: {  	s26 =	simm.s32 $execute0_lowered;
	[smem:$0x3FD2] =	sst s25  }
0xa8: {  	s7 =	sshll.u32 s26, $0x1;
	_ =	strace $0x8000004C;
	[dreg:$0x1] =	wrdreg $0xFFFFFFFF  }
0xa9: {  	s28 =	simm.s32 $_size_execute0_lowered;
	s5 =	sadd.s32 s5, s7;
	[dreg:$0x0] =	wrdreg $0x0  }
0xaa: {  	s7 =	sshll.u32 s28, $0x1;
	[dreg:$0x2] =	wrdreg s5  }
0xab: {  	[dreg:$0x3] =	wrdreg s7  }
0xac: {  	[dreg:$0x4] =	wrdreg $0xC0  }
0xad: {  	_ =	task [dreg:s9], $0x5FFFF  }
0xae: {  	[dreg:$0x1] =	wrdreg $0xFFFFFFFF  }
0xaf: {  	[dreg:$0x0] =	wrdreg $0x60  }
0xb0: {  	[dreg:$0x2] =	wrdreg s24  }
0xb1: {  	[dreg:$0x3] =	wrdreg s2  }
0xb2: {  	[dreg:$0x4] =	wrdreg s18  }
0xb3: {  	[dreg:$0x5] =	wrdreg s4  }
0xb4: {  	[dreg:$0x6] =	wrdreg $0x9  }
0xb5: {  	_ =	task.clear_ibuf [dreg:s9], $0x7FFFF;
	_ =	strace $0x9000004C  }
0xb6: {  	s29 =	simm.s32 $0x9;
	_ =	strace $0x8000004E  }
0xb7: {  	_ =	swait.ge [sflag:s29], $0x1  }
0xb8: {  	[sflag:s29] =	ssyncadd.s32 $0xFFFFFFFF  }
0xb9: {  	_ =	strace $0x9000004E  }
0xba: {  	_ =	sfence  }
0xbb: {  	s30 =	sld [smem:$0x0];
	_ =	sdelay $0x2  }
0xbc: {  	s31 =	sshll.u32 s1, $0xD;
	s1 =	sshrl.u32 s1, $0x2  }
0xbd: {  	s3 =	sand.u32 $0x4000, s31;
	s1 =	sadd.s32 s1, s30  }
0xbe: {  	s0 =	sor.u32 s3, s0;
	s1 =	sshll.u32 s1, $0x11  }
0xbf: {  	s0 =	sor.u32 s1, s0  }
0xc0: {  	s0 =	sadd.s32 $0x8F2B, s0  }
0xc1: {  	[sflag:s0] =	ssyncadd.remote.s32 $0x1  }
0xc2: {  	_ =	sfence.sel $0xFFFF  }
0xc3: {  	[dreg:$0x0] =	wrdreg $0xFFFFFFFF;
	(pc) =	sbr.abs _section_cstart, $3  }
0xc4: {  	[dreg:$0x1] =	wrdreg $0xFFFFFFFF  }
0xc5: {  	_ =	task.clear_ibuf [dreg:s9], $0x2FFFF;
	_ =	strace $0x9FFFFFFF  }
0xc6: {  	(tm) =	ssettm $0x7FFFFFFF  }
0xc7: {  	_ =	shalt  }
tec
execute0_lowered:
.L_overlay_start_1:
0x0: {  	(tag) =	ssettag $0x1  }
0x1: {  	s7 =	rddreg [dreg:$0x0]  }
0x2: {  	s1 =	rddreg [dreg:$0x1]  }
0x3: {  	s2 =	rddreg [dreg:$0x2]  }
0x4: {  	s3 =	rddreg [dreg:$0x3]  }
0x5: {  	s0 =	rddreg [dreg:$0x4];
	s4 =	simm.s32 $0x0;
	s5 =	srdreg.scid  }
0x6: {  	s12 =	simm.s32 $0x1000;
	s13 =	simm.s32 $0x40;
	s14 =	simm.s32 $0x1080  }
0x7: {  	s15 =	simm.s32 $0x1;
	s16 =	simm.s32 $0x1040;
	s17 =	simm.s32 $0x0  }
0x8: {  	[smem:$0x7FF] =	sst s4;
	s8 =	sand.u32 $0x1, s5;
	s6 =	sadd.s32 $0xAC200, s7  }
0x9: {  	s5 =	stileid.u32;
	s7 =	sadd.s32 $0x10DE00, s7;
	s9 =	ssub.s32 $0x2, s8  }
0xa: {  	s8 =	sshll.u32 s8, $0xA;
	s11 =	sshll.u32 s5, $0x6;
	s10 =	sshrl.u32 s9, $0x1  }
0xb: {  	v0 =	vlaneseq.u32;
	_ =	strace $0x8000004D;
	s8 =	sor.u32 s11, s8;
	s9 =	ssub.s32 s9, s10  }
0xc: {  	v0 =	vmul.u32 $0x40, v0;
	s11 =	simm.s32 $0x2;
	s10 =	simm.s32 $0x2080;
	s9 =	smax.u32 s9, $0x1  }
.LBB2_1:
0xd: {  	s18 =	simm.s32 $0x0  }
.LBB2_2:
0xe: {  	s19 =	sshll.u32 s18, $0x3  }
0xf: {  	s19 =	sadd.s32 s8, s19  }
0x10: {  	s21 =	simm.s32 $0x0;
	s20 =	sadd.s32 s1, s19  }
0x11: {  	[tilespmem:s10], [sflag:$0x2] =	stream.linear.gather [hbm4b:s20+s21], $0x40, $0x38;
	[tilespmem:$0x20C0] =	vst v63  }
0x12: {  	_ =	swait.ge [sflag:s11], $0x40  }
0x13: {  	[sflag:s11] =	ssyncset.done $0x0  }
0x14: {  	s30 =	sadd.s32 s2, s19;
	[sflag:s11] =	ssyncadd.s32 $0xFFFFFFC0  }
0x15: {  	[tilespmem:s12], [sflag:$0x2] =	stream.linear.gather [hbm4b:s30+s21], $0x40, $0x38;
	[tilespmem:$0x20C0] =	vst v63  }
0x16: {  	_ =	swait.ge [sflag:s11], $0x40  }
0x17: {  	[sflag:s11] =	ssyncset.done $0x0  }
0x18: {  	[sflag:s11] =	ssyncadd.s32 $0xFFFFFFC0  }
0x19: {  	[tilespmem:s14], [sflag:$0x1] =	stream.indirect.gather [hbm4b:s7+s13], $0x40, s10, s13, $0xb8;
	[tilespmem:$0x20C0] =	vst v63  }
0x1a: {  	v1 =	vmov s21;
	_ =	swait.ge [sflag:s15], $0x1000  }
0x1b: {  	v1 =	vshll.u32 v1, $0x6;
	[sflag:s15] =	ssyncset.done $0x0  }
0x1c: {  	v1 =	vor.u32 v0, v1;
	[sflag:s15] =	ssyncadd.s32 $0xFFFFF000  }
0x1d: {  	[tilespmem:s21], [sflag:$0x1] =	stream.indirect.gather [hbm4b:s6+s13], $0x40, s12, s13, $0xb8;
	[tilespmem:$0x20C0] =	vst v63  }
0x1e: {  	v2 =	vor.u32 $0x1, v1;
	_ =	swait.ge [sflag:s15], $0x1000  }
0x1f: {  	[sflag:s15] =	ssyncset.done $0x0  }
0x20: {  	v3 =	vor.u32 $0x2, v1;
	[sflag:s15] =	ssyncadd.s32 $0xFFFFF000  }
0x21: {  	v4 =	vld.idx.msk [tilespmem:v1+s14+$0x0], $0xffff  }
0x22: {  	v6 =	vor.u32 $0x3, v1;
	v5 =	vld.idx.msk [tilespmem:v1+s4+$0x0], $0xffff  }
0x23: {  	v7 =	vld.idx.msk [tilespmem:v2+s14+$0x0], $0xffff  }
0x24: {  	v8 =	vor.u32 $0x4, v1;
	v2 =	vld.idx.msk [tilespmem:v2+s4+$0x0], $0xffff  }
0x25: {  	v9 =	vld.idx.msk [tilespmem:v3+s14+$0x0], $0xffff  }
0x26: {  	v10 =	vor.u32 $0x5, v1;
	v3 =	vld.idx.msk [tilespmem:v3+s4+$0x0], $0xffff  }
0x27: {  	v11 =	vld.idx.msk [tilespmem:v6+s14+$0x0], $0xffff;
	v4 =	vmul.f32 v5, v4  }
0x28: {  	v5 =	vld.idx.msk [tilespmem:v6+s4+$0x0], $0xffff;
	v6 =	vor.u32 $0x6, v1  }
0x29: {  	v12 =	vld.idx.msk [tilespmem:v8+s14+$0x0], $0xffff;
	v2 =	vmul.f32 v2, v7;
	v4 =	vadd.f32 $0.0e+00, v4  }
0x2a: {  	v60 =	vor.u32 $0x7, v1;
	v7 =	vld.idx.msk [tilespmem:v8+s4+$0x0], $0xffff  }
0x2b: {  	v13 =	vld.idx.msk [tilespmem:v10+s14+$0x0], $0xffff;
	v3 =	vmul.f32 v3, v9;
	v2 =	vadd.f32 v2, v4  }
0x2c: {  	v61 =	vor.u32 $0x8, v1;
	v4 =	vld.idx.msk [tilespmem:v10+s4+$0x0], $0xffff  }
0x2d: {  	v62 =	vld.idx.msk [tilespmem:v6+s14+$0x0], $0xffff;
	v2 =	vadd.f32 v3, v2;
	v3 =	vmul.f32 v5, v11  }
0x2e: {  	v5 =	vld.idx.msk [tilespmem:v6+s4+$0x0], $0xffff;
	v6 =	vor.u32 $0x9, v1  }
0x2f: {  	v63 =	vld.idx.msk [tilespmem:v60+s14+$0x0], $0xffff;
	v2 =	vadd.f32 v3, v2;
	v3 =	vmul.f32 v7, v12  }
0x30: {  	v16 =	vor.u32 $0xA, v1;
	v7 =	vld.idx.msk [tilespmem:v60+s4+$0x0], $0xffff  }
0x31: {  	v17 =	vld.idx.msk [tilespmem:v61+s14+$0x0], $0xffff;
	v2 =	vadd.f32 v3, v2;
	v3 =	vmul.f32 v4, v13  }
0x32: {  	v18 =	vor.u32 $0xB, v1;
	v4 =	vld.idx.msk [tilespmem:v61+s4+$0x0], $0xffff  }
0x33: {  	v19 =	vld.idx.msk [tilespmem:v6+s14+$0x0], $0xffff;
	v2 =	vadd.f32 v3, v2;
	v3 =	vmul.f32 v5, v62  }
0x34: {  	v5 =	vld.idx.msk [tilespmem:v6+s4+$0x0], $0xffff;
	v6 =	vor.u32 $0xC, v1  }
0x35: {  	v20 =	vld.idx.msk [tilespmem:v16+s14+$0x0], $0xffff;
	v2 =	vadd.f32 v3, v2;
	v3 =	vmul.f32 v7, v63  }
0x36: {  	v21 =	vor.u32 $0xD, v1;
	v7 =	vld.idx.msk [tilespmem:v16+s4+$0x0], $0xffff  }
0x37: {  	v22 =	vld.idx.msk [tilespmem:v18+s14+$0x0], $0xffff;
	v2 =	vadd.f32 v3, v2;
	v3 =	vmul.f32 v4, v17  }
0x38: {  	v23 =	vor.u32 $0xE, v1;
	v4 =	vld.idx.msk [tilespmem:v18+s4+$0x0], $0xffff  }
0x39: {  	v24 =	vld.idx.msk [tilespmem:v6+s14+$0x0], $0xffff;
	v2 =	vadd.f32 v3, v2;
	v3 =	vmul.f32 v5, v19  }
0x3a: {  	v5 =	vld.idx.msk [tilespmem:v6+s4+$0x0], $0xffff;
	v6 =	vor.u32 $0xF, v1  }
0x3b: {  	v25 =	vld.idx.msk [tilespmem:v21+s14+$0x0], $0xffff;
	v2 =	vadd.f32 v3, v2;
	v3 =	vmul.f32 v7, v20  }
0x3c: {  	v26 =	vor.u32 $0x10, v1;
	v7 =	vld.idx.msk [tilespmem:v21+s4+$0x0], $0xffff  }
0x3d: {  	v27 =	vld.idx.msk [tilespmem:v23+s14+$0x0], $0xffff;
	v2 =	vadd.f32 v3, v2;
	v3 =	vmul.f32 v4, v22  }
0x3e: {  	v28 =	vor.u32 $0x11, v1;
	v4 =	vld.idx.msk [tilespmem:v23+s4+$0x0], $0xffff  }
0x3f: {  	v29 =	vld.idx.msk [tilespmem:v6+s14+$0x0], $0xffff;
	v2 =	vadd.f32 v3, v2;
	v3 =	vmul.f32 v5, v24  }
0x40: {  	v5 =	vld.idx.msk [tilespmem:v6+s4+$0x0], $0xffff;
	v6 =	vor.u32 $0x12, v1  }
0x41: {  	v30 =	vld.idx.msk [tilespmem:v26+s4+$0x0], $0xffff;
	v2 =	vadd.f32 v3, v2;
	v3 =	vmul.f32 v7, v25  }
0x42: {  	v31 =	vor.u32 $0x13, v1;
	v7 =	vld.idx.msk [tilespmem:v26+s14+$0x0], $0xffff  }
0x43: {  	v32 =	vld.idx.msk [tilespmem:v28+s4+$0x0], $0xffff;
	v2 =	vadd.f32 v3, v2;
	v3 =	vmul.f32 v4, v27  }
0x44: {  	v33 =	vor.u32 $0x14, v1;
	v4 =	vld.idx.msk [tilespmem:v28+s14+$0x0], $0xffff  }
0x45: {  	v34 =	vld.idx.msk [tilespmem:v6+s4+$0x0], $0xffff;
	v2 =	vadd.f32 v3, v2;
	v3 =	vmul.f32 v5, v29  }
0x46: {  	v5 =	vld.idx.msk [tilespmem:v6+s14+$0x0], $0xffff;
	v6 =	vor.u32 $0x15, v1  }
0x47: {  	v35 =	vld.idx.msk [tilespmem:v31+s4+$0x0], $0xffff;
	v2 =	vadd.f32 v3, v2;
	v3 =	vmul.f32 v30, v7  }
0x48: {  	v36 =	vor.u32 $0x16, v1;
	v7 =	vld.idx.msk [tilespmem:v31+s14+$0x0], $0xffff  }
0x49: {  	v37 =	vld.idx.msk [tilespmem:v33+s4+$0x0], $0xffff;
	v2 =	vadd.f32 v3, v2;
	v3 =	vmul.f32 v32, v4  }
0x4a: {  	v38 =	vor.u32 $0x17, v1;
	v4 =	vld.idx.msk [tilespmem:v33+s14+$0x0], $0xffff  }
0x4b: {  	v39 =	vld.idx.msk [tilespmem:v6+s4+$0x0], $0xffff;
	v2 =	vadd.f32 v3, v2;
	v3 =	vmul.f32 v34, v5  }
0x4c: {  	v5 =	vld.idx.msk [tilespmem:v6+s14+$0x0], $0xffff;
	v6 =	vor.u32 $0x18, v1  }
0x4d: {  	v40 =	vld.idx.msk [tilespmem:v36+s4+$0x0], $0xffff;
	v2 =	vadd.f32 v3, v2;
	v3 =	vmul.f32 v35, v7  }
0x4e: {  	v41 =	vor.u32 $0x19, v1;
	v7 =	vld.idx.msk [tilespmem:v36+s14+$0x0], $0xffff  }
0x4f: {  	v42 =	vld.idx.msk [tilespmem:v38+s4+$0x0], $0xffff;
	v2 =	vadd.f32 v3, v2;
	v3 =	vmul.f32 v37, v4  }
0x50: {  	v43 =	vor.u32 $0x1A, v1;
	v4 =	vld.idx.msk [tilespmem:v38+s14+$0x0], $0xffff  }
0x51: {  	v44 =	vld.idx.msk [tilespmem:v6+s4+$0x0], $0xffff;
	v2 =	vadd.f32 v3, v2;
	v3 =	vmul.f32 v39, v5  }
0x52: {  	v5 =	vld.idx.msk [tilespmem:v6+s14+$0x0], $0xffff;
	v6 =	vor.u32 $0x1B, v1  }
0x53: {  	v45 =	vld.idx.msk [tilespmem:v41+s4+$0x0], $0xffff;
	v2 =	vadd.f32 v3, v2;
	v3 =	vmul.f32 v40, v7  }
0x54: {  	v46 =	vor.u32 $0x1C, v1;
	v7 =	vld.idx.msk [tilespmem:v41+s14+$0x0], $0xffff  }
0x55: {  	v47 =	vld.idx.msk [tilespmem:v43+s4+$0x0], $0xffff;
	v2 =	vadd.f32 v3, v2;
	v3 =	vmul.f32 v42, v4  }
0x56: {  	v48 =	vor.u32 $0x1D, v1;
	v4 =	vld.idx.msk [tilespmem:v43+s14+$0x0], $0xffff  }
0x57: {  	v49 =	vld.idx.msk [tilespmem:v6+s4+$0x0], $0xffff;
	v2 =	vadd.f32 v3, v2;
	v3 =	vmul.f32 v44, v5  }
0x58: {  	v5 =	vld.idx.msk [tilespmem:v6+s14+$0x0], $0xffff;
	v6 =	vor.u32 $0x1E, v1  }
0x59: {  	v50 =	vld.idx.msk [tilespmem:v46+s4+$0x0], $0xffff;
	v2 =	vadd.f32 v3, v2;
	v3 =	vmul.f32 v45, v7  }
0x5a: {  	v51 =	vor.u32 $0x1F, v1;
	v7 =	vld.idx.msk [tilespmem:v46+s14+$0x0], $0xffff  }
0x5b: {  	v52 =	vld.idx.msk [tilespmem:v48+s4+$0x0], $0xffff;
	v2 =	vadd.f32 v3, v2;
	v3 =	vmul.f32 v47, v4  }
0x5c: {  	v53 =	vor.u32 $0x20, v1;
	v4 =	vld.idx.msk [tilespmem:v48+s14+$0x0], $0xffff  }
0x5d: {  	v54 =	vld.idx.msk [tilespmem:v6+s4+$0x0], $0xffff;
	v2 =	vadd.f32 v3, v2;
	v3 =	vmul.f32 v49, v5  }
0x5e: {  	v5 =	vld.idx.msk [tilespmem:v6+s14+$0x0], $0xffff;
	v6 =	vor.u32 $0x21, v1  }
0x5f: {  	v55 =	vld.idx.msk [tilespmem:v51+s4+$0x0], $0xffff;
	v2 =	vadd.f32 v3, v2;
	v3 =	vmul.f32 v50, v7  }
0x60: {  	v56 =	vor.u32 $0x22, v1;
	v7 =	vld.idx.msk [tilespmem:v51+s14+$0x0], $0xffff  }
0x61: {  	v57 =	vld.idx.msk [tilespmem:v53+s4+$0x0], $0xffff;
	v2 =	vadd.f32 v3, v2;
	v3 =	vmul.f32 v52, v4  }
0x62: {  	v58 =	vor.u32 $0x23, v1;
	v4 =	vld.idx.msk [tilespmem:v53+s14+$0x0], $0xffff  }
0x63: {  	v59 =	vld.idx.msk [tilespmem:v6+s4+$0x0], $0xffff;
	v2 =	vadd.f32 v3, v2;
	v3 =	vmul.f32 v54, v5  }
0x64: {  	v5 =	vld.idx.msk [tilespmem:v6+s14+$0x0], $0xffff;
	v6 =	vor.u32 $0x24, v1  }
0x65: {  	v60 =	vld.idx.msk [tilespmem:v56+s4+$0x0], $0xffff;
	v2 =	vadd.f32 v3, v2;
	v3 =	vmul.f32 v55, v7  }
0x66: {  	v61 =	vor.u32 $0x25, v1;
	v7 =	vld.idx.msk [tilespmem:v56+s14+$0x0], $0xffff  }
0x67: {  	v62 =	vld.idx.msk [tilespmem:v58+s4+$0x0], $0xffff;
	v2 =	vadd.f32 v3, v2;
	v3 =	vmul.f32 v57, v4  }
0x68: {  	v63 =	vor.u32 $0x26, v1;
	v4 =	vld.idx.msk [tilespmem:v58+s14+$0x0], $0xffff  }
0x69: {  	v16 =	vld.idx.msk [tilespmem:v6+s4+$0x0], $0xffff;
	v2 =	vadd.f32 v3, v2;
	v3 =	vmul.f32 v59, v5  }
0x6a: {  	v5 =	vld.idx.msk [tilespmem:v6+s14+$0x0], $0xffff;
	v6 =	vor.u32 $0x27, v1  }
0x6b: {  	v17 =	vld.idx.msk [tilespmem:v61+s4+$0x0], $0xffff;
	v2 =	vadd.f32 v3, v2;
	v3 =	vmul.f32 v60, v7  }
0x6c: {  	v18 =	vor.u32 $0x28, v1;
	v7 =	vld.idx.msk [tilespmem:v61+s14+$0x0], $0xffff  }
0x6d: {  	v19 =	vld.idx.msk [tilespmem:v63+s4+$0x0], $0xffff;
	v2 =	vadd.f32 v3, v2;
	v3 =	vmul.f32 v62, v4  }
0x6e: {  	v20 =	vor.u32 $0x29, v1;
	v4 =	vld.idx.msk [tilespmem:v63+s14+$0x0], $0xffff  }
0x6f: {  	v21 =	vld.idx.msk [tilespmem:v6+s4+$0x0], $0xffff;
	v2 =	vadd.f32 v3, v2;
	v3 =	vmul.f32 v16, v5  }
0x70: {  	v5 =	vld.idx.msk [tilespmem:v6+s14+$0x0], $0xffff;
	v6 =	vor.u32 $0x2A, v1  }
0x71: {  	v22 =	vld.idx.msk [tilespmem:v18+s4+$0x0], $0xffff;
	v2 =	vadd.f32 v3, v2;
	v3 =	vmul.f32 v17, v7  }
0x72: {  	v23 =	vor.u32 $0x2B, v1;
	v7 =	vld.idx.msk [tilespmem:v18+s14+$0x0], $0xffff  }
0x73: {  	v24 =	vld.idx.msk [tilespmem:v20+s4+$0x0], $0xffff;
	v2 =	vadd.f32 v3, v2;
	v3 =	vmul.f32 v19, v4  }
0x74: {  	v25 =	vor.u32 $0x2C, v1;
	v4 =	vld.idx.msk [tilespmem:v20+s14+$0x0], $0xffff  }
0x75: {  	v26 =	vld.idx.msk [tilespmem:v6+s4+$0x0], $0xffff;
	v2 =	vadd.f32 v3, v2;
	v3 =	vmul.f32 v21, v5  }
0x76: {  	v5 =	vld.idx.msk [tilespmem:v6+s14+$0x0], $0xffff;
	v6 =	vor.u32 $0x2D, v1  }
0x77: {  	v27 =	vld.idx.msk [tilespmem:v23+s4+$0x0], $0xffff;
	v2 =	vadd.f32 v3, v2;
	v3 =	vmul.f32 v22, v7  }
0x78: {  	v28 =	vor.u32 $0x2E, v1;
	v7 =	vld.idx.msk [tilespmem:v23+s14+$0x0], $0xffff  }
0x79: {  	v29 =	vld.idx.msk [tilespmem:v25+s4+$0x0], $0xffff;
	v2 =	vadd.f32 v3, v2;
	v3 =	vmul.f32 v24, v4  }
0x7a: {  	v30 =	vor.u32 $0x2F, v1;
	v4 =	vld.idx.msk [tilespmem:v25+s14+$0x0], $0xffff  }
0x7b: {  	v31 =	vld.idx.msk [tilespmem:v6+s4+$0x0], $0xffff;
	v2 =	vadd.f32 v3, v2;
	v3 =	vmul.f32 v26, v5  }
0x7c: {  	v5 =	vld.idx.msk [tilespmem:v6+s14+$0x0], $0xffff;
	v6 =	vor.u32 $0x30, v1  }
0x7d: {  	v32 =	vld.idx.msk [tilespmem:v28+s4+$0x0], $0xffff;
	v2 =	vadd.f32 v3, v2;
	v3 =	vmul.f32 v27, v7  }
0x7e: {  	v33 =	vor.u32 $0x31, v1;
	v7 =	vld.idx.msk [tilespmem:v28+s14+$0x0], $0xffff  }
0x7f: {  	v34 =	vld.idx.msk [tilespmem:v30+s4+$0x0], $0xffff;
	v2 =	vadd.f32 v3, v2;
	v3 =	vmul.f32 v29, v4  }
0x80: {  	v35 =	vor.u32 $0x32, v1;
	v4 =	vld.idx.msk [tilespmem:v30+s14+$0x0], $0xffff  }
0x81: {  	v36 =	vld.idx.msk [tilespmem:v6+s4+$0x0], $0xffff;
	v2 =	vadd.f32 v3, v2;
	v3 =	vmul.f32 v31, v5  }
0x82: {  	v5 =	vld.idx.msk [tilespmem:v6+s14+$0x0], $0xffff;
	v6 =	vor.u32 $0x33, v1  }
0x83: {  	v37 =	vld.idx.msk [tilespmem:v33+s4+$0x0], $0xffff;
	v2 =	vadd.f32 v3, v2;
	v3 =	vmul.f32 v32, v7  }
0x84: {  	v38 =	vor.u32 $0x34, v1;
	v7 =	vld.idx.msk [tilespmem:v33+s14+$0x0], $0xffff  }
0x85: {  	v39 =	vld.idx.msk [tilespmem:v35+s4+$0x0], $0xffff;
	v2 =	vadd.f32 v3, v2;
	v3 =	vmul.f32 v34, v4  }
0x86: {  	v40 =	vor.u32 $0x35, v1;
	v4 =	vld.idx.msk [tilespmem:v35+s14+$0x0], $0xffff  }
0x87: {  	v41 =	vld.idx.msk [tilespmem:v6+s4+$0x0], $0xffff;
	v2 =	vadd.f32 v3, v2;
	v3 =	vmul.f32 v36, v5  }
0x88: {  	v5 =	vld.idx.msk [tilespmem:v6+s14+$0x0], $0xffff;
	v6 =	vor.u32 $0x36, v1  }
0x89: {  	v42 =	vld.idx.msk [tilespmem:v38+s4+$0x0], $0xffff;
	v2 =	vadd.f32 v3, v2;
	v3 =	vmul.f32 v37, v7  }
0x8a: {  	v43 =	vor.u32 $0x37, v1;
	v7 =	vld.idx.msk [tilespmem:v38+s14+$0x0], $0xffff  }
0x8b: {  	v44 =	vld.idx.msk [tilespmem:v40+s4+$0x0], $0xffff;
	v2 =	vadd.f32 v3, v2;
	v3 =	vmul.f32 v39, v4  }
0x8c: {  	v45 =	vor.u32 $0x38, v1;
	v4 =	vld.idx.msk [tilespmem:v40+s14+$0x0], $0xffff  }
0x8d: {  	v46 =	vld.idx.msk [tilespmem:v6+s4+$0x0], $0xffff;
	v2 =	vadd.f32 v3, v2;
	v3 =	vmul.f32 v41, v5  }
0x8e: {  	v5 =	vld.idx.msk [tilespmem:v6+s14+$0x0], $0xffff;
	v6 =	vor.u32 $0x39, v1  }
0x8f: {  	v47 =	vld.idx.msk [tilespmem:v43+s4+$0x0], $0xffff;
	v2 =	vadd.f32 v3, v2;
	v3 =	vmul.f32 v42, v7  }
0x90: {  	v48 =	vor.u32 $0x3A, v1;
	v7 =	vld.idx.msk [tilespmem:v43+s14+$0x0], $0xffff  }
0x91: {  	v49 =	vld.idx.msk [tilespmem:v45+s4+$0x0], $0xffff;
	v2 =	vadd.f32 v3, v2;
	v3 =	vmul.f32 v44, v4  }
0x92: {  	v50 =	vor.u32 $0x3B, v1;
	v4 =	vld.idx.msk [tilespmem:v45+s14+$0x0], $0xffff  }
0x93: {  	v51 =	vld.idx.msk [tilespmem:v6+s4+$0x0], $0xffff;
	v2 =	vadd.f32 v3, v2;
	v3 =	vmul.f32 v46, v5  }
0x94: {  	v5 =	vld.idx.msk [tilespmem:v6+s14+$0x0], $0xffff;
	v6 =	vor.u32 $0x3C, v1  }
0x95: {  	v52 =	vld.idx.msk [tilespmem:v48+s4+$0x0], $0xffff;
	v2 =	vadd.f32 v3, v2;
	v3 =	vmul.f32 v47, v7  }
0x96: {  	v53 =	vor.u32 $0x3D, v1;
	v7 =	vld.idx.msk [tilespmem:v48+s14+$0x0], $0xffff  }
0x97: {  	v54 =	vld.idx.msk [tilespmem:v50+s4+$0x0], $0xffff;
	v2 =	vadd.f32 v3, v2;
	v3 =	vmul.f32 v49, v4  }
0x98: {  	v55 =	vor.u32 $0x3E, v1;
	v4 =	vld.idx.msk [tilespmem:v50+s14+$0x0], $0xffff  }
0x99: {  	v56 =	vld.idx.msk [tilespmem:v6+s4+$0x0], $0xffff;
	v2 =	vadd.f32 v3, v2;
	v3 =	vmul.f32 v51, v5  }
0x9a: {  	v1 =	vor.u32 $0x3F, v1;
	v5 =	vld.idx.msk [tilespmem:v6+s14+$0x0], $0xffff  }
0x9b: {  	v6 =	vld.idx.msk [tilespmem:v53+s4+$0x0], $0xffff;
	v2 =	vadd.f32 v3, v2;
	v3 =	vmul.f32 v52, v7  }
0x9c: {  	v7 =	vld.idx.msk [tilespmem:v53+s14+$0x0], $0xffff  }
0x9d: {  	v57 =	vld.idx.msk [tilespmem:v55+s4+$0x0], $0xffff;
	v2 =	vadd.f32 v3, v2;
	v3 =	vmul.f32 v54, v4  }
0x9e: {  	v4 =	vld.idx.msk [tilespmem:v55+s14+$0x0], $0xffff  }
0x9f: {  	v58 =	vld.idx.msk [tilespmem:v1+s14+$0x0], $0xffff;
	v2 =	vadd.f32 v3, v2;
	v3 =	vmul.f32 v56, v5  }
0xa0: {  	v1 =	vld.idx.msk [tilespmem:v1+s4+$0x0], $0xffff  }
0xa1: {  	v2 =	vadd.f32 v3, v2;
	v3 =	vmul.f32 v6, v7;
	_ =	sdelay $0x1  }
0xa2: {  	v2 =	vadd.f32 v3, v2;
	v3 =	vmul.f32 v57, v4  }
0xa3: {  	s31 =	simm.s32 $0x10  }
0xa4: {  	v4 =	vmov s31;
	v2 =	vadd.f32 v3, v2;
	v3 =	vmul.f32 v1, v58  }
0xa5: {  	v1 =	vshll.u32 v4, $0x6  }
0xa6: {  	v1 =	vor.u32 v0, v1;
	v2 =	vadd.f32 v3, v2;
	_ =	sdelay $0x1  }
0xa7: {  	v3 =	vor.u32 $0x1, v1;
	v2 =	vmul.f32 $1.111111120e-01, v2  }
0xa8: {  	s20 =	simm.s32 $0x1040  }
0xa9: {  	v4 =	vor.u32 $0x2, v1;
	[tilespmem:s20+$0x0] =	vst v2  }
0xaa: {  	v2 =	vld.idx.msk [tilespmem:v1+s14+$0x0], $0xffff  }
0xab: {  	v6 =	vor.u32 $0x3, v1;
	v5 =	vld.idx.msk [tilespmem:v1+s4+$0x0], $0xffff  }
0xac: {  	v7 =	vld.idx.msk [tilespmem:v3+s14+$0x0], $0xffff  }
0xad: {  	v59 =	vor.u32 $0x4, v1;
	v3 =	vld.idx.msk [tilespmem:v3+s4+$0x0], $0xffff  }
0xae: {  	v60 =	vld.idx.msk [tilespmem:v4+s14+$0x0], $0xffff  }
0xaf: {  	v61 =	vor.u32 $0x5, v1;
	v4 =	vld.idx.msk [tilespmem:v4+s4+$0x0], $0xffff  }
0xb0: {  	v62 =	vld.idx.msk [tilespmem:v6+s14+$0x0], $0xffff;
	v2 =	vmul.f32 v5, v2  }
0xb1: {  	v5 =	vld.idx.msk [tilespmem:v6+s4+$0x0], $0xffff;
	v6 =	vor.u32 $0x6, v1  }
0xb2: {  	v63 =	vld.idx.msk [tilespmem:v59+s14+$0x0], $0xffff;
	v3 =	vmul.f32 v3, v7;
	v2 =	vadd.f32 $0.0e+00, v2  }
0xb3: {  	v16 =	vor.u32 $0x7, v1;
	v7 =	vld.idx.msk [tilespmem:v59+s4+$0x0], $0xffff  }
0xb4: {  	v17 =	vld.idx.msk [tilespmem:v61+s14+$0x0], $0xffff;
	v2 =	vadd.f32 v3, v2;
	v3 =	vmul.f32 v4, v60  }
0xb5: {  	v18 =	vor.u32 $0x8, v1;
	v4 =	vld.idx.msk [tilespmem:v61+s4+$0x0], $0xffff  }
0xb6: {  	v19 =	vld.idx.msk [tilespmem:v6+s14+$0x0], $0xffff;
	v2 =	vadd.f32 v3, v2;
	v3 =	vmul.f32 v5, v62  }
0xb7: {  	v5 =	vld.idx.msk [tilespmem:v6+s4+$0x0], $0xffff;
	v6 =	vor.u32 $0x9, v1  }
0xb8: {  	v20 =	vld.idx.msk [tilespmem:v16+s14+$0x0], $0xffff;
	v2 =	vadd.f32 v3, v2;
	v3 =	vmul.f32 v7, v63  }
0xb9: {  	v21 =	vor.u32 $0xA, v1;
	v7 =	vld.idx.msk [tilespmem:v16+s4+$0x0], $0xffff  }
0xba: {  	v22 =	vld.idx.msk [tilespmem:v18+s14+$0x0], $0xffff;
	v2 =	vadd.f32 v3, v2;
	v3 =	vmul.f32 v4, v17  }
0xbb: {  	v23 =	vor.u32 $0xB, v1;
	v4 =	vld.idx.msk [tilespmem:v18+s4+$0x0], $0xffff  }
0xbc: {  	v24 =	vld.idx.msk [tilespmem:v6+s14+$0x0], $0xffff;
	v2 =	vadd.f32 v3, v2;
	v3 =	vmul.f32 v5, v19  }
0xbd: {  	v5 =	vld.idx.msk [tilespmem:v6+s4+$0x0], $0xffff;
	v6 =	vor.u32 $0xC, v1  }
0xbe: {  	v25 =	vld.idx.msk [tilespmem:v21+s14+$0x0], $0xffff;
	v2 =	vadd.f32 v3, v2;
	v3 =	vmul.f32 v7, v20  }
0xbf: {  	v26 =	vor.u32 $0xD, v1;
	v7 =	vld.idx.msk [tilespmem:v21+s4+$0x0], $0xffff  }
0xc0: {  	v27 =	vld.idx.msk [tilespmem:v23+s14+$0x0], $0xffff;
	v2 =	vadd.f32 v3, v2;
	v3 =	vmul.f32 v4, v22  }
0xc1: {  	v28 =	vor.u32 $0xE, v1;
	v4 =	vld.idx.msk [tilespmem:v23+s4+$0x0], $0xffff  }
0xc2: {  	v29 =	vld.idx.msk [tilespmem:v6+s14+$0x0], $0xffff;
	v2 =	vadd.f32 v3, v2;
	v3 =	vmul.f32 v5, v24  }
0xc3: {  	v5 =	vld.idx.msk [tilespmem:v6+s4+$0x0], $0xffff;
	v6 =	vor.u32 $0xF, v1  }
0xc4: {  	v30 =	vld.idx.msk [tilespmem:v26+s14+$0x0], $0xffff;
	v2 =	vadd.f32 v3, v2;
	v3 =	vmul.f32 v7, v25  }
0xc5: {  	v31 =	vor.u32 $0x10, v1;
	v7 =	vld.idx.msk [tilespmem:v26+s4+$0x0], $0xffff  }
0xc6: {  	v32 =	vld.idx.msk [tilespmem:v28+s14+$0x0], $0xffff;
	v2 =	vadd.f32 v3, v2;
	v3 =	vmul.f32 v4, v27  }
0xc7: {  	v33 =	vor.u32 $0x11, v1;
	v4 =	vld.idx.msk [tilespmem:v28+s4+$0x0], $0xffff  }
0xc8: {  	v34 =	vld.idx.msk [tilespmem:v6+s14+$0x0], $0xffff;
	v2 =	vadd.f32 v3, v2;
	v3 =	vmul.f32 v5, v29  }
0xc9: {  	v5 =	vld.idx.msk [tilespmem:v6+s4+$0x0], $0xffff;
	v6 =	vor.u32 $0x12, v1  }
0xca: {  	v35 =	vld.idx.msk [tilespmem:v31+s4+$0x0], $0xffff;
	v2 =	vadd.f32 v3, v2;
	v3 =	vmul.f32 v7, v30  }
0xcb: {  	v36 =	vor.u32 $0x13, v1;
	v7 =	vld.idx.msk [tilespmem:v31+s14+$0x0], $0xffff  }
0xcc: {  	v37 =	vld.idx.msk [tilespmem:v33+s4+$0x0], $0xffff;
	v2 =	vadd.f32 v3, v2;
	v3 =	vmul.f32 v4, v32  }
0xcd: {  	v38 =	vor.u32 $0x14, v1;
	v4 =	vld.idx.msk [tilespmem:v33+s14+$0x0], $0xffff  }
0xce: {  	v39 =	vld.idx.msk [tilespmem:v6+s4+$0x0], $0xffff;
	v2 =	vadd.f32 v3, v2;
	v3 =	vmul.f32 v5, v34  }
0xcf: {  	v5 =	vld.idx.msk [tilespmem:v6+s14+$0x0], $0xffff;
	v6 =	vor.u32 $0x15, v1  }
0xd0: {  	v40 =	vld.idx.msk [tilespmem:v36+s4+$0x0], $0xffff;
	v2 =	vadd.f32 v3, v2;
	v3 =	vmul.f32 v35, v7  }
0xd1: {  	v41 =	vor.u32 $0x16, v1;
	v7 =	vld.idx.msk [tilespmem:v36+s14+$0x0], $0xffff  }
0xd2: {  	v42 =	vld.idx.msk [tilespmem:v38+s4+$0x0], $0xffff;
	v2 =	vadd.f32 v3, v2;
	v3 =	vmul.f32 v37, v4  }
0xd3: {  	v43 =	vor.u32 $0x17, v1;
	v4 =	vld.idx.msk [tilespmem:v38+s14+$0x0], $0xffff  }
0xd4: {  	v44 =	vld.idx.msk [tilespmem:v6+s4+$0x0], $0xffff;
	v2 =	vadd.f32 v3, v2;
	v3 =	vmul.f32 v39, v5  }
0xd5: {  	v5 =	vld.idx.msk [tilespmem:v6+s14+$0x0], $0xffff;
	v6 =	vor.u32 $0x18, v1  }
0xd6: {  	v45 =	vld.idx.msk [tilespmem:v41+s4+$0x0], $0xffff;
	v2 =	vadd.f32 v3, v2;
	v3 =	vmul.f32 v40, v7  }
0xd7: {  	v46 =	vor.u32 $0x19, v1;
	v7 =	vld.idx.msk [tilespmem:v41+s14+$0x0], $0xffff  }
0xd8: {  	v47 =	vld.idx.msk [tilespmem:v43+s4+$0x0], $0xffff;
	v2 =	vadd.f32 v3, v2;
	v3 =	vmul.f32 v42, v4  }
0xd9: {  	v48 =	vor.u32 $0x1A, v1;
	v4 =	vld.idx.msk [tilespmem:v43+s14+$0x0], $0xffff  }
0xda: {  	v49 =	vld.idx.msk [tilespmem:v6+s4+$0x0], $0xffff;
	v2 =	vadd.f32 v3, v2;
	v3 =	vmul.f32 v44, v5  }
0xdb: {  	v5 =	vld.idx.msk [tilespmem:v6+s14+$0x0], $0xffff;
	v6 =	vor.u32 $0x1B, v1  }
0xdc: {  	v50 =	vld.idx.msk [tilespmem:v46+s4+$0x0], $0xffff;
	v2 =	vadd.f32 v3, v2;
	v3 =	vmul.f32 v45, v7  }
0xdd: {  	v51 =	vor.u32 $0x1C, v1;
	v7 =	vld.idx.msk [tilespmem:v46+s14+$0x0], $0xffff  }
0xde: {  	v52 =	vld.idx.msk [tilespmem:v48+s4+$0x0], $0xffff;
	v2 =	vadd.f32 v3, v2;
	v3 =	vmul.f32 v47, v4  }
0xdf: {  	v53 =	vor.u32 $0x1D, v1;
	v4 =	vld.idx.msk [tilespmem:v48+s14+$0x0], $0xffff  }
0xe0: {  	v54 =	vld.idx.msk [tilespmem:v6+s4+$0x0], $0xffff;
	v2 =	vadd.f32 v3, v2;
	v3 =	vmul.f32 v49, v5  }
0xe1: {  	v5 =	vld.idx.msk [tilespmem:v6+s14+$0x0], $0xffff;
	v6 =	vor.u32 $0x1E, v1  }
0xe2: {  	v55 =	vld.idx.msk [tilespmem:v51+s4+$0x0], $0xffff;
	v2 =	vadd.f32 v3, v2;
	v3 =	vmul.f32 v50, v7  }
0xe3: {  	v56 =	vor.u32 $0x1F, v1;
	v7 =	vld.idx.msk [tilespmem:v51+s14+$0x0], $0xffff  }
0xe4: {  	v57 =	vld.idx.msk [tilespmem:v53+s4+$0x0], $0xffff;
	v2 =	vadd.f32 v3, v2;
	v3 =	vmul.f32 v52, v4  }
0xe5: {  	v58 =	vor.u32 $0x20, v1;
	v4 =	vld.idx.msk [tilespmem:v53+s14+$0x0], $0xffff  }
0xe6: {  	v59 =	vld.idx.msk [tilespmem:v6+s4+$0x0], $0xffff;
	v2 =	vadd.f32 v3, v2;
	v3 =	vmul.f32 v54, v5  }
0xe7: {  	v5 =	vld.idx.msk [tilespmem:v6+s14+$0x0], $0xffff;
	v6 =	vor.u32 $0x21, v1  }
0xe8: {  	v60 =	vld.idx.msk [tilespmem:v56+s4+$0x0], $0xffff;
	v2 =	vadd.f32 v3, v2;
	v3 =	vmul.f32 v55, v7  }
0xe9: {  	v61 =	vor.u32 $0x22, v1;
	v7 =	vld.idx.msk [tilespmem:v56+s14+$0x0], $0xffff  }
0xea: {  	v62 =	vld.idx.msk [tilespmem:v58+s4+$0x0], $0xffff;
	v2 =	vadd.f32 v3, v2;
	v3 =	vmul.f32 v57, v4  }
0xeb: {  	v63 =	vor.u32 $0x23, v1;
	v4 =	vld.idx.msk [tilespmem:v58+s14+$0x0], $0xffff  }
0xec: {  	v16 =	vld.idx.msk [tilespmem:v6+s4+$0x0], $0xffff;
	v2 =	vadd.f32 v3, v2;
	v3 =	vmul.f32 v59, v5  }
0xed: {  	v5 =	vld.idx.msk [tilespmem:v6+s14+$0x0], $0xffff;
	v6 =	vor.u32 $0x24, v1  }
0xee: {  	v17 =	vld.idx.msk [tilespmem:v61+s4+$0x0], $0xffff;
	v2 =	vadd.f32 v3, v2;
	v3 =	vmul.f32 v60, v7  }
0xef: {  	v18 =	vor.u32 $0x25, v1;
	v7 =	vld.idx.msk [tilespmem:v61+s14+$0x0], $0xffff  }
0xf0: {  	v19 =	vld.idx.msk [tilespmem:v63+s4+$0x0], $0xffff;
	v2 =	vadd.f32 v3, v2;
	v3 =	vmul.f32 v62, v4  }
0xf1: {  	v20 =	vor.u32 $0x26, v1;
	v4 =	vld.idx.msk [tilespmem:v63+s14+$0x0], $0xffff  }
0xf2: {  	v21 =	vld.idx.msk [tilespmem:v6+s4+$0x0], $0xffff;
	v2 =	vadd.f32 v3, v2;
	v3 =	vmul.f32 v16, v5  }
0xf3: {  	v5 =	vld.idx.msk [tilespmem:v6+s14+$0x0], $0xffff;
	v6 =	vor.u32 $0x27, v1  }
0xf4: {  	v22 =	vld.idx.msk [tilespmem:v18+s4+$0x0], $0xffff;
	v2 =	vadd.f32 v3, v2;
	v3 =	vmul.f32 v17, v7  }
0xf5: {  	v23 =	vor.u32 $0x28, v1;
	v7 =	vld.idx.msk [tilespmem:v18+s14+$0x0], $0xffff  }
0xf6: {  	v24 =	vld.idx.msk [tilespmem:v20+s4+$0x0], $0xffff;
	v2 =	vadd.f32 v3, v2;
	v3 =	vmul.f32 v19, v4  }
0xf7: {  	v25 =	vor.u32 $0x29, v1;
	v4 =	vld.idx.msk [tilespmem:v20+s14+$0x0], $0xffff  }
0xf8: {  	v26 =	vld.idx.msk [tilespmem:v6+s4+$0x0], $0xffff;
	v2 =	vadd.f32 v3, v2;
	v3 =	vmul.f32 v21, v5  }
0xf9: {  	v5 =	vld.idx.msk [tilespmem:v6+s14+$0x0], $0xffff;
	v6 =	vor.u32 $0x2A, v1  }
0xfa: {  	v27 =	vld.idx.msk [tilespmem:v23+s4+$0x0], $0xffff;
	v2 =	vadd.f32 v3, v2;
	v3 =	vmul.f32 v22, v7  }
0xfb: {  	v28 =	vor.u32 $0x2B, v1;
	v7 =	vld.idx.msk [tilespmem:v23+s14+$0x0], $0xffff  }
0xfc: {  	v29 =	vld.idx.msk [tilespmem:v25+s4+$0x0], $0xffff;
	v2 =	vadd.f32 v3, v2;
	v3 =	vmul.f32 v24, v4  }
0xfd: {  	v30 =	vor.u32 $0x2C, v1;
	v4 =	vld.idx.msk [tilespmem:v25+s14+$0x0], $0xffff  }
0xfe: {  	v31 =	vld.idx.msk [tilespmem:v6+s4+$0x0], $0xffff;
	v2 =	vadd.f32 v3, v2;
	v3 =	vmul.f32 v26, v5  }
0xff: {  	v5 =	vld.idx.msk [tilespmem:v6+s14+$0x0], $0xffff;
	v6 =	vor.u32 $0x2D, v1  }
0x100: {  	v32 =	vld.idx.msk [tilespmem:v28+s4+$0x0], $0xffff;
	v2 =	vadd.f32 v3, v2;
	v3 =	vmul.f32 v27, v7  }
0x101: {  	v33 =	vor.u32 $0x2E, v1;
	v7 =	vld.idx.msk [tilespmem:v28+s14+$0x0], $0xffff  }
0x102: {  	v34 =	vld.idx.msk [tilespmem:v30+s4+$0x0], $0xffff;
	v2 =	vadd.f32 v3, v2;
	v3 =	vmul.f32 v29, v4  }
0x103: {  	v35 =	vor.u32 $0x2F, v1;
	v4 =	vld.idx.msk [tilespmem:v30+s14+$0x0], $0xffff  }
0x104: {  	v36 =	vld.idx.msk [tilespmem:v6+s4+$0x0], $0xffff;
	v2 =	vadd.f32 v3, v2;
	v3 =	vmul.f32 v31, v5  }
0x105: {  	v5 =	vld.idx.msk [tilespmem:v6+s14+$0x0], $0xffff;
	v6 =	vor.u32 $0x30, v1  }
0x106: {  	v37 =	vld.idx.msk [tilespmem:v33+s4+$0x0], $0xffff;
	v2 =	vadd.f32 v3, v2;
	v3 =	vmul.f32 v32, v7  }
0x107: {  	v38 =	vor.u32 $0x31, v1;
	v7 =	vld.idx.msk [tilespmem:v33+s14+$0x0], $0xffff  }
0x108: {  	v39 =	vld.idx.msk [tilespmem:v35+s4+$0x0], $0xffff;
	v2 =	vadd.f32 v3, v2;
	v3 =	vmul.f32 v34, v4  }
0x109: {  	v40 =	vor.u32 $0x32, v1;
	v4 =	vld.idx.msk [tilespmem:v35+s14+$0x0], $0xffff  }
0x10a: {  	v41 =	vld.idx.msk [tilespmem:v6+s4+$0x0], $0xffff;
	v2 =	vadd.f32 v3, v2;
	v3 =	vmul.f32 v36, v5  }
0x10b: {  	v5 =	vld.idx.msk [tilespmem:v6+s14+$0x0], $0xffff;
	v6 =	vor.u32 $0x33, v1  }
0x10c: {  	v42 =	vld.idx.msk [tilespmem:v38+s4+$0x0], $0xffff;
	v2 =	vadd.f32 v3, v2;
	v3 =	vmul.f32 v37, v7  }
0x10d: {  	v43 =	vor.u32 $0x34, v1;
	v7 =	vld.idx.msk [tilespmem:v38+s14+$0x0], $0xffff  }
0x10e: {  	v44 =	vld.idx.msk [tilespmem:v40+s4+$0x0], $0xffff;
	v2 =	vadd.f32 v3, v2;
	v3 =	vmul.f32 v39, v4  }
0x10f: {  	v45 =	vor.u32 $0x35, v1;
	v4 =	vld.idx.msk [tilespmem:v40+s14+$0x0], $0xffff  }
0x110: {  	v46 =	vld.idx.msk [tilespmem:v6+s4+$0x0], $0xffff;
	v2 =	vadd.f32 v3, v2;
	v3 =	vmul.f32 v41, v5  }
0x111: {  	v5 =	vld.idx.msk [tilespmem:v6+s14+$0x0], $0xffff;
	v6 =	vor.u32 $0x36, v1  }
0x112: {  	v47 =	vld.idx.msk [tilespmem:v43+s4+$0x0], $0xffff;
	v2 =	vadd.f32 v3, v2;
	v3 =	vmul.f32 v42, v7  }
0x113: {  	v48 =	vor.u32 $0x37, v1;
	v7 =	vld.idx.msk [tilespmem:v43+s14+$0x0], $0xffff  }
0x114: {  	v49 =	vld.idx.msk [tilespmem:v45+s4+$0x0], $0xffff;
	v2 =	vadd.f32 v3, v2;
	v3 =	vmul.f32 v44, v4  }
0x115: {  	v50 =	vor.u32 $0x38, v1;
	v4 =	vld.idx.msk [tilespmem:v45+s14+$0x0], $0xffff  }
0x116: {  	v51 =	vld.idx.msk [tilespmem:v6+s4+$0x0], $0xffff;
	v2 =	vadd.f32 v3, v2;
	v3 =	vmul.f32 v46, v5  }
0x117: {  	v5 =	vld.idx.msk [tilespmem:v6+s14+$0x0], $0xffff;
	v6 =	vor.u32 $0x39, v1  }
0x118: {  	v52 =	vld.idx.msk [tilespmem:v48+s4+$0x0], $0xffff;
	v2 =	vadd.f32 v3, v2;
	v3 =	vmul.f32 v47, v7  }
0x119: {  	v53 =	vor.u32 $0x3A, v1;
	v7 =	vld.idx.msk [tilespmem:v48+s14+$0x0], $0xffff  }
0x11a: {  	v54 =	vld.idx.msk [tilespmem:v50+s4+$0x0], $0xffff;
	v2 =	vadd.f32 v3, v2;
	v3 =	vmul.f32 v49, v4  }
0x11b: {  	v55 =	vor.u32 $0x3B, v1;
	v4 =	vld.idx.msk [tilespmem:v50+s14+$0x0], $0xffff  }
0x11c: {  	v56 =	vld.idx.msk [tilespmem:v6+s4+$0x0], $0xffff;
	v2 =	vadd.f32 v3, v2;
	v3 =	vmul.f32 v51, v5  }
0x11d: {  	v5 =	vld.idx.msk [tilespmem:v6+s14+$0x0], $0xffff;
	v6 =	vor.u32 $0x3C, v1  }
0x11e: {  	v57 =	vld.idx.msk [tilespmem:v53+s4+$0x0], $0xffff;
	v2 =	vadd.f32 v3, v2;
	v3 =	vmul.f32 v52, v7  }
0x11f: {  	v7 =	vld.idx.msk [tilespmem:v53+s14+$0x0], $0xffff  }
0x120: {  	v59 =	vld.idx.msk [tilespmem:v55+s4+$0x0], $0xffff;
	v2 =	vadd.f32 v3, v2;
	v3 =	vmul.f32 v54, v4  }
0x121: {  	v58 =	vor.u32 $0x3D, v1;
	v4 =	vld.idx.msk [tilespmem:v55+s14+$0x0], $0xffff  }
0x122: {  	v61 =	vld.idx.msk [tilespmem:v6+s4+$0x0], $0xffff;
	v2 =	vadd.f32 v3, v2;
	v3 =	vmul.f32 v56, v5  }
0x123: {  	v60 =	vor.u32 $0x3E, v1;
	v5 =	vld.idx.msk [tilespmem:v6+s14+$0x0], $0xffff  }
0x124: {  	v2 =	vadd.f32 v3, v2;
	v3 =	vmul.f32 v57, v7  }
0x125: {  	v62 =	vor.u32 $0x3F, v1  }
0x126: {  	v6 =	vld.idx.msk [tilespmem:v58+s4+$0x0], $0xffff;
	v1 =	vadd.f32 v3, v2;
	v2 =	vmul.f32 v59, v4  }
0x127: {  	v7 =	vld.idx.msk [tilespmem:v58+s14+$0x0], $0xffff  }
0x128: {  	v63 =	vld.idx.msk [tilespmem:v60+s4+$0x0], $0xffff;
	v1 =	vadd.f32 v2, v1;
	v2 =	vmul.f32 v61, v5  }
0x129: {  	v4 =	vld.idx.msk [tilespmem:v60+s14+$0x0], $0xffff  }
0x12a: {  	v3 =	vadd.f32 v2, v1;
	v1 =	vld.idx.msk [tilespmem:v62+s14+$0x0], $0xffff  }
0x12b: {  	v2 =	vld.idx.msk [tilespmem:v62+s4+$0x0], $0xffff  }
0x12c: {  	v5 =	vmul.f32 v6, v7;
	_ =	sdelay $0x1  }
0x12d: {  	s21 =	simm.s32 $0x20;
	v4 =	vmul.f32 v63, v4;
	v3 =	vadd.f32 v5, v3  }
.LBB2_3:
0x12e: {  	_ = 	snop  }
0x12f: {  	v5 =	vmov s21;
	p0 =	sne.s32 s21, $0x30;
	s21 =	sadd.s32 $0x10, s21;
	v2 =	vmul.f32 v2, v1;
	s20 =	sadd.s32 $0x10, s20;
	v3 =	vadd.f32 v4, v3  }
0x130: {  	v1 =	vshll.u32 v5, $0x6  }
0x131: {  	v1 =	vor.u32 v0, v1;
	v2 =	vadd.f32 v2, v3;
	_ =	sdelay $0x1  }
0x132: {  	v3 =	vor.u32 $0x1, v1;
	v2 =	vmul.f32 $1.111111120e-01, v2;
	_ =	sdelay $0x1  }
0x133: {  	v4 =	vor.u32 $0x2, v1;
	[tilespmem:s20+$0x0] =	vst v2  }
0x134: {  	v2 =	vld.idx.msk [tilespmem:v1+s14+$0x0], $0xffff  }
0x135: {  	v6 =	vor.u32 $0x3, v1;
	v5 =	vld.idx.msk [tilespmem:v1+s4+$0x0], $0xffff  }
0x136: {  	v7 =	vld.idx.msk [tilespmem:v3+s14+$0x0], $0xffff  }
0x137: {  	v8 =	vor.u32 $0x4, v1;
	v3 =	vld.idx.msk [tilespmem:v3+s4+$0x0], $0xffff  }
0x138: {  	v9 =	vld.idx.msk [tilespmem:v4+s14+$0x0], $0xffff  }
0x139: {  	v10 =	vor.u32 $0x5, v1;
	v4 =	vld.idx.msk [tilespmem:v4+s4+$0x0], $0xffff  }
0x13a: {  	v11 =	vld.idx.msk [tilespmem:v6+s14+$0x0], $0xffff  }
0x13b: {  	v2 =	vmul.f32 v5, v2;
	v5 =	vld.idx.msk [tilespmem:v6+s4+$0x0], $0xffff;
	v6 =	vor.u32 $0x6, v1  }
0x13c: {  	v12 =	vld.idx.msk [tilespmem:v8+s14+$0x0], $0xffff  }
0x13d: {  	v2 =	vadd.f32 $0.0e+00, v2;
	v3 =	vmul.f32 v3, v7;
	v7 =	vld.idx.msk [tilespmem:v8+s4+$0x0], $0xffff;
	v8 =	vor.u32 $0x7, v1  }
0x13e: {  	v13 =	vld.idx.msk [tilespmem:v10+s14+$0x0], $0xffff  }
0x13f: {  	v2 =	vadd.f32 v3, v2;
	v3 =	vmul.f32 v4, v9;
	v9 =	vor.u32 $0x8, v1;
	v4 =	vld.idx.msk [tilespmem:v10+s4+$0x0], $0xffff  }
0x140: {  	v10 =	vld.idx.msk [tilespmem:v6+s14+$0x0], $0xffff  }
0x141: {  	v2 =	vadd.f32 v3, v2;
	v3 =	vmul.f32 v5, v11;
	v5 =	vld.idx.msk [tilespmem:v6+s4+$0x0], $0xffff;
	v6 =	vor.u32 $0x9, v1  }
0x142: {  	v11 =	vld.idx.msk [tilespmem:v8+s14+$0x0], $0xffff  }
0x143: {  	v2 =	vadd.f32 v3, v2;
	v3 =	vmul.f32 v7, v12;
	v7 =	vld.idx.msk [tilespmem:v8+s4+$0x0], $0xffff;
	v8 =	vor.u32 $0xA, v1  }
0x144: {  	v12 =	vld.idx.msk [tilespmem:v9+s14+$0x0], $0xffff  }
0x145: {  	v2 =	vadd.f32 v3, v2;
	v3 =	vmul.f32 v4, v13;
	v4 =	vld.idx.msk [tilespmem:v9+s4+$0x0], $0xffff;
	v9 =	vor.u32 $0xB, v1  }
0x146: {  	v13 =	vld.idx.msk [tilespmem:v6+s14+$0x0], $0xffff  }
0x147: {  	v2 =	vadd.f32 v3, v2;
	v3 =	vmul.f32 v5, v10;
	v5 =	vld.idx.msk [tilespmem:v6+s4+$0x0], $0xffff;
	v6 =	vor.u32 $0xC, v1  }
0x148: {  	v10 =	vld.idx.msk [tilespmem:v8+s14+$0x0], $0xffff  }
0x149: {  	v2 =	vadd.f32 v3, v2;
	v3 =	vmul.f32 v7, v11;
	v7 =	vld.idx.msk [tilespmem:v8+s4+$0x0], $0xffff;
	v8 =	vor.u32 $0xD, v1  }
0x14a: {  	v11 =	vld.idx.msk [tilespmem:v9+s14+$0x0], $0xffff  }
0x14b: {  	v2 =	vadd.f32 v3, v2;
	v3 =	vmul.f32 v4, v12;
	v4 =	vld.idx.msk [tilespmem:v9+s4+$0x0], $0xffff;
	v9 =	vor.u32 $0xE, v1  }
0x14c: {  	v12 =	vld.idx.msk [tilespmem:v6+s14+$0x0], $0xffff  }
0x14d: {  	v2 =	vadd.f32 v3, v2;
	v3 =	vmul.f32 v5, v13;
	v5 =	vld.idx.msk [tilespmem:v6+s4+$0x0], $0xffff;
	v6 =	vor.u32 $0xF, v1  }
0x14e: {  	v13 =	vld.idx.msk [tilespmem:v8+s14+$0x0], $0xffff  }
0x14f: {  	v2 =	vadd.f32 v3, v2;
	v3 =	vmul.f32 v7, v10;
	v7 =	vld.idx.msk [tilespmem:v8+s4+$0x0], $0xffff;
	v8 =	vor.u32 $0x10, v1  }
0x150: {  	v10 =	vld.idx.msk [tilespmem:v9+s14+$0x0], $0xffff  }
0x151: {  	v2 =	vadd.f32 v3, v2;
	v3 =	vmul.f32 v4, v11;
	v4 =	vld.idx.msk [tilespmem:v9+s4+$0x0], $0xffff;
	v9 =	vor.u32 $0x11, v1  }
0x152: {  	v11 =	vld.idx.msk [tilespmem:v6+s14+$0x0], $0xffff  }
0x153: {  	v2 =	vadd.f32 v3, v2;
	v3 =	vmul.f32 v5, v12;
	v5 =	vld.idx.msk [tilespmem:v6+s4+$0x0], $0xffff;
	v6 =	vor.u32 $0x12, v1  }
0x154: {  	v12 =	vld.idx.msk [tilespmem:v8+s4+$0x0], $0xffff  }
0x155: {  	v2 =	vadd.f32 v3, v2;
	v3 =	vmul.f32 v7, v13;
	v7 =	vld.idx.msk [tilespmem:v8+s14+$0x0], $0xffff;
	v8 =	vor.u32 $0x13, v1  }
0x156: {  	v13 =	vld.idx.msk [tilespmem:v9+s4+$0x0], $0xffff  }
0x157: {  	v2 =	vadd.f32 v3, v2;
	v3 =	vmul.f32 v4, v10;
	v4 =	vld.idx.msk [tilespmem:v9+s14+$0x0], $0xffff;
	v9 =	vor.u32 $0x14, v1  }
0x158: {  	v10 =	vld.idx.msk [tilespmem:v6+s4+$0x0], $0xffff  }
0x159: {  	v2 =	vadd.f32 v3, v2;
	v3 =	vmul.f32 v5, v11;
	v5 =	vld.idx.msk [tilespmem:v6+s14+$0x0], $0xffff;
	v6 =	vor.u32 $0x15, v1  }
0x15a: {  	v11 =	vld.idx.msk [tilespmem:v8+s4+$0x0], $0xffff  }
0x15b: {  	v2 =	vadd.f32 v3, v2;
	v3 =	vmul.f32 v12, v7;
	v7 =	vld.idx.msk [tilespmem:v8+s14+$0x0], $0xffff;
	v8 =	vor.u32 $0x16, v1  }
0x15c: {  	v12 =	vld.idx.msk [tilespmem:v9+s4+$0x0], $0xffff  }
0x15d: {  	v2 =	vadd.f32 v3, v2;
	v3 =	vmul.f32 v13, v4;
	v4 =	vld.idx.msk [tilespmem:v9+s14+$0x0], $0xffff;
	v9 =	vor.u32 $0x17, v1  }
0x15e: {  	v13 =	vld.idx.msk [tilespmem:v6+s4+$0x0], $0xffff  }
0x15f: {  	v2 =	vadd.f32 v3, v2;
	v3 =	vmul.f32 v10, v5;
	v5 =	vld.idx.msk [tilespmem:v6+s14+$0x0], $0xffff;
	v6 =	vor.u32 $0x18, v1  }
0x160: {  	v10 =	vld.idx.msk [tilespmem:v8+s4+$0x0], $0xffff  }
0x161: {  	v2 =	vadd.f32 v3, v2;
	v3 =	vmul.f32 v11, v7;
	v7 =	vld.idx.msk [tilespmem:v8+s14+$0x0], $0xffff;
	v8 =	vor.u32 $0x19, v1  }
0x162: {  	v11 =	vld.idx.msk [tilespmem:v9+s4+$0x0], $0xffff  }
0x163: {  	v2 =	vadd.f32 v3, v2;
	v3 =	vmul.f32 v12, v4;
	v4 =	vld.idx.msk [tilespmem:v9+s14+$0x0], $0xffff;
	v9 =	vor.u32 $0x1A, v1  }
0x164: {  	v12 =	vld.idx.msk [tilespmem:v6+s4+$0x0], $0xffff  }
0x165: {  	v2 =	vadd.f32 v3, v2;
	v3 =	vmul.f32 v13, v5;
	v5 =	vld.idx.msk [tilespmem:v6+s14+$0x0], $0xffff;
	v6 =	vor.u32 $0x1B, v1  }
0x166: {  	v13 =	vld.idx.msk [tilespmem:v8+s4+$0x0], $0xffff  }
0x167: {  	v2 =	vadd.f32 v3, v2;
	v3 =	vmul.f32 v10, v7;
	v7 =	vld.idx.msk [tilespmem:v8+s14+$0x0], $0xffff;
	v8 =	vor.u32 $0x1C, v1  }
0x168: {  	v10 =	vld.idx.msk [tilespmem:v9+s4+$0x0], $0xffff  }
0x169: {  	v2 =	vadd.f32 v3, v2;
	v3 =	vmul.f32 v11, v4;
	v4 =	vld.idx.msk [tilespmem:v9+s14+$0x0], $0xffff;
	v9 =	vor.u32 $0x1D, v1  }
0x16a: {  	v11 =	vld.idx.msk [tilespmem:v6+s4+$0x0], $0xffff  }
0x16b: {  	v2 =	vadd.f32 v3, v2;
	v3 =	vmul.f32 v12, v5;
	v5 =	vld.idx.msk [tilespmem:v6+s14+$0x0], $0xffff;
	v6 =	vor.u32 $0x1E, v1  }
0x16c: {  	v12 =	vld.idx.msk [tilespmem:v8+s4+$0x0], $0xffff  }
0x16d: {  	v2 =	vadd.f32 v3, v2;
	v3 =	vmul.f32 v13, v7;
	v7 =	vld.idx.msk [tilespmem:v8+s14+$0x0], $0xffff;
	v8 =	vor.u32 $0x1F, v1  }
0x16e: {  	v13 =	vld.idx.msk [tilespmem:v9+s4+$0x0], $0xffff  }
0x16f: {  	v2 =	vadd.f32 v3, v2;
	v3 =	vmul.f32 v10, v4;
	v4 =	vld.idx.msk [tilespmem:v9+s14+$0x0], $0xffff;
	v9 =	vor.u32 $0x20, v1  }
0x170: {  	v10 =	vld.idx.msk [tilespmem:v6+s4+$0x0], $0xffff  }
0x171: {  	v2 =	vadd.f32 v3, v2;
	v3 =	vmul.f32 v11, v5;
	v5 =	vld.idx.msk [tilespmem:v6+s14+$0x0], $0xffff;
	v6 =	vor.u32 $0x21, v1  }
0x172: {  	v11 =	vld.idx.msk [tilespmem:v8+s4+$0x0], $0xffff  }
0x173: {  	v2 =	vadd.f32 v3, v2;
	v3 =	vmul.f32 v12, v7;
	v7 =	vld.idx.msk [tilespmem:v8+s14+$0x0], $0xffff;
	v8 =	vor.u32 $0x22, v1  }
0x174: {  	v12 =	vld.idx.msk [tilespmem:v9+s4+$0x0], $0xffff  }
0x175: {  	v2 =	vadd.f32 v3, v2;
	v3 =	vmul.f32 v13, v4;
	v4 =	vld.idx.msk [tilespmem:v9+s14+$0x0], $0xffff;
	v9 =	vor.u32 $0x23, v1  }
0x176: {  	v13 =	vld.idx.msk [tilespmem:v6+s4+$0x0], $0xffff  }
0x177: {  	v2 =	vadd.f32 v3, v2;
	v3 =	vmul.f32 v10, v5;
	v5 =	vld.idx.msk [tilespmem:v6+s14+$0x0], $0xffff;
	v6 =	vor.u32 $0x24, v1  }
0x178: {  	v10 =	vld.idx.msk [tilespmem:v8+s4+$0x0], $0xffff  }
0x179: {  	v2 =	vadd.f32 v3, v2;
	v3 =	vmul.f32 v11, v7;
	v7 =	vld.idx.msk [tilespmem:v8+s14+$0x0], $0xffff;
	v8 =	vor.u32 $0x25, v1  }
0x17a: {  	v11 =	vld.idx.msk [tilespmem:v9+s4+$0x0], $0xffff  }
0x17b: {  	v2 =	vadd.f32 v3, v2;
	v3 =	vmul.f32 v12, v4;
	v4 =	vld.idx.msk [tilespmem:v9+s14+$0x0], $0xffff;
	v9 =	vor.u32 $0x26, v1  }
0x17c: {  	v12 =	vld.idx.msk [tilespmem:v6+s4+$0x0], $0xffff  }
0x17d: {  	v2 =	vadd.f32 v3, v2;
	v3 =	vmul.f32 v13, v5;
	v5 =	vld.idx.msk [tilespmem:v6+s14+$0x0], $0xffff;
	v6 =	vor.u32 $0x27, v1  }
0x17e: {  	v13 =	vld.idx.msk [tilespmem:v8+s4+$0x0], $0xffff  }
0x17f: {  	v2 =	vadd.f32 v3, v2;
	v3 =	vmul.f32 v10, v7;
	v7 =	vld.idx.msk [tilespmem:v8+s14+$0x0], $0xffff;
	v8 =	vor.u32 $0x28, v1  }
0x180: {  	v10 =	vld.idx.msk [tilespmem:v9+s4+$0x0], $0xffff  }
0x181: {  	v2 =	vadd.f32 v3, v2;
	v3 =	vmul.f32 v11, v4;
	v4 =	vld.idx.msk [tilespmem:v9+s14+$0x0], $0xffff;
	v9 =	vor.u32 $0x29, v1  }
0x182: {  	v11 =	vld.idx.msk [tilespmem:v6+s4+$0x0], $0xffff  }
0x183: {  	v2 =	vadd.f32 v3, v2;
	v3 =	vmul.f32 v12, v5;
	v5 =	vld.idx.msk [tilespmem:v6+s14+$0x0], $0xffff;
	v6 =	vor.u32 $0x2A, v1  }
0x184: {  	v12 =	vld.idx.msk [tilespmem:v8+s4+$0x0], $0xffff  }
0x185: {  	v2 =	vadd.f32 v3, v2;
	v3 =	vmul.f32 v13, v7;
	v7 =	vld.idx.msk [tilespmem:v8+s14+$0x0], $0xffff;
	v8 =	vor.u32 $0x2B, v1  }
0x186: {  	v13 =	vld.idx.msk [tilespmem:v9+s4+$0x0], $0xffff  }
0x187: {  	v2 =	vadd.f32 v3, v2;
	v3 =	vmul.f32 v10, v4;
	v4 =	vld.idx.msk [tilespmem:v9+s14+$0x0], $0xffff;
	v9 =	vor.u32 $0x2C, v1  }
0x188: {  	v10 =	vld.idx.msk [tilespmem:v6+s4+$0x0], $0xffff  }
0x189: {  	v2 =	vadd.f32 v3, v2;
	v3 =	vmul.f32 v11, v5;
	v5 =	vld.idx.msk [tilespmem:v6+s14+$0x0], $0xffff;
	v6 =	vor.u32 $0x2D, v1  }
0x18a: {  	v11 =	vld.idx.msk [tilespmem:v8+s4+$0x0], $0xffff  }
0x18b: {  	v2 =	vadd.f32 v3, v2;
	v3 =	vmul.f32 v12, v7;
	v7 =	vld.idx.msk [tilespmem:v8+s14+$0x0], $0xffff;
	v8 =	vor.u32 $0x2E, v1  }
0x18c: {  	v12 =	vld.idx.msk [tilespmem:v9+s4+$0x0], $0xffff  }
0x18d: {  	v2 =	vadd.f32 v3, v2;
	v3 =	vmul.f32 v13, v4;
	v4 =	vld.idx.msk [tilespmem:v9+s14+$0x0], $0xffff;
	v9 =	vor.u32 $0x2F, v1  }
0x18e: {  	v13 =	vld.idx.msk [tilespmem:v6+s4+$0x0], $0xffff  }
0x18f: {  	v2 =	vadd.f32 v3, v2;
	v3 =	vmul.f32 v10, v5;
	v5 =	vld.idx.msk [tilespmem:v6+s14+$0x0], $0xffff;
	v6 =	vor.u32 $0x30, v1  }
0x190: {  	v10 =	vld.idx.msk [tilespmem:v8+s4+$0x0], $0xffff  }
0x191: {  	v2 =	vadd.f32 v3, v2;
	v3 =	vmul.f32 v11, v7;
	v7 =	vld.idx.msk [tilespmem:v8+s14+$0x0], $0xffff;
	v8 =	vor.u32 $0x31, v1  }
0x192: {  	v11 =	vld.idx.msk [tilespmem:v9+s4+$0x0], $0xffff  }
0x193: {  	v2 =	vadd.f32 v3, v2;
	v3 =	vmul.f32 v12, v4;
	v4 =	vld.idx.msk [tilespmem:v9+s14+$0x0], $0xffff;
	v9 =	vor.u32 $0x32, v1  }
0x194: {  	v12 =	vld.idx.msk [tilespmem:v6+s4+$0x0], $0xffff  }
0x195: {  	v2 =	vadd.f32 v3, v2;
	v3 =	vmul.f32 v13, v5;
	v5 =	vld.idx.msk [tilespmem:v6+s14+$0x0], $0xffff;
	v6 =	vor.u32 $0x33, v1  }
0x196: {  	v13 =	vld.idx.msk [tilespmem:v8+s4+$0x0], $0xffff  }
0x197: {  	v2 =	vadd.f32 v3, v2;
	v3 =	vmul.f32 v10, v7;
	v7 =	vld.idx.msk [tilespmem:v8+s14+$0x0], $0xffff;
	v8 =	vor.u32 $0x34, v1  }
0x198: {  	v10 =	vld.idx.msk [tilespmem:v9+s4+$0x0], $0xffff  }
0x199: {  	v2 =	vadd.f32 v3, v2;
	v3 =	vmul.f32 v11, v4;
	v4 =	vld.idx.msk [tilespmem:v9+s14+$0x0], $0xffff;
	v9 =	vor.u32 $0x35, v1  }
0x19a: {  	v11 =	vld.idx.msk [tilespmem:v6+s4+$0x0], $0xffff  }
0x19b: {  	v2 =	vadd.f32 v3, v2;
	v3 =	vmul.f32 v12, v5;
	v5 =	vld.idx.msk [tilespmem:v6+s14+$0x0], $0xffff;
	v6 =	vor.u32 $0x36, v1  }
0x19c: {  	v12 =	vld.idx.msk [tilespmem:v8+s4+$0x0], $0xffff  }
0x19d: {  	v2 =	vadd.f32 v3, v2;
	v3 =	vmul.f32 v13, v7;
	v7 =	vld.idx.msk [tilespmem:v8+s14+$0x0], $0xffff;
	v8 =	vor.u32 $0x37, v1  }
0x19e: {  	v13 =	vld.idx.msk [tilespmem:v9+s4+$0x0], $0xffff  }
0x19f: {  	v2 =	vadd.f32 v3, v2;
	v3 =	vmul.f32 v10, v4;
	v4 =	vld.idx.msk [tilespmem:v9+s14+$0x0], $0xffff;
	v9 =	vor.u32 $0x38, v1  }
0x1a0: {  	v10 =	vld.idx.msk [tilespmem:v6+s4+$0x0], $0xffff  }
0x1a1: {  	v2 =	vadd.f32 v3, v2;
	v3 =	vmul.f32 v11, v5;
	v5 =	vld.idx.msk [tilespmem:v6+s14+$0x0], $0xffff;
	v6 =	vor.u32 $0x39, v1  }
0x1a2: {  	v11 =	vld.idx.msk [tilespmem:v8+s4+$0x0], $0xffff  }
0x1a3: {  	v2 =	vadd.f32 v3, v2;
	v3 =	vmul.f32 v12, v7;
	v7 =	vld.idx.msk [tilespmem:v8+s14+$0x0], $0xffff;
	v8 =	vor.u32 $0x3A, v1  }
0x1a4: {  	v12 =	vld.idx.msk [tilespmem:v9+s4+$0x0], $0xffff  }
0x1a5: {  	v2 =	vadd.f32 v3, v2;
	v3 =	vmul.f32 v13, v4;
	v4 =	vld.idx.msk [tilespmem:v9+s14+$0x0], $0xffff;
	v9 =	vor.u32 $0x3B, v1  }
0x1a6: {  	v13 =	vld.idx.msk [tilespmem:v6+s4+$0x0], $0xffff  }
0x1a7: {  	v2 =	vadd.f32 v3, v2;
	v3 =	vmul.f32 v10, v5;
	v5 =	vld.idx.msk [tilespmem:v6+s14+$0x0], $0xffff;
	v6 =	vor.u32 $0x3C, v1  }
0x1a8: {  	v10 =	vld.idx.msk [tilespmem:v8+s4+$0x0], $0xffff  }
0x1a9: {  	v2 =	vadd.f32 v3, v2;
	v3 =	vmul.f32 v11, v7;
	v7 =	vld.idx.msk [tilespmem:v8+s14+$0x0], $0xffff;
	v8 =	vor.u32 $0x3D, v1  }
0x1aa: {  	v11 =	vld.idx.msk [tilespmem:v9+s4+$0x0], $0xffff  }
0x1ab: {  	v2 =	vadd.f32 v3, v2;
	v3 =	vmul.f32 v12, v4;
	v4 =	vld.idx.msk [tilespmem:v9+s14+$0x0], $0xffff;
	v9 =	vor.u32 $0x3E, v1  }
0x1ac: {  	v12 =	vld.idx.msk [tilespmem:v6+s4+$0x0], $0xffff  }
0x1ad: {  	v2 =	vadd.f32 v3, v2;
	v3 =	vmul.f32 v13, v5;
	v5 =	vld.idx.msk [tilespmem:v6+s14+$0x0], $0xffff;
	v6 =	vor.u32 $0x3F, v1  }
0x1ae: {  	v13 =	vld.idx.msk [tilespmem:v8+s4+$0x0], $0xffff  }
0x1af: {  	v1 =	vadd.f32 v3, v2;
	v2 =	vmul.f32 v10, v7;
	v3 =	vld.idx.msk [tilespmem:v8+s14+$0x0], $0xffff  }
0x1b0: {  	v7 =	vld.idx.msk [tilespmem:v9+s4+$0x0], $0xffff  }
0x1b1: {  	v2 =	vadd.f32 v2, v1;
	v4 =	vmul.f32 v11, v4;
	v8 =	vld.idx.msk [tilespmem:v9+s14+$0x0], $0xffff  }
0x1b2: {  	v1 =	vld.idx.msk [tilespmem:v6+s14+$0x0], $0xffff  }
.Ltmp0:
0x1b3: {  	v4 =	vadd.f32 v4, v2;
	v5 =	vmul.f32 v12, v5;
	v2 =	vld.idx.msk [tilespmem:v6+s4+$0x0], $0xffff;
	(pc) =	sbr.rel @p0 .LBB2_3-.Ltmp0, $3  }
0x1b4: {  	_ = 	snop  }
0x1b5: {  	v4 =	vadd.f32 v5, v4;
	v3 =	vmul.f32 v13, v3;
	_ =	sdelay $0x1  }
0x1b6: {  	v3 =	vadd.f32 v3, v4;
	v4 =	vmul.f32 v7, v8  }
0x1b7: {  	_ = 	snop  }
0x1b8: {  	v1 =	vmul.f32 v2, v1;
	v3 =	vadd.f32 v4, v3;
	_ =	sdelay $0x1  }
0x1b9: {  	v1 =	vadd.f32 v1, v3;
	_ =	sdelay $0x1  }
0x1ba: {  	s18 =	sadd.s32 $0x1, s18;
	v1 =	vmul.f32 $1.111111120e-01, v1  }
0x1bb: {  	s20 =	sadd.s32 $0x10, s20;
	p0 =	sne.s32 s18, $0x8  }
.Ltmp1:
0x1bc: {  	s19 =	sadd.s32 s3, s19;
	[tilespmem:s20+$0x0] =	vst v1;
	(pc) =	sbr.rel @p0 .LBB2_2-.Ltmp1, $4  }
0x1bd: {  	[hbm4b:s19+s4] =	stream.linear.scatter [tilespmem:s16], [sflag:$0x2], $0x40, $0x38;
	[tilespmem:$0x20C0] =	vst v63  }
0x1be: {  	_ =	swait.ge [sflag:s11], $0x40  }
0x1bf: {  	[sflag:s11] =	ssyncset.done $0x0  }
0x1c0: {  	[sflag:s11] =	ssyncadd.s32 $0xFFFFFFC0  }
0x1c1: {  	s17 =	sadd.s32 $0x1, s17  }
0x1c2: {  	p0 =	sne.s32 s17, s9  }
.Ltmp2:
0x1c3: {  	_ = 	snop;
	(pc) =	sbr.rel @p0 .LBB2_1-.Ltmp2, $1  }
0x1c4: {  	_ =	sdelay $0x3  }
0x1c5: {  	_ =	sfence.sel $0x180000  }
0x1c6: {  	[bflag:$0x0] =	sbarrier.arrive $0xFFFF  }
0x1c7: {  	p0 =	sne.s32 s5, $0x0;
	_ =	strace $0x9000004D  }
0x1c8: {  	s0 =	sadd.s32 @!p0 $0x100000, s0;
	[bflag:$0x2] =	sbarrier.arrive $0xFFFF  }
0x1c9: {  	[sflag:s0] =	ssyncadd.tile.s32 @!p0 $0x1;
	_ =	shalt  }
.Lfunc_end2:
_tile_overlayer_lowered:
.L_overlay_start_2:
0x1ca: {  	(tag) =	ssettag $0x2  }
0x1cb: {  	s0 =	rddreg [dreg:$0x0];
	s2 =	stileid.u32  }
0x1cc: {  	s1 =	rddreg [dreg:$0x1];
	p0 =	sne.s32 s2, $0x0  }
0x1cd: {  	s3 =	rddreg [dreg:$0x2];
	[bflag:$0x3] =	sbarrier.arrive $0xFFFF;
	s2 =	simm.s32 @!p0 $0x1C02  }
0x1ce: {  	[timem:s3], [sflag:s2] =	dma.local @!p0 [hbm:s0], s1  }
0x1cf: {  	s0 =	simm.s32 @!p0 $0x2  }
0x1d0: {  	_ =	swait.ge @!p0 [sflag:s0], s1  }
0x1d1: {  	s1 =	ssub.s32 @!p0 $0x0, s1;
	[sflag:s0] =	ssyncset.done @!p0 $0x0  }
0x1d2: {  	[sflag:s0] =	ssyncadd.s32 @!p0 s1  }
0x1d3: {  	[bflag:$0x3] =	sbarrier.arrive $0xFFFF  }
0x1d4: {  	_ =	shalt  }

// kernel: kernel.5.cloned.1.call-start
scs
__scs_entry_jumppad:
0x0: {  	(pc) =	sbr.rel $0x88, $3  }
0x1: {  	(tag) =	ssettag $0x0;
	lr =	simm.s32 $0x1  }
0x2: {  	[smem:$0x3F9D] =	sst lr;
	_ =	strace $0xD0000000  }
0x3: {  	_ = 	snop  }
0x4: {  	_ = 	snop  }
0x5: {  	_ = 	snop  }
0x6: {  	_ = 	snop  }
0x7: {  	_ = 	snop  }
__scs_overlays_trampoline_lowered:
0x8: {  	[smem:$0x3FAC] =	sst s0  }
0x9: {  	[smem:$0x3FAD] =	sst s1  }
0xa: {  	[smem:$0x3FAE] =	sst s2  }
0xb: {  	[smem:$0x3FAF] =	sst s3  }
0xc: {  	[smem:$0x3FB0] =	sst s4  }
0xd: {  	[smem:$0x3FB1] =	sst s5  }
0xe: {  	[smem:$0x3FB2] =	sst s6  }
0xf: {  	[smem:$0x3FB3] =	sst s7  }
0x10: {  	[smem:$0x3FB4] =	sst s8  }
0x11: {  	[smem:$0x3FB5] =	sst s9;
	s0 =	simm.s32 @!p0 $0x0  }
0x12: {  	s1 =	sld [smem:$0x3F9B];
	s0 =	simm.s32 @p0 $0x1  }
0x13: {  	[smem:$0x3FB6] =	sst s0;
	s0 =	simm.s32 @!p1 $0x0  }
0x14: {  	s2 =	sld [smem:$0x3F9A];
	s0 =	simm.s32 @p1 $0x1  }
0x15: {  	[smem:$0x3FB7] =	sst s0;
	s0 =	simm.s32 @!p2 $0x0  }
0x16: {  	s3 =	sld [smem:$0x3FDB];
	s0 =	simm.s32 @p2 $0x1  }
0x17: {  	s4 =	simm.s32 $0x1BF5;
	[smem:$0x3FB9] =	sst s0  }
0x18: {  	s0 =	sld [smem:$0x3F9C];
	_ =	swait.ge [sflag:s4], $0x0  }
0x19: {  	s7 =	sld [smem:$0x3F9D]  }
0x1a: {  	s8 =	sadd.s32 $0xFFFFE003, lr  }
0x1b: {  	s9 =	sadd.s32 $0xFFFFFEF7, lr;
	s5 =	simm.s32 $0xFFFFFFFF;
	p2 =	slt.u32 s8, $0xFFFFF086  }
0x1c: {  	p1 =	slt.u32 s9, $0xF7A;
	s5 =	simm.s32 @!p2 $0x0  }
0x1d: {  	s5 =	simm.s32 @p1 $0x1;
	p0 =	seq.s32 s7, s2  }
0x1e: {  	s7 =	smul.u32 @!p0 $0xF7A, s2;
	p2 =	seq.s32 @!p0 s5, $0x0  }
0x1f: {  	s9 =	smul.u32 $0xF7A, s1;
	s8 =	simm.s32 @!p0 $0x1BF5;
	p2 =	por !p2, p0  }
0x20: {  	[sflag:s8] =	ssyncset.s32 @!p0 $0xFFFFF086;
	s6 =	sadd.s32 @!p0 s3, s7;
	s7 =	simm.s32 @!p0 $0x108  }
0x21: {  	s3 =	sadd.s32 s3, s9;
	s6 =	sadd.s32 @!p0 $0x88, s6;
	s7 =	simm.s32 @p2 $0x1082  }
0x22: {  	[simem:s7], [sflag:s8] =	dma.local @!p0 [hbm:s6], $0xF7A  }
0x23: {  	s9 =	sor.u32 $0xD0000000, s2;
	s6 =	simm.s32 $0x108;
	_ =	swait.ge @!p0 [sflag:s8], $0x0  }
0x24: {  	s3 =	sadd.s32 $0x88, s3;
	s6 =	simm.s32 @!p1 $0x1082;
	[sflag:s4] =	ssyncset.s32 $0xFFFFF086  }
0x25: {  	[simem:s6], [sflag:s4] =	dma.local [hbm:s3], $0xF7A  }
0x26: {  	[smem:$0x3F9D] =	sst s1;
	(tag) =	ssettag s2;
	_ =	strace s9  }
0x27: {  	s1 =	sld [smem:$0x3FAD]  }
0x28: {  	s2 =	sld [smem:$0x3FAE]  }
0x29: {  	s4 =	sld [smem:$0x3FB0]  }
0x2a: {  	p0 =	seq.s32 s5, $0x0;
	s5 =	sld [smem:$0x3FB1]  }
0x2b: {  	s6 =	sld [smem:$0x3FB2]  }
0x2c: {  	s7 =	sld [smem:$0x3FB3]  }
0x2d: {  	s3 =	simm.s32 $0x108;
	s8 =	sld [smem:$0x3FB4]  }
0x2e: {  	s3 =	simm.s32 @!p0 $0x1082;
	s9 =	sld [smem:$0x3FB5]  }
0x2f: {  	lr =	sadd.s32 s0, s3;
	s0 =	sld [smem:$0x3FAC]  }
0x30: {  	s3 =	sld [smem:$0x3FAF]  }
0x31: {  	[smem:$0x3FB8] =	sst s10  }
0x32: {  	s10 =	sld [smem:$0x3FB6];
	_ =	sdelay $0x3  }
0x33: {  	p0 =	seq.s32 s10, $0x1;
	s10 =	sld [smem:$0x3FB8];
	_ =	sdelay $0x3  }
0x34: {  	[smem:$0x3FB8] =	sst s10  }
0x35: {  	s10 =	sld [smem:$0x3FB7];
	_ =	sdelay $0x3  }
0x36: {  	p1 =	seq.s32 s10, $0x1;
	s10 =	sld [smem:$0x3FB8];
	_ =	sdelay $0x3  }
0x37: {  	[smem:$0x3FB8] =	sst s10  }
0x38: {  	s10 =	sld [smem:$0x3FB9]  }
0x39: {  	_ = 	snop;
	(pc) =	sbr.ind lr, $3  }
0x3a: {  	_ = 	snop  }
0x3b: {  	_ = 	snop  }
0x3c: {  	p2 =	seq.s32 s10, $0x1;
	s10 =	sld [smem:$0x3FB8]  }
0x3d: {  	_ =	shalt  }
0x3e: {  	_ =	shalt  }
0x3f: {  	_ =	shalt  }
0x40: {  	_ =	shalt  }
0x41: {  	_ =	shalt  }
0x42: {  	_ =	shalt  }
0x43: {  	_ =	shalt  }
0x44: {  	_ =	shalt  }
0x45: {  	_ =	shalt  }
0x46: {  	_ =	shalt  }
0x47: {  	_ =	shalt  }
0x48: {  	_ =	shalt  }
0x49: {  	_ =	shalt  }
0x4a: {  	_ =	shalt  }
0x4b: {  	_ =	shalt  }
0x4c: {  	_ =	shalt  }
0x4d: {  	_ =	shalt  }
0x4e: {  	_ =	shalt  }
0x4f: {  	_ =	shalt  }
0x50: {  	_ =	shalt  }
0x51: {  	_ =	shalt  }
0x52: {  	_ =	shalt  }
0x53: {  	_ =	shalt  }
0x54: {  	_ =	shalt  }
0x55: {  	_ =	shalt  }
0x56: {  	_ =	shalt  }
0x57: {  	_ =	shalt  }
0x58: {  	_ =	shalt  }
0x59: {  	_ =	shalt  }
0x5a: {  	_ =	shalt  }
0x5b: {  	_ =	shalt  }
0x5c: {  	_ =	shalt  }
0x5d: {  	_ =	shalt  }
0x5e: {  	_ =	shalt  }
0x5f: {  	_ =	shalt  }
0x60: {  	_ =	shalt  }
0x61: {  	_ =	shalt  }
0x62: {  	_ =	shalt  }
0x63: {  	_ =	shalt  }
0x64: {  	_ =	shalt  }
0x65: {  	_ =	shalt  }
0x66: {  	_ =	shalt  }
0x67: {  	_ =	shalt  }
0x68: {  	_ =	shalt  }
0x69: {  	_ =	shalt  }
0x6a: {  	_ =	shalt  }
0x6b: {  	_ =	shalt  }
0x6c: {  	_ =	shalt  }
0x6d: {  	_ =	shalt  }
0x6e: {  	_ =	shalt  }
0x6f: {  	_ =	shalt  }
0x70: {  	_ =	shalt  }
0x71: {  	_ =	shalt  }
0x72: {  	_ =	shalt  }
0x73: {  	_ =	shalt  }
0x74: {  	_ =	shalt  }
0x75: {  	_ =	shalt  }
0x76: {  	_ =	shalt  }
0x77: {  	_ =	shalt  }
0x78: {  	_ =	shalt  }
0x79: {  	_ =	shalt  }
0x7a: {  	_ =	shalt  }
0x7b: {  	_ =	shalt  }
0x7c: {  	_ =	shalt  }
0x7d: {  	_ =	shalt  }
0x7e: {  	_ =	shalt  }
0x7f: {  	_ =	shalt  }
0x80: {  	_ =	shalt  }
0x81: {  	_ =	shalt  }
0x82: {  	_ =	shalt  }
0x83: {  	_ =	shalt  }
0x84: {  	_ =	shalt  }
0x85: {  	_ =	shalt  }
0x86: {  	_ =	shalt  }
0x87: {  	_ =	shalt  }
.Lfunc_end0:
.L_simem_size_0:
called_computation_lowered:
.L_overlay_start_0:
0x88: {  	s2 =	sld [smem:$0x3FD9]  }
0x89: {  	s3 =	sld [smem:$0x3FFE];
	_ =	sdelay $0x1  }
0x8a: {  	s1 =	srdreg.scid  }
0x8b: {  	s0 =	sand.u32 $0x1, s1  }
0x8c: {  	s16 =	sshll.u32 s0, $0xA;
	s2 =	sadd.s32 s3, s2  }
0x8d: {  	s2 =	sadd.s32 s2, s16  }
0x8e: {  	[smem:$0x3FC4] =	sst s2  }
0x8f: {  	_ = 	snop  }
0x90: {  	(tm) =	ssettm $0x1  }
0x91: {  	s17 =	sld [smem:$0x3FFB];
	_ =	sdelay $0x3  }
0x92: {  	_ =	strace s17  }
0x93: {  	s2 =	sld [smem:$0x3FFC];
	_ =	sdelay $0x3  }
0x94: {  	_ =	strace s2  }
0x95: {  	s2 =	sld [smem:$0x3FFD];
	_ =	sdelay $0x3  }
0x96: {  	_ =	strace s2  }
0x97: {  	_ =	strace $0x8FFFFFFF  }
0x98: {  	s18 =	sld [smem:$0x3FDB];
	_ =	sdelay $0x1  }
0x99: {  	s19 =	simm.s32 $_scs_section_size  }
0x9a: {  	s4 =	simm.s32 $_size__tile_overlayer_lowered;
	s5 =	simm.s32 $_tile_overlayer_lowered  }
0x9b: {  	s22 =	simm.s32 $0x1BFF;
	s21 =	sshll.u32 s5, $0x1;
	s2 =	sadd.s32 s19, s18  }
0x9c: {  	s6 =	simm.s32 $0x0;
	s20 =	sshll.u32 s4, $0x1;
	s4 =	sadd.s32 s21, s2  }
0x9d: {  	[timem:s6], [sflag:s22] =	dma.local [hbm:s4], s20  }
0x9e: {  	_ =	swait.ge [sflag:s22], s20  }
0x9f: {  	s3 =	ssub.s32 $0x0, s20;
	[sflag:s22] =	ssyncset.done $0x0  }
0xa0: {  	[sflag:s22] =	ssyncadd.s32 s3;
	_ =	sdelay $0x1  }
0xa1: {  	s23 =	simm.s32 $0x1B8B  }
0xa2: {  	_ =	swait.ge [sflag:s23], $0x1  }
0xa3: {  	[sflag:s23] =	ssyncset.done $0x0  }
0xa4: {  	s25 =	simm.s32 $0x1B8E;
	s24 =	sld [smem:$0x3FFE];
	[sflag:s23] =	ssyncadd.s32 $0xFFFFFFFF  }
0xa5: {  	s26 =	simm.s32 $execute0_lowered;
	[smem:$0x3FD2] =	sst s25  }
0xa6: {  	s4 =	sshll.u32 s26, $0x1;
	_ =	strace $0x80000046;
	[dreg:$0x1] =	wrdreg $0xFFFFFFFF  }
0xa7: {  	s28 =	simm.s32 $_size_execute0_lowered;
	s2 =	sadd.s32 s2, s4;
	[dreg:$0x0] =	wrdreg $0x0  }
0xa8: {  	s4 =	sshll.u32 s28, $0x1;
	[dreg:$0x2] =	wrdreg s2  }
0xa9: {  	[dreg:$0x3] =	wrdreg s4  }
0xaa: {  	[dreg:$0x4] =	wrdreg $0xC0  }
0xab: {  	_ =	task [dreg:s6], $0x5FFFF  }
0xac: {  	[dreg:$0x1] =	wrdreg $0xFFFFFFFF  }
0xad: {  	[dreg:$0x0] =	wrdreg $0x60  }
0xae: {  	[dreg:$0x2] =	wrdreg s24  }
0xaf: {  	[dreg:$0x3] =	wrdreg $0x1A4000  }
0xb0: {  	[dreg:$0x4] =	wrdreg $0x9  }
0xb1: {  	_ =	task.clear_ibuf [dreg:s6], $0x5FFFF;
	_ =	strace $0x90000046  }
0xb2: {  	s29 =	simm.s32 $0x9;
	_ =	strace $0x80000048  }
0xb3: {  	_ =	swait.ge [sflag:s29], $0x1  }
0xb4: {  	[sflag:s29] =	ssyncadd.s32 $0xFFFFFFFF  }
0xb5: {  	_ =	strace $0x90000048  }
0xb6: {  	_ =	sfence  }
0xb7: {  	s30 =	sld [smem:$0x0];
	_ =	sdelay $0x2  }
0xb8: {  	s31 =	sshll.u32 s1, $0xD;
	s1 =	sshrl.u32 s1, $0x2  }
0xb9: {  	s3 =	sand.u32 $0x4000, s31;
	s1 =	sadd.s32 s1, s30  }
0xba: {  	s0 =	sor.u32 s3, s0;
	s1 =	sshll.u32 s1, $0x11  }
0xbb: {  	s0 =	sor.u32 s1, s0  }
0xbc: {  	s0 =	sadd.s32 $0x8F2B, s0  }
0xbd: {  	[sflag:s0] =	ssyncadd.remote.s32 $0x1  }
0xbe: {  	_ =	sfence.sel $0xFFFF  }
0xbf: {  	[dreg:$0x0] =	wrdreg $0xFFFFFFFF;
	(pc) =	sbr.abs _section_cstart, $3  }
0xc0: {  	[dreg:$0x1] =	wrdreg $0xFFFFFFFF  }
0xc1: {  	_ =	task.clear_ibuf [dreg:s6], $0x2FFFF;
	_ =	strace $0x9FFFFFFF  }
0xc2: {  	(tm) =	ssettm $0x7FFFFFFF  }
0xc3: {  	_ =	shalt  }
tec
execute0_lowered:
.L_overlay_start_1:
0x0: {  	(tag) =	ssettag $0x1  }
0x1: {  	v0 =	vlaneseq.u32  }
0x2: {  	v2 =	vor.u32 $0x10, v0  }
0x3: {  	[tilespmem:$0x1FED0] =	vst v2;
	v2 =	vor.u32 $0x20, v0  }
0x4: {  	[tilespmem:$0x1FEE0] =	vst v2;
	v2 =	vor.u32 $0x30, v0  }
0x5: {  	s0 =	rddreg [dreg:$0x0];
	s3 =	simm.s32 $0x0;
	[tilespmem:$0x1FEF0] =	vst v2;
	v2 =	vor.u32 $0x40, v0  }
0x6: {  	[smem:$0x7FF] =	sst s3;
	[tilespmem:$0x1FF00] =	vst v2;
	v2 =	vor.u32 $0x50, v0  }
0x7: {  	s1 =	rddreg [dreg:$0x1];
	v1 =	vimm.f32 $0.0e+00;
	v21 =	vor.u32 $0x140, v0;
	_ =	strace $0x80000047;
	[tilespmem:$0x1FF10] =	vst v2;
	v2 =	vor.u32 $0x60, v0  }
0x8: {  	v22 =	vor.u32 $0x150, v0;
	v23 =	vor.u32 $0x160, v0;
	[tilespmem:$0x1FF20] =	vst v2;
	v2 =	vor.u32 $0x70, v0  }
0x9: {  	s14 =	simm.s32 $0x50;
	v24 =	vor.u32 $0x170, v0;
	v25 =	vor.u32 $0x180, v0;
	[tilespmem:$0x1FF30] =	vst v2;
	v2 =	vor.u32 $0x80, v0  }
0xa: {  	s30 =	simm.s32 $0x11800;
	s31 =	simm.s32 $0x1BF80;
	v26 =	vor.u32 $0x190, v0;
	v27 =	vor.u32 $0x1A0, v0;
	[tilespmem:$0x1FF40] =	vst v2;
	v2 =	vor.u32 $0x90, v0  }
0xb: {  	s2 =	srdreg.scid;
	s15 =	simm.s32 $0x1BFD0;
	s16 =	simm.s32 $0x16800;
	v28 =	vor.u32 $0x1B0, v0;
	v29 =	vor.u32 $0x1C0, v0;
	[tilespmem:$0x1FF50] =	vst v2;
	v2 =	vor.u32 $0xA0, v0  }
0xc: {  	s17 =	simm.s32 $0x19000;
	s18 =	simm.s32 $0x2;
	s20 =	simm.s32 $0xC3500;
	v30 =	vor.u32 $0x1D0, v0;
	v31 =	vor.u32 $0x1E0, v0;
	[tilespmem:$0x1FF60] =	vst v2;
	v2 =	vor.u32 $0xB0, v0  }
0xd: {  	s19 =	simm.s32 $0x80;
	s21 =	simm.s32 $0x1C0A0;
	s22 =	simm.s32 $0x1C020;
	v32 =	vor.u32 $0x1F0, v0;
	v33 =	vor.u32 $0x200, v0;
	[tilespmem:$0x1FF70] =	vst v2;
	v2 =	vor.u32 $0xC0, v0  }
0xe: {  	s23 =	simm.s32 $0x0;
	s7 =	sand.u32 $0x1, s2;
	s2 =	stileid.u32;
	v34 =	vor.u32 $0x210, v0;
	v35 =	vor.u32 $0x220, v0;
	[tilespmem:$0x1FF80] =	vst v2;
	v2 =	vor.u32 $0xD0, v0  }
0xf: {  	v36 =	vor.u32 $0x230, v0;
	v37 =	vor.u32 $0x240, v0;
	s4 =	ssub.s32 $0x2, s7;
	s5 =	sshll.u32 s2, $0x4;
	s12 =	sshll.u32 s7, $0x4;
	[tilespmem:$0x1FF90] =	vst v2;
	v2 =	vor.u32 $0xE0, v0  }
0x10: {  	v38 =	vor.u32 $0x250, v0;
	v39 =	vor.u32 $0x260, v0;
	s13 =	sor.u32 $0x10, s2;
	s11 =	sshll.u32 s7, $0x8;
	s6 =	sshrl.u32 s4, $0x1;
	[tilespmem:$0x1FFA0] =	vst v2;
	v2 =	vor.u32 $0xF0, v0  }
0x11: {  	v40 =	vor.u32 $0x270, v0;
	v41 =	vor.u32 $0x280, v0;
	s0 =	sadd.s32 s5, s0;
	s29 =	ssub.s32 s4, s6;
	s4 =	smul.u32 $0x1400, s2;
	[tilespmem:$0x1FFB0] =	vst v2;
	v2 =	vor.u32 $0x100, v0  }
0x12: {  	v42 =	vor.u32 $0x290, v0;
	v43 =	vor.u32 $0x2A0, v0;
	s12 =	sor.u32 s12, s2;
	p0 =	sgt.u32 s13, $0x13;
	s6 =	smul.u32 $0x1400, s13;
	[tilespmem:$0x1FFC0] =	vst v2;
	v2 =	vor.u32 $0x110, v0  }
0x13: {  	v44 =	vor.u32 $0x2B0, v0;
	v45 =	vor.u32 $0x2C0, v0;
	s8 =	sadd.s32 $0x1000, s0;
	s0 =	sadd.s32 s11, s0;
	s13 =	simm.s32 $0x1;
	[tilespmem:$0x1FFD0] =	vst v2;
	v2 =	vor.u32 $0x120, v0  }
0x14: {  	v46 =	vor.u32 $0x2D0, v0;
	v47 =	vor.u32 $0x2E0, v0;
	s5 =	smax.u32 s29, $0x1;
	s10 =	sadd.s32 $0x31E00, s0;
	s11 =	sadd.s32 s11, s8;
	[tilespmem:$0x1FFE0] =	vst v2;
	v2 =	vor.u32 $0x130, v0  }
0x15: {  	v48 =	vor.u32 $0x2F0, v0;
	v49 =	vor.u32 $0x300, v0;
	v50 =	vor.u32 $0x310, v0;
	s0 =	simm.s32 $0x14000;
	s7 =	sadd.s32 s4, s1;
	s9 =	sadd.s32 s6, s1;
	[tilespmem:$0x1FFF0] =	vst v2  }
.LBB2_1:
0x16: {  	s24 =	simm.s32 $0x0;
	s25 =	simm.s32 $0x200  }
.LBB2_2:
0x17: {  	p1 =	sne.s32 s25, $0x63E00;
	[tilespmem:s24+$0x70] =	vst v1  }
0x18: {  	[tilespmem:s24+$0x0] =	vst v1  }
0x19: {  	[tilespmem:s24+$0x10] =	vst v1  }
.Ltmp0:
0x1a: {  	[tilespmem:s24+$0x20] =	vst v1;
	(pc) =	sbr.rel @p1 .LBB2_2-.Ltmp0, $4  }
0x1b: {  	[tilespmem:s24+$0x30] =	vst v1  }
0x1c: {  	[tilespmem:s24+$0x40] =	vst v1  }
0x1d: {  	[tilespmem:s24+$0x50] =	vst v1  }
0x1e: {  	[tilespmem:s24+$0x60] =	vst v1;
	s24 =	sshra.s32 s25, $0x2;
	s25 =	sadd.s32 $0x200, s25  }
0x1f: {  	[tilespmem:s24+$0x70] =	vst v1  }
0x20: {  	[tilespmem:s24+$0x0] =	vst v1  }
0x21: {  	[tilespmem:s24+$0x10] =	vst v1  }
0x22: {  	[tilespmem:s24+$0x20] =	vst v1;
	v2 =	vld [tilespmem:$0x1FED0]  }
0x23: {  	[tilespmem:s24+$0x30] =	vst v1  }
0x24: {  	[tilespmem:s24+$0x40] =	vst v1  }
0x25: {  	[tilespmem:s24+$0x50] =	vst v1  }
0x26: {  	[tilespmem:s24+$0x60] =	vst v1  }
0x27: {  	[tilespmem:$0x1BD10] =	vst v2;
	v2 =	vld [tilespmem:$0x1FEE0];
	_ =	sdelay $0x4  }
0x28: {  	[tilespmem:$0x1BD20] =	vst v2;
	v2 =	vld [tilespmem:$0x1FEF0];
	_ =	sdelay $0x4  }
0x29: {  	[tilespmem:$0x1BD30] =	vst v2;
	v2 =	vld [tilespmem:$0x1FF00];
	_ =	sdelay $0x4  }
0x2a: {  	[tilespmem:$0x1BD40] =	vst v2;
	v2 =	vld [tilespmem:$0x1FF10];
	_ =	sdelay $0x4  }
0x2b: {  	[tilespmem:$0x1BD50] =	vst v2;
	v2 =	vld [tilespmem:$0x1FF20];
	_ =	sdelay $0x4  }
0x2c: {  	[tilespmem:$0x1BD60] =	vst v2;
	v2 =	vld [tilespmem:$0x1FF30];
	_ =	sdelay $0x4  }
0x2d: {  	[tilespmem:$0x1BD70] =	vst v2;
	v2 =	vld [tilespmem:$0x1FF40];
	_ =	sdelay $0x4  }
0x2e: {  	[tilespmem:$0x1BD80] =	vst v2;
	v2 =	vld [tilespmem:$0x1FF50];
	_ =	sdelay $0x4  }
0x2f: {  	[tilespmem:$0x1BD90] =	vst v2;
	v2 =	vld [tilespmem:$0x1FF60];
	_ =	sdelay $0x4  }
0x30: {  	[tilespmem:$0x1BDA0] =	vst v2;
	v2 =	vld [tilespmem:$0x1FF70];
	_ =	sdelay $0x4  }
0x31: {  	[tilespmem:$0x1BDB0] =	vst v2;
	v2 =	vld [tilespmem:$0x1FF80];
	_ =	sdelay $0x1  }
0x32: {  	[tilespmem:$0x1BD00] =	vst v0  }
0x33: {  	[tilespmem:$0x1BE40] =	vst v21  }
0x34: {  	[tilespmem:$0x1BE50] =	vst v22  }
0x35: {  	[tilespmem:$0x1BDC0] =	vst v2;
	v2 =	vld [tilespmem:$0x1FF90]  }
0x36: {  	[tilespmem:$0x1BE60] =	vst v23  }
0x37: {  	[tilespmem:$0x1BE70] =	vst v24  }
0x38: {  	[tilespmem:$0x1BE80] =	vst v25  }
0x39: {  	[tilespmem:$0x1BE90] =	vst v26  }
0x3a: {  	[tilespmem:$0x1BDD0] =	vst v2;
	v2 =	vld [tilespmem:$0x1FFA0]  }
0x3b: {  	[tilespmem:$0x1BEA0] =	vst v27  }
0x3c: {  	[tilespmem:$0x1BEB0] =	vst v28  }
0x3d: {  	[tilespmem:$0x1BEC0] =	vst v29  }
0x3e: {  	[tilespmem:$0x1BED0] =	vst v30  }
0x3f: {  	[tilespmem:$0x1BDE0] =	vst v2;
	v2 =	vld [tilespmem:$0x1FFB0]  }
0x40: {  	[tilespmem:$0x1BEE0] =	vst v31  }
0x41: {  	[tilespmem:$0x1BEF0] =	vst v32  }
0x42: {  	[tilespmem:$0x1BF00] =	vst v33  }
0x43: {  	[tilespmem:$0x1BF10] =	vst v34  }
0x44: {  	[tilespmem:$0x1BDF0] =	vst v2;
	v2 =	vld [tilespmem:$0x1FFC0]  }
0x45: {  	[tilespmem:$0x1BF20] =	vst v35  }
0x46: {  	[tilespmem:$0x1BF30] =	vst v36  }
0x47: {  	[tilespmem:$0x1BF40] =	vst v37  }
0x48: {  	[tilespmem:$0x1BF50] =	vst v38  }
0x49: {  	[tilespmem:$0x1BE00] =	vst v2;
	v2 =	vld [tilespmem:$0x1FFD0]  }
0x4a: {  	[tilespmem:$0x1BF60] =	vst v39  }
0x4b: {  	[tilespmem:$0x1BF70] =	vst v40  }
0x4c: {  	[tilespmem:$0x1BF80] =	vst v41  }
0x4d: {  	[tilespmem:$0x1BF90] =	vst v42  }
0x4e: {  	[tilespmem:$0x1BE10] =	vst v2;
	v2 =	vld [tilespmem:$0x1FFE0]  }
0x4f: {  	[tilespmem:$0x1BFA0] =	vst v43  }
0x50: {  	[tilespmem:$0x1BFB0] =	vst v44  }
0x51: {  	[tilespmem:$0x1BFC0] =	vst v45  }
0x52: {  	[tilespmem:$0x1BFD0] =	vst v46  }
0x53: {  	[tilespmem:$0x1BE20] =	vst v2;
	v2 =	vld [tilespmem:$0x1FFF0]  }
0x54: {  	[tilespmem:$0x1BFE0] =	vst v47  }
0x55: {  	[tilespmem:$0x1BFF0] =	vst v48  }
0x56: {  	[tilespmem:$0x1C000] =	vst v49  }
0x57: {  	[tilespmem:$0x1C010] =	vst v50  }
0x58: {  	[tilespmem:$0x1BE30] =	vst v2  }
0x59: {  	[spmem:s7] =	stream.linear.scatter [tilespmem:s4], [sflag:$0x1], $0x1400, $0x38;
	[tilespmem:$0x1C1A0] =	vst v63  }
0x5a: {  	_ =	swait.ge [sflag:s13], $0x1400  }
0x5b: {  	[sflag:s13] =	ssyncset.done $0x0  }
0x5c: {  	s24 =	simm.s32 @!p0 $0x1;
	[sflag:s13] =	ssyncadd.s32 $0xFFFFEC00  }
0x5d: {  	[spmem:s9] =	stream.linear.scatter @!p0 [tilespmem:s6], [sflag:$0x1], $0x1400, $0x38;
	[tilespmem:$0x1C1A0] =	vst v63  }
0x5e: {  	_ =	swait.ge @!p0 [sflag:s24], $0x1400  }
0x5f: {  	[sflag:s24] =	ssyncset.done @!p0 $0x0  }
0x60: {  	[sflag:s24] =	ssyncadd.s32 @!p0 $0xFFFFEC00  }
0x61: {  	s25 =	smov.u32 s8;
	s24 =	simm.s32 $0x0;
	[bflag:$0x0] =	sbarrier.arrive $0xFFFF  }
.LBB2_4:
0x62: {  	s26 =	sadd.s32 s24, s2  }
0x63: {  	p1 =	sgt.u32 s26, $0x1869  }
0x64: {  	s26 =	simm.s32 @!p1 $0x80;
	s28 =	simm.s32 @!p1 $0xC3500;
	s29 =	simm.s32 @!p1 $0x1C0A0  }
0x65: {  	[tilespmem:s29], [sflag:$0x1] =	stream.strided.gather @!p1 [hbm4b:s25+s26], $0x100, s28, s26, $0x38;
	[tilespmem:$0x1C1A0] =	vst v63  }
0x66: {  	s26 =	simm.s32 @!p1 $0x1  }
0x67: {  	_ =	swait.ge @!p1 [sflag:s26], $0x100  }
0x68: {  	[sflag:s26] =	ssyncset.done @!p1 $0x0  }
0x69: {  	[sflag:s26] =	ssyncadd.s32 @!p1 $0xFFFFFF00  }
0x6a: {  	v2 =	vld @!p1 [tilespmem:$0x1C0A0];
	_ =	sdelay $0x6  }
0x6b: {  	v3 =	vimm.f32 @!p1 $1.000000000e+00;
	s26 =	simm.s32 @!p1 $0x0  }
0x6c: {  	[tilespmem:v2+s26+$0x0] =	vst.idx.add.f32.msk @!p1 $0xffff, v3  }
0x6d: {  	v2 =	vld @!p1 [tilespmem:$0x1C0B0];
	_ =	sdelay $0x7  }
0x6e: {  	[tilespmem:v2+s26+$0x0] =	vst.idx.add.f32.msk @!p1 $0xffff, v3  }
0x6f: {  	v2 =	vld @!p1 [tilespmem:$0x1C0C0];
	_ =	sdelay $0x7  }
0x70: {  	[tilespmem:v2+s26+$0x0] =	vst.idx.add.f32.msk @!p1 $0xffff, v3  }
0x71: {  	v2 =	vld @!p1 [tilespmem:$0x1C0D0];
	_ =	sdelay $0x7  }
0x72: {  	[tilespmem:v2+s26+$0x0] =	vst.idx.add.f32.msk @!p1 $0xffff, v3  }
0x73: {  	v2 =	vld @!p1 [tilespmem:$0x1C0E0];
	_ =	sdelay $0x7  }
0x74: {  	[tilespmem:v2+s26+$0x0] =	vst.idx.add.f32.msk @!p1 $0xffff, v3  }
0x75: {  	v2 =	vld @!p1 [tilespmem:$0x1C0F0];
	_ =	sdelay $0x7  }
0x76: {  	[tilespmem:v2+s26+$0x0] =	vst.idx.add.f32.msk @!p1 $0xffff, v3  }
0x77: {  	v2 =	vld @!p1 [tilespmem:$0x1C100];
	_ =	sdelay $0x7  }
0x78: {  	[tilespmem:v2+s26+$0x0] =	vst.idx.add.f32.msk @!p1 $0xffff, v3  }
0x79: {  	v2 =	vld @!p1 [tilespmem:$0x1C110];
	_ =	sdelay $0x1  }
0x7a: {  	s24 =	sadd.s32 $0x10, s24  }
0x7b: {  	p2 =	sne.s32 s24, $0x1870  }
.Ltmp1:
0x7c: {  	_ = 	snop;
	(pc) =	sbr.rel @p2 .LBB2_4-.Ltmp1, $2  }
0x7d: {  	_ =	sdelay $0x2  }
0x7e: {  	s25 =	sadd.s32 $0x100, s25;
	[tilespmem:v2+s26+$0x0] =	vst.idx.add.f32.msk @!p1 $0xffff, v3  }
0x7f: {  	s24 =	simm.s32 $0x0;
	s25 =	simm.s32 $0x1BD00  }
0x80: {  	[spmem:s1] =	stream.indirect.scatter.add.f32 [tilespmem:s24], [sflag:$0x1], $0x80, s25, s14, $0xb8;
	[tilespmem:$0x1C1A0] =	vst v63  }
0x81: {  	_ =	swait.ge [sflag:s13], $0x2800  }
0x82: {  	[sflag:s13] =	ssyncset.done $0x0  }
0x83: {  	s29 =	simm.s32 $0x1BD50;
	s26 =	simm.s32 $0x2800;
	[sflag:s13] =	ssyncadd.s32 $0xFFFFD800  }
0x84: {  	[spmem:s1] =	stream.indirect.scatter.add.f32 [tilespmem:s26], [sflag:$0x1], $0x80, s29, s14, $0xb8;
	[tilespmem:$0x1C1A0] =	vst v63  }
0x85: {  	_ =	swait.ge [sflag:s13], $0x2800  }
0x86: {  	[sflag:s13] =	ssyncset.done $0x0  }
0x87: {  	s28 =	simm.s32 $0x1BDA0;
	s29 =	simm.s32 $0x5000;
	[sflag:s13] =	ssyncadd.s32 $0xFFFFD800  }
0x88: {  	[spmem:s1] =	stream.indirect.scatter.add.f32 [tilespmem:s29], [sflag:$0x1], $0x80, s28, s14, $0xb8;
	[tilespmem:$0x1C1A0] =	vst v63  }
0x89: {  	_ =	swait.ge [sflag:s13], $0x2800  }
0x8a: {  	[sflag:s13] =	ssyncset.done $0x0  }
0x8b: {  	s28 =	simm.s32 $0x1BDF0;
	s29 =	simm.s32 $0x7800;
	[sflag:s13] =	ssyncadd.s32 $0xFFFFD800  }
0x8c: {  	[spmem:s1] =	stream.indirect.scatter.add.f32 [tilespmem:s29], [sflag:$0x1], $0x80, s28, s14, $0xb8;
	[tilespmem:$0x1C1A0] =	vst v63  }
0x8d: {  	_ =	swait.ge [sflag:s13], $0x2800  }
0x8e: {  	[sflag:s13] =	ssyncset.done $0x0  }
0x8f: {  	s28 =	simm.s32 $0x1BE40;
	s29 =	simm.s32 $0xA000;
	[sflag:s13] =	ssyncadd.s32 $0xFFFFD800  }
0x90: {  	[spmem:s1] =	stream.indirect.scatter.add.f32 [tilespmem:s29], [sflag:$0x1], $0x80, s28, s14, $0xb8;
	[tilespmem:$0x1C1A0] =	vst v63  }
0x91: {  	_ =	swait.ge [sflag:s13], $0x2800  }
0x92: {  	[sflag:s13] =	ssyncset.done $0x0  }
0x93: {  	s28 =	simm.s32 $0x1BE90;
	s29 =	simm.s32 $0xC800;
	[sflag:s13] =	ssyncadd.s32 $0xFFFFD800  }
0x94: {  	[spmem:s1] =	stream.indirect.scatter.add.f32 [tilespmem:s29], [sflag:$0x1], $0x80, s28, s14, $0xb8;
	[tilespmem:$0x1C1A0] =	vst v63  }
0x95: {  	_ =	swait.ge [sflag:s13], $0x2800  }
0x96: {  	[sflag:s13] =	ssyncset.done $0x0  }
0x97: {  	s26 =	simm.s32 $0x1BEE0;
	s28 =	simm.s32 $0xF000;
	[sflag:s13] =	ssyncadd.s32 $0xFFFFD800  }
0x98: {  	[spmem:s1] =	stream.indirect.scatter.add.f32 [tilespmem:s28], [sflag:$0x1], $0x80, s26, s14, $0xb8;
	[tilespmem:$0x1C1A0] =	vst v63  }
0x99: {  	_ =	swait.ge [sflag:s13], $0x2800  }
0x9a: {  	[sflag:s13] =	ssyncset.done $0x0  }
0x9b: {  	s29 =	simm.s32 $0x1BF30;
	[sflag:s13] =	ssyncadd.s32 $0xFFFFD800  }
0x9c: {  	[spmem:s1] =	stream.indirect.scatter.add.f32 [tilespmem:s30], [sflag:$0x1], $0x80, s29, s14, $0xb8;
	[tilespmem:$0x1C1A0] =	vst v63  }
0x9d: {  	_ =	swait.ge [sflag:s13], $0x2800  }
0x9e: {  	[sflag:s13] =	ssyncset.done $0x0  }
0x9f: {  	[sflag:s13] =	ssyncadd.s32 $0xFFFFD800  }
0xa0: {  	[spmem:s1] =	stream.indirect.scatter.add.f32 [tilespmem:s0], [sflag:$0x1], $0x80, s31, s14, $0xb8;
	[tilespmem:$0x1C1A0] =	vst v63  }
0xa1: {  	_ =	swait.ge [sflag:s13], $0x2800  }
0xa2: {  	[sflag:s13] =	ssyncset.done $0x0  }
0xa3: {  	[sflag:s13] =	ssyncadd.s32 $0xFFFFD800  }
0xa4: {  	[spmem:s1] =	stream.indirect.scatter.add.f32 [tilespmem:s16], [sflag:$0x1], $0x80, s15, s14, $0xb8;
	[tilespmem:$0x1C1A0] =	vst v63  }
.Ltmp2:
0xa5: {  	_ =	swait.ge [sflag:s13], $0x2800;
	(pc) =	sbr.rel .LBB2_6-.Ltmp2, $4  }
0xa6: {  	[sflag:s13] =	ssyncset.done $0x0  }
0xa7: {  	[sflag:s13] =	ssyncadd.s32 $0xFFFFD800  }
0xa8: {  	[bflag:$0x0] =	sbarrier.arrive $0xFFFF  }
0xa9: {  	p2 =	por $0x1, $0x1  }
.LBB2_10:
.Ltmp3:
0xaa: {  	(pc) =	sbr.rel @!p1 .LBB2_11-.Ltmp3, $2  }
0xab: {  	_ =	sdelay $0x2  }
0xac: {  	s24 =	simm.s32 $0x10;
	p2 =	por $0x0, $0x0  }
.LBB2_6:
0xad: {  	s24 =	sor.u32 s2, s24  }
0xae: {  	p3 =	sgt.u32 s24, $0x13  }
.Ltmp4:
0xaf: {  	_ = 	snop;
	(pc) =	sbr.rel @p3 .LBB2_10-.Ltmp4, $2  }
0xb0: {  	_ =	sdelay $0x2  }
0xb1: {  	p1 =	por p2, p2  }
0xb2: {  	s24 =	smul.u32 $0x5000, s24;
	_ =	sdelay $0x1  }
0xb3: {  	s24 =	sshra.s32 s24, $0x2  }
0xb4: {  	s24 =	sadd.s32 s24, s1  }
0xb5: {  	[tilespmem:s17], [sflag:$0x2] =	stream.linear.gather [spmem:s24], $0x1400, $0x38;
	[tilespmem:$0x1C1A0] =	vst v63  }
0xb6: {  	_ =	swait.ge [sflag:s18], $0x1400  }
0xb7: {  	[sflag:s18] =	ssyncset.done $0x0  }
0xb8: {  	s25 =	simm.s32 $0x0;
	[sflag:s18] =	ssyncadd.s32 $0xFFFFEC00  }
0xb9: {  	v2 =	vld [tilespmem:s25+$0x19030]  }
0xba: {  	v3 =	vld [tilespmem:s25+$0x19050]  }
0xbb: {  	v51 =	vld [tilespmem:s25+$0x19070]  }
0xbc: {  	v52 =	vld [tilespmem:s25+$0x19060];
	_ =	sdelay $0x1  }
0xbd: {  	v55 =	vld [tilespmem:s25+$0x19000]  }
0xbe: {  	v60 =	vld [tilespmem:s25+$0x19040]  }
0xbf: {  	v4 =	vshra.s32 v2, $0x1;
	v5 =	vmul.f32 $5.000000000e-01, v2;
	v6 =	vshra.s32 v3, $0x1  }
0xc0: {  	v7 =	vmul.f32 $5.000000000e-01, v3;
	v56 =	vshra.s32 v51, $0x1;
	v57 =	vshra.s32 v52, $0x1  }
0xc1: {  	v8 =	vmul.f32 $5.000000000e-01, v52;
	v62 =	vmul.f32 $5.000000000e-01, v51;
	v4 =	vsub.s32 $0x5F3759DF, v4  }
0xc2: {  	v61 =	vshra.s32 v55, $0x1;
	v6 =	vsub.s32 $0x5F3759DF, v6;
	v54 =	vmul.f32 v4, v5  }
0xc3: {  	v11 =	vshra.s32 v60, $0x1;
	v16 =	vmul.f32 $5.000000000e-01, v55;
	v58 =	vmul.f32 v6, v7  }
0xc4: {  	v53 =	vld [tilespmem:s25+$0x19010];
	v59 =	vsub.s32 $0x5F3759DF, v57;
	v63 =	vsub.s32 $0x5F3759DF, v56;
	v19 =	vmul.f32 v4, v54  }
0xc5: {  	v56 =	vmul.f32 $5.000000000e-01, v60;
	v61 =	vsub.s32 $0x5F3759DF, v61;
	v58 =	vmul.f32 v6, v58  }
0xc6: {  	v11 =	vsub.s32 $0x5F3759DF, v11;
	v9 =	vmul.f32 v59, v8;
	v57 =	vsub.f32 $1.500000000e+00, v19  }
0xc7: {  	v10 =	vmul.f32 v63, v62;
	v18 =	vmul.f32 v61, v16;
	v58 =	vsub.f32 $1.500000000e+00, v58  }
0xc8: {  	v20 =	vmul.f32 v11, v56;
	v54 =	vld [tilespmem:s25+$0x19020];
	v4 =	vmul.f32 v4, v57  }
0xc9: {  	v12 =	vshra.s32 v53, $0x1;
	v10 =	vmul.f32 v63, v10;
	v6 =	vmul.f32 v6, v58  }
0xca: {  	v12 =	vsub.s32 $0x5F3759DF, v12;
	v18 =	vmul.f32 v61, v18;
	v14 =	vmul.f32 v4, v5  }
0xcb: {  	v9 =	vmul.f32 v59, v9;
	v10 =	vsub.f32 $1.500000000e+00, v10;
	v15 =	vmul.f32 v6, v7  }
0xcc: {  	v18 =	vsub.f32 $1.500000000e+00, v18;
	v58 =	vmul.f32 $5.000000000e-01, v53;
	v14 =	vmul.f32 v14, v4  }
0xcd: {  	v57 =	vmul.f32 $5.000000000e-01, v54;
	v13 =	vshra.s32 v54, $0x1;
	v15 =	vmul.f32 v15, v6  }
0xce: {  	v10 =	vmul.f32 v63, v10;
	v13 =	vsub.s32 $0x5F3759DF, v13;
	v14 =	vsub.f32 $1.500000000e+00, v14  }
0xcf: {  	v18 =	vmul.f32 v61, v18;
	v17 =	vmul.f32 v13, v57;
	v15 =	vsub.f32 $1.500000000e+00, v15  }
0xd0: {  	v9 =	vsub.f32 $1.500000000e+00, v9;
	v19 =	vmul.f32 v12, v58;
	v4 =	vmul.f32 v14, v4  }
0xd1: {  	v17 =	vmul.f32 v13, v17;
	v6 =	vmul.f32 v15, v6  }
0xd2: {  	v9 =	vmul.f32 v59, v9;
	v5 =	vmul.f32 v4, v5  }
0xd3: {  	v17 =	vsub.f32 $1.500000000e+00, v17;
	v15 =	vmul.f32 v12, v19;
	v7 =	vmul.f32 v6, v7  }
0xd4: {  	vm1 =	vgt.f32 v2, $0.0e+00;
	v59 =	vmul.f32 v18, v16;
	v5 =	vmul.f32 v5, v4  }
0xd5: {  	v13 =	vmul.f32 v13, v17;
	v15 =	vsub.f32 $1.500000000e+00, v15;
	v7 =	vmul.f32 v7, v6  }
0xd6: {  	v63 =	vmul.f32 v9, v8;
	v14 =	vmul.f32 v11, v20;
	v5 =	vsub.f32 $1.500000000e+00, v5  }
0xd7: {  	v2 =	vmul.f32 v13, v57;
	v61 =	vmul.f32 v12, v15;
	v7 =	vsub.f32 $1.500000000e+00, v7  }
0xd8: {  	v4 =	vmul.f32 v5, v4;
	v5 =	vmul.f32 v10, v62  }
0xd9: {  	v12 =	vmul.f32 v59, v18;
	v6 =	vmul.f32 v7, v6;
	v7 =	vsub.f32 $1.500000000e+00, v14  }
0xda: {  	vm0 =	vgt.f32 v3, $0.0e+00;
	v3 =	vmul.f32 v61, v58;
	v5 =	vmul.f32 v5, v10  }
0xdb: {  	v15 =	vnsel vm1, $0x0, v4;
	v59 =	vmul.f32 v11, v7;
	v4 =	vmul.f32 v63, v9  }
0xdc: {  	v19 =	vmul.f32 v3, v61;
	v7 =	vsub.f32 $1.500000000e+00, v12;
	v3 =	vsub.f32 $1.500000000e+00, v5  }
0xdd: {  	v2 =	vmul.f32 v2, v13;
	v5 =	vmul.f32 v59, v56;
	v4 =	vsub.f32 $1.500000000e+00, v4  }
0xde: {  	v17 =	vnsel vm0, $0x0, v6;
	v63 =	vmul.f32 v7, v18;
	v3 =	vmul.f32 v3, v10  }
0xdf: {  	v6 =	vsub.f32 $1.500000000e+00, v2;
	v5 =	vmul.f32 v5, v59;
	v2 =	vmul.f32 v4, v9  }
0xe0: {  	v4 =	vsub.f32 $1.500000000e+00, v19;
	v19 =	vmul.f32 v63, v16;
	v10 =	vmul.f32 v3, v62  }
0xe1: {  	[tilespmem:s25+$0x19030] =	vst v15;
	v62 =	vmul.f32 v6, v13;
	v6 =	vsub.f32 $1.500000000e+00, v5;
	v7 =	vmul.f32 v2, v8  }
0xe2: {  	s26 =	simm.s32 $0x200;
	vm0 =	vgt.f32 v60, $0.0e+00;
	[tilespmem:s25+$0x19050] =	vst v17;
	v5 =	vmul.f32 v19, v63;
	v60 =	vmul.f32 v10, v3  }
.LBB2_8:
0xe3: {  	s28 =	sshra.s32 s26, $0x2;
	p2 =	sne.s32 s26, $0x4E00;
	s26 =	sadd.s32 $0x200, s26;
	vm1 =	vgt.f32 v55, $0.0e+00;
	v6 =	vmul.f32 v6, v59;
	v7 =	vmul.f32 v7, v2  }
0xe4: {  	v4 =	vmul.f32 v4, v61;
	v8 =	vld [tilespmem:s28+$0x19050];
	v5 =	vsub.f32 $1.500000000e+00, v5;
	v9 =	vsub.f32 $1.500000000e+00, v60  }
0xe5: {  	v10 =	vmul.f32 v62, v57;
	v59 =	vld [tilespmem:s28+$0x19030];
	v11 =	vmul.f32 v6, v56;
	v7 =	vsub.f32 $1.500000000e+00, v7  }
0xe6: {  	vm2 =	vgt.f32 v51, $0.0e+00;
	v12 =	vmul.f32 v4, v58;
	v3 =	vmul.f32 v9, v3  }
0xe7: {  	vm3 =	vgt.f32 v52, $0.0e+00;
	v9 =	vmul.f32 v11, v6;
	v2 =	vmul.f32 v7, v2  }
0xe8: {  	v10 =	vmul.f32 v10, v62;
	v7 =	vmul.f32 v12, v4;
	v3 =	vnsel vm2, $0x0, v3  }
0xe9: {  	v5 =	vmul.f32 v5, v63;
	v9 =	vsub.f32 $1.500000000e+00, v9;
	v2 =	vnsel vm3, $0x0, v2;
	[tilespmem:s25+$0x19070] =	vst v3  }
0xea: {  	vm2 =	vgt.f32 v54, $0.0e+00;
	v3 =	vsub.f32 $1.500000000e+00, v7;
	v7 =	vsub.f32 $1.500000000e+00, v10;
	v51 =	vld [tilespmem:s28+$0x19070];
	[tilespmem:s25+$0x19060] =	vst v2  }
0xeb: {  	v2 =	vnsel vm1, $0x0, v5;
	vm1 =	vgt.f32 v53, $0.0e+00;
	v52 =	vld [tilespmem:s28+$0x19060];
	v5 =	vmul.f32 v9, v6  }
0xec: {  	v6 =	vshra.s32 v59, $0x1;
	v9 =	vmul.f32 $5.000000000e-01, v59;
	[tilespmem:s25+$0x19000] =	vst v2;
	v2 =	vmul.f32 v3, v4  }
0xed: {  	v3 =	vsub.s32 $0x5F3759DF, v6;
	v4 =	vshra.s32 v8, $0x1;
	v5 =	vnsel vm0, $0x0, v5  }
0xee: {  	v6 =	vmul.f32 v7, v62;
	v4 =	vsub.s32 $0x5F3759DF, v4;
	v55 =	vld [tilespmem:s28+$0x19000];
	v2 =	vnsel vm1, $0x0, v2;
	[tilespmem:s25+$0x19040] =	vst v5  }
0xef: {  	v5 =	vmul.f32 $5.000000000e-01, v8;
	v60 =	vld [tilespmem:s28+$0x19040];
	v7 =	vshra.s32 v51, $0x1  }
0xf0: {  	v10 =	vmul.f32 v3, v9;
	v11 =	vshra.s32 v52, $0x1;
	[tilespmem:s25+$0x19010] =	vst v2;
	v2 =	vnsel vm2, $0x0, v6  }
0xf1: {  	v12 =	vmul.f32 $5.000000000e-01, v51;
	v6 =	vmul.f32 v4, v5;
	v53 =	vld [tilespmem:s28+$0x19010];
	v11 =	vsub.s32 $0x5F3759DF, v11;
	[tilespmem:s25+$0x19020] =	vst v2;
	s25 =	smov.u32 s28  }
0xf2: {  	v2 =	vmul.f32 v3, v10;
	v10 =	vmul.f32 $5.000000000e-01, v52;
	v54 =	vld [tilespmem:s25+$0x19020]  }
0xf3: {  	v7 =	vsub.s32 $0x5F3759DF, v7;
	v6 =	vmul.f32 v4, v6;
	v13 =	vshra.s32 v55, $0x1  }
0xf4: {  	v15 =	vmul.f32 v7, v12;
	v2 =	vsub.f32 $1.500000000e+00, v2;
	v14 =	vmul.f32 v11, v10  }
0xf5: {  	v16 =	vshra.s32 v60, $0x1;
	v56 =	vmul.f32 $5.000000000e-01, v60;
	v6 =	vsub.f32 $1.500000000e+00, v6  }
0xf6: {  	v2 =	vmul.f32 v3, v2;
	v3 =	vmul.f32 v7, v15;
	v17 =	vshra.s32 v53, $0x1  }
0xf7: {  	v13 =	vsub.s32 $0x5F3759DF, v13;
	v4 =	vmul.f32 v4, v6;
	v57 =	vmul.f32 $5.000000000e-01, v54  }
0xf8: {  	v6 =	vshra.s32 v54, $0x1;
	v15 =	vmul.f32 v2, v9;
	v3 =	vsub.f32 $1.500000000e+00, v3  }
0xf9: {  	v58 =	vmul.f32 $5.000000000e-01, v53;
	v17 =	vsub.s32 $0x5F3759DF, v17;
	v18 =	vmul.f32 v4, v5  }
0xfa: {  	v19 =	vmul.f32 $5.000000000e-01, v55;
	v6 =	vsub.s32 $0x5F3759DF, v6;
	v15 =	vmul.f32 v15, v2  }
0xfb: {  	v16 =	vsub.s32 $0x5F3759DF, v16;
	v20 =	vmul.f32 v6, v57;
	v18 =	vmul.f32 v18, v4  }
0xfc: {  	v61 =	vmul.f32 v13, v19;
	v14 =	vmul.f32 v11, v14;
	v15 =	vsub.f32 $1.500000000e+00, v15  }
0xfd: {  	v63 =	vmul.f32 v16, v56;
	v62 =	vmul.f32 v17, v58;
	v18 =	vsub.f32 $1.500000000e+00, v18  }
0xfe: {  	v61 =	vmul.f32 v13, v61;
	v2 =	vmul.f32 v15, v2  }
0xff: {  	vm0 =	vgt.f32 v8, $0.0e+00;
	v15 =	vmul.f32 v16, v63;
	v4 =	vmul.f32 v18, v4  }
0x100: {  	v14 =	vsub.f32 $1.500000000e+00, v14;
	v8 =	vmul.f32 v17, v62;
	v9 =	vmul.f32 v2, v9  }
0x101: {  	v20 =	vmul.f32 v6, v20;
	v18 =	vsub.f32 $1.500000000e+00, v61;
	v5 =	vmul.f32 v4, v5  }
0x102: {  	v3 =	vmul.f32 v7, v3;
	v8 =	vsub.f32 $1.500000000e+00, v8;
	v9 =	vmul.f32 v9, v2  }
0x103: {  	v7 =	vmul.f32 v13, v18;
	v13 =	vsub.f32 $1.500000000e+00, v20;
	v5 =	vmul.f32 v5, v4  }
0x104: {  	v61 =	vmul.f32 v17, v8;
	v8 =	vsub.f32 $1.500000000e+00, v9;
	v9 =	vmul.f32 v11, v14  }
0x105: {  	v6 =	vmul.f32 v6, v13;
	v11 =	vmul.f32 v7, v19;
	v5 =	vsub.f32 $1.500000000e+00, v5  }
0x106: {  	v13 =	vmul.f32 v3, v12;
	v2 =	vmul.f32 v8, v2;
	v8 =	vsub.f32 $1.500000000e+00, v15  }
0x107: {  	vm1 =	vgt.f32 v59, $0.0e+00;
	v14 =	vmul.f32 v61, v58;
	v4 =	vmul.f32 v5, v4  }
0x108: {  	v5 =	vmul.f32 v11, v7;
	v11 =	vmul.f32 v9, v10;
	v2 =	vnsel vm1, $0x0, v2  }
0x109: {  	v15 =	vmul.f32 v6, v57;
	[tilespmem:s25+$0x19030] =	vst v2;
	v2 =	vnsel vm0, $0x0, v4;
	v4 =	vmul.f32 v13, v3  }
0x10a: {  	v59 =	vmul.f32 v16, v8;
	v5 =	vsub.f32 $1.500000000e+00, v5;
	[tilespmem:s25+$0x19050] =	vst v2;
	v2 =	vmul.f32 v11, v9  }
0x10b: {  	v8 =	vmul.f32 v14, v61;
	v11 =	vmul.f32 v15, v6;
	v13 =	vsub.f32 $1.500000000e+00, v4  }
0x10c: {  	v63 =	vmul.f32 v5, v7;
	v5 =	vmul.f32 v59, v56;
	v2 =	vsub.f32 $1.500000000e+00, v2  }
.Ltmp5:
0x10d: {  	v4 =	vsub.f32 $1.500000000e+00, v8;
	v7 =	vsub.f32 $1.500000000e+00, v11;
	v3 =	vmul.f32 v13, v3;
	(pc) =	sbr.rel @p2 .LBB2_8-.Ltmp5, $4  }
0x10e: {  	v5 =	vmul.f32 v5, v59;
	v2 =	vmul.f32 v2, v9  }
0x10f: {  	v8 =	vmul.f32 v63, v19;
	v9 =	vmul.f32 v3, v12  }
0x110: {  	v62 =	vmul.f32 v7, v6;
	v6 =	vsub.f32 $1.500000000e+00, v5;
	v7 =	vmul.f32 v2, v10  }
0x111: {  	vm0 =	vgt.f32 v60, $0.0e+00;
	v5 =	vmul.f32 v8, v63;
	v60 =	vmul.f32 v9, v3  }
0x112: {  	v6 =	vmul.f32 v6, v59  }
0x113: {  	v7 =	vmul.f32 v7, v2;
	v4 =	vmul.f32 v4, v61  }
0x114: {  	vm1 =	vgt.f32 v55, $0.0e+00;
	v10 =	vmul.f32 v62, v57;
	v9 =	vmul.f32 v6, v56  }
0x115: {  	vm2 =	vgt.f32 v51, $0.0e+00;
	v8 =	vsub.f32 $1.500000000e+00, v60;
	v11 =	vmul.f32 v4, v58  }
0x116: {  	vm3 =	vgt.f32 v52, $0.0e+00;
	v7 =	vsub.f32 $1.500000000e+00, v7;
	v59 =	vmul.f32 v9, v6  }
0x117: {  	v5 =	vsub.f32 $1.500000000e+00, v5;
	v3 =	vmul.f32 v8, v3;
	v60 =	vmul.f32 v11, v4  }
0x118: {  	v61 =	vmul.f32 v10, v62;
	v2 =	vmul.f32 v7, v2;
	v8 =	vsub.f32 $1.500000000e+00, v59  }
0x119: {  	v5 =	vmul.f32 v5, v63;
	v3 =	vnsel vm2, $0x0, v3;
	v7 =	vsub.f32 $1.500000000e+00, v60  }
0x11a: {  	v2 =	vnsel vm3, $0x0, v2;
	[tilespmem:s25+$0x19070] =	vst v3;
	v3 =	vsub.f32 $1.500000000e+00, v61;
	v6 =	vmul.f32 v8, v6  }
0x11b: {  	[tilespmem:s25+$0x19060] =	vst v2;
	v2 =	vnsel vm1, $0x0, v5;
	v4 =	vmul.f32 v7, v4  }
0x11c: {  	vm14 =	vgt.f32 v53, $0.0e+00;
	[tilespmem:s25+$0x19000] =	vst v2;
	v3 =	vmul.f32 v3, v62;
	v2 =	vnsel vm0, $0x0, v6  }
0x11d: {  	vm15 =	vgt.f32 v54, $0.0e+00;
	v4 =	vnsel vm14, $0x0, v4;
	[tilespmem:s25+$0x19040] =	vst v2  }
0x11e: {  	[tilespmem:s25+$0x19010] =	vst v4;
	v2 =	vnsel vm15, $0x0, v3  }
.Ltmp6:
0x11f: {  	[tilespmem:s25+$0x19020] =	vst v2;
	(pc) =	sbr.rel .LBB2_10-.Ltmp6, $4  }
0x120: {  	[spmem:s24] =	stream.linear.scatter [tilespmem:s17], [sflag:$0x1], $0x1400, $0x38;
	[tilespmem:$0x1C1A0] =	vst v63  }
0x121: {  	_ =	swait.ge [sflag:s13], $0x1400  }
0x122: {  	[sflag:s13] =	ssyncset.done $0x0  }
0x123: {  	[sflag:s13] =	ssyncadd.s32 $0xFFFFEC00  }
.LBB2_11:
0x124: {  	[bflag:$0x0] =	sbarrier.arrive $0xFFFF;
	s24 =	simm.s32 $0x0  }
0x125: {  	[tilespmem:s24], [sflag:$0x1] =	stream.linear.gather [spmem:s1], $0x19000, $0x38;
	[tilespmem:$0x1C1A0] =	vst v63  }
0x126: {  	_ =	swait.ge [sflag:s13], $0x19000  }
0x127: {  	[sflag:s13] =	ssyncset.done $0x0  }
0x128: {  	s25 =	smov.u32 s12;
	[sflag:s13] =	ssyncadd.s32 $0xFFFE7000  }
.LBB2_12:
0x129: {  	p1 =	sgt.u32 s25, $0x1869  }
0x12a: {  	s26 =	sadd.s32 @!p1 s24, s11  }
0x12b: {  	[tilespmem:s21], [sflag:$0x2] =	stream.strided.gather @!p1 [hbm4b:s26+s19], $0x100, s20, s19, $0x38;
	[tilespmem:$0x1C1A0] =	vst v63  }
0x12c: {  	_ =	swait.ge @!p1 [sflag:s18], $0x100  }
0x12d: {  	[sflag:s18] =	ssyncset.done @!p1 $0x0  }
0x12e: {  	[sflag:s18] =	ssyncadd.s32 @!p1 $0xFFFFFF00  }
0x12f: {  	v2 =	vld @!p1 [tilespmem:$0x1C0A0]  }
0x130: {  	v3 =	vld @!p1 [tilespmem:$0x1C120];
	_ =	sdelay $0x5  }
0x131: {  	v4 =	vld @!p1 [tilespmem:$0x1C0B0]  }
0x132: {  	v2 =	vld.idx.msk @!p1 [tilespmem:v2+s3+$0x0], $0xffff  }
0x133: {  	v3 =	vld.idx.msk @!p1 [tilespmem:v3+s3+$0x0], $0xffff  }
0x134: {  	v5 =	vld @!p1 [tilespmem:$0x1C130];
	_ =	sdelay $0x3  }
0x135: {  	v2 =	vmul.f32 @!p1 v3, v2;
	_ =	sdelay $0x1  }
0x136: {  	[tilespmem:$0x1C020] =	vst @!p1 v2  }
0x137: {  	v2 =	vld.idx.msk @!p1 [tilespmem:v4+s3+$0x0], $0xffff  }
0x138: {  	v3 =	vld.idx.msk @!p1 [tilespmem:v5+s3+$0x0], $0xffff  }
0x139: {  	v4 =	vld @!p1 [tilespmem:$0x1C0C0]  }
0x13a: {  	v5 =	vld @!p1 [tilespmem:$0x1C140];
	_ =	sdelay $0x3  }
0x13b: {  	v2 =	vmul.f32 @!p1 v3, v2;
	_ =	sdelay $0x1  }
0x13c: {  	[tilespmem:$0x1C030] =	vst @!p1 v2  }
0x13d: {  	v2 =	vld.idx.msk @!p1 [tilespmem:v4+s3+$0x0], $0xffff  }
0x13e: {  	v3 =	vld.idx.msk @!p1 [tilespmem:v5+s3+$0x0], $0xffff  }
0x13f: {  	v4 =	vld @!p1 [tilespmem:$0x1C0D0]  }
0x140: {  	v5 =	vld @!p1 [tilespmem:$0x1C150];
	_ =	sdelay $0x3  }
0x141: {  	v2 =	vmul.f32 @!p1 v3, v2;
	_ =	sdelay $0x1  }
0x142: {  	[tilespmem:$0x1C040] =	vst @!p1 v2  }
0x143: {  	v2 =	vld.idx.msk @!p1 [tilespmem:v4+s3+$0x0], $0xffff  }
0x144: {  	v3 =	vld.idx.msk @!p1 [tilespmem:v5+s3+$0x0], $0xffff  }
0x145: {  	v4 =	vld @!p1 [tilespmem:$0x1C0E0]  }
0x146: {  	v5 =	vld @!p1 [tilespmem:$0x1C160];
	_ =	sdelay $0x3  }
0x147: {  	v2 =	vmul.f32 @!p1 v3, v2;
	_ =	sdelay $0x1  }
0x148: {  	[tilespmem:$0x1C050] =	vst @!p1 v2  }
0x149: {  	v2 =	vld.idx.msk @!p1 [tilespmem:v4+s3+$0x0], $0xffff  }
0x14a: {  	v3 =	vld.idx.msk @!p1 [tilespmem:v5+s3+$0x0], $0xffff  }
0x14b: {  	v4 =	vld @!p1 [tilespmem:$0x1C0F0]  }
0x14c: {  	v5 =	vld @!p1 [tilespmem:$0x1C170];
	_ =	sdelay $0x3  }
0x14d: {  	v2 =	vmul.f32 @!p1 v3, v2;
	_ =	sdelay $0x1  }
0x14e: {  	[tilespmem:$0x1C060] =	vst @!p1 v2  }
0x14f: {  	v2 =	vld.idx.msk @!p1 [tilespmem:v4+s3+$0x0], $0xffff  }
0x150: {  	v3 =	vld.idx.msk @!p1 [tilespmem:v5+s3+$0x0], $0xffff  }
0x151: {  	v4 =	vld @!p1 [tilespmem:$0x1C100]  }
0x152: {  	v5 =	vld @!p1 [tilespmem:$0x1C180];
	_ =	sdelay $0x3  }
0x153: {  	v2 =	vmul.f32 @!p1 v3, v2;
	_ =	sdelay $0x1  }
0x154: {  	[tilespmem:$0x1C070] =	vst @!p1 v2  }
0x155: {  	v2 =	vld.idx.msk @!p1 [tilespmem:v4+s3+$0x0], $0xffff  }
0x156: {  	v3 =	vld.idx.msk @!p1 [tilespmem:v5+s3+$0x0], $0xffff  }
0x157: {  	v4 =	vld @!p1 [tilespmem:$0x1C110]  }
0x158: {  	v5 =	vld @!p1 [tilespmem:$0x1C190];
	_ =	sdelay $0x3  }
0x159: {  	v2 =	vmul.f32 @!p1 v3, v2;
	_ =	sdelay $0x1  }
0x15a: {  	[tilespmem:$0x1C080] =	vst @!p1 v2  }
0x15b: {  	v2 =	vld.idx.msk @!p1 [tilespmem:v4+s3+$0x0], $0xffff  }
0x15c: {  	v3 =	vld.idx.msk @!p1 [tilespmem:v5+s3+$0x0], $0xffff;
	_ =	sdelay $0x4  }
0x15d: {  	v2 =	vmul.f32 @!p1 v3, v2;
	_ =	sdelay $0x1  }
0x15e: {  	s26 =	sadd.s32 @!p1 s24, s10;
	[tilespmem:$0x1C090] =	vst @!p1 v2  }
0x15f: {  	[hbm4b:s26+s3] =	stream.linear.scatter @!p1 [tilespmem:s22], [sflag:$0x1], $0x80, $0x38;
	[tilespmem:$0x1C1A0] =	vst v63  }
0x160: {  	_ =	swait.ge @!p1 [sflag:s13], $0x80  }
0x161: {  	s24 =	sadd.s32 $0x200, s24;
	[sflag:s13] =	ssyncset.done @!p1 $0x0  }
0x162: {  	[sflag:s13] =	ssyncadd.s32 @!p1 $0xFFFFFF80;
	p1 =	sne.s32 s24, $0x18800  }
.Ltmp7:
0x163: {  	_ = 	snop;
	(pc) =	sbr.rel @p1 .LBB2_12-.Ltmp7, $2  }
0x164: {  	_ =	sdelay $0x2  }
0x165: {  	s25 =	sadd.s32 $0x20, s25  }
0x166: {  	s23 =	sadd.s32 $0x1, s23  }
0x167: {  	p1 =	sne.s32 s23, s5  }
.Ltmp8:
0x168: {  	_ = 	snop;
	(pc) =	sbr.rel @p1 .LBB2_1-.Ltmp8, $1  }
0x169: {  	_ =	sdelay $0x3  }
0x16a: {  	_ =	sfence.sel $0x180000  }
0x16b: {  	[bflag:$0x0] =	sbarrier.arrive $0xFFFF  }
0x16c: {  	_ =	strace $0x90000047  }
0x16d: {  	[bflag:$0x2] =	sbarrier.arrive $0xFFFF  }
0x16e: {  	p0 =	sne.s32 s2, $0x0;
	s0 =	rddreg [dreg:$0x2]  }
0x16f: {  	s0 =	sadd.s32 @!p0 $0x100000, s0  }
0x170: {  	[sflag:s0] =	ssyncadd.tile.s32 @!p0 $0x1;
	_ =	shalt  }
.Lfunc_end2:
_tile_overlayer_lowered:
.L_overlay_start_2:
0x171: {  	(tag) =	ssettag $0x2  }
0x172: {  	s0 =	rddreg [dreg:$0x0];
	s2 =	stileid.u32  }
0x173: {  	s1 =	rddreg [dreg:$0x1];
	p0 =	sne.s32 s2, $0x0  }
0x174: {  	s3 =	rddreg [dreg:$0x2];
	[bflag:$0x3] =	sbarrier.arrive $0xFFFF;
	s2 =	simm.s32 @!p0 $0x1C01  }
0x175: {  	[timem:s3], [sflag:s2] =	dma.local @!p0 [hbm:s0], s1  }
0x176: {  	s0 =	simm.s32 @!p0 $0x1  }
0x177: {  	_ =	swait.ge @!p0 [sflag:s0], s1  }
0x178: {  	s1 =	ssub.s32 @!p0 $0x0, s1;
	[sflag:s0] =	ssyncset.done @!p0 $0x0  }
0x179: {  	[sflag:s0] =	ssyncadd.s32 @!p0 s1  }
0x17a: {  	[bflag:$0x3] =	sbarrier.arrive $0xFFFF  }
0x17b: {  	_ =	shalt  }

// kernel: kernel.8.cloned.1.call-start
scs
__scs_entry_jumppad:
0x0: {  	(pc) =	sbr.rel $0x88, $3  }
0x1: {  	(tag) =	ssettag $0x0;
	lr =	simm.s32 $0x1  }
0x2: {  	[smem:$0x3F9D] =	sst lr;
	_ =	strace $0xD0000000  }
0x3: {  	_ = 	snop  }
0x4: {  	_ = 	snop  }
0x5: {  	_ = 	snop  }
0x6: {  	_ = 	snop  }
0x7: {  	_ = 	snop  }
__scs_overlays_trampoline_lowered:
0x8: {  	[smem:$0x3FAC] =	sst s0  }
0x9: {  	[smem:$0x3FAD] =	sst s1  }
0xa: {  	[smem:$0x3FAE] =	sst s2  }
0xb: {  	[smem:$0x3FAF] =	sst s3  }
0xc: {  	[smem:$0x3FB0] =	sst s4  }
0xd: {  	[smem:$0x3FB1] =	sst s5  }
0xe: {  	[smem:$0x3FB2] =	sst s6  }
0xf: {  	[smem:$0x3FB3] =	sst s7  }
0x10: {  	[smem:$0x3FB4] =	sst s8  }
0x11: {  	[smem:$0x3FB5] =	sst s9;
	s0 =	simm.s32 @!p0 $0x0  }
0x12: {  	s1 =	sld [smem:$0x3F9B];
	s0 =	simm.s32 @p0 $0x1  }
0x13: {  	[smem:$0x3FB6] =	sst s0;
	s0 =	simm.s32 @!p1 $0x0  }
0x14: {  	s2 =	sld [smem:$0x3F9A];
	s0 =	simm.s32 @p1 $0x1  }
0x15: {  	[smem:$0x3FB7] =	sst s0;
	s0 =	simm.s32 @!p2 $0x0  }
0x16: {  	s3 =	sld [smem:$0x3FDB];
	s0 =	simm.s32 @p2 $0x1  }
0x17: {  	s4 =	simm.s32 $0x1BF5;
	[smem:$0x3FB9] =	sst s0  }
0x18: {  	s0 =	sld [smem:$0x3F9C];
	_ =	swait.ge [sflag:s4], $0x0  }
0x19: {  	s7 =	sld [smem:$0x3F9D]  }
0x1a: {  	s8 =	sadd.s32 $0xFFFFE003, lr  }
0x1b: {  	s9 =	sadd.s32 $0xFFFFFEF7, lr;
	s5 =	simm.s32 $0xFFFFFFFF;
	p2 =	slt.u32 s8, $0xFFFFF086  }
0x1c: {  	p1 =	slt.u32 s9, $0xF7A;
	s5 =	simm.s32 @!p2 $0x0  }
0x1d: {  	s5 =	simm.s32 @p1 $0x1;
	p0 =	seq.s32 s7, s2  }
0x1e: {  	s7 =	smul.u32 @!p0 $0xF7A, s2;
	p2 =	seq.s32 @!p0 s5, $0x0  }
0x1f: {  	s9 =	smul.u32 $0xF7A, s1;
	s8 =	simm.s32 @!p0 $0x1BF5;
	p2 =	por !p2, p0  }
0x20: {  	[sflag:s8] =	ssyncset.s32 @!p0 $0xFFFFF086;
	s6 =	sadd.s32 @!p0 s3, s7;
	s7 =	simm.s32 @!p0 $0x108  }
0x21: {  	s3 =	sadd.s32 s3, s9;
	s6 =	sadd.s32 @!p0 $0x88, s6;
	s7 =	simm.s32 @p2 $0x1082  }
0x22: {  	[simem:s7], [sflag:s8] =	dma.local @!p0 [hbm:s6], $0xF7A  }
0x23: {  	s9 =	sor.u32 $0xD0000000, s2;
	s6 =	simm.s32 $0x108;
	_ =	swait.ge @!p0 [sflag:s8], $0x0  }
0x24: {  	s3 =	sadd.s32 $0x88, s3;
	s6 =	simm.s32 @!p1 $0x1082;
	[sflag:s4] =	ssyncset.s32 $0xFFFFF086  }
0x25: {  	[simem:s6], [sflag:s4] =	dma.local [hbm:s3], $0xF7A  }
0x26: {  	[smem:$0x3F9D] =	sst s1;
	(tag) =	ssettag s2;
	_ =	strace s9  }
0x27: {  	s1 =	sld [smem:$0x3FAD]  }
0x28: {  	s2 =	sld [smem:$0x3FAE]  }
0x29: {  	s4 =	sld [smem:$0x3FB0]  }
0x2a: {  	p0 =	seq.s32 s5, $0x0;
	s5 =	sld [smem:$0x3FB1]  }
0x2b: {  	s6 =	sld [smem:$0x3FB2]  }
0x2c: {  	s7 =	sld [smem:$0x3FB3]  }
0x2d: {  	s3 =	simm.s32 $0x108;
	s8 =	sld [smem:$0x3FB4]  }
0x2e: {  	s3 =	simm.s32 @!p0 $0x1082;
	s9 =	sld [smem:$0x3FB5]  }
0x2f: {  	lr =	sadd.s32 s0, s3;
	s0 =	sld [smem:$0x3FAC]  }
0x30: {  	s3 =	sld [smem:$0x3FAF]  }
0x31: {  	[smem:$0x3FB8] =	sst s10  }
0x32: {  	s10 =	sld [smem:$0x3FB6];
	_ =	sdelay $0x3  }
0x33: {  	p0 =	seq.s32 s10, $0x1;
	s10 =	sld [smem:$0x3FB8];
	_ =	sdelay $0x3  }
0x34: {  	[smem:$0x3FB8] =	sst s10  }
0x35: {  	s10 =	sld [smem:$0x3FB7];
	_ =	sdelay $0x3  }
0x36: {  	p1 =	seq.s32 s10, $0x1;
	s10 =	sld [smem:$0x3FB8];
	_ =	sdelay $0x3  }
0x37: {  	[smem:$0x3FB8] =	sst s10  }
0x38: {  	s10 =	sld [smem:$0x3FB9]  }
0x39: {  	_ = 	snop;
	(pc) =	sbr.ind lr, $3  }
0x3a: {  	_ = 	snop  }
0x3b: {  	_ = 	snop  }
0x3c: {  	p2 =	seq.s32 s10, $0x1;
	s10 =	sld [smem:$0x3FB8]  }
0x3d: {  	_ =	shalt  }
0x3e: {  	_ =	shalt  }
0x3f: {  	_ =	shalt  }
0x40: {  	_ =	shalt  }
0x41: {  	_ =	shalt  }
0x42: {  	_ =	shalt  }
0x43: {  	_ =	shalt  }
0x44: {  	_ =	shalt  }
0x45: {  	_ =	shalt  }
0x46: {  	_ =	shalt  }
0x47: {  	_ =	shalt  }
0x48: {  	_ =	shalt  }
0x49: {  	_ =	shalt  }
0x4a: {  	_ =	shalt  }
0x4b: {  	_ =	shalt  }
0x4c: {  	_ =	shalt  }
0x4d: {  	_ =	shalt  }
0x4e: {  	_ =	shalt  }
0x4f: {  	_ =	shalt  }
0x50: {  	_ =	shalt  }
0x51: {  	_ =	shalt  }
0x52: {  	_ =	shalt  }
0x53: {  	_ =	shalt  }
0x54: {  	_ =	shalt  }
0x55: {  	_ =	shalt  }
0x56: {  	_ =	shalt  }
0x57: {  	_ =	shalt  }
0x58: {  	_ =	shalt  }
0x59: {  	_ =	shalt  }
0x5a: {  	_ =	shalt  }
0x5b: {  	_ =	shalt  }
0x5c: {  	_ =	shalt  }
0x5d: {  	_ =	shalt  }
0x5e: {  	_ =	shalt  }
0x5f: {  	_ =	shalt  }
0x60: {  	_ =	shalt  }
0x61: {  	_ =	shalt  }
0x62: {  	_ =	shalt  }
0x63: {  	_ =	shalt  }
0x64: {  	_ =	shalt  }
0x65: {  	_ =	shalt  }
0x66: {  	_ =	shalt  }
0x67: {  	_ =	shalt  }
0x68: {  	_ =	shalt  }
0x69: {  	_ =	shalt  }
0x6a: {  	_ =	shalt  }
0x6b: {  	_ =	shalt  }
0x6c: {  	_ =	shalt  }
0x6d: {  	_ =	shalt  }
0x6e: {  	_ =	shalt  }
0x6f: {  	_ =	shalt  }
0x70: {  	_ =	shalt  }
0x71: {  	_ =	shalt  }
0x72: {  	_ =	shalt  }
0x73: {  	_ =	shalt  }
0x74: {  	_ =	shalt  }
0x75: {  	_ =	shalt  }
0x76: {  	_ =	shalt  }
0x77: {  	_ =	shalt  }
0x78: {  	_ =	shalt  }
0x79: {  	_ =	shalt  }
0x7a: {  	_ =	shalt  }
0x7b: {  	_ =	shalt  }
0x7c: {  	_ =	shalt  }
0x7d: {  	_ =	shalt  }
0x7e: {  	_ =	shalt  }
0x7f: {  	_ =	shalt  }
0x80: {  	_ =	shalt  }
0x81: {  	_ =	shalt  }
0x82: {  	_ =	shalt  }
0x83: {  	_ =	shalt  }
0x84: {  	_ =	shalt  }
0x85: {  	_ =	shalt  }
0x86: {  	_ =	shalt  }
0x87: {  	_ =	shalt  }
.Lfunc_end0:
.L_simem_size_0:
called_computation.1_lowered:
.L_overlay_start_0:
0x88: {  	s2 =	sld [smem:$0x3FD9]  }
0x89: {  	s3 =	sld [smem:$0x3FFE];
	_ =	sdelay $0x1  }
0x8a: {  	s1 =	srdreg.scid  }
0x8b: {  	s0 =	sand.u32 $0x1, s1  }
0x8c: {  	s16 =	sshll.u32 s0, $0xA;
	s2 =	sadd.s32 s3, s2  }
0x8d: {  	s2 =	sadd.s32 s2, s16  }
0x8e: {  	[smem:$0x3FC4] =	sst s2  }
0x8f: {  	_ = 	snop  }
0x90: {  	(tm) =	ssettm $0x1  }
0x91: {  	s17 =	sld [smem:$0x3FFB];
	_ =	sdelay $0x3  }
0x92: {  	_ =	strace s17  }
0x93: {  	s2 =	sld [smem:$0x3FFC];
	_ =	sdelay $0x3  }
0x94: {  	_ =	strace s2  }
0x95: {  	s2 =	sld [smem:$0x3FFD];
	_ =	sdelay $0x3  }
0x96: {  	_ =	strace s2  }
0x97: {  	_ =	strace $0x8FFFFFFF  }
0x98: {  	s18 =	sld [smem:$0x3FDB];
	_ =	sdelay $0x1  }
0x99: {  	s19 =	simm.s32 $_scs_section_size  }
0x9a: {  	s4 =	simm.s32 $_size__tile_overlayer_lowered;
	s5 =	simm.s32 $_tile_overlayer_lowered  }
0x9b: {  	s22 =	simm.s32 $0x1BFF;
	s21 =	sshll.u32 s5, $0x1;
	s2 =	sadd.s32 s19, s18  }
0x9c: {  	s6 =	simm.s32 $0x0;
	s20 =	sshll.u32 s4, $0x1;
	s4 =	sadd.s32 s21, s2  }
0x9d: {  	[timem:s6], [sflag:s22] =	dma.local [hbm:s4], s20  }
0x9e: {  	_ =	swait.ge [sflag:s22], s20  }
0x9f: {  	s3 =	ssub.s32 $0x0, s20;
	[sflag:s22] =	ssyncset.done $0x0  }
0xa0: {  	[sflag:s22] =	ssyncadd.s32 s3;
	_ =	sdelay $0x1  }
0xa1: {  	s23 =	simm.s32 $0x1B8B  }
0xa2: {  	_ =	swait.ge [sflag:s23], $0x1  }
0xa3: {  	[sflag:s23] =	ssyncset.done $0x0  }
0xa4: {  	s25 =	simm.s32 $0x1B8E;
	s24 =	sld [smem:$0x3FFE];
	[sflag:s23] =	ssyncadd.s32 $0xFFFFFFFF  }
0xa5: {  	s26 =	simm.s32 $execute0_lowered;
	[smem:$0x3FD2] =	sst s25  }
0xa6: {  	s4 =	sshll.u32 s26, $0x1;
	_ =	strace $0x80000049;
	[dreg:$0x1] =	wrdreg $0xFFFFFFFF  }
0xa7: {  	s28 =	simm.s32 $_size_execute0_lowered;
	s2 =	sadd.s32 s2, s4;
	[dreg:$0x0] =	wrdreg $0x0  }
0xa8: {  	s4 =	sshll.u32 s28, $0x1;
	[dreg:$0x2] =	wrdreg s2  }
0xa9: {  	[dreg:$0x3] =	wrdreg s4  }
0xaa: {  	[dreg:$0x4] =	wrdreg $0xC0  }
0xab: {  	_ =	task [dreg:s6], $0x5FFFF  }
0xac: {  	[dreg:$0x1] =	wrdreg $0xFFFFFFFF  }
0xad: {  	[dreg:$0x0] =	wrdreg $0x60  }
0xae: {  	[dreg:$0x2] =	wrdreg s24  }
0xaf: {  	[dreg:$0x3] =	wrdreg $0x0  }
0xb0: {  	[dreg:$0x4] =	wrdreg $0x9  }
0xb1: {  	_ =	task.clear_ibuf [dreg:s6], $0x5FFFF;
	_ =	strace $0x90000049  }
0xb2: {  	s29 =	simm.s32 $0x9;
	_ =	strace $0x8000004B  }
0xb3: {  	_ =	swait.ge [sflag:s29], $0x1  }
0xb4: {  	[sflag:s29] =	ssyncadd.s32 $0xFFFFFFFF  }
0xb5: {  	_ =	strace $0x9000004B  }
0xb6: {  	_ =	sfence  }
0xb7: {  	s30 =	sld [smem:$0x0];
	_ =	sdelay $0x2  }
0xb8: {  	s31 =	sshll.u32 s1, $0xD;
	s1 =	sshrl.u32 s1, $0x2  }
0xb9: {  	s3 =	sand.u32 $0x4000, s31;
	s1 =	sadd.s32 s1, s30  }
0xba: {  	s0 =	sor.u32 s3, s0;
	s1 =	sshll.u32 s1, $0x11  }
0xbb: {  	s0 =	sor.u32 s1, s0  }
0xbc: {  	s0 =	sadd.s32 $0x8F2B, s0  }
0xbd: {  	[sflag:s0] =	ssyncadd.remote.s32 $0x1  }
0xbe: {  	_ =	sfence.sel $0xFFFF  }
0xbf: {  	[dreg:$0x0] =	wrdreg $0xFFFFFFFF;
	(pc) =	sbr.abs _section_cstart, $3  }
0xc0: {  	[dreg:$0x1] =	wrdreg $0xFFFFFFFF  }
0xc1: {  	_ =	task.clear_ibuf [dreg:s6], $0x2FFFF;
	_ =	strace $0x9FFFFFFF  }
0xc2: {  	(tm) =	ssettm $0x7FFFFFFF  }
0xc3: {  	_ =	shalt  }
tec
execute0_lowered:
.L_overlay_start_1:
0x0: {  	(tag) =	ssettag $0x1  }
0x1: {  	s0 =	rddreg [dreg:$0x0]  }
0x2: {  	s1 =	rddreg [dreg:$0x1];
	s3 =	srdreg.scid;
	s2 =	simm.s32 $0x0  }
0x3: {  	s28 =	simm.s32 $0x80;
	s29 =	simm.s32 $0xC3500;
	s30 =	simm.s32 $0x1A880  }
0x4: {  	s31 =	simm.s32 $0x3;
	s7 =	sand.u32 $0x1, s3;
	[smem:$0x7FF] =	sst s2  }
0x5: {  	s3 =	sadd.s32 $0x1000, s0;
	s4 =	sadd.s32 $0x31E00, s0;
	s5 =	smul.u32 $0x30D40, s7  }
0x6: {  	s6 =	sadd.s32 $0x4A600, s0;
	s8 =	smul.u32 $0x1400, s7;
	s14 =	ssub.s32 $0x2, s7  }
0x7: {  	_ =	strace $0x8000004A;
	s10 =	sshrl.u32 s14, $0x1;
	s9 =	sadd.s32 s5, s0  }
0x8: {  	s0 =	sadd.s32 s8, s0;
	s5 =	stileid.u32;
	s8 =	ssub.s32 s14, s10  }
0x9: {  	s11 =	smul.u32 $0x61A8, s7;
	s15 =	sshll.u32 s5, $0xD;
	s8 =	smax.u32 s8, $0x1  }
0xa: {  	s7 =	sshll.u32 s7, $0x4;
	[dreg:$0x3] =	wrdreg s8;
	s8 =	sadd.s32 s15, s1  }
0xb: {  	s11 =	sadd.s32 $0xC350, s11;
	s23 =	smul.u32 $0x140, s5;
	s10 =	sadd.s32 $0x20000, s8  }
0xc: {  	s24 =	sor.u32 $0xC0, s5;
	s16 =	sadd.s32 $0x40000, s8;
	[dreg:$0x4] =	wrdreg s10  }
0xd: {  	s13 =	smul.u32 $0x2800, s5;
	s17 =	sadd.s32 $0x60000, s8;
	[dreg:$0x5] =	wrdreg s16  }
0xe: {  	p0 =	sgt.u32 s24, $0xC3;
	s18 =	sadd.s32 $0x80000, s8;
	[dreg:$0x6] =	wrdreg s17  }
0xf: {  	s25 =	sshll.u32 s24, $0xD;
	s19 =	sadd.s32 $0xA0000, s8;
	[dreg:$0x7] =	wrdreg s18  }
0x10: {  	s24 =	sor.u32 s7, s5;
	s20 =	sadd.s32 $0xC0000, s8;
	[dreg:$0x8] =	wrdreg s19  }
0x11: {  	s7 =	simm.s32 $0x1;
	s21 =	sadd.s32 $0xE0000, s8;
	[dreg:$0x9] =	wrdreg s20  }
0x12: {  	s22 =	sadd.s32 $0x100000, s8;
	s12 =	sadd.s32 $0x120000, s8;
	[dreg:$0xa] =	wrdreg s21  }
0x13: {  	s9 =	sadd.s32 s23, s9;
	s0 =	sadd.s32 s23, s0;
	[dreg:$0xb] =	wrdreg s22  }
0x14: {  	s26 =	sshrl.u32 s13, $0x2;
	[dreg:$0xc] =	wrdreg s12;
	s18 =	sadd.s32 $0x140000, s8  }
0x15: {  	s19 =	sadd.s32 $0x160000, s8;
	s20 =	sadd.s32 s25, s1;
	s21 =	sadd.s32 $0xAC200, s9  }
0x16: {  	v2 =	vlaneseq.u32;
	s22 =	sadd.s32 s26, s1;
	s23 =	sadd.s32 $0x10DE00, s0;
	s25 =	simm.s32 $0x18800  }
0x17: {  	v1 =	vimm.f32 $0.0e+00;
	v2 =	vmul.u32 $0x40, v2;
	v0 =	vmov s11;
	s26 =	simm.s32 $0x2;
	s0 =	simm.s32 $0x1A900;
	s9 =	simm.s32 $0x1A980  }
.LBB2_1:
0x18: {  	s11 =	simm.s32 $0x100;
	s10 =	simm.s32 $0x0  }
.LBB2_2:
0x19: {  	p1 =	sne.s32 s11, $0x7F00;
	[tilespmem:s10+$0x18830] =	vst v1;
	s12 =	smov.u32 s11;
	s11 =	sadd.s32 $0x100, s11  }
.Ltmp0:
0x1a: {  	[tilespmem:s10+$0x18820] =	vst v1;
	(pc) =	sbr.rel @p1 .LBB2_2-.Ltmp0, $3  }
0x1b: {  	[tilespmem:s10+$0x18800] =	vst v1  }
0x1c: {  	[tilespmem:s10+$0x18810] =	vst v1;
	_ =	sdelay $0x1  }
0x1d: {  	s10 =	sshra.s32 s12, $0x2  }
0x1e: {  	[tilespmem:s10+$0x18830] =	vst v1  }
0x1f: {  	[tilespmem:s10+$0x18820] =	vst v1  }
0x20: {  	[tilespmem:s10+$0x18800] =	vst v1  }
0x21: {  	[tilespmem:s10+$0x18810] =	vst v1  }
0x22: {  	[spmem:s8] =	stream.linear.scatter [tilespmem:s25], [sflag:$0x2], $0x2000, $0x38;
	[tilespmem:$0x1AA00] =	vst v63  }
0x23: {  	_ =	swait.ge [sflag:s26], $0x2000  }
0x24: {  	[sflag:s26] =	ssyncset.done $0x0  }
0x25: {  	s16 =	rddreg [dreg:$0x4];
	[sflag:s26] =	ssyncadd.s32 $0xFFFFE000  }
0x26: {  	[spmem:s16] =	stream.linear.scatter [tilespmem:s25], [sflag:$0x2], $0x2000, $0x38;
	[tilespmem:$0x1AA00] =	vst v63  }
0x27: {  	_ =	swait.ge [sflag:s26], $0x2000  }
0x28: {  	[sflag:s26] =	ssyncset.done $0x0  }
0x29: {  	s17 =	rddreg [dreg:$0x5];
	[sflag:s26] =	ssyncadd.s32 $0xFFFFE000  }
0x2a: {  	[spmem:s17] =	stream.linear.scatter [tilespmem:s25], [sflag:$0x2], $0x2000, $0x38;
	[tilespmem:$0x1AA00] =	vst v63  }
0x2b: {  	_ =	swait.ge [sflag:s26], $0x2000  }
0x2c: {  	[sflag:s26] =	ssyncset.done $0x0  }
0x2d: {  	s11 =	rddreg [dreg:$0x6];
	[sflag:s26] =	ssyncadd.s32 $0xFFFFE000  }
0x2e: {  	[spmem:s11] =	stream.linear.scatter [tilespmem:s25], [sflag:$0x2], $0x2000, $0x38;
	[tilespmem:$0x1AA00] =	vst v63  }
0x2f: {  	_ =	swait.ge [sflag:s26], $0x2000  }
0x30: {  	[sflag:s26] =	ssyncset.done $0x0  }
0x31: {  	s12 =	rddreg [dreg:$0x7];
	[sflag:s26] =	ssyncadd.s32 $0xFFFFE000  }
0x32: {  	[spmem:s12] =	stream.linear.scatter [tilespmem:s25], [sflag:$0x2], $0x2000, $0x38;
	[tilespmem:$0x1AA00] =	vst v63  }
0x33: {  	_ =	swait.ge [sflag:s26], $0x2000  }
0x34: {  	[sflag:s26] =	ssyncset.done $0x0  }
0x35: {  	s13 =	rddreg [dreg:$0x8];
	[sflag:s26] =	ssyncadd.s32 $0xFFFFE000  }
0x36: {  	[spmem:s13] =	stream.linear.scatter [tilespmem:s25], [sflag:$0x2], $0x2000, $0x38;
	[tilespmem:$0x1AA00] =	vst v63  }
0x37: {  	_ =	swait.ge [sflag:s26], $0x2000  }
0x38: {  	[sflag:s26] =	ssyncset.done $0x0  }
0x39: {  	s14 =	rddreg [dreg:$0x9];
	[sflag:s26] =	ssyncadd.s32 $0xFFFFE000  }
0x3a: {  	[spmem:s14] =	stream.linear.scatter [tilespmem:s25], [sflag:$0x2], $0x2000, $0x38;
	[tilespmem:$0x1AA00] =	vst v63  }
0x3b: {  	_ =	swait.ge [sflag:s26], $0x2000  }
0x3c: {  	[sflag:s26] =	ssyncset.done $0x0  }
0x3d: {  	s15 =	rddreg [dreg:$0xa];
	[sflag:s26] =	ssyncadd.s32 $0xFFFFE000  }
0x3e: {  	[spmem:s15] =	stream.linear.scatter [tilespmem:s25], [sflag:$0x2], $0x2000, $0x38;
	[tilespmem:$0x1AA00] =	vst v63  }
0x3f: {  	_ =	swait.ge [sflag:s26], $0x2000  }
0x40: {  	[sflag:s26] =	ssyncset.done $0x0  }
0x41: {  	s16 =	rddreg [dreg:$0xb];
	[sflag:s26] =	ssyncadd.s32 $0xFFFFE000  }
0x42: {  	[spmem:s16] =	stream.linear.scatter [tilespmem:s25], [sflag:$0x2], $0x2000, $0x38;
	[tilespmem:$0x1AA00] =	vst v63  }
0x43: {  	_ =	swait.ge [sflag:s26], $0x2000  }
0x44: {  	[sflag:s26] =	ssyncset.done $0x0  }
0x45: {  	s17 =	rddreg [dreg:$0xc];
	[sflag:s26] =	ssyncadd.s32 $0xFFFFE000  }
0x46: {  	[spmem:s17] =	stream.linear.scatter [tilespmem:s25], [sflag:$0x2], $0x2000, $0x38;
	[tilespmem:$0x1AA00] =	vst v63  }
0x47: {  	_ =	swait.ge [sflag:s26], $0x2000  }
0x48: {  	[sflag:s26] =	ssyncset.done $0x0  }
0x49: {  	[sflag:s26] =	ssyncadd.s32 $0xFFFFE000  }
0x4a: {  	[spmem:s18] =	stream.linear.scatter [tilespmem:s25], [sflag:$0x2], $0x2000, $0x38;
	[tilespmem:$0x1AA00] =	vst v63  }
0x4b: {  	_ =	swait.ge [sflag:s26], $0x2000  }
0x4c: {  	[sflag:s26] =	ssyncset.done $0x0  }
0x4d: {  	[sflag:s26] =	ssyncadd.s32 $0xFFFFE000  }
0x4e: {  	[spmem:s19] =	stream.linear.scatter [tilespmem:s25], [sflag:$0x2], $0x2000, $0x38;
	[tilespmem:$0x1AA00] =	vst v63  }
0x4f: {  	_ =	swait.ge [sflag:s26], $0x2000  }
0x50: {  	[sflag:s26] =	ssyncset.done $0x0  }
0x51: {  	s10 =	simm.s32 @!p0 $0x18800;
	[sflag:s26] =	ssyncadd.s32 $0xFFFFE000  }
0x52: {  	[spmem:s20] =	stream.linear.scatter @!p0 [tilespmem:s10], [sflag:$0x2], $0x2000, $0x38;
	[tilespmem:$0x1AA00] =	vst v63  }
0x53: {  	s10 =	simm.s32 @!p0 $0x2  }
.Ltmp1:
0x54: {  	_ =	swait.ge @!p0 [sflag:s10], $0x2000;
	(pc) =	sbr.rel .LBB2_4-.Ltmp1, $4  }
0x55: {  	[sflag:s10] =	ssyncset.done @!p0 $0x0  }
0x56: {  	[sflag:s10] =	ssyncadd.s32 @!p0 $0xFFFFE000  }
0x57: {  	[bflag:$0x0] =	sbarrier.arrive $0xFFFF  }
0x58: {  	s10 =	simm.s32 $0x0  }
.LBB2_8:
0x59: {  	s10 =	sadd.s32 $0x1, s10  }
0x5a: {  	p1 =	sne.s32 s10, $0x187  }
.Ltmp2:
0x5b: {  	_ = 	snop;
	(pc) =	sbr.rel @!p1 .LBB2_9-.Ltmp2, $1  }
0x5c: {  	_ =	sdelay $0x3  }
.LBB2_4:
0x5d: {  	s11 =	sshll.u32 s10, $0x4  }
0x5e: {  	s11 =	sor.u32 s5, s11  }
0x5f: {  	p1 =	sgt.u32 s11, $0x1869  }
.Ltmp3:
0x60: {  	_ = 	snop;
	(pc) =	sbr.rel @p1 .LBB2_8-.Ltmp3, $1  }
0x61: {  	_ =	sdelay $0x3  }
0x62: {  	s11 =	sshll.u32 s11, $0x4  }
0x63: {  	s12 =	sadd.s32 s3, s11  }
0x64: {  	[tilespmem:s30], [sflag:$0x3] =	stream.strided.gather [hbm4b:s12+s28], $0x100, s29, s28, $0x38;
	[tilespmem:$0x1AA00] =	vst v63  }
0x65: {  	_ =	swait.ge [sflag:s31], $0x100  }
0x66: {  	s13 =	sadd.s32 s4, s11;
	[sflag:s31] =	ssyncset.done $0x0  }
0x67: {  	s11 =	simm.s32 $0x0;
	s12 =	simm.s32 $0x1A800;
	[sflag:s31] =	ssyncadd.s32 $0xFFFFFF00  }
0x68: {  	[tilespmem:s12], [sflag:$0x3] =	stream.linear.gather [hbm4b:s13+s11], $0x80, $0x38;
	[tilespmem:$0x1AA00] =	vst v63  }
0x69: {  	_ =	swait.ge [sflag:s31], $0x80  }
0x6a: {  	[sflag:s31] =	ssyncset.done $0x0  }
0x6b: {  	[sflag:s31] =	ssyncadd.s32 $0xFFFFFF80  }
0x6c: {  	[tilespmem:s25], [sflag:$0x1] =	stream.indirect.gather [hbm4b:s6+s28], $0x40, s0, s28, $0xb8;
	[tilespmem:$0x1AA00] =	vst v63  }
0x6d: {  	_ =	swait.ge [sflag:s7], $0x2000  }
0x6e: {  	[sflag:s7] =	ssyncset.done $0x0  }
0x6f: {  	[sflag:s7] =	ssyncadd.s32 $0xFFFFE000  }
0x70: {  	v3 =	vld [tilespmem:$0x1A880]  }
0x71: {  	v4 =	vld [tilespmem:$0x1A890]  }
0x72: {  	v5 =	vld [tilespmem:$0x1A8A0]  }
0x73: {  	v6 =	vld [tilespmem:$0x1A8B0]  }
0x74: {  	v7 =	vld [tilespmem:$0x1A8C0]  }
0x75: {  	v8 =	vld [tilespmem:$0x1A8D0];
	v3 =	vsub.s32 v3, v0  }
0x76: {  	v9 =	vld [tilespmem:$0x1A8E0];
	v4 =	vsub.s32 v4, v0;
	vm0 =	vlt.u32 v3, $0x61A8  }
0x77: {  	v10 =	vld [tilespmem:$0x1A8F0];
	v5 =	vsub.s32 v5, v0;
	vm9 =	vlt.u32 v4, $0x61A8;
	v3 =	vnsel vm0, $0x61B0, v3  }
0x78: {  	v59 =	vsub.s32 v6, v0;
	vm10 =	vlt.u32 v5, $0x61A8;
	[tilespmem:$0x1A980] =	vst v3;
	v3 =	vnsel vm9, $0x61B0, v4  }
0x79: {  	v60 =	vsub.s32 v7, v0;
	vm11 =	vlt.u32 v59, $0x61A8;
	[tilespmem:$0x1A990] =	vst v3;
	v3 =	vnsel vm10, $0x61B0, v5  }
0x7a: {  	v61 =	vsub.s32 v8, v0;
	vm12 =	vlt.u32 v60, $0x61A8;
	[tilespmem:$0x1A9A0] =	vst v3;
	v3 =	vnsel vm11, $0x61B0, v59  }
0x7b: {  	v62 =	vsub.s32 v9, v0;
	vm13 =	vlt.u32 v61, $0x61A8;
	[tilespmem:$0x1A9B0] =	vst v3;
	v3 =	vnsel vm12, $0x61B0, v60  }
0x7c: {  	v63 =	vsub.s32 v10, v0;
	vm14 =	vlt.u32 v62, $0x61A8;
	[tilespmem:$0x1A9C0] =	vst v3;
	v3 =	vnsel vm13, $0x61B0, v61  }
0x7d: {  	vm15 =	vlt.u32 v63, $0x61A8;
	[tilespmem:$0x1A9D0] =	vst v3;
	v3 =	vnsel vm14, $0x61B0, v62  }
0x7e: {  	[tilespmem:$0x1A9E0] =	vst v3;
	v3 =	vnsel vm15, $0x61B0, v63  }
0x7f: {  	[tilespmem:$0x1A9F0] =	vst v3  }
.LBB2_6:
0x80: {  	v3 =	vmov s11  }
0x81: {  	v3 =	vshll.u32 v3, $0x6  }
0x82: {  	v4 =	vor.u32 v2, v3;
	_ =	sdelay $0x3  }
0x83: {  	v3 =	vld [tilespmem:s12+$0x0]  }
0x84: {  	v5 =	vld.idx.msk [tilespmem:v4+s25+$0x0], $0xffff;
	_ =	sdelay $0x2  }
0x85: {  	v6 =	vor.u32 $0x1, v4;
	_ =	sdelay $0x1  }
0x86: {  	v5 =	vmul.f32 v5, v3;
	_ =	sdelay $0x1  }
0x87: {  	[tilespmem:v4+s25+$0x0] =	vst.idx.msk $0xffff, v5  }
0x88: {  	v5 =	vld.idx.msk [tilespmem:v6+s25+$0x0], $0xffff;
	_ =	sdelay $0x2  }
0x89: {  	v7 =	vor.u32 $0x2, v4;
	_ =	sdelay $0x1  }
0x8a: {  	v5 =	vmul.f32 v5, v3;
	_ =	sdelay $0x1  }
0x8b: {  	[tilespmem:v6+s25+$0x0] =	vst.idx.msk $0xffff, v5  }
0x8c: {  	v5 =	vld.idx.msk [tilespmem:v7+s25+$0x0], $0xffff;
	_ =	sdelay $0x2  }
0x8d: {  	v59 =	vor.u32 $0x3, v4;
	_ =	sdelay $0x1  }
0x8e: {  	v5 =	vmul.f32 v5, v3;
	_ =	sdelay $0x1  }
0x8f: {  	[tilespmem:v7+s25+$0x0] =	vst.idx.msk $0xffff, v5  }
0x90: {  	v5 =	vld.idx.msk [tilespmem:v59+s25+$0x0], $0xffff;
	_ =	sdelay $0x2  }
0x91: {  	v60 =	vor.u32 $0x4, v4;
	_ =	sdelay $0x1  }
0x92: {  	v5 =	vmul.f32 v5, v3;
	_ =	sdelay $0x1  }
0x93: {  	[tilespmem:v59+s25+$0x0] =	vst.idx.msk $0xffff, v5  }
0x94: {  	v5 =	vld.idx.msk [tilespmem:v60+s25+$0x0], $0xffff;
	_ =	sdelay $0x2  }
0x95: {  	v61 =	vor.u32 $0x5, v4;
	_ =	sdelay $0x1  }
0x96: {  	v5 =	vmul.f32 v5, v3;
	_ =	sdelay $0x1  }
0x97: {  	[tilespmem:v60+s25+$0x0] =	vst.idx.msk $0xffff, v5  }
0x98: {  	v5 =	vld.idx.msk [tilespmem:v61+s25+$0x0], $0xffff;
	_ =	sdelay $0x2  }
0x99: {  	v62 =	vor.u32 $0x6, v4;
	_ =	sdelay $0x1  }
0x9a: {  	v5 =	vmul.f32 v5, v3;
	_ =	sdelay $0x1  }
0x9b: {  	[tilespmem:v61+s25+$0x0] =	vst.idx.msk $0xffff, v5  }
0x9c: {  	v5 =	vld.idx.msk [tilespmem:v62+s25+$0x0], $0xffff;
	_ =	sdelay $0x2  }
0x9d: {  	v63 =	vor.u32 $0x7, v4;
	_ =	sdelay $0x1  }
0x9e: {  	v5 =	vmul.f32 v5, v3;
	_ =	sdelay $0x1  }
0x9f: {  	[tilespmem:v62+s25+$0x0] =	vst.idx.msk $0xffff, v5  }
0xa0: {  	v5 =	vld.idx.msk [tilespmem:v63+s25+$0x0], $0xffff;
	_ =	sdelay $0x2  }
0xa1: {  	v9 =	vor.u32 $0x8, v4;
	_ =	sdelay $0x1  }
0xa2: {  	v5 =	vmul.f32 v5, v3;
	_ =	sdelay $0x1  }
0xa3: {  	[tilespmem:v63+s25+$0x0] =	vst.idx.msk $0xffff, v5  }
0xa4: {  	v5 =	vld.idx.msk [tilespmem:v9+s25+$0x0], $0xffff;
	_ =	sdelay $0x2  }
0xa5: {  	v10 =	vor.u32 $0x9, v4;
	_ =	sdelay $0x1  }
0xa6: {  	v5 =	vmul.f32 v5, v3;
	_ =	sdelay $0x1  }
0xa7: {  	[tilespmem:v9+s25+$0x0] =	vst.idx.msk $0xffff, v5  }
0xa8: {  	v5 =	vld.idx.msk [tilespmem:v10+s25+$0x0], $0xffff;
	_ =	sdelay $0x2  }
0xa9: {  	v11 =	vor.u32 $0xA, v4;
	_ =	sdelay $0x1  }
0xaa: {  	v5 =	vmul.f32 v5, v3;
	_ =	sdelay $0x1  }
0xab: {  	[tilespmem:v10+s25+$0x0] =	vst.idx.msk $0xffff, v5  }
0xac: {  	v5 =	vld.idx.msk [tilespmem:v11+s25+$0x0], $0xffff;
	_ =	sdelay $0x2  }
0xad: {  	v12 =	vor.u32 $0xB, v4;
	_ =	sdelay $0x1  }
0xae: {  	v5 =	vmul.f32 v5, v3;
	_ =	sdelay $0x1  }
0xaf: {  	[tilespmem:v11+s25+$0x0] =	vst.idx.msk $0xffff, v5  }
0xb0: {  	v5 =	vld.idx.msk [tilespmem:v12+s25+$0x0], $0xffff;
	_ =	sdelay $0x2  }
0xb1: {  	v13 =	vor.u32 $0xC, v4;
	_ =	sdelay $0x1  }
0xb2: {  	v5 =	vmul.f32 v5, v3;
	_ =	sdelay $0x1  }
0xb3: {  	[tilespmem:v12+s25+$0x0] =	vst.idx.msk $0xffff, v5  }
0xb4: {  	v5 =	vld.idx.msk [tilespmem:v13+s25+$0x0], $0xffff;
	_ =	sdelay $0x2  }
0xb5: {  	v14 =	vor.u32 $0xD, v4;
	_ =	sdelay $0x1  }
0xb6: {  	v5 =	vmul.f32 v5, v3;
	_ =	sdelay $0x1  }
0xb7: {  	[tilespmem:v13+s25+$0x0] =	vst.idx.msk $0xffff, v5  }
0xb8: {  	v5 =	vld.idx.msk [tilespmem:v14+s25+$0x0], $0xffff;
	_ =	sdelay $0x2  }
0xb9: {  	v15 =	vor.u32 $0xE, v4;
	_ =	sdelay $0x1  }
0xba: {  	v5 =	vmul.f32 v5, v3;
	_ =	sdelay $0x1  }
0xbb: {  	[tilespmem:v14+s25+$0x0] =	vst.idx.msk $0xffff, v5  }
0xbc: {  	v5 =	vld.idx.msk [tilespmem:v15+s25+$0x0], $0xffff;
	_ =	sdelay $0x2  }
0xbd: {  	v16 =	vor.u32 $0xF, v4;
	_ =	sdelay $0x1  }
0xbe: {  	v5 =	vmul.f32 v5, v3;
	_ =	sdelay $0x1  }
0xbf: {  	[tilespmem:v15+s25+$0x0] =	vst.idx.msk $0xffff, v5  }
0xc0: {  	v5 =	vld.idx.msk [tilespmem:v16+s25+$0x0], $0xffff;
	_ =	sdelay $0x2  }
0xc1: {  	v17 =	vor.u32 $0x10, v4;
	_ =	sdelay $0x1  }
0xc2: {  	v5 =	vmul.f32 v5, v3;
	_ =	sdelay $0x1  }
0xc3: {  	[tilespmem:v16+s25+$0x0] =	vst.idx.msk $0xffff, v5  }
0xc4: {  	v5 =	vld.idx.msk [tilespmem:v17+s25+$0x0], $0xffff;
	_ =	sdelay $0x2  }
0xc5: {  	v18 =	vor.u32 $0x11, v4;
	_ =	sdelay $0x1  }
0xc6: {  	v5 =	vmul.f32 v5, v3;
	_ =	sdelay $0x1  }
0xc7: {  	[tilespmem:v17+s25+$0x0] =	vst.idx.msk $0xffff, v5  }
0xc8: {  	v5 =	vld.idx.msk [tilespmem:v18+s25+$0x0], $0xffff;
	_ =	sdelay $0x2  }
0xc9: {  	v19 =	vor.u32 $0x12, v4;
	_ =	sdelay $0x1  }
0xca: {  	v5 =	vmul.f32 v5, v3;
	_ =	sdelay $0x1  }
0xcb: {  	[tilespmem:v18+s25+$0x0] =	vst.idx.msk $0xffff, v5  }
0xcc: {  	v5 =	vld.idx.msk [tilespmem:v19+s25+$0x0], $0xffff;
	_ =	sdelay $0x2  }
0xcd: {  	v20 =	vor.u32 $0x13, v4;
	_ =	sdelay $0x1  }
0xce: {  	v5 =	vmul.f32 v5, v3;
	_ =	sdelay $0x1  }
0xcf: {  	[tilespmem:v19+s25+$0x0] =	vst.idx.msk $0xffff, v5  }
0xd0: {  	v5 =	vld.idx.msk [tilespmem:v20+s25+$0x0], $0xffff;
	_ =	sdelay $0x2  }
0xd1: {  	v21 =	vor.u32 $0x14, v4;
	_ =	sdelay $0x1  }
0xd2: {  	v5 =	vmul.f32 v5, v3;
	_ =	sdelay $0x1  }
0xd3: {  	[tilespmem:v20+s25+$0x0] =	vst.idx.msk $0xffff, v5  }
0xd4: {  	v5 =	vld.idx.msk [tilespmem:v21+s25+$0x0], $0xffff;
	_ =	sdelay $0x2  }
0xd5: {  	v22 =	vor.u32 $0x15, v4;
	_ =	sdelay $0x1  }
0xd6: {  	v5 =	vmul.f32 v5, v3;
	_ =	sdelay $0x1  }
0xd7: {  	[tilespmem:v21+s25+$0x0] =	vst.idx.msk $0xffff, v5  }
0xd8: {  	v5 =	vld.idx.msk [tilespmem:v22+s25+$0x0], $0xffff;
	_ =	sdelay $0x2  }
0xd9: {  	v23 =	vor.u32 $0x16, v4;
	_ =	sdelay $0x1  }
0xda: {  	v5 =	vmul.f32 v5, v3;
	_ =	sdelay $0x1  }
0xdb: {  	[tilespmem:v22+s25+$0x0] =	vst.idx.msk $0xffff, v5  }
0xdc: {  	v5 =	vld.idx.msk [tilespmem:v23+s25+$0x0], $0xffff;
	_ =	sdelay $0x2  }
0xdd: {  	v24 =	vor.u32 $0x17, v4;
	_ =	sdelay $0x1  }
0xde: {  	v5 =	vmul.f32 v5, v3;
	_ =	sdelay $0x1  }
0xdf: {  	[tilespmem:v23+s25+$0x0] =	vst.idx.msk $0xffff, v5  }
0xe0: {  	v5 =	vld.idx.msk [tilespmem:v24+s25+$0x0], $0xffff;
	_ =	sdelay $0x2  }
0xe1: {  	v25 =	vor.u32 $0x18, v4;
	_ =	sdelay $0x1  }
0xe2: {  	v5 =	vmul.f32 v5, v3;
	_ =	sdelay $0x1  }
0xe3: {  	[tilespmem:v24+s25+$0x0] =	vst.idx.msk $0xffff, v5  }
0xe4: {  	v5 =	vld.idx.msk [tilespmem:v25+s25+$0x0], $0xffff;
	_ =	sdelay $0x2  }
0xe5: {  	v26 =	vor.u32 $0x19, v4;
	_ =	sdelay $0x1  }
0xe6: {  	v5 =	vmul.f32 v5, v3;
	_ =	sdelay $0x1  }
0xe7: {  	[tilespmem:v25+s25+$0x0] =	vst.idx.msk $0xffff, v5  }
0xe8: {  	v5 =	vld.idx.msk [tilespmem:v26+s25+$0x0], $0xffff;
	_ =	sdelay $0x2  }
0xe9: {  	v27 =	vor.u32 $0x1A, v4;
	_ =	sdelay $0x1  }
0xea: {  	v5 =	vmul.f32 v5, v3;
	_ =	sdelay $0x1  }
0xeb: {  	[tilespmem:v26+s25+$0x0] =	vst.idx.msk $0xffff, v5  }
0xec: {  	v5 =	vld.idx.msk [tilespmem:v27+s25+$0x0], $0xffff;
	_ =	sdelay $0x2  }
0xed: {  	v28 =	vor.u32 $0x1B, v4;
	_ =	sdelay $0x1  }
0xee: {  	v5 =	vmul.f32 v5, v3;
	_ =	sdelay $0x1  }
0xef: {  	[tilespmem:v27+s25+$0x0] =	vst.idx.msk $0xffff, v5  }
0xf0: {  	v5 =	vld.idx.msk [tilespmem:v28+s25+$0x0], $0xffff;
	_ =	sdelay $0x2  }
0xf1: {  	v29 =	vor.u32 $0x1C, v4;
	_ =	sdelay $0x1  }
0xf2: {  	v5 =	vmul.f32 v5, v3;
	_ =	sdelay $0x1  }
0xf3: {  	[tilespmem:v28+s25+$0x0] =	vst.idx.msk $0xffff, v5  }
0xf4: {  	v5 =	vld.idx.msk [tilespmem:v29+s25+$0x0], $0xffff;
	_ =	sdelay $0x2  }
0xf5: {  	v30 =	vor.u32 $0x1D, v4;
	_ =	sdelay $0x1  }
0xf6: {  	v5 =	vmul.f32 v5, v3;
	_ =	sdelay $0x1  }
0xf7: {  	[tilespmem:v29+s25+$0x0] =	vst.idx.msk $0xffff, v5  }
0xf8: {  	v5 =	vld.idx.msk [tilespmem:v30+s25+$0x0], $0xffff;
	_ =	sdelay $0x2  }
0xf9: {  	v31 =	vor.u32 $0x1E, v4;
	_ =	sdelay $0x1  }
0xfa: {  	v5 =	vmul.f32 v5, v3;
	_ =	sdelay $0x1  }
0xfb: {  	[tilespmem:v30+s25+$0x0] =	vst.idx.msk $0xffff, v5  }
0xfc: {  	v5 =	vld.idx.msk [tilespmem:v31+s25+$0x0], $0xffff;
	_ =	sdelay $0x2  }
0xfd: {  	v32 =	vor.u32 $0x1F, v4;
	_ =	sdelay $0x1  }
0xfe: {  	v5 =	vmul.f32 v5, v3;
	_ =	sdelay $0x1  }
0xff: {  	[tilespmem:v31+s25+$0x0] =	vst.idx.msk $0xffff, v5  }
0x100: {  	v5 =	vld.idx.msk [tilespmem:v32+s25+$0x0], $0xffff;
	_ =	sdelay $0x2  }
0x101: {  	v33 =	vor.u32 $0x20, v4;
	_ =	sdelay $0x1  }
0x102: {  	v5 =	vmul.f32 v5, v3;
	_ =	sdelay $0x1  }
0x103: {  	[tilespmem:v32+s25+$0x0] =	vst.idx.msk $0xffff, v5  }
0x104: {  	v5 =	vld.idx.msk [tilespmem:v33+s25+$0x0], $0xffff;
	_ =	sdelay $0x2  }
0x105: {  	v34 =	vor.u32 $0x21, v4;
	_ =	sdelay $0x1  }
0x106: {  	v5 =	vmul.f32 v5, v3;
	_ =	sdelay $0x1  }
0x107: {  	[tilespmem:v33+s25+$0x0] =	vst.idx.msk $0xffff, v5  }
0x108: {  	v5 =	vld.idx.msk [tilespmem:v34+s25+$0x0], $0xffff;
	_ =	sdelay $0x2  }
0x109: {  	v35 =	vor.u32 $0x22, v4;
	_ =	sdelay $0x1  }
0x10a: {  	v5 =	vmul.f32 v5, v3;
	_ =	sdelay $0x1  }
0x10b: {  	[tilespmem:v34+s25+$0x0] =	vst.idx.msk $0xffff, v5  }
0x10c: {  	v5 =	vld.idx.msk [tilespmem:v35+s25+$0x0], $0xffff;
	_ =	sdelay $0x2  }
0x10d: {  	v36 =	vor.u32 $0x23, v4;
	_ =	sdelay $0x1  }
0x10e: {  	v5 =	vmul.f32 v5, v3;
	_ =	sdelay $0x1  }
0x10f: {  	[tilespmem:v35+s25+$0x0] =	vst.idx.msk $0xffff, v5  }
0x110: {  	v5 =	vld.idx.msk [tilespmem:v36+s25+$0x0], $0xffff;
	_ =	sdelay $0x2  }
0x111: {  	v37 =	vor.u32 $0x24, v4;
	_ =	sdelay $0x1  }
0x112: {  	v5 =	vmul.f32 v5, v3;
	_ =	sdelay $0x1  }
0x113: {  	[tilespmem:v36+s25+$0x0] =	vst.idx.msk $0xffff, v5  }
0x114: {  	v5 =	vld.idx.msk [tilespmem:v37+s25+$0x0], $0xffff;
	_ =	sdelay $0x2  }
0x115: {  	v38 =	vor.u32 $0x25, v4;
	_ =	sdelay $0x1  }
0x116: {  	v5 =	vmul.f32 v5, v3;
	_ =	sdelay $0x1  }
0x117: {  	[tilespmem:v37+s25+$0x0] =	vst.idx.msk $0xffff, v5  }
0x118: {  	v5 =	vld.idx.msk [tilespmem:v38+s25+$0x0], $0xffff;
	_ =	sdelay $0x2  }
0x119: {  	v39 =	vor.u32 $0x26, v4;
	_ =	sdelay $0x1  }
0x11a: {  	v5 =	vmul.f32 v5, v3;
	_ =	sdelay $0x1  }
0x11b: {  	[tilespmem:v38+s25+$0x0] =	vst.idx.msk $0xffff, v5  }
0x11c: {  	v5 =	vld.idx.msk [tilespmem:v39+s25+$0x0], $0xffff;
	_ =	sdelay $0x2  }
0x11d: {  	v40 =	vor.u32 $0x27, v4;
	_ =	sdelay $0x1  }
0x11e: {  	v5 =	vmul.f32 v5, v3;
	_ =	sdelay $0x1  }
0x11f: {  	[tilespmem:v39+s25+$0x0] =	vst.idx.msk $0xffff, v5  }
0x120: {  	v5 =	vld.idx.msk [tilespmem:v40+s25+$0x0], $0xffff;
	_ =	sdelay $0x2  }
0x121: {  	v41 =	vor.u32 $0x28, v4;
	_ =	sdelay $0x1  }
0x122: {  	v5 =	vmul.f32 v5, v3;
	_ =	sdelay $0x1  }
0x123: {  	[tilespmem:v40+s25+$0x0] =	vst.idx.msk $0xffff, v5  }
0x124: {  	v5 =	vld.idx.msk [tilespmem:v41+s25+$0x0], $0xffff;
	_ =	sdelay $0x2  }
0x125: {  	v42 =	vor.u32 $0x29, v4;
	_ =	sdelay $0x1  }
0x126: {  	v5 =	vmul.f32 v5, v3;
	_ =	sdelay $0x1  }
0x127: {  	[tilespmem:v41+s25+$0x0] =	vst.idx.msk $0xffff, v5  }
0x128: {  	v5 =	vld.idx.msk [tilespmem:v42+s25+$0x0], $0xffff;
	_ =	sdelay $0x2  }
0x129: {  	v43 =	vor.u32 $0x2A, v4;
	_ =	sdelay $0x1  }
0x12a: {  	v5 =	vmul.f32 v5, v3;
	_ =	sdelay $0x1  }
0x12b: {  	[tilespmem:v42+s25+$0x0] =	vst.idx.msk $0xffff, v5  }
0x12c: {  	v5 =	vld.idx.msk [tilespmem:v43+s25+$0x0], $0xffff;
	_ =	sdelay $0x2  }
0x12d: {  	v44 =	vor.u32 $0x2B, v4;
	_ =	sdelay $0x1  }
0x12e: {  	v5 =	vmul.f32 v5, v3;
	_ =	sdelay $0x1  }
0x12f: {  	[tilespmem:v43+s25+$0x0] =	vst.idx.msk $0xffff, v5  }
0x130: {  	v5 =	vld.idx.msk [tilespmem:v44+s25+$0x0], $0xffff;
	_ =	sdelay $0x2  }
0x131: {  	v45 =	vor.u32 $0x2C, v4;
	_ =	sdelay $0x1  }
0x132: {  	v5 =	vmul.f32 v5, v3;
	_ =	sdelay $0x1  }
0x133: {  	[tilespmem:v44+s25+$0x0] =	vst.idx.msk $0xffff, v5  }
0x134: {  	v5 =	vld.idx.msk [tilespmem:v45+s25+$0x0], $0xffff;
	_ =	sdelay $0x2  }
0x135: {  	v46 =	vor.u32 $0x2D, v4;
	_ =	sdelay $0x1  }
0x136: {  	v5 =	vmul.f32 v5, v3;
	_ =	sdelay $0x1  }
0x137: {  	[tilespmem:v45+s25+$0x0] =	vst.idx.msk $0xffff, v5  }
0x138: {  	v5 =	vld.idx.msk [tilespmem:v46+s25+$0x0], $0xffff;
	_ =	sdelay $0x2  }
0x139: {  	v47 =	vor.u32 $0x2E, v4;
	_ =	sdelay $0x1  }
0x13a: {  	v5 =	vmul.f32 v5, v3;
	_ =	sdelay $0x1  }
0x13b: {  	[tilespmem:v46+s25+$0x0] =	vst.idx.msk $0xffff, v5  }
0x13c: {  	v5 =	vld.idx.msk [tilespmem:v47+s25+$0x0], $0xffff;
	_ =	sdelay $0x2  }
0x13d: {  	v48 =	vor.u32 $0x2F, v4;
	_ =	sdelay $0x1  }
0x13e: {  	v5 =	vmul.f32 v5, v3;
	_ =	sdelay $0x1  }
0x13f: {  	[tilespmem:v47+s25+$0x0] =	vst.idx.msk $0xffff, v5  }
0x140: {  	v5 =	vld.idx.msk [tilespmem:v48+s25+$0x0], $0xffff;
	_ =	sdelay $0x2  }
0x141: {  	v49 =	vor.u32 $0x30, v4;
	_ =	sdelay $0x1  }
0x142: {  	v5 =	vmul.f32 v5, v3;
	_ =	sdelay $0x1  }
0x143: {  	[tilespmem:v48+s25+$0x0] =	vst.idx.msk $0xffff, v5  }
0x144: {  	v5 =	vld.idx.msk [tilespmem:v49+s25+$0x0], $0xffff;
	_ =	sdelay $0x2  }
0x145: {  	v50 =	vor.u32 $0x31, v4;
	_ =	sdelay $0x1  }
0x146: {  	v5 =	vmul.f32 v5, v3;
	_ =	sdelay $0x1  }
0x147: {  	[tilespmem:v49+s25+$0x0] =	vst.idx.msk $0xffff, v5  }
0x148: {  	v5 =	vld.idx.msk [tilespmem:v50+s25+$0x0], $0xffff;
	_ =	sdelay $0x2  }
0x149: {  	v51 =	vor.u32 $0x32, v4;
	_ =	sdelay $0x1  }
0x14a: {  	v5 =	vmul.f32 v5, v3;
	_ =	sdelay $0x1  }
0x14b: {  	[tilespmem:v50+s25+$0x0] =	vst.idx.msk $0xffff, v5  }
0x14c: {  	v5 =	vld.idx.msk [tilespmem:v51+s25+$0x0], $0xffff;
	_ =	sdelay $0x2  }
0x14d: {  	v52 =	vor.u32 $0x33, v4;
	_ =	sdelay $0x1  }
0x14e: {  	v5 =	vmul.f32 v5, v3;
	_ =	sdelay $0x1  }
0x14f: {  	[tilespmem:v51+s25+$0x0] =	vst.idx.msk $0xffff, v5  }
0x150: {  	v5 =	vld.idx.msk [tilespmem:v52+s25+$0x0], $0xffff;
	_ =	sdelay $0x2  }
0x151: {  	v53 =	vor.u32 $0x34, v4;
	_ =	sdelay $0x1  }
0x152: {  	v5 =	vmul.f32 v5, v3;
	_ =	sdelay $0x1  }
0x153: {  	[tilespmem:v52+s25+$0x0] =	vst.idx.msk $0xffff, v5  }
0x154: {  	v5 =	vld.idx.msk [tilespmem:v53+s25+$0x0], $0xffff;
	_ =	sdelay $0x2  }
0x155: {  	v54 =	vor.u32 $0x35, v4;
	_ =	sdelay $0x1  }
0x156: {  	v5 =	vmul.f32 v5, v3;
	_ =	sdelay $0x1  }
0x157: {  	[tilespmem:v53+s25+$0x0] =	vst.idx.msk $0xffff, v5  }
0x158: {  	v5 =	vld.idx.msk [tilespmem:v54+s25+$0x0], $0xffff;
	_ =	sdelay $0x2  }
0x159: {  	v55 =	vor.u32 $0x36, v4;
	_ =	sdelay $0x1  }
0x15a: {  	v5 =	vmul.f32 v5, v3;
	_ =	sdelay $0x1  }
0x15b: {  	[tilespmem:v54+s25+$0x0] =	vst.idx.msk $0xffff, v5  }
0x15c: {  	v5 =	vld.idx.msk [tilespmem:v55+s25+$0x0], $0xffff;
	_ =	sdelay $0x2  }
0x15d: {  	v56 =	vor.u32 $0x37, v4;
	_ =	sdelay $0x1  }
0x15e: {  	v5 =	vmul.f32 v5, v3;
	_ =	sdelay $0x1  }
0x15f: {  	[tilespmem:v55+s25+$0x0] =	vst.idx.msk $0xffff, v5  }
0x160: {  	v5 =	vld.idx.msk [tilespmem:v56+s25+$0x0], $0xffff;
	_ =	sdelay $0x2  }
0x161: {  	v57 =	vor.u32 $0x38, v4;
	_ =	sdelay $0x1  }
0x162: {  	v5 =	vmul.f32 v5, v3;
	_ =	sdelay $0x1  }
0x163: {  	[tilespmem:v56+s25+$0x0] =	vst.idx.msk $0xffff, v5  }
0x164: {  	v5 =	vld.idx.msk [tilespmem:v57+s25+$0x0], $0xffff;
	_ =	sdelay $0x2  }
0x165: {  	v58 =	vor.u32 $0x39, v4;
	_ =	sdelay $0x1  }
0x166: {  	v5 =	vmul.f32 v5, v3;
	_ =	sdelay $0x1  }
0x167: {  	[tilespmem:v57+s25+$0x0] =	vst.idx.msk $0xffff, v5  }
0x168: {  	v5 =	vld.idx.msk [tilespmem:v58+s25+$0x0], $0xffff;
	_ =	sdelay $0x2  }
0x169: {  	v59 =	vor.u32 $0x3A, v4;
	_ =	sdelay $0x1  }
0x16a: {  	v5 =	vmul.f32 v5, v3;
	_ =	sdelay $0x1  }
0x16b: {  	[tilespmem:v58+s25+$0x0] =	vst.idx.msk $0xffff, v5  }
0x16c: {  	v5 =	vld.idx.msk [tilespmem:v59+s25+$0x0], $0xffff;
	_ =	sdelay $0x2  }
0x16d: {  	v60 =	vor.u32 $0x3B, v4;
	_ =	sdelay $0x1  }
0x16e: {  	v5 =	vmul.f32 v5, v3;
	_ =	sdelay $0x1  }
0x16f: {  	[tilespmem:v59+s25+$0x0] =	vst.idx.msk $0xffff, v5  }
0x170: {  	v5 =	vld.idx.msk [tilespmem:v60+s25+$0x0], $0xffff;
	_ =	sdelay $0x2  }
0x171: {  	v61 =	vor.u32 $0x3C, v4;
	_ =	sdelay $0x1  }
0x172: {  	v5 =	vmul.f32 v5, v3;
	_ =	sdelay $0x1  }
0x173: {  	[tilespmem:v60+s25+$0x0] =	vst.idx.msk $0xffff, v5  }
0x174: {  	v5 =	vld.idx.msk [tilespmem:v61+s25+$0x0], $0xffff;
	_ =	sdelay $0x2  }
0x175: {  	v62 =	vor.u32 $0x3D, v4;
	_ =	sdelay $0x1  }
0x176: {  	v5 =	vmul.f32 v5, v3;
	_ =	sdelay $0x1  }
0x177: {  	[tilespmem:v61+s25+$0x0] =	vst.idx.msk $0xffff, v5  }
0x178: {  	v5 =	vld.idx.msk [tilespmem:v62+s25+$0x0], $0xffff;
	_ =	sdelay $0x2  }
0x179: {  	v63 =	vor.u32 $0x3E, v4;
	_ =	sdelay $0x1  }
0x17a: {  	v5 =	vmul.f32 v5, v3;
	_ =	sdelay $0x1  }
0x17b: {  	[tilespmem:v62+s25+$0x0] =	vst.idx.msk $0xffff, v5  }
0x17c: {  	v5 =	vld.idx.msk [tilespmem:v63+s25+$0x0], $0xffff;
	_ =	sdelay $0x2  }
0x17d: {  	v4 =	vor.u32 $0x3F, v4;
	_ =	sdelay $0x1  }
0x17e: {  	v5 =	vmul.f32 v5, v3;
	_ =	sdelay $0x1  }
0x17f: {  	[tilespmem:v63+s25+$0x0] =	vst.idx.msk $0xffff, v5  }
0x180: {  	v5 =	vld.idx.msk [tilespmem:v4+s25+$0x0], $0xffff;
	_ =	sdelay $0x1  }
0x181: {  	p1 =	sne.s32 s11, $0x70  }
.Ltmp4:
0x182: {  	_ = 	snop;
	(pc) =	sbr.rel @p1 .LBB2_6-.Ltmp4, $3  }
0x183: {  	_ = 	snop  }
0x184: {  	v3 =	vmul.f32 v5, v3;
	_ =	sdelay $0x1  }
0x185: {  	s11 =	sadd.s32 $0x10, s11;
	s12 =	sadd.s32 $0x10, s12;
	[tilespmem:v4+s25+$0x0] =	vst.idx.msk $0xffff, v3  }
.Ltmp5:
0x186: {  	(pc) =	sbr.rel .LBB2_8-.Ltmp5, $4  }
0x187: {  	[spmem:s1] =	stream.indirect.scatter.add.f32 [tilespmem:s25], [sflag:$0x2], $0x40, s9, s28, $0xb8;
	[tilespmem:$0x1AA00] =	vst v63  }
0x188: {  	_ =	swait.ge [sflag:s26], $0x2000  }
0x189: {  	[sflag:s26] =	ssyncset.done $0x0  }
0x18a: {  	[sflag:s26] =	ssyncadd.s32 $0xFFFFE000  }
.LBB2_9:
0x18b: {  	s10 =	sadd.s32 $0x0, s5  }
0x18c: {  	p1 =	sgt.u32 s10, $0x270  }
0x18d: {  	[bflag:$0x0] =	sbarrier.arrive $0xFFFF;
	s13 =	simm.s32 $0x20;
	s11 =	sshll.u32 @!p1 s5, $0x6  }
0x18e: {  	s12 =	sshrl.u32 @!p1 s22, $0x3;
	s14 =	simm.s32 @!p1 $0x2;
	s11 =	sor.u32 @!p1 $0x1C02, s11  }
0x18f: {  	[hbm:s21], [sflag:s11] =	dma.local @!p1 [spmem:s12], $0x140  }
0x190: {  	s15 =	sadd.s32 $0x10, s5;
	s10 =	simm.s32 $0x0;
	_ =	swait.ge @!p1 [sflag:s14], $0x140  }
0x191: {  	s11 =	sadd.s32 $0xA000, s22;
	s12 =	sadd.s32 $0x1400, s21;
	[sflag:s14] =	ssyncset.done @!p1 $0x0  }
.LBB2_10:
0x192: {  	[sflag:s14] =	ssyncadd.s32 @!p1 $0xFFFFFEC0  }
0x193: {  	p1 =	sgt.u32 s15, $0x270;
	s15 =	smov.u32 s13;
	s13 =	sadd.s32 $0x10, s13  }
0x194: {  	p2 =	sne.s32 s13, $0x280  }
.Ltmp6:
0x195: {  	s14 =	sshll.u32 @!p1 s5, $0x6;
	s16 =	sshrl.u32 @!p1 s11, $0x3;
	(pc) =	sbr.rel @p2 .LBB2_10-.Ltmp6, $4  }
0x196: {  	s17 =	sor.u32 @!p1 $0x1C02, s14;
	s14 =	simm.s32 @!p1 $0x2  }
0x197: {  	[hbm:s12], [sflag:s17] =	dma.local @!p1 [spmem:s16], $0x140  }
0x198: {  	s11 =	sadd.s32 $0xA000, s11;
	_ =	swait.ge @!p1 [sflag:s14], $0x140  }
0x199: {  	s15 =	sadd.s32 s15, s5;
	s12 =	sadd.s32 $0x1400, s12;
	[sflag:s14] =	ssyncset.done @!p1 $0x0  }
0x19a: {  	p2 =	sgt.u32 s15, $0x270  }
0x19b: {  	[sflag:s14] =	ssyncadd.s32 @!p1 $0xFFFFFEC0;
	s13 =	sshll.u32 @!p2 s5, $0x6  }
0x19c: {  	s11 =	sshrl.u32 @!p2 s11, $0x3;
	s14 =	simm.s32 @!p2 $0x2;
	s13 =	sor.u32 @!p2 $0x1C02, s13  }
0x19d: {  	[hbm:s12], [sflag:s13] =	dma.local @!p2 [spmem:s11], $0x140  }
0x19e: {  	_ =	swait.ge @!p2 [sflag:s14], $0x140  }
0x19f: {  	[sflag:s14] =	ssyncset.done @!p2 $0x0  }
0x1a0: {  	[sflag:s14] =	ssyncadd.s32 @!p2 $0xFFFFFEC0  }
.LBB2_12:
0x1a1: {  	p1 =	sne.s32 s10, $0x7F00  }
.Ltmp7:
0x1a2: {  	s11 =	sshra.s32 s10, $0x2;
	(pc) =	sbr.rel @p1 .LBB2_12-.Ltmp7, $4  }
0x1a3: {  	[tilespmem:s11+$0x18800] =	vst v1  }
0x1a4: {  	[tilespmem:s11+$0x18810] =	vst v1  }
0x1a5: {  	[tilespmem:s11+$0x18820] =	vst v1  }
0x1a6: {  	s10 =	sadd.s32 $0x100, s10;
	[tilespmem:s11+$0x18830] =	vst v1  }
0x1a7: {  	s10 =	sadd.s32 $0x0, s24  }
0x1a8: {  	p1 =	sgt.u32 s10, $0x4E1  }
0x1a9: {  	s10 =	simm.s32 @!p1 $0x0;
	s11 =	simm.s32 @!p1 $0x18800;
	s13 =	simm.s32 @!p1 $0x2  }
0x1aa: {  	[hbm4b:s23+s10] =	stream.linear.scatter @!p1 [tilespmem:s11], [sflag:$0x2], $0xA00, $0x38;
	[tilespmem:$0x1AA00] =	vst v63  }
0x1ab: {  	s12 =	simm.s32 $0x40;
	_ =	swait.ge @!p1 [sflag:s13], $0xA00  }
0x1ac: {  	s11 =	simm.s32 $0x20;
	s10 =	sadd.s32 $0x2800, s23;
	[sflag:s13] =	ssyncset.done @!p1 $0x0  }
.LBB2_14:
0x1ad: {  	s14 =	sadd.s32 s11, s24;
	s11 =	smov.u32 s12;
	s12 =	sadd.s32 $0x20, s12  }
0x1ae: {  	[sflag:s13] =	ssyncadd.s32 @!p1 $0xFFFFF600;
	p2 =	sne.s32 s12, $0x500  }
.Ltmp8:
0x1af: {  	p1 =	sgt.u32 s14, $0x4E1;
	(pc) =	sbr.rel @p2 .LBB2_14-.Ltmp8, $4  }
0x1b0: {  	s14 =	simm.s32 @!p1 $0x0;
	s15 =	simm.s32 @!p1 $0x18800;
	s13 =	simm.s32 @!p1 $0x2  }
0x1b1: {  	[hbm4b:s10+s14] =	stream.linear.scatter @!p1 [tilespmem:s15], [sflag:$0x2], $0xA00, $0x38;
	[tilespmem:$0x1AA00] =	vst v63  }
0x1b2: {  	_ =	swait.ge @!p1 [sflag:s13], $0xA00  }
0x1b3: {  	s10 =	sadd.s32 $0x2800, s10;
	[sflag:s13] =	ssyncset.done @!p1 $0x0  }
0x1b4: {  	s11 =	sadd.s32 s11, s24  }
0x1b5: {  	[sflag:s13] =	ssyncadd.s32 @!p1 $0xFFFFF600;
	p1 =	sgt.u32 s11, $0x4E1  }
0x1b6: {  	s11 =	simm.s32 @!p1 $0x0;
	s12 =	simm.s32 @!p1 $0x18800;
	s13 =	simm.s32 @!p1 $0x2  }
0x1b7: {  	[hbm4b:s10+s11] =	stream.linear.scatter @!p1 [tilespmem:s12], [sflag:$0x2], $0xA00, $0x38;
	[tilespmem:$0x1AA00] =	vst v63  }
0x1b8: {  	_ =	swait.ge @!p1 [sflag:s13], $0xA00  }
0x1b9: {  	s2 =	sadd.s32 $0x1, s2;
	s17 =	rddreg [dreg:$0x3]  }
0x1ba: {  	p2 =	sne.s32 s2, s17  }
.Ltmp9:
0x1bb: {  	_ = 	snop;
	(pc) =	sbr.rel @p2 .LBB2_1-.Ltmp9, $3  }
0x1bc: {  	_ =	sdelay $0x1  }
0x1bd: {  	[sflag:s13] =	ssyncset.done @!p1 $0x0  }
0x1be: {  	[sflag:s13] =	ssyncadd.s32 @!p1 $0xFFFFF600  }
0x1bf: {  	_ =	sfence.sel $0x180000  }
0x1c0: {  	[bflag:$0x0] =	sbarrier.arrive $0xFFFF  }
0x1c1: {  	_ =	strace $0x9000004A  }
0x1c2: {  	[bflag:$0x2] =	sbarrier.arrive $0xFFFF  }
0x1c3: {  	p0 =	sne.s32 s5, $0x0;
	s0 =	rddreg [dreg:$0x2]  }
0x1c4: {  	s0 =	sadd.s32 @!p0 $0x100000, s0  }
0x1c5: {  	[sflag:s0] =	ssyncadd.tile.s32 @!p0 $0x1;
	_ =	shalt  }
.Lfunc_end2:
_tile_overlayer_lowered:
.L_overlay_start_2:
0x1c6: {  	(tag) =	ssettag $0x2  }
0x1c7: {  	s0 =	rddreg [dreg:$0x0];
	s2 =	stileid.u32  }
0x1c8: {  	s1 =	rddreg [dreg:$0x1];
	p0 =	sne.s32 s2, $0x0  }
0x1c9: {  	s3 =	rddreg [dreg:$0x2];
	[bflag:$0x3] =	sbarrier.arrive $0xFFFF;
	s2 =	simm.s32 @!p0 $0x1C02  }
0x1ca: {  	[timem:s3], [sflag:s2] =	dma.local @!p0 [hbm:s0], s1  }
0x1cb: {  	s0 =	simm.s32 @!p0 $0x2  }
0x1cc: {  	_ =	swait.ge @!p0 [sflag:s0], s1  }
0x1cd: {  	s1 =	ssub.s32 @!p0 $0x0, s1;
	[sflag:s0] =	ssyncset.done @!p0 $0x0  }
0x1ce: {  	[sflag:s0] =	ssyncadd.s32 @!p0 s1  }
0x1cf: {  	[bflag:$0x3] =	sbarrier.arrive $0xFFFF  }
0x1d0: {  	_ =	shalt  }

</sc_bundles>
